<compile_context>
chip_gen: v7x
topology: tpu7x:2x2x1
jax: 0.10.2.dev20260603
libtpu: 0.0.44.dev20260713+nightly
codegen_flags: <defaults>
</compile_context>

<pallas_src>
import functools
import math

import jax
import jax.numpy as jnp
from jax import lax
from jax.experimental import pallas as pl
from jax.experimental.pallas import tpu as pltpu
from jax.experimental.pallas import tpu_sc as plsc

_VOCAB = 100000
_D = 2048
_BATCH = 4
_SEQ = 2048
_B = _BATCH * _SEQ
_SCALE = math.sqrt(_D)

_NC = 2
_NS = 16
_NW = _NC * _NS
_BPW = _B // _NW
_LANES = 16
_CHUNK = 8
_NCH = _BPW // _CHUNK
_NT = _NCH // 2
_VPR = _D // _LANES

_mesh = plsc.VectorSubcoreMesh(core_axis_name="c", subcore_axis_name="s")

_GDN = lax.GatherDimensionNumbers(
    offset_dims=(), collapsed_slice_dims=(0,), start_index_map=(0,)
)


def _splat(vec, lane):
    return lax.gather(
        vec,
        jnp.full((_LANES, 1), lane, jnp.int32),
        _GDN,
        slice_sizes=(1,),
        mode=lax.GatherScatterMode.PROMISE_IN_BOUNDS,
    )


@functools.partial(
    pl.kernel,
    mesh=_mesh,
    out_type=jax.ShapeDtypeStruct((_BATCH, _SEQ, _D), jnp.float32),
    scratch_types=[
        pltpu.VMEM((_BPW,), jnp.int32),
        pltpu.VMEM((_CHUNK, _D), jnp.float32),
        pltpu.VMEM((_CHUNK, _D), jnp.float32),
        pltpu.VMEM((_CHUNK, _D), jnp.float32),
        pltpu.VMEM((_CHUNK, _D), jnp.float32),
        pltpu.VMEM((_CHUNK, _D), jnp.float32),
        pltpu.SemaphoreType.DMA,
        pltpu.SemaphoreType.DMA,
        pltpu.SemaphoreType.DMA,
        pltpu.SemaphoreType.DMA,
        pltpu.SemaphoreType.DMA,
    ],
)
def _emb_lookup(
    idx_hbm, table_hbm, out_hbm,
    idx_v, g0, g1, g2, s0, s1, gsem0, gsem1, gsem2, ssem0, ssem1,
):
    wid = lax.axis_index("s") * _NC + lax.axis_index("c")
    base = wid * _BPW
    bi = base // _SEQ
    sbase = base % _SEQ
    pltpu.sync_copy(idx_hbm.at[bi, pl.ds(sbase, _BPW)], idx_v)

    gbuf = (g0, g1, g2)
    sbuf = (s0, s1)
    gsem = (gsem0, gsem1, gsem2)
    ssem = (ssem0, ssem1)

    def issue_gather(k, gb):
        pltpu.async_copy(
            table_hbm.at[idx_v.at[pl.ds(k * _CHUNK, _CHUNK)]],
            gbuf[gb],
            gsem[gb],
        )

    def wait_gather(gb):
        pltpu.make_async_copy(
            table_hbm.at[idx_v.at[pl.ds(0, _CHUNK)]], gbuf[gb], gsem[gb]
        ).wait()

    def issue_store(k, b):
        pltpu.async_copy(
            sbuf[b], out_hbm.at[bi, pl.ds(sbase + k * _CHUNK, _CHUNK)], ssem[b]
        )

    def wait_store(b):
        pltpu.make_async_copy(
            sbuf[b], out_hbm.at[bi, pl.ds(sbase, _CHUNK)], ssem[b]
        ).wait()

    def process(k, gb, sb, b, first=False, last=False):
        t = (k - b) // 2
        wait_gather(gb)
        if not first:
            wait_store(sb)
        iv = idx_v[pl.ds(t * _LANES, _LANES)]
        sv = jnp.where(iv != 0, jnp.float32(_SCALE), jnp.float32(0.0))
        splats = [_splat(sv, b * _CHUNK + rr) for rr in range(_CHUNK)]

        def jbody(j, c):
            sl = pl.ds(j * _LANES, _LANES)
            for rr in range(_CHUNK):
                sbuf[sb][rr, sl] = gbuf[gb][rr, sl] * splats[rr]
            return c

        lax.fori_loop(0, _VPR, jbody, 0)
        if not last:
            issue_gather(k + 3, gb)
        issue_store(k, sb)

    issue_gather(0, 0)
    issue_gather(1, 1)
    issue_gather(2, 2)
    process(0, 0, 0, 0, first=True)
    process(1, 1, 1, 1, first=True)
    process(2, 2, 0, 0)
    process(3, 0, 1, 1)

    def wbody(w, c):
        k = 6 * w + 4
        for i in range(6):
            process(k + i, (4 + i) % 3, i % 2, i % 2)
        return c

    lax.fori_loop(0, (_NCH - 8) // 6, wbody, 0)

    process(_NCH - 4, 1, 0, 0)
    process(_NCH - 3, 2, 1, 1, last=True)
    process(_NCH - 2, 0, 0, 0, last=True)
    process(_NCH - 1, 1, 1, 1, last=True)
    wait_store(0)
    wait_store(1)


def kernel(x, embedding_weights):
    out = _emb_lookup(x.astype(jnp.int32), embedding_weights)
    return jnp.expand_dims(out, 2)

# --- scband reference (transcript-rebuilt; emitter-appended) ---
"""Pipeline reference for scband-symbol-bottom-simple-6536940224855 (READ-ONLY COPY).

The authoritative reference and input builder live on the scoring server;
editing this copy changes nothing except your own understanding.
"""

import jax, jax.numpy as jnp
import numpy as np

VOCAB = 100000
HIDDEN = 2048
BATCH = 4
SEQ = 2048

def setup_inputs(seed: int = 0) -> dict:
    key = jax.random.key(seed)
    k1, k2 = jax.random.split(key)
    x = jax.random.randint(k1, (BATCH, SEQ), 0, VOCAB, dtype=jnp.int64 if jax.config.jax_enable_x64 else jnp.int32)
    embedding_weights = jax.random.normal(k2, (VOCAB, HIDDEN), dtype=jnp.float32) * (HIDDEN ** -0.5)
    return {"x": x, "embedding_weights": embedding_weights}

def reference(x, embedding_weights):
    # Faithful translation of SymbolBottomSimple.call
    if x.ndim == 4:
        x = jnp.squeeze(x, axis=3)
    while x.ndim < 3:
        x = jnp.expand_dims(x, axis=-1)
    # common_layers.gather -> embedding lookup
    ret = jnp.take(embedding_weights, x, axis=0)  # [B, S, 1, H]
    # multiply_embedding_mode == 'sqrt_depth'
    ret = ret * (HIDDEN ** 0.5)
    # zero out padding (id == 0)
    mask = jnp.expand_dims((x != 0).astype(ret.dtype), -1)
    ret = ret * mask
    return ret

if __name__ == "__main__":
    import jax
    _d = setup_inputs()
    print(jax.jit(kernel)(*tuple(_d.values())))

</pallas_src>

<mosaic_0001>
#map = affine_map<(d0, d1) -> (0, 0)>
#map1 = affine_map<(d0, d1) -> (0, 0, 0)>
module attributes {stable_mosaic.version = 14 : i64} {
  func.func @_emb_lookup(%arg0: i32, %arg1: i32, %arg2: memref<4x2048xi32, #tpu.memory_space<hbm>>, %arg3: memref<100000x2048xf32, #tpu.memory_space<hbm>>, %arg4: memref<4x2048x2048xf32, #tpu.memory_space<hbm>>, %arg5: memref<256xi32, #tpu.memory_space<vmem>>, %arg6: memref<8x2048xf32, #tpu.memory_space<vmem>>, %arg7: memref<8x2048xf32, #tpu.memory_space<vmem>>, %arg8: memref<8x2048xf32, #tpu.memory_space<vmem>>, %arg9: memref<8x2048xf32, #tpu.memory_space<vmem>>, %arg10: memref<8x2048xf32, #tpu.memory_space<vmem>>, %arg11: memref<!tpu.dma_semaphore, #tpu.memory_space<semaphore_mem>>, %arg12: memref<!tpu.dma_semaphore, #tpu.memory_space<semaphore_mem>>, %arg13: memref<!tpu.dma_semaphore, #tpu.memory_space<semaphore_mem>>, %arg14: memref<!tpu.dma_semaphore, #tpu.memory_space<semaphore_mem>>, %arg15: memref<!tpu.dma_semaphore, #tpu.memory_space<semaphore_mem>>) attributes {dimension_semantics = [#tpu.dimension_semantics<core_parallel>, #tpu.dimension_semantics<subcore_parallel>], iteration_bounds = array<i64: 2, 16>, scalar_prefetch = 0 : i64, scratch_operands = 11 : i64, tpu.core_type = #tpu.core_type<sc_vector_subcore>, window_params = [{transform_indices = #map}, {transform_indices = #map}, {transform_indices = #map1}]} {
    %mul3A = arith.constant 2 : i32
    %mul3A_0 = arith.muli %arg1, %mul3A : i32
    %add3A = arith.addi %mul3A_0, %arg0 : i32
    %mul3A_1 = arith.constant 256 : i32
    %mul3A_2 = arith.muli %add3A, %mul3A_1 : i32
    %jit3A = arith.constant 2048 : i32
    %div3A = arith.divsi %mul3A_2, %jit3A : i32
    %sign3A = arith.constant 0 : i32
    %sign3A_3 = arith.cmpi sgt, %mul3A_2, %sign3A : i32
    %sign3A_4 = arith.extui %sign3A_3 : i1 to i32
    %sign3A_5 = arith.constant 0 : i32
    %sign3A_6 = arith.cmpi slt, %mul3A_2, %sign3A_5 : i32
    %sign3A_7 = arith.extui %sign3A_6 : i1 to i32
    %sign3A_8 = arith.subi %sign3A_4, %sign3A_7 : i32
    %sign3A_9 = arith.constant 0 : i32
    %sign3A_10 = arith.cmpi sgt, %jit3A, %sign3A_9 : i32
    %sign3A_11 = arith.extui %sign3A_10 : i1 to i32
    %sign3A_12 = arith.constant 0 : i32
    %sign3A_13 = arith.cmpi slt, %jit3A, %sign3A_12 : i32
    %sign3A_14 = arith.extui %sign3A_13 : i1 to i32
    %sign3A_15 = arith.subi %sign3A_11, %sign3A_14 : i32
    %ne3A = arith.cmpi ne, %sign3A_8, %sign3A_15 : i32
    %rem3A = arith.remsi %mul3A_2, %jit3A : i32
    %ne3A_16 = arith.constant 0 : i32
    %ne3A_17 = arith.cmpi ne, %rem3A, %ne3A_16 : i32
    %and3A = arith.andi %ne3A, %ne3A_17 : i1
    %sub3A = arith.constant 1 : i32
    %sub3A_18 = arith.subi %div3A, %sub3A : i32
    %select_n3A = arith.select %and3A, %sub3A_18, %div3A : i32
    %jit3A_19 = arith.constant 2048 : i32
    %eq3A = arith.constant 0 : i32
    %eq3A_20 = arith.cmpi eq, %jit3A_19, %eq3A : i32
    %jit3A_21 = arith.constant 1 : i32
    %select_n3A_22 = arith.select %eq3A_20, %jit3A_21, %jit3A_19 : i32
    %rem3A_23 = arith.remsi %mul3A_2, %select_n3A_22 : i32
    %ne3A_24 = arith.constant 0 : i32
    %ne3A_25 = arith.cmpi ne, %rem3A_23, %ne3A_24 : i32
    %lt3A = arith.constant 0 : i32
    %lt3A_26 = arith.cmpi slt, %rem3A_23, %lt3A : i32
    %lt3A_27 = arith.constant 0 : i32
    %lt3A_28 = arith.cmpi slt, %select_n3A_22, %lt3A_27 : i32
    %ne3A_29 = arith.xori %lt3A_26, %lt3A_28 : i1
    %and3A_30 = arith.andi %ne3A_29, %ne3A_25 : i1
    %add3A_31 = arith.addi %rem3A_23, %select_n3A_22 : i32
    %select_n3A_32 = arith.select %and3A_30, %add3A_31, %rem3A_23 : i32
    "tpu.region"() ({
      %run_scoped3A = tpu.sem_alloc : memref<!tpu.dma_semaphore, #tpu.memory_space<semaphore_mem>>
      %dma_start3A_617 = tpu.memref_slice %arg2[%select_n3A, %select_n3A_32] : memref<4x2048xi32, #tpu.memory_space<hbm>> -> memref<1x256xi32, #tpu.memory_space<hbm>>
      %dma_start3A_618 = tpu.memref_squeeze %dma_start3A_617 : memref<1x256xi32, #tpu.memory_space<hbm>> -> memref<256xi32, #tpu.memory_space<hbm>>
      %dma_start3A_619 = tpu.memref_slice %arg2[%select_n3A, %select_n3A_32] : memref<4x2048xi32, #tpu.memory_space<hbm>> -> memref<1x256xi32, #tpu.memory_space<hbm>>
      %dma_start3A_620 = tpu.memref_squeeze %dma_start3A_619 : memref<1x256xi32, #tpu.memory_space<hbm>> -> memref<256xi32, #tpu.memory_space<hbm>>
      tpu.enqueue_dma source(%dma_start3A_620 : memref<256xi32, #tpu.memory_space<hbm>>) target(%arg5 : memref<256xi32, #tpu.memory_space<vmem>>) target_semaphore(%run_scoped3A : memref<!tpu.dma_semaphore, #tpu.memory_space<semaphore_mem>>)
      %dma_wait3A_621 = tpu.memref_slice %arg2[%select_n3A, %select_n3A_32] : memref<4x2048xi32, #tpu.memory_space<hbm>> -> memref<1x256xi32, #tpu.memory_space<hbm>>
      %dma_wait3A_622 = tpu.memref_squeeze %dma_wait3A_621 : memref<1x256xi32, #tpu.memory_space<hbm>> -> memref<256xi32, #tpu.memory_space<hbm>>
      %dma_wait3A_623 = tpu.memref_slice %arg2[%select_n3A, %select_n3A_32] : memref<4x2048xi32, #tpu.memory_space<hbm>> -> memref<1x256xi32, #tpu.memory_space<hbm>>
      %dma_wait3A_624 = tpu.memref_squeeze %dma_wait3A_623 : memref<1x256xi32, #tpu.memory_space<hbm>> -> memref<256xi32, #tpu.memory_space<hbm>>
      tpu.wait_dma2 semaphore(%run_scoped3A : memref<!tpu.dma_semaphore, #tpu.memory_space<semaphore_mem>>) src(%dma_wait3A_624 : memref<256xi32, #tpu.memory_space<hbm>>) dst(%arg5 : memref<256xi32, #tpu.memory_space<vmem>>)
      tpu.yield
    }) : () -> ()
    %dma_start3A = arith.constant 0 : i32
    %dma_start3A_33 = tpu.memref_slice %arg5[%dma_start3A] : memref<256xi32, #tpu.memory_space<vmem>> -> memref<8xi32, #tpu.memory_space<vmem>>
    %dma_start3A_34 = arith.constant 0 : i32
    %dma_start3A_35 = arith.constant 0 : i32
    %dma_start3A_36 = tpu.memref_slice %arg3[%dma_start3A_34, %dma_start3A_35] : memref<100000x2048xf32, #tpu.memory_space<hbm>> -> memref<100000x2048xf32, #tpu.memory_space<hbm>>
    tpu.enqueue_indirect_dma source(%dma_start3A_36 : memref<100000x2048xf32, #tpu.memory_space<hbm>>) target(%arg6 : memref<8x2048xf32, #tpu.memory_space<vmem>>) offsets(%dma_start3A_33 : memref<8xi32, #tpu.memory_space<vmem>>) semaphore(%arg11 : memref<!tpu.dma_semaphore, #tpu.memory_space<semaphore_mem>>)
    %dma_start3A_37 = arith.constant 8 : i32
    %dma_start3A_38 = tpu.memref_slice %arg5[%dma_start3A_37] : memref<256xi32, #tpu.memory_space<vmem>> -> memref<8xi32, #tpu.memory_space<vmem>>
    %dma_start3A_39 = arith.constant 0 : i32
    %dma_start3A_40 = arith.constant 0 : i32
    %dma_start3A_41 = tpu.memref_slice %arg3[%dma_start3A_39, %dma_start3A_40] : memref<100000x2048xf32, #tpu.memory_space<hbm>> -> memref<100000x2048xf32, #tpu.memory_space<hbm>>
    tpu.enqueue_indirect_dma source(%dma_start3A_41 : memref<100000x2048xf32, #tpu.memory_space<hbm>>) target(%arg7 : memref<8x2048xf32, #tpu.memory_space<vmem>>) offsets(%dma_start3A_38 : memref<8xi32, #tpu.memory_space<vmem>>) semaphore(%arg12 : memref<!tpu.dma_semaphore, #tpu.memory_space<semaphore_mem>>)
    %dma_start3A_42 = arith.constant 16 : i32
    %dma_start3A_43 = tpu.memref_slice %arg5[%dma_start3A_42] : memref<256xi32, #tpu.memory_space<vmem>> -> memref<8xi32, #tpu.memory_space<vmem>>
    %dma_start3A_44 = arith.constant 0 : i32
    %dma_start3A_45 = arith.constant 0 : i32
    %dma_start3A_46 = tpu.memref_slice %arg3[%dma_start3A_44, %dma_start3A_45] : memref<100000x2048xf32, #tpu.memory_space<hbm>> -> memref<100000x2048xf32, #tpu.memory_space<hbm>>
    tpu.enqueue_indirect_dma source(%dma_start3A_46 : memref<100000x2048xf32, #tpu.memory_space<hbm>>) target(%arg8 : memref<8x2048xf32, #tpu.memory_space<vmem>>) offsets(%dma_start3A_43 : memref<8xi32, #tpu.memory_space<vmem>>) semaphore(%arg13 : memref<!tpu.dma_semaphore, #tpu.memory_space<semaphore_mem>>)
    %dma_wait3A = arith.constant 0 : i32
    %dma_wait3A_47 = tpu.memref_slice %arg5[%dma_wait3A] : memref<256xi32, #tpu.memory_space<vmem>> -> memref<8xi32, #tpu.memory_space<vmem>>
    %dma_wait3A_48 = arith.constant 0 : i32
    %dma_wait3A_49 = arith.constant 0 : i32
    %dma_wait3A_50 = tpu.memref_slice %arg3[%dma_wait3A_48, %dma_wait3A_49] : memref<100000x2048xf32, #tpu.memory_space<hbm>> -> memref<100000x2048xf32, #tpu.memory_space<hbm>>
    tpu.wait_indirect_dma semaphore(%arg11 : memref<!tpu.dma_semaphore, #tpu.memory_space<semaphore_mem>>) src(%dma_wait3A_50 : memref<100000x2048xf32, #tpu.memory_space<hbm>>) dst(%arg6 : memref<8x2048xf32, #tpu.memory_space<vmem>>)
    %get3A = arith.constant 0 : index
    %get3A_51 = tpu.vector_load %arg5[%get3A] {strides = array<i32>} : memref<256xi32, #tpu.memory_space<vmem>>, vector<16xi32>,
    %get3A_52 = vector.shape_cast %get3A_51 : vector<16xi32> to vector<16xi32>
    %ne3A_53 = arith.constant 0 : i32
    %ne3A_54 = vector.broadcast %ne3A_53 : i32 to vector<16xi32>
    %ne3A_55 = arith.cmpi ne, %get3A_52, %ne3A_54 : vector<16xi32>
    %jit3A_56 = arith.constant 45.2548332 : f32
    %jit3A_57 = arith.constant 0.000000e+00 : f32
    %broadcast_in_dim3A = vector.broadcast %jit3A_56 : f32 to vector<16xf32>
    %broadcast_in_dim3A_58 = vector.broadcast %jit3A_57 : f32 to vector<16xf32>
    %select_n3A_59 = arith.select %ne3A_55, %broadcast_in_dim3A, %broadcast_in_dim3A_58 : vector<16xi1>, vector<16xf32>
    %broadcast_in_dim3A_60 = arith.constant 0 : i32
    %broadcast_in_dim3A_61 = vector.broadcast %broadcast_in_dim3A_60 : i32 to vector<16x1xi32>
    %gather3A = vector.shape_cast %broadcast_in_dim3A_61 : vector<16x1xi32> to vector<16xi32>
    %gather3A_62 = tpu.dynamic_gather %select_n3A_59[%gather3A] in [0] : vector<16xf32>, vector<16xi32> -> vector<16xf32>
    %broadcast_in_dim3A_63 = arith.constant 1 : i32
    %broadcast_in_dim3A_64 = vector.broadcast %broadcast_in_dim3A_63 : i32 to vector<16x1xi32>
    %gather3A_65 = vector.shape_cast %broadcast_in_dim3A_64 : vector<16x1xi32> to vector<16xi32>
    %gather3A_66 = tpu.dynamic_gather %select_n3A_59[%gather3A_65] in [0] : vector<16xf32>, vector<16xi32> -> vector<16xf32>
    %broadcast_in_dim3A_67 = arith.constant 2 : i32
    %broadcast_in_dim3A_68 = vector.broadcast %broadcast_in_dim3A_67 : i32 to vector<16x1xi32>
    %gather3A_69 = vector.shape_cast %broadcast_in_dim3A_68 : vector<16x1xi32> to vector<16xi32>
    %gather3A_70 = tpu.dynamic_gather %select_n3A_59[%gather3A_69] in [0] : vector<16xf32>, vector<16xi32> -> vector<16xf32>
    %broadcast_in_dim3A_71 = arith.constant 3 : i32
    %broadcast_in_dim3A_72 = vector.broadcast %broadcast_in_dim3A_71 : i32 to vector<16x1xi32>
    %gather3A_73 = vector.shape_cast %broadcast_in_dim3A_72 : vector<16x1xi32> to vector<16xi32>
    %gather3A_74 = tpu.dynamic_gather %select_n3A_59[%gather3A_73] in [0] : vector<16xf32>, vector<16xi32> -> vector<16xf32>
    %broadcast_in_dim3A_75 = arith.constant 4 : i32
    %broadcast_in_dim3A_76 = vector.broadcast %broadcast_in_dim3A_75 : i32 to vector<16x1xi32>
    %gather3A_77 = vector.shape_cast %broadcast_in_dim3A_76 : vector<16x1xi32> to vector<16xi32>
    %gather3A_78 = tpu.dynamic_gather %select_n3A_59[%gather3A_77] in [0] : vector<16xf32>, vector<16xi32> -> vector<16xf32>
    %broadcast_in_dim3A_79 = arith.constant 5 : i32
    %broadcast_in_dim3A_80 = vector.broadcast %broadcast_in_dim3A_79 : i32 to vector<16x1xi32>
    %gather3A_81 = vector.shape_cast %broadcast_in_dim3A_80 : vector<16x1xi32> to vector<16xi32>
    %gather3A_82 = tpu.dynamic_gather %select_n3A_59[%gather3A_81] in [0] : vector<16xf32>, vector<16xi32> -> vector<16xf32>
    %broadcast_in_dim3A_83 = arith.constant 6 : i32
    %broadcast_in_dim3A_84 = vector.broadcast %broadcast_in_dim3A_83 : i32 to vector<16x1xi32>
    %gather3A_85 = vector.shape_cast %broadcast_in_dim3A_84 : vector<16x1xi32> to vector<16xi32>
    %gather3A_86 = tpu.dynamic_gather %select_n3A_59[%gather3A_85] in [0] : vector<16xf32>, vector<16xi32> -> vector<16xf32>
    %broadcast_in_dim3A_87 = arith.constant 7 : i32
    %broadcast_in_dim3A_88 = vector.broadcast %broadcast_in_dim3A_87 : i32 to vector<16x1xi32>
    %gather3A_89 = vector.shape_cast %broadcast_in_dim3A_88 : vector<16x1xi32> to vector<16xi32>
    %gather3A_90 = tpu.dynamic_gather %select_n3A_59[%gather3A_89] in [0] : vector<16xf32>, vector<16xi32> -> vector<16xf32>
    %scan3A = arith.constant 0 : i32
    %scan3A_91 = arith.constant 0 : i32
    %scan3A_92 = arith.constant 128 : i32
    %scan3A_93 = arith.addi %scan3A_91, %scan3A_92 : i32
    %scan3A_94 = arith.constant 1 : i32
    scf.for %scan3A_617 = %scan3A_91 to %scan3A_93 step %scan3A_94  : i32 {
      %mul3A_618 = arith.constant 16 : i32
      %mul3A_619 = arith.muli %scan3A_617, %mul3A_618 : i32
      %get3A_620 = arith.constant 0 : i32
      %get3A_621 = arith.index_cast %get3A_620 : i32 to index
      %get3A_622 = arith.index_cast %mul3A_619 : i32 to index
      %get3A_623 = tpu.vector_load %arg6[%get3A_621, %get3A_622] {strides = array<i32>} : memref<8x2048xf32, #tpu.memory_space<vmem>>, vector<1x16xf32>,
      %get3A_624 = vector.shape_cast %get3A_623 : vector<1x16xf32> to vector<16xf32>
      %mul3A_625 = arith.mulf %get3A_624, %gather3A_62 : vector<16xf32>
      %swap3A = arith.constant 0 : i32
      %swap3A_626 = arith.index_cast %swap3A : i32 to index
      %swap3A_627 = arith.index_cast %mul3A_619 : i32 to index
      %swap3A_628 = tpu.vector_load %arg9[%swap3A_626, %swap3A_627] {strides = array<i32>} : memref<8x2048xf32, #tpu.memory_space<vmem>>, vector<1x16xf32>,
      %swap3A_629 = vector.shape_cast %swap3A_628 : vector<1x16xf32> to vector<16xf32>
      %swap3A_630 = vector.shape_cast %mul3A_625 : vector<16xf32> to vector<1x16xf32>
      tpu.vector_store %arg9[%swap3A_626, %swap3A_627], %swap3A_630 {strides = array<i32>} : memref<8x2048xf32, #tpu.memory_space<vmem>>, vector<1x16xf32>,
      %get3A_631 = arith.constant 1 : i32
      %get3A_632 = arith.index_cast %get3A_631 : i32 to index
      %get3A_633 = arith.index_cast %mul3A_619 : i32 to index
      %get3A_634 = tpu.vector_load %arg6[%get3A_632, %get3A_633] {strides = array<i32>} : memref<8x2048xf32, #tpu.memory_space<vmem>>, vector<1x16xf32>,
      %get3A_635 = vector.shape_cast %get3A_634 : vector<1x16xf32> to vector<16xf32>
      %mul3A_636 = arith.mulf %get3A_635, %gather3A_66 : vector<16xf32>
      %swap3A_637 = arith.constant 1 : i32
      %swap3A_638 = arith.index_cast %swap3A_637 : i32 to index
      %swap3A_639 = arith.index_cast %mul3A_619 : i32 to index
      %swap3A_640 = tpu.vector_load %arg9[%swap3A_638, %swap3A_639] {strides = array<i32>} : memref<8x2048xf32, #tpu.memory_space<vmem>>, vector<1x16xf32>,
      %swap3A_641 = vector.shape_cast %swap3A_640 : vector<1x16xf32> to vector<16xf32>
      %swap3A_642 = vector.shape_cast %mul3A_636 : vector<16xf32> to vector<1x16xf32>
      tpu.vector_store %arg9[%swap3A_638, %swap3A_639], %swap3A_642 {strides = array<i32>} : memref<8x2048xf32, #tpu.memory_space<vmem>>, vector<1x16xf32>,
      %get3A_643 = arith.constant 2 : i32
      %get3A_644 = arith.index_cast %get3A_643 : i32 to index
      %get3A_645 = arith.index_cast %mul3A_619 : i32 to index
      %get3A_646 = tpu.vector_load %arg6[%get3A_644, %get3A_645] {strides = array<i32>} : memref<8x2048xf32, #tpu.memory_space<vmem>>, vector<1x16xf32>,
      %get3A_647 = vector.shape_cast %get3A_646 : vector<1x16xf32> to vector<16xf32>
      %mul3A_648 = arith.mulf %get3A_647, %gather3A_70 : vector<16xf32>
      %swap3A_649 = arith.constant 2 : i32
      %swap3A_650 = arith.index_cast %swap3A_649 : i32 to index
      %swap3A_651 = arith.index_cast %mul3A_619 : i32 to index
      %swap3A_652 = tpu.vector_load %arg9[%swap3A_650, %swap3A_651] {strides = array<i32>} : memref<8x2048xf32, #tpu.memory_space<vmem>>, vector<1x16xf32>,
      %swap3A_653 = vector.shape_cast %swap3A_652 : vector<1x16xf32> to vector<16xf32>
      %swap3A_654 = vector.shape_cast %mul3A_648 : vector<16xf32> to vector<1x16xf32>
      tpu.vector_store %arg9[%swap3A_650, %swap3A_651], %swap3A_654 {strides = array<i32>} : memref<8x2048xf32, #tpu.memory_space<vmem>>, vector<1x16xf32>,
      %get3A_655 = arith.constant 3 : i32
      %get3A_656 = arith.index_cast %get3A_655 : i32 to index
      %get3A_657 = arith.index_cast %mul3A_619 : i32 to index
      %get3A_658 = tpu.vector_load %arg6[%get3A_656, %get3A_657] {strides = array<i32>} : memref<8x2048xf32, #tpu.memory_space<vmem>>, vector<1x16xf32>,
      %get3A_659 = vector.shape_cast %get3A_658 : vector<1x16xf32> to vector<16xf32>
      %mul3A_660 = arith.mulf %get3A_659, %gather3A_74 : vector<16xf32>
      %swap3A_661 = arith.constant 3 : i32
      %swap3A_662 = arith.index_cast %swap3A_661 : i32 to index
      %swap3A_663 = arith.index_cast %mul3A_619 : i32 to index
      %swap3A_664 = tpu.vector_load %arg9[%swap3A_662, %swap3A_663] {strides = array<i32>} : memref<8x2048xf32, #tpu.memory_space<vmem>>, vector<1x16xf32>,
      %swap3A_665 = vector.shape_cast %swap3A_664 : vector<1x16xf32> to vector<16xf32>
      %swap3A_666 = vector.shape_cast %mul3A_660 : vector<16xf32> to vector<1x16xf32>
      tpu.vector_store %arg9[%swap3A_662, %swap3A_663], %swap3A_666 {strides = array<i32>} : memref<8x2048xf32, #tpu.memory_space<vmem>>, vector<1x16xf32>,
      %get3A_667 = arith.constant 4 : i32
      %get3A_668 = arith.index_cast %get3A_667 : i32 to index
      %get3A_669 = arith.index_cast %mul3A_619 : i32 to index
      %get3A_670 = tpu.vector_load %arg6[%get3A_668, %get3A_669] {strides = array<i32>} : memref<8x2048xf32, #tpu.memory_space<vmem>>, vector<1x16xf32>,
      %get3A_671 = vector.shape_cast %get3A_670 : vector<1x16xf32> to vector<16xf32>
      %mul3A_672 = arith.mulf %get3A_671, %gather3A_78 : vector<16xf32>
      %swap3A_673 = arith.constant 4 : i32
      %swap3A_674 = arith.index_cast %swap3A_673 : i32 to index
      %swap3A_675 = arith.index_cast %mul3A_619 : i32 to index
      %swap3A_676 = tpu.vector_load %arg9[%swap3A_674, %swap3A_675] {strides = array<i32>} : memref<8x2048xf32, #tpu.memory_space<vmem>>, vector<1x16xf32>,
      %swap3A_677 = vector.shape_cast %swap3A_676 : vector<1x16xf32> to vector<16xf32>
      %swap3A_678 = vector.shape_cast %mul3A_672 : vector<16xf32> to vector<1x16xf32>
      tpu.vector_store %arg9[%swap3A_674, %swap3A_675], %swap3A_678 {strides = array<i32>} : memref<8x2048xf32, #tpu.memory_space<vmem>>, vector<1x16xf32>,
      %get3A_679 = arith.constant 5 : i32
      %get3A_680 = arith.index_cast %get3A_679 : i32 to index
      %get3A_681 = arith.index_cast %mul3A_619 : i32 to index
      %get3A_682 = tpu.vector_load %arg6[%get3A_680, %get3A_681] {strides = array<i32>} : memref<8x2048xf32, #tpu.memory_space<vmem>>, vector<1x16xf32>,
      %get3A_683 = vector.shape_cast %get3A_682 : vector<1x16xf32> to vector<16xf32>
      %mul3A_684 = arith.mulf %get3A_683, %gather3A_82 : vector<16xf32>
      %swap3A_685 = arith.constant 5 : i32
      %swap3A_686 = arith.index_cast %swap3A_685 : i32 to index
      %swap3A_687 = arith.index_cast %mul3A_619 : i32 to index
      %swap3A_688 = tpu.vector_load %arg9[%swap3A_686, %swap3A_687] {strides = array<i32>} : memref<8x2048xf32, #tpu.memory_space<vmem>>, vector<1x16xf32>,
      %swap3A_689 = vector.shape_cast %swap3A_688 : vector<1x16xf32> to vector<16xf32>
      %swap3A_690 = vector.shape_cast %mul3A_684 : vector<16xf32> to vector<1x16xf32>
      tpu.vector_store %arg9[%swap3A_686, %swap3A_687], %swap3A_690 {strides = array<i32>} : memref<8x2048xf32, #tpu.memory_space<vmem>>, vector<1x16xf32>,
      %get3A_691 = arith.constant 6 : i32
      %get3A_692 = arith.index_cast %get3A_691 : i32 to index
      %get3A_693 = arith.index_cast %mul3A_619 : i32 to index
      %get3A_694 = tpu.vector_load %arg6[%get3A_692, %get3A_693] {strides = array<i32>} : memref<8x2048xf32, #tpu.memory_space<vmem>>, vector<1x16xf32>,
      %get3A_695 = vector.shape_cast %get3A_694 : vector<1x16xf32> to vector<16xf32>
      %mul3A_696 = arith.mulf %get3A_695, %gather3A_86 : vector<16xf32>
      %swap3A_697 = arith.constant 6 : i32
      %swap3A_698 = arith.index_cast %swap3A_697 : i32 to index
      %swap3A_699 = arith.index_cast %mul3A_619 : i32 to index
      %swap3A_700 = tpu.vector_load %arg9[%swap3A_698, %swap3A_699] {strides = array<i32>} : memref<8x2048xf32, #tpu.memory_space<vmem>>, vector<1x16xf32>,
      %swap3A_701 = vector.shape_cast %swap3A_700 : vector<1x16xf32> to vector<16xf32>
      %swap3A_702 = vector.shape_cast %mul3A_696 : vector<16xf32> to vector<1x16xf32>
      tpu.vector_store %arg9[%swap3A_698, %swap3A_699], %swap3A_702 {strides = array<i32>} : memref<8x2048xf32, #tpu.memory_space<vmem>>, vector<1x16xf32>,
      %get3A_703 = arith.constant 7 : i32
      %get3A_704 = arith.index_cast %get3A_703 : i32 to index
      %get3A_705 = arith.index_cast %mul3A_619 : i32 to index
      %get3A_706 = tpu.vector_load %arg6[%get3A_704, %get3A_705] {strides = array<i32>} : memref<8x2048xf32, #tpu.memory_space<vmem>>, vector<1x16xf32>,
      %get3A_707 = vector.shape_cast %get3A_706 : vector<1x16xf32> to vector<16xf32>
      %mul3A_708 = arith.mulf %get3A_707, %gather3A_90 : vector<16xf32>
      %swap3A_709 = arith.constant 7 : i32
      %swap3A_710 = arith.index_cast %swap3A_709 : i32 to index
      %swap3A_711 = arith.index_cast %mul3A_619 : i32 to index
      %swap3A_712 = tpu.vector_load %arg9[%swap3A_710, %swap3A_711] {strides = array<i32>} : memref<8x2048xf32, #tpu.memory_space<vmem>>, vector<1x16xf32>,
      %swap3A_713 = vector.shape_cast %swap3A_712 : vector<1x16xf32> to vector<16xf32>
      %swap3A_714 = vector.shape_cast %mul3A_708 : vector<16xf32> to vector<1x16xf32>
      tpu.vector_store %arg9[%swap3A_710, %swap3A_711], %swap3A_714 {strides = array<i32>} : memref<8x2048xf32, #tpu.memory_space<vmem>>, vector<1x16xf32>,
    }
    %scan3A_95 = arith.constant 128 : i32
    %dma_start3A_96 = arith.constant 24 : i32
    %dma_start3A_97 = tpu.memref_slice %arg5[%dma_start3A_96] : memref<256xi32, #tpu.memory_space<vmem>> -> memref<8xi32, #tpu.memory_space<vmem>>
    %dma_start3A_98 = arith.constant 0 : i32
    %dma_start3A_99 = arith.constant 0 : i32
    %dma_start3A_100 = tpu.memref_slice %arg3[%dma_start3A_98, %dma_start3A_99] : memref<100000x2048xf32, #tpu.memory_space<hbm>> -> memref<100000x2048xf32, #tpu.memory_space<hbm>>
    tpu.enqueue_indirect_dma source(%dma_start3A_100 : memref<100000x2048xf32, #tpu.memory_space<hbm>>) target(%arg6 : memref<8x2048xf32, #tpu.memory_space<vmem>>) offsets(%dma_start3A_97 : memref<8xi32, #tpu.memory_space<vmem>>) semaphore(%arg11 : memref<!tpu.dma_semaphore, #tpu.memory_space<semaphore_mem>>)
    %add3A_101 = arith.constant 0 : i32
    %add3A_102 = arith.addi %select_n3A_32, %add3A_101 : i32
    %dma_start3A_103 = arith.constant 0 : i32
    %dma_start3A_104 = tpu.memref_slice %arg4[%select_n3A, %add3A_102, %dma_start3A_103] : memref<4x2048x2048xf32, #tpu.memory_space<hbm>> -> memref<1x8x2048xf32, #tpu.memory_space<hbm>>
    %dma_start3A_105 = tpu.memref_squeeze %dma_start3A_104 : memref<1x8x2048xf32, #tpu.memory_space<hbm>> -> memref<8x2048xf32, #tpu.memory_space<hbm>>
    %dma_start3A_106 = arith.constant 0 : i32
    %dma_start3A_107 = tpu.memref_slice %arg4[%select_n3A, %add3A_102, %dma_start3A_106] : memref<4x2048x2048xf32, #tpu.memory_space<hbm>> -> memref<1x8x2048xf32, #tpu.memory_space<hbm>>
    %dma_start3A_108 = tpu.memref_squeeze %dma_start3A_107 : memref<1x8x2048xf32, #tpu.memory_space<hbm>> -> memref<8x2048xf32, #tpu.memory_space<hbm>>
    tpu.enqueue_dma source(%arg9 : memref<8x2048xf32, #tpu.memory_space<vmem>>) target(%dma_start3A_108 : memref<8x2048xf32, #tpu.memory_space<hbm>>) target_semaphore(%arg14 : memref<!tpu.dma_semaphore, #tpu.memory_space<semaphore_mem>>)
    %dma_wait3A_109 = arith.constant 0 : i32
    %dma_wait3A_110 = tpu.memref_slice %arg5[%dma_wait3A_109] : memref<256xi32, #tpu.memory_space<vmem>> -> memref<8xi32, #tpu.memory_space<vmem>>
    %dma_wait3A_111 = arith.constant 0 : i32
    %dma_wait3A_112 = arith.constant 0 : i32
    %dma_wait3A_113 = tpu.memref_slice %arg3[%dma_wait3A_111, %dma_wait3A_112] : memref<100000x2048xf32, #tpu.memory_space<hbm>> -> memref<100000x2048xf32, #tpu.memory_space<hbm>>
    tpu.wait_indirect_dma semaphore(%arg12 : memref<!tpu.dma_semaphore, #tpu.memory_space<semaphore_mem>>) src(%dma_wait3A_113 : memref<100000x2048xf32, #tpu.memory_space<hbm>>) dst(%arg7 : memref<8x2048xf32, #tpu.memory_space<vmem>>)
    %get3A_114 = arith.constant 0 : index
    %get3A_115 = tpu.vector_load %arg5[%get3A_114] {strides = array<i32>} : memref<256xi32, #tpu.memory_space<vmem>>, vector<16xi32>,
    %get3A_116 = vector.shape_cast %get3A_115 : vector<16xi32> to vector<16xi32>
    %ne3A_117 = arith.constant 0 : i32
    %ne3A_118 = vector.broadcast %ne3A_117 : i32 to vector<16xi32>
    %ne3A_119 = arith.cmpi ne, %get3A_116, %ne3A_118 : vector<16xi32>
    %jit3A_120 = arith.constant 45.2548332 : f32
    %jit3A_121 = arith.constant 0.000000e+00 : f32
    %broadcast_in_dim3A_122 = vector.broadcast %jit3A_120 : f32 to vector<16xf32>
    %broadcast_in_dim3A_123 = vector.broadcast %jit3A_121 : f32 to vector<16xf32>
    %select_n3A_124 = arith.select %ne3A_119, %broadcast_in_dim3A_122, %broadcast_in_dim3A_123 : vector<16xi1>, vector<16xf32>
    %broadcast_in_dim3A_125 = arith.constant 8 : i32
    %broadcast_in_dim3A_126 = vector.broadcast %broadcast_in_dim3A_125 : i32 to vector<16x1xi32>
    %gather3A_127 = vector.shape_cast %broadcast_in_dim3A_126 : vector<16x1xi32> to vector<16xi32>
    %gather3A_128 = tpu.dynamic_gather %select_n3A_124[%gather3A_127] in [0] : vector<16xf32>, vector<16xi32> -> vector<16xf32>
    %broadcast_in_dim3A_129 = arith.constant 9 : i32
    %broadcast_in_dim3A_130 = vector.broadcast %broadcast_in_dim3A_129 : i32 to vector<16x1xi32>
    %gather3A_131 = vector.shape_cast %broadcast_in_dim3A_130 : vector<16x1xi32> to vector<16xi32>
    %gather3A_132 = tpu.dynamic_gather %select_n3A_124[%gather3A_131] in [0] : vector<16xf32>, vector<16xi32> -> vector<16xf32>
    %broadcast_in_dim3A_133 = arith.constant 10 : i32
    %broadcast_in_dim3A_134 = vector.broadcast %broadcast_in_dim3A_133 : i32 to vector<16x1xi32>
    %gather3A_135 = vector.shape_cast %broadcast_in_dim3A_134 : vector<16x1xi32> to vector<16xi32>
    %gather3A_136 = tpu.dynamic_gather %select_n3A_124[%gather3A_135] in [0] : vector<16xf32>, vector<16xi32> -> vector<16xf32>
    %broadcast_in_dim3A_137 = arith.constant 11 : i32
    %broadcast_in_dim3A_138 = vector.broadcast %broadcast_in_dim3A_137 : i32 to vector<16x1xi32>
    %gather3A_139 = vector.shape_cast %broadcast_in_dim3A_138 : vector<16x1xi32> to vector<16xi32>
    %gather3A_140 = tpu.dynamic_gather %select_n3A_124[%gather3A_139] in [0] : vector<16xf32>, vector<16xi32> -> vector<16xf32>
    %broadcast_in_dim3A_141 = arith.constant 12 : i32
    %broadcast_in_dim3A_142 = vector.broadcast %broadcast_in_dim3A_141 : i32 to vector<16x1xi32>
    %gather3A_143 = vector.shape_cast %broadcast_in_dim3A_142 : vector<16x1xi32> to vector<16xi32>
    %gather3A_144 = tpu.dynamic_gather %select_n3A_124[%gather3A_143] in [0] : vector<16xf32>, vector<16xi32> -> vector<16xf32>
    %broadcast_in_dim3A_145 = arith.constant 13 : i32
    %broadcast_in_dim3A_146 = vector.broadcast %broadcast_in_dim3A_145 : i32 to vector<16x1xi32>
    %gather3A_147 = vector.shape_cast %broadcast_in_dim3A_146 : vector<16x1xi32> to vector<16xi32>
    %gather3A_148 = tpu.dynamic_gather %select_n3A_124[%gather3A_147] in [0] : vector<16xf32>, vector<16xi32> -> vector<16xf32>
    %broadcast_in_dim3A_149 = arith.constant 14 : i32
    %broadcast_in_dim3A_150 = vector.broadcast %broadcast_in_dim3A_149 : i32 to vector<16x1xi32>
    %gather3A_151 = vector.shape_cast %broadcast_in_dim3A_150 : vector<16x1xi32> to vector<16xi32>
    %gather3A_152 = tpu.dynamic_gather %select_n3A_124[%gather3A_151] in [0] : vector<16xf32>, vector<16xi32> -> vector<16xf32>
    %broadcast_in_dim3A_153 = arith.constant 15 : i32
    %broadcast_in_dim3A_154 = vector.broadcast %broadcast_in_dim3A_153 : i32 to vector<16x1xi32>
    %gather3A_155 = vector.shape_cast %broadcast_in_dim3A_154 : vector<16x1xi32> to vector<16xi32>
    %gather3A_156 = tpu.dynamic_gather %select_n3A_124[%gather3A_155] in [0] : vector<16xf32>, vector<16xi32> -> vector<16xf32>
    %scan3A_157 = arith.constant 0 : i32
    %scan3A_158 = arith.constant 0 : i32
    %scan3A_159 = arith.constant 128 : i32
    %scan3A_160 = arith.addi %scan3A_158, %scan3A_159 : i32
    %scan3A_161 = arith.constant 1 : i32
    scf.for %scan3A_617 = %scan3A_158 to %scan3A_160 step %scan3A_161  : i32 {
      %mul3A_618 = arith.constant 16 : i32
      %mul3A_619 = arith.muli %scan3A_617, %mul3A_618 : i32
      %get3A_620 = arith.constant 0 : i32
      %get3A_621 = arith.index_cast %get3A_620 : i32 to index
      %get3A_622 = arith.index_cast %mul3A_619 : i32 to index
      %get3A_623 = tpu.vector_load %arg7[%get3A_621, %get3A_622] {strides = array<i32>} : memref<8x2048xf32, #tpu.memory_space<vmem>>, vector<1x16xf32>,
      %get3A_624 = vector.shape_cast %get3A_623 : vector<1x16xf32> to vector<16xf32>
      %mul3A_625 = arith.mulf %get3A_624, %gather3A_128 : vector<16xf32>
      %swap3A = arith.constant 0 : i32
      %swap3A_626 = arith.index_cast %swap3A : i32 to index
      %swap3A_627 = arith.index_cast %mul3A_619 : i32 to index
      %swap3A_628 = tpu.vector_load %arg10[%swap3A_626, %swap3A_627] {strides = array<i32>} : memref<8x2048xf32, #tpu.memory_space<vmem>>, vector<1x16xf32>,
      %swap3A_629 = vector.shape_cast %swap3A_628 : vector<1x16xf32> to vector<16xf32>
      %swap3A_630 = vector.shape_cast %mul3A_625 : vector<16xf32> to vector<1x16xf32>
      tpu.vector_store %arg10[%swap3A_626, %swap3A_627], %swap3A_630 {strides = array<i32>} : memref<8x2048xf32, #tpu.memory_space<vmem>>, vector<1x16xf32>,
      %get3A_631 = arith.constant 1 : i32
      %get3A_632 = arith.index_cast %get3A_631 : i32 to index
      %get3A_633 = arith.index_cast %mul3A_619 : i32 to index
      %get3A_634 = tpu.vector_load %arg7[%get3A_632, %get3A_633] {strides = array<i32>} : memref<8x2048xf32, #tpu.memory_space<vmem>>, vector<1x16xf32>,
      %get3A_635 = vector.shape_cast %get3A_634 : vector<1x16xf32> to vector<16xf32>
      %mul3A_636 = arith.mulf %get3A_635, %gather3A_132 : vector<16xf32>
      %swap3A_637 = arith.constant 1 : i32
      %swap3A_638 = arith.index_cast %swap3A_637 : i32 to index
      %swap3A_639 = arith.index_cast %mul3A_619 : i32 to index
      %swap3A_640 = tpu.vector_load %arg10[%swap3A_638, %swap3A_639] {strides = array<i32>} : memref<8x2048xf32, #tpu.memory_space<vmem>>, vector<1x16xf32>,
      %swap3A_641 = vector.shape_cast %swap3A_640 : vector<1x16xf32> to vector<16xf32>
      %swap3A_642 = vector.shape_cast %mul3A_636 : vector<16xf32> to vector<1x16xf32>
      tpu.vector_store %arg10[%swap3A_638, %swap3A_639], %swap3A_642 {strides = array<i32>} : memref<8x2048xf32, #tpu.memory_space<vmem>>, vector<1x16xf32>,
      %get3A_643 = arith.constant 2 : i32
      %get3A_644 = arith.index_cast %get3A_643 : i32 to index
      %get3A_645 = arith.index_cast %mul3A_619 : i32 to index
      %get3A_646 = tpu.vector_load %arg7[%get3A_644, %get3A_645] {strides = array<i32>} : memref<8x2048xf32, #tpu.memory_space<vmem>>, vector<1x16xf32>,
      %get3A_647 = vector.shape_cast %get3A_646 : vector<1x16xf32> to vector<16xf32>
      %mul3A_648 = arith.mulf %get3A_647, %gather3A_136 : vector<16xf32>
      %swap3A_649 = arith.constant 2 : i32
      %swap3A_650 = arith.index_cast %swap3A_649 : i32 to index
      %swap3A_651 = arith.index_cast %mul3A_619 : i32 to index
      %swap3A_652 = tpu.vector_load %arg10[%swap3A_650, %swap3A_651] {strides = array<i32>} : memref<8x2048xf32, #tpu.memory_space<vmem>>, vector<1x16xf32>,
      %swap3A_653 = vector.shape_cast %swap3A_652 : vector<1x16xf32> to vector<16xf32>
      %swap3A_654 = vector.shape_cast %mul3A_648 : vector<16xf32> to vector<1x16xf32>
      tpu.vector_store %arg10[%swap3A_650, %swap3A_651], %swap3A_654 {strides = array<i32>} : memref<8x2048xf32, #tpu.memory_space<vmem>>, vector<1x16xf32>,
      %get3A_655 = arith.constant 3 : i32
      %get3A_656 = arith.index_cast %get3A_655 : i32 to index
      %get3A_657 = arith.index_cast %mul3A_619 : i32 to index
      %get3A_658 = tpu.vector_load %arg7[%get3A_656, %get3A_657] {strides = array<i32>} : memref<8x2048xf32, #tpu.memory_space<vmem>>, vector<1x16xf32>,
      %get3A_659 = vector.shape_cast %get3A_658 : vector<1x16xf32> to vector<16xf32>
      %mul3A_660 = arith.mulf %get3A_659, %gather3A_140 : vector<16xf32>
      %swap3A_661 = arith.constant 3 : i32
      %swap3A_662 = arith.index_cast %swap3A_661 : i32 to index
      %swap3A_663 = arith.index_cast %mul3A_619 : i32 to index
      %swap3A_664 = tpu.vector_load %arg10[%swap3A_662, %swap3A_663] {strides = array<i32>} : memref<8x2048xf32, #tpu.memory_space<vmem>>, vector<1x16xf32>,
      %swap3A_665 = vector.shape_cast %swap3A_664 : vector<1x16xf32> to vector<16xf32>
      %swap3A_666 = vector.shape_cast %mul3A_660 : vector<16xf32> to vector<1x16xf32>
      tpu.vector_store %arg10[%swap3A_662, %swap3A_663], %swap3A_666 {strides = array<i32>} : memref<8x2048xf32, #tpu.memory_space<vmem>>, vector<1x16xf32>,
      %get3A_667 = arith.constant 4 : i32
      %get3A_668 = arith.index_cast %get3A_667 : i32 to index
      %get3A_669 = arith.index_cast %mul3A_619 : i32 to index
      %get3A_670 = tpu.vector_load %arg7[%get3A_668, %get3A_669] {strides = array<i32>} : memref<8x2048xf32, #tpu.memory_space<vmem>>, vector<1x16xf32>,
      %get3A_671 = vector.shape_cast %get3A_670 : vector<1x16xf32> to vector<16xf32>
      %mul3A_672 = arith.mulf %get3A_671, %gather3A_144 : vector<16xf32>
      %swap3A_673 = arith.constant 4 : i32
      %swap3A_674 = arith.index_cast %swap3A_673 : i32 to index
      %swap3A_675 = arith.index_cast %mul3A_619 : i32 to index
      %swap3A_676 = tpu.vector_load %arg10[%swap3A_674, %swap3A_675] {strides = array<i32>} : memref<8x2048xf32, #tpu.memory_space<vmem>>, vector<1x16xf32>,
      %swap3A_677 = vector.shape_cast %swap3A_676 : vector<1x16xf32> to vector<16xf32>
      %swap3A_678 = vector.shape_cast %mul3A_672 : vector<16xf32> to vector<1x16xf32>
      tpu.vector_store %arg10[%swap3A_674, %swap3A_675], %swap3A_678 {strides = array<i32>} : memref<8x2048xf32, #tpu.memory_space<vmem>>, vector<1x16xf32>,
      %get3A_679 = arith.constant 5 : i32
      %get3A_680 = arith.index_cast %get3A_679 : i32 to index
      %get3A_681 = arith.index_cast %mul3A_619 : i32 to index
      %get3A_682 = tpu.vector_load %arg7[%get3A_680, %get3A_681] {strides = array<i32>} : memref<8x2048xf32, #tpu.memory_space<vmem>>, vector<1x16xf32>,
      %get3A_683 = vector.shape_cast %get3A_682 : vector<1x16xf32> to vector<16xf32>
      %mul3A_684 = arith.mulf %get3A_683, %gather3A_148 : vector<16xf32>
      %swap3A_685 = arith.constant 5 : i32
      %swap3A_686 = arith.index_cast %swap3A_685 : i32 to index
      %swap3A_687 = arith.index_cast %mul3A_619 : i32 to index
      %swap3A_688 = tpu.vector_load %arg10[%swap3A_686, %swap3A_687] {strides = array<i32>} : memref<8x2048xf32, #tpu.memory_space<vmem>>, vector<1x16xf32>,
      %swap3A_689 = vector.shape_cast %swap3A_688 : vector<1x16xf32> to vector<16xf32>
      %swap3A_690 = vector.shape_cast %mul3A_684 : vector<16xf32> to vector<1x16xf32>
      tpu.vector_store %arg10[%swap3A_686, %swap3A_687], %swap3A_690 {strides = array<i32>} : memref<8x2048xf32, #tpu.memory_space<vmem>>, vector<1x16xf32>,
      %get3A_691 = arith.constant 6 : i32
      %get3A_692 = arith.index_cast %get3A_691 : i32 to index
      %get3A_693 = arith.index_cast %mul3A_619 : i32 to index
      %get3A_694 = tpu.vector_load %arg7[%get3A_692, %get3A_693] {strides = array<i32>} : memref<8x2048xf32, #tpu.memory_space<vmem>>, vector<1x16xf32>,
      %get3A_695 = vector.shape_cast %get3A_694 : vector<1x16xf32> to vector<16xf32>
      %mul3A_696 = arith.mulf %get3A_695, %gather3A_152 : vector<16xf32>
      %swap3A_697 = arith.constant 6 : i32
      %swap3A_698 = arith.index_cast %swap3A_697 : i32 to index
      %swap3A_699 = arith.index_cast %mul3A_619 : i32 to index
      %swap3A_700 = tpu.vector_load %arg10[%swap3A_698, %swap3A_699] {strides = array<i32>} : memref<8x2048xf32, #tpu.memory_space<vmem>>, vector<1x16xf32>,
      %swap3A_701 = vector.shape_cast %swap3A_700 : vector<1x16xf32> to vector<16xf32>
      %swap3A_702 = vector.shape_cast %mul3A_696 : vector<16xf32> to vector<1x16xf32>
      tpu.vector_store %arg10[%swap3A_698, %swap3A_699], %swap3A_702 {strides = array<i32>} : memref<8x2048xf32, #tpu.memory_space<vmem>>, vector<1x16xf32>,
      %get3A_703 = arith.constant 7 : i32
      %get3A_704 = arith.index_cast %get3A_703 : i32 to index
      %get3A_705 = arith.index_cast %mul3A_619 : i32 to index
      %get3A_706 = tpu.vector_load %arg7[%get3A_704, %get3A_705] {strides = array<i32>} : memref<8x2048xf32, #tpu.memory_space<vmem>>, vector<1x16xf32>,
      %get3A_707 = vector.shape_cast %get3A_706 : vector<1x16xf32> to vector<16xf32>
      %mul3A_708 = arith.mulf %get3A_707, %gather3A_156 : vector<16xf32>
      %swap3A_709 = arith.constant 7 : i32
      %swap3A_710 = arith.index_cast %swap3A_709 : i32 to index
      %swap3A_711 = arith.index_cast %mul3A_619 : i32 to index
      %swap3A_712 = tpu.vector_load %arg10[%swap3A_710, %swap3A_711] {strides = array<i32>} : memref<8x2048xf32, #tpu.memory_space<vmem>>, vector<1x16xf32>,
      %swap3A_713 = vector.shape_cast %swap3A_712 : vector<1x16xf32> to vector<16xf32>
      %swap3A_714 = vector.shape_cast %mul3A_708 : vector<16xf32> to vector<1x16xf32>
      tpu.vector_store %arg10[%swap3A_710, %swap3A_711], %swap3A_714 {strides = array<i32>} : memref<8x2048xf32, #tpu.memory_space<vmem>>, vector<1x16xf32>,
    }
    %scan3A_162 = arith.constant 128 : i32
    %dma_start3A_163 = arith.constant 32 : i32
    %dma_start3A_164 = tpu.memref_slice %arg5[%dma_start3A_163] : memref<256xi32, #tpu.memory_space<vmem>> -> memref<8xi32, #tpu.memory_space<vmem>>
    %dma_start3A_165 = arith.constant 0 : i32
    %dma_start3A_166 = arith.constant 0 : i32
    %dma_start3A_167 = tpu.memref_slice %arg3[%dma_start3A_165, %dma_start3A_166] : memref<100000x2048xf32, #tpu.memory_space<hbm>> -> memref<100000x2048xf32, #tpu.memory_space<hbm>>
    tpu.enqueue_indirect_dma source(%dma_start3A_167 : memref<100000x2048xf32, #tpu.memory_space<hbm>>) target(%arg7 : memref<8x2048xf32, #tpu.memory_space<vmem>>) offsets(%dma_start3A_164 : memref<8xi32, #tpu.memory_space<vmem>>) semaphore(%arg12 : memref<!tpu.dma_semaphore, #tpu.memory_space<semaphore_mem>>)
    %add3A_168 = arith.constant 8 : i32
    %add3A_169 = arith.addi %select_n3A_32, %add3A_168 : i32
    %dma_start3A_170 = arith.constant 0 : i32
    %dma_start3A_171 = tpu.memref_slice %arg4[%select_n3A, %add3A_169, %dma_start3A_170] : memref<4x2048x2048xf32, #tpu.memory_space<hbm>> -> memref<1x8x2048xf32, #tpu.memory_space<hbm>>
    %dma_start3A_172 = tpu.memref_squeeze %dma_start3A_171 : memref<1x8x2048xf32, #tpu.memory_space<hbm>> -> memref<8x2048xf32, #tpu.memory_space<hbm>>
    %dma_start3A_173 = arith.constant 0 : i32
    %dma_start3A_174 = tpu.memref_slice %arg4[%select_n3A, %add3A_169, %dma_start3A_173] : memref<4x2048x2048xf32, #tpu.memory_space<hbm>> -> memref<1x8x2048xf32, #tpu.memory_space<hbm>>
    %dma_start3A_175 = tpu.memref_squeeze %dma_start3A_174 : memref<1x8x2048xf32, #tpu.memory_space<hbm>> -> memref<8x2048xf32, #tpu.memory_space<hbm>>
    tpu.enqueue_dma source(%arg10 : memref<8x2048xf32, #tpu.memory_space<vmem>>) target(%dma_start3A_175 : memref<8x2048xf32, #tpu.memory_space<hbm>>) target_semaphore(%arg15 : memref<!tpu.dma_semaphore, #tpu.memory_space<semaphore_mem>>)
    %dma_wait3A_176 = arith.constant 0 : i32
    %dma_wait3A_177 = tpu.memref_slice %arg5[%dma_wait3A_176] : memref<256xi32, #tpu.memory_space<vmem>> -> memref<8xi32, #tpu.memory_space<vmem>>
    %dma_wait3A_178 = arith.constant 0 : i32
    %dma_wait3A_179 = arith.constant 0 : i32
    %dma_wait3A_180 = tpu.memref_slice %arg3[%dma_wait3A_178, %dma_wait3A_179] : memref<100000x2048xf32, #tpu.memory_space<hbm>> -> memref<100000x2048xf32, #tpu.memory_space<hbm>>
    tpu.wait_indirect_dma semaphore(%arg13 : memref<!tpu.dma_semaphore, #tpu.memory_space<semaphore_mem>>) src(%dma_wait3A_180 : memref<100000x2048xf32, #tpu.memory_space<hbm>>) dst(%arg8 : memref<8x2048xf32, #tpu.memory_space<vmem>>)
    %dma_wait3A_181 = arith.constant 0 : i32
    %dma_wait3A_182 = tpu.memref_slice %arg4[%select_n3A, %select_n3A_32, %dma_wait3A_181] : memref<4x2048x2048xf32, #tpu.memory_space<hbm>> -> memref<1x8x2048xf32, #tpu.memory_space<hbm>>
    %dma_wait3A_183 = tpu.memref_squeeze %dma_wait3A_182 : memref<1x8x2048xf32, #tpu.memory_space<hbm>> -> memref<8x2048xf32, #tpu.memory_space<hbm>>
    %dma_wait3A_184 = arith.constant 0 : i32
    %dma_wait3A_185 = tpu.memref_slice %arg4[%select_n3A, %select_n3A_32, %dma_wait3A_184] : memref<4x2048x2048xf32, #tpu.memory_space<hbm>> -> memref<1x8x2048xf32, #tpu.memory_space<hbm>>
    %dma_wait3A_186 = tpu.memref_squeeze %dma_wait3A_185 : memref<1x8x2048xf32, #tpu.memory_space<hbm>> -> memref<8x2048xf32, #tpu.memory_space<hbm>>
    tpu.wait_dma2 semaphore(%arg14 : memref<!tpu.dma_semaphore, #tpu.memory_space<semaphore_mem>>) src(%arg9 : memref<8x2048xf32, #tpu.memory_space<vmem>>) dst(%dma_wait3A_186 : memref<8x2048xf32, #tpu.memory_space<hbm>>)
    %get3A_187 = arith.constant 16 : index
    %get3A_188 = tpu.vector_load %arg5[%get3A_187] {strides = array<i32>} : memref<256xi32, #tpu.memory_space<vmem>>, vector<16xi32>,
    %get3A_189 = vector.shape_cast %get3A_188 : vector<16xi32> to vector<16xi32>
    %ne3A_190 = arith.constant 0 : i32
    %ne3A_191 = vector.broadcast %ne3A_190 : i32 to vector<16xi32>
    %ne3A_192 = arith.cmpi ne, %get3A_189, %ne3A_191 : vector<16xi32>
    %jit3A_193 = arith.constant 45.2548332 : f32
    %jit3A_194 = arith.constant 0.000000e+00 : f32
    %broadcast_in_dim3A_195 = vector.broadcast %jit3A_193 : f32 to vector<16xf32>
    %broadcast_in_dim3A_196 = vector.broadcast %jit3A_194 : f32 to vector<16xf32>
    %select_n3A_197 = arith.select %ne3A_192, %broadcast_in_dim3A_195, %broadcast_in_dim3A_196 : vector<16xi1>, vector<16xf32>
    %broadcast_in_dim3A_198 = arith.constant 0 : i32
    %broadcast_in_dim3A_199 = vector.broadcast %broadcast_in_dim3A_198 : i32 to vector<16x1xi32>
    %gather3A_200 = vector.shape_cast %broadcast_in_dim3A_199 : vector<16x1xi32> to vector<16xi32>
    %gather3A_201 = tpu.dynamic_gather %select_n3A_197[%gather3A_200] in [0] : vector<16xf32>, vector<16xi32> -> vector<16xf32>
    %broadcast_in_dim3A_202 = arith.constant 1 : i32
    %broadcast_in_dim3A_203 = vector.broadcast %broadcast_in_dim3A_202 : i32 to vector<16x1xi32>
    %gather3A_204 = vector.shape_cast %broadcast_in_dim3A_203 : vector<16x1xi32> to vector<16xi32>
    %gather3A_205 = tpu.dynamic_gather %select_n3A_197[%gather3A_204] in [0] : vector<16xf32>, vector<16xi32> -> vector<16xf32>
    %broadcast_in_dim3A_206 = arith.constant 2 : i32
    %broadcast_in_dim3A_207 = vector.broadcast %broadcast_in_dim3A_206 : i32 to vector<16x1xi32>
    %gather3A_208 = vector.shape_cast %broadcast_in_dim3A_207 : vector<16x1xi32> to vector<16xi32>
    %gather3A_209 = tpu.dynamic_gather %select_n3A_197[%gather3A_208] in [0] : vector<16xf32>, vector<16xi32> -> vector<16xf32>
    %broadcast_in_dim3A_210 = arith.constant 3 : i32
    %broadcast_in_dim3A_211 = vector.broadcast %broadcast_in_dim3A_210 : i32 to vector<16x1xi32>
    %gather3A_212 = vector.shape_cast %broadcast_in_dim3A_211 : vector<16x1xi32> to vector<16xi32>
    %gather3A_213 = tpu.dynamic_gather %select_n3A_197[%gather3A_212] in [0] : vector<16xf32>, vector<16xi32> -> vector<16xf32>
    %broadcast_in_dim3A_214 = arith.constant 4 : i32
    %broadcast_in_dim3A_215 = vector.broadcast %broadcast_in_dim3A_214 : i32 to vector<16x1xi32>
    %gather3A_216 = vector.shape_cast %broadcast_in_dim3A_215 : vector<16x1xi32> to vector<16xi32>
    %gather3A_217 = tpu.dynamic_gather %select_n3A_197[%gather3A_216] in [0] : vector<16xf32>, vector<16xi32> -> vector<16xf32>
    %broadcast_in_dim3A_218 = arith.constant 5 : i32
    %broadcast_in_dim3A_219 = vector.broadcast %broadcast_in_dim3A_218 : i32 to vector<16x1xi32>
    %gather3A_220 = vector.shape_cast %broadcast_in_dim3A_219 : vector<16x1xi32> to vector<16xi32>
    %gather3A_221 = tpu.dynamic_gather %select_n3A_197[%gather3A_220] in [0] : vector<16xf32>, vector<16xi32> -> vector<16xf32>
    %broadcast_in_dim3A_222 = arith.constant 6 : i32
    %broadcast_in_dim3A_223 = vector.broadcast %broadcast_in_dim3A_222 : i32 to vector<16x1xi32>
    %gather3A_224 = vector.shape_cast %broadcast_in_dim3A_223 : vector<16x1xi32> to vector<16xi32>
    %gather3A_225 = tpu.dynamic_gather %select_n3A_197[%gather3A_224] in [0] : vector<16xf32>, vector<16xi32> -> vector<16xf32>
    %broadcast_in_dim3A_226 = arith.constant 7 : i32
    %broadcast_in_dim3A_227 = vector.broadcast %broadcast_in_dim3A_226 : i32 to vector<16x1xi32>
    %gather3A_228 = vector.shape_cast %broadcast_in_dim3A_227 : vector<16x1xi32> to vector<16xi32>
    %gather3A_229 = tpu.dynamic_gather %select_n3A_197[%gather3A_228] in [0] : vector<16xf32>, vector<16xi32> -> vector<16xf32>
    %scan3A_230 = arith.constant 0 : i32
    %scan3A_231 = arith.constant 0 : i32
    %scan3A_232 = arith.constant 128 : i32
    %scan3A_233 = arith.addi %scan3A_231, %scan3A_232 : i32
    %scan3A_234 = arith.constant 1 : i32
    scf.for %scan3A_617 = %scan3A_231 to %scan3A_233 step %scan3A_234  : i32 {
      %mul3A_618 = arith.constant 16 : i32
      %mul3A_619 = arith.muli %scan3A_617, %mul3A_618 : i32
      %get3A_620 = arith.constant 0 : i32
      %get3A_621 = arith.index_cast %get3A_620 : i32 to index
      %get3A_622 = arith.index_cast %mul3A_619 : i32 to index
      %get3A_623 = tpu.vector_load %arg8[%get3A_621, %get3A_622] {strides = array<i32>} : memref<8x2048xf32, #tpu.memory_space<vmem>>, vector<1x16xf32>,
      %get3A_624 = vector.shape_cast %get3A_623 : vector<1x16xf32> to vector<16xf32>
      %mul3A_625 = arith.mulf %get3A_624, %gather3A_201 : vector<16xf32>
      %swap3A = arith.constant 0 : i32
      %swap3A_626 = arith.index_cast %swap3A : i32 to index
      %swap3A_627 = arith.index_cast %mul3A_619 : i32 to index
      %swap3A_628 = tpu.vector_load %arg9[%swap3A_626, %swap3A_627] {strides = array<i32>} : memref<8x2048xf32, #tpu.memory_space<vmem>>, vector<1x16xf32>,
      %swap3A_629 = vector.shape_cast %swap3A_628 : vector<1x16xf32> to vector<16xf32>
      %swap3A_630 = vector.shape_cast %mul3A_625 : vector<16xf32> to vector<1x16xf32>
      tpu.vector_store %arg9[%swap3A_626, %swap3A_627], %swap3A_630 {strides = array<i32>} : memref<8x2048xf32, #tpu.memory_space<vmem>>, vector<1x16xf32>,
      %get3A_631 = arith.constant 1 : i32
      %get3A_632 = arith.index_cast %get3A_631 : i32 to index
      %get3A_633 = arith.index_cast %mul3A_619 : i32 to index
      %get3A_634 = tpu.vector_load %arg8[%get3A_632, %get3A_633] {strides = array<i32>} : memref<8x2048xf32, #tpu.memory_space<vmem>>, vector<1x16xf32>,
      %get3A_635 = vector.shape_cast %get3A_634 : vector<1x16xf32> to vector<16xf32>
      %mul3A_636 = arith.mulf %get3A_635, %gather3A_205 : vector<16xf32>
      %swap3A_637 = arith.constant 1 : i32
      %swap3A_638 = arith.index_cast %swap3A_637 : i32 to index
      %swap3A_639 = arith.index_cast %mul3A_619 : i32 to index
      %swap3A_640 = tpu.vector_load %arg9[%swap3A_638, %swap3A_639] {strides = array<i32>} : memref<8x2048xf32, #tpu.memory_space<vmem>>, vector<1x16xf32>,
      %swap3A_641 = vector.shape_cast %swap3A_640 : vector<1x16xf32> to vector<16xf32>
      %swap3A_642 = vector.shape_cast %mul3A_636 : vector<16xf32> to vector<1x16xf32>
      tpu.vector_store %arg9[%swap3A_638, %swap3A_639], %swap3A_642 {strides = array<i32>} : memref<8x2048xf32, #tpu.memory_space<vmem>>, vector<1x16xf32>,
      %get3A_643 = arith.constant 2 : i32
      %get3A_644 = arith.index_cast %get3A_643 : i32 to index
      %get3A_645 = arith.index_cast %mul3A_619 : i32 to index
      %get3A_646 = tpu.vector_load %arg8[%get3A_644, %get3A_645] {strides = array<i32>} : memref<8x2048xf32, #tpu.memory_space<vmem>>, vector<1x16xf32>,
      %get3A_647 = vector.shape_cast %get3A_646 : vector<1x16xf32> to vector<16xf32>
      %mul3A_648 = arith.mulf %get3A_647, %gather3A_209 : vector<16xf32>
      %swap3A_649 = arith.constant 2 : i32
      %swap3A_650 = arith.index_cast %swap3A_649 : i32 to index
      %swap3A_651 = arith.index_cast %mul3A_619 : i32 to index
      %swap3A_652 = tpu.vector_load %arg9[%swap3A_650, %swap3A_651] {strides = array<i32>} : memref<8x2048xf32, #tpu.memory_space<vmem>>, vector<1x16xf32>,
      %swap3A_653 = vector.shape_cast %swap3A_652 : vector<1x16xf32> to vector<16xf32>
      %swap3A_654 = vector.shape_cast %mul3A_648 : vector<16xf32> to vector<1x16xf32>
      tpu.vector_store %arg9[%swap3A_650, %swap3A_651], %swap3A_654 {strides = array<i32>} : memref<8x2048xf32, #tpu.memory_space<vmem>>, vector<1x16xf32>,
      %get3A_655 = arith.constant 3 : i32
      %get3A_656 = arith.index_cast %get3A_655 : i32 to index
      %get3A_657 = arith.index_cast %mul3A_619 : i32 to index
      %get3A_658 = tpu.vector_load %arg8[%get3A_656, %get3A_657] {strides = array<i32>} : memref<8x2048xf32, #tpu.memory_space<vmem>>, vector<1x16xf32>,
      %get3A_659 = vector.shape_cast %get3A_658 : vector<1x16xf32> to vector<16xf32>
      %mul3A_660 = arith.mulf %get3A_659, %gather3A_213 : vector<16xf32>
      %swap3A_661 = arith.constant 3 : i32
      %swap3A_662 = arith.index_cast %swap3A_661 : i32 to index
      %swap3A_663 = arith.index_cast %mul3A_619 : i32 to index
      %swap3A_664 = tpu.vector_load %arg9[%swap3A_662, %swap3A_663] {strides = array<i32>} : memref<8x2048xf32, #tpu.memory_space<vmem>>, vector<1x16xf32>,
      %swap3A_665 = vector.shape_cast %swap3A_664 : vector<1x16xf32> to vector<16xf32>
      %swap3A_666 = vector.shape_cast %mul3A_660 : vector<16xf32> to vector<1x16xf32>
      tpu.vector_store %arg9[%swap3A_662, %swap3A_663], %swap3A_666 {strides = array<i32>} : memref<8x2048xf32, #tpu.memory_space<vmem>>, vector<1x16xf32>,
      %get3A_667 = arith.constant 4 : i32
      %get3A_668 = arith.index_cast %get3A_667 : i32 to index
      %get3A_669 = arith.index_cast %mul3A_619 : i32 to index
      %get3A_670 = tpu.vector_load %arg8[%get3A_668, %get3A_669] {strides = array<i32>} : memref<8x2048xf32, #tpu.memory_space<vmem>>, vector<1x16xf32>,
      %get3A_671 = vector.shape_cast %get3A_670 : vector<1x16xf32> to vector<16xf32>
      %mul3A_672 = arith.mulf %get3A_671, %gather3A_217 : vector<16xf32>
      %swap3A_673 = arith.constant 4 : i32
      %swap3A_674 = arith.index_cast %swap3A_673 : i32 to index
      %swap3A_675 = arith.index_cast %mul3A_619 : i32 to index
      %swap3A_676 = tpu.vector_load %arg9[%swap3A_674, %swap3A_675] {strides = array<i32>} : memref<8x2048xf32, #tpu.memory_space<vmem>>, vector<1x16xf32>,
      %swap3A_677 = vector.shape_cast %swap3A_676 : vector<1x16xf32> to vector<16xf32>
      %swap3A_678 = vector.shape_cast %mul3A_672 : vector<16xf32> to vector<1x16xf32>
      tpu.vector_store %arg9[%swap3A_674, %swap3A_675], %swap3A_678 {strides = array<i32>} : memref<8x2048xf32, #tpu.memory_space<vmem>>, vector<1x16xf32>,
      %get3A_679 = arith.constant 5 : i32
      %get3A_680 = arith.index_cast %get3A_679 : i32 to index
      %get3A_681 = arith.index_cast %mul3A_619 : i32 to index
      %get3A_682 = tpu.vector_load %arg8[%get3A_680, %get3A_681] {strides = array<i32>} : memref<8x2048xf32, #tpu.memory_space<vmem>>, vector<1x16xf32>,
      %get3A_683 = vector.shape_cast %get3A_682 : vector<1x16xf32> to vector<16xf32>
      %mul3A_684 = arith.mulf %get3A_683, %gather3A_221 : vector<16xf32>
      %swap3A_685 = arith.constant 5 : i32
      %swap3A_686 = arith.index_cast %swap3A_685 : i32 to index
      %swap3A_687 = arith.index_cast %mul3A_619 : i32 to index
      %swap3A_688 = tpu.vector_load %arg9[%swap3A_686, %swap3A_687] {strides = array<i32>} : memref<8x2048xf32, #tpu.memory_space<vmem>>, vector<1x16xf32>,
      %swap3A_689 = vector.shape_cast %swap3A_688 : vector<1x16xf32> to vector<16xf32>
      %swap3A_690 = vector.shape_cast %mul3A_684 : vector<16xf32> to vector<1x16xf32>
      tpu.vector_store %arg9[%swap3A_686, %swap3A_687], %swap3A_690 {strides = array<i32>} : memref<8x2048xf32, #tpu.memory_space<vmem>>, vector<1x16xf32>,
      %get3A_691 = arith.constant 6 : i32
      %get3A_692 = arith.index_cast %get3A_691 : i32 to index
      %get3A_693 = arith.index_cast %mul3A_619 : i32 to index
      %get3A_694 = tpu.vector_load %arg8[%get3A_692, %get3A_693] {strides = array<i32>} : memref<8x2048xf32, #tpu.memory_space<vmem>>, vector<1x16xf32>,
      %get3A_695 = vector.shape_cast %get3A_694 : vector<1x16xf32> to vector<16xf32>
      %mul3A_696 = arith.mulf %get3A_695, %gather3A_225 : vector<16xf32>
      %swap3A_697 = arith.constant 6 : i32
      %swap3A_698 = arith.index_cast %swap3A_697 : i32 to index
      %swap3A_699 = arith.index_cast %mul3A_619 : i32 to index
      %swap3A_700 = tpu.vector_load %arg9[%swap3A_698, %swap3A_699] {strides = array<i32>} : memref<8x2048xf32, #tpu.memory_space<vmem>>, vector<1x16xf32>,
      %swap3A_701 = vector.shape_cast %swap3A_700 : vector<1x16xf32> to vector<16xf32>
      %swap3A_702 = vector.shape_cast %mul3A_696 : vector<16xf32> to vector<1x16xf32>
      tpu.vector_store %arg9[%swap3A_698, %swap3A_699], %swap3A_702 {strides = array<i32>} : memref<8x2048xf32, #tpu.memory_space<vmem>>, vector<1x16xf32>,
      %get3A_703 = arith.constant 7 : i32
      %get3A_704 = arith.index_cast %get3A_703 : i32 to index
      %get3A_705 = arith.index_cast %mul3A_619 : i32 to index
      %get3A_706 = tpu.vector_load %arg8[%get3A_704, %get3A_705] {strides = array<i32>} : memref<8x2048xf32, #tpu.memory_space<vmem>>, vector<1x16xf32>,
      %get3A_707 = vector.shape_cast %get3A_706 : vector<1x16xf32> to vector<16xf32>
      %mul3A_708 = arith.mulf %get3A_707, %gather3A_229 : vector<16xf32>
      %swap3A_709 = arith.constant 7 : i32
      %swap3A_710 = arith.index_cast %swap3A_709 : i32 to index
      %swap3A_711 = arith.index_cast %mul3A_619 : i32 to index
      %swap3A_712 = tpu.vector_load %arg9[%swap3A_710, %swap3A_711] {strides = array<i32>} : memref<8x2048xf32, #tpu.memory_space<vmem>>, vector<1x16xf32>,
      %swap3A_713 = vector.shape_cast %swap3A_712 : vector<1x16xf32> to vector<16xf32>
      %swap3A_714 = vector.shape_cast %mul3A_708 : vector<16xf32> to vector<1x16xf32>
      tpu.vector_store %arg9[%swap3A_710, %swap3A_711], %swap3A_714 {strides = array<i32>} : memref<8x2048xf32, #tpu.memory_space<vmem>>, vector<1x16xf32>,
    }
    %scan3A_235 = arith.constant 128 : i32
    %dma_start3A_236 = arith.constant 40 : i32
    %dma_start3A_237 = tpu.memref_slice %arg5[%dma_start3A_236] : memref<256xi32, #tpu.memory_space<vmem>> -> memref<8xi32, #tpu.memory_space<vmem>>
    %dma_start3A_238 = arith.constant 0 : i32
    %dma_start3A_239 = arith.constant 0 : i32
    %dma_start3A_240 = tpu.memref_slice %arg3[%dma_start3A_238, %dma_start3A_239] : memref<100000x2048xf32, #tpu.memory_space<hbm>> -> memref<100000x2048xf32, #tpu.memory_space<hbm>>
    tpu.enqueue_indirect_dma source(%dma_start3A_240 : memref<100000x2048xf32, #tpu.memory_space<hbm>>) target(%arg8 : memref<8x2048xf32, #tpu.memory_space<vmem>>) offsets(%dma_start3A_237 : memref<8xi32, #tpu.memory_space<vmem>>) semaphore(%arg13 : memref<!tpu.dma_semaphore, #tpu.memory_space<semaphore_mem>>)
    %add3A_241 = arith.constant 16 : i32
    %add3A_242 = arith.addi %select_n3A_32, %add3A_241 : i32
    %dma_start3A_243 = arith.constant 0 : i32
    %dma_start3A_244 = tpu.memref_slice %arg4[%select_n3A, %add3A_242, %dma_start3A_243] : memref<4x2048x2048xf32, #tpu.memory_space<hbm>> -> memref<1x8x2048xf32, #tpu.memory_space<hbm>>
    %dma_start3A_245 = tpu.memref_squeeze %dma_start3A_244 : memref<1x8x2048xf32, #tpu.memory_space<hbm>> -> memref<8x2048xf32, #tpu.memory_space<hbm>>
    %dma_start3A_246 = arith.constant 0 : i32
    %dma_start3A_247 = tpu.memref_slice %arg4[%select_n3A, %add3A_242, %dma_start3A_246] : memref<4x2048x2048xf32, #tpu.memory_space<hbm>> -> memref<1x8x2048xf32, #tpu.memory_space<hbm>>
    %dma_start3A_248 = tpu.memref_squeeze %dma_start3A_247 : memref<1x8x2048xf32, #tpu.memory_space<hbm>> -> memref<8x2048xf32, #tpu.memory_space<hbm>>
    tpu.enqueue_dma source(%arg9 : memref<8x2048xf32, #tpu.memory_space<vmem>>) target(%dma_start3A_248 : memref<8x2048xf32, #tpu.memory_space<hbm>>) target_semaphore(%arg14 : memref<!tpu.dma_semaphore, #tpu.memory_space<semaphore_mem>>)
    %dma_wait3A_249 = arith.constant 0 : i32
    %dma_wait3A_250 = tpu.memref_slice %arg5[%dma_wait3A_249] : memref<256xi32, #tpu.memory_space<vmem>> -> memref<8xi32, #tpu.memory_space<vmem>>
    %dma_wait3A_251 = arith.constant 0 : i32
    %dma_wait3A_252 = arith.constant 0 : i32
    %dma_wait3A_253 = tpu.memref_slice %arg3[%dma_wait3A_251, %dma_wait3A_252] : memref<100000x2048xf32, #tpu.memory_space<hbm>> -> memref<100000x2048xf32, #tpu.memory_space<hbm>>
    tpu.wait_indirect_dma semaphore(%arg11 : memref<!tpu.dma_semaphore, #tpu.memory_space<semaphore_mem>>) src(%dma_wait3A_253 : memref<100000x2048xf32, #tpu.memory_space<hbm>>) dst(%arg6 : memref<8x2048xf32, #tpu.memory_space<vmem>>)
    %dma_wait3A_254 = arith.constant 0 : i32
    %dma_wait3A_255 = tpu.memref_slice %arg4[%select_n3A, %select_n3A_32, %dma_wait3A_254] : memref<4x2048x2048xf32, #tpu.memory_space<hbm>> -> memref<1x8x2048xf32, #tpu.memory_space<hbm>>
    %dma_wait3A_256 = tpu.memref_squeeze %dma_wait3A_255 : memref<1x8x2048xf32, #tpu.memory_space<hbm>> -> memref<8x2048xf32, #tpu.memory_space<hbm>>
    %dma_wait3A_257 = arith.constant 0 : i32
    %dma_wait3A_258 = tpu.memref_slice %arg4[%select_n3A, %select_n3A_32, %dma_wait3A_257] : memref<4x2048x2048xf32, #tpu.memory_space<hbm>> -> memref<1x8x2048xf32, #tpu.memory_space<hbm>>
    %dma_wait3A_259 = tpu.memref_squeeze %dma_wait3A_258 : memref<1x8x2048xf32, #tpu.memory_space<hbm>> -> memref<8x2048xf32, #tpu.memory_space<hbm>>
    tpu.wait_dma2 semaphore(%arg15 : memref<!tpu.dma_semaphore, #tpu.memory_space<semaphore_mem>>) src(%arg10 : memref<8x2048xf32, #tpu.memory_space<vmem>>) dst(%dma_wait3A_259 : memref<8x2048xf32, #tpu.memory_space<hbm>>)
    %get3A_260 = arith.constant 16 : index
    %get3A_261 = tpu.vector_load %arg5[%get3A_260] {strides = array<i32>} : memref<256xi32, #tpu.memory_space<vmem>>, vector<16xi32>,
    %get3A_262 = vector.shape_cast %get3A_261 : vector<16xi32> to vector<16xi32>
    %ne3A_263 = arith.constant 0 : i32
    %ne3A_264 = vector.broadcast %ne3A_263 : i32 to vector<16xi32>
    %ne3A_265 = arith.cmpi ne, %get3A_262, %ne3A_264 : vector<16xi32>
    %jit3A_266 = arith.constant 45.2548332 : f32
    %jit3A_267 = arith.constant 0.000000e+00 : f32
    %broadcast_in_dim3A_268 = vector.broadcast %jit3A_266 : f32 to vector<16xf32>
    %broadcast_in_dim3A_269 = vector.broadcast %jit3A_267 : f32 to vector<16xf32>
    %select_n3A_270 = arith.select %ne3A_265, %broadcast_in_dim3A_268, %broadcast_in_dim3A_269 : vector<16xi1>, vector<16xf32>
    %broadcast_in_dim3A_271 = arith.constant 8 : i32
    %broadcast_in_dim3A_272 = vector.broadcast %broadcast_in_dim3A_271 : i32 to vector<16x1xi32>
    %gather3A_273 = vector.shape_cast %broadcast_in_dim3A_272 : vector<16x1xi32> to vector<16xi32>
    %gather3A_274 = tpu.dynamic_gather %select_n3A_270[%gather3A_273] in [0] : vector<16xf32>, vector<16xi32> -> vector<16xf32>
    %broadcast_in_dim3A_275 = arith.constant 9 : i32
    %broadcast_in_dim3A_276 = vector.broadcast %broadcast_in_dim3A_275 : i32 to vector<16x1xi32>
    %gather3A_277 = vector.shape_cast %broadcast_in_dim3A_276 : vector<16x1xi32> to vector<16xi32>
    %gather3A_278 = tpu.dynamic_gather %select_n3A_270[%gather3A_277] in [0] : vector<16xf32>, vector<16xi32> -> vector<16xf32>
    %broadcast_in_dim3A_279 = arith.constant 10 : i32
    %broadcast_in_dim3A_280 = vector.broadcast %broadcast_in_dim3A_279 : i32 to vector<16x1xi32>
    %gather3A_281 = vector.shape_cast %broadcast_in_dim3A_280 : vector<16x1xi32> to vector<16xi32>
    %gather3A_282 = tpu.dynamic_gather %select_n3A_270[%gather3A_281] in [0] : vector<16xf32>, vector<16xi32> -> vector<16xf32>
    %broadcast_in_dim3A_283 = arith.constant 11 : i32
    %broadcast_in_dim3A_284 = vector.broadcast %broadcast_in_dim3A_283 : i32 to vector<16x1xi32>
    %gather3A_285 = vector.shape_cast %broadcast_in_dim3A_284 : vector<16x1xi32> to vector<16xi32>
    %gather3A_286 = tpu.dynamic_gather %select_n3A_270[%gather3A_285] in [0] : vector<16xf32>, vector<16xi32> -> vector<16xf32>
    %broadcast_in_dim3A_287 = arith.constant 12 : i32
    %broadcast_in_dim3A_288 = vector.broadcast %broadcast_in_dim3A_287 : i32 to vector<16x1xi32>
    %gather3A_289 = vector.shape_cast %broadcast_in_dim3A_288 : vector<16x1xi32> to vector<16xi32>
    %gather3A_290 = tpu.dynamic_gather %select_n3A_270[%gather3A_289] in [0] : vector<16xf32>, vector<16xi32> -> vector<16xf32>
    %broadcast_in_dim3A_291 = arith.constant 13 : i32
    %broadcast_in_dim3A_292 = vector.broadcast %broadcast_in_dim3A_291 : i32 to vector<16x1xi32>
    %gather3A_293 = vector.shape_cast %broadcast_in_dim3A_292 : vector<16x1xi32> to vector<16xi32>
    %gather3A_294 = tpu.dynamic_gather %select_n3A_270[%gather3A_293] in [0] : vector<16xf32>, vector<16xi32> -> vector<16xf32>
    %broadcast_in_dim3A_295 = arith.constant 14 : i32
    %broadcast_in_dim3A_296 = vector.broadcast %broadcast_in_dim3A_295 : i32 to vector<16x1xi32>
    %gather3A_297 = vector.shape_cast %broadcast_in_dim3A_296 : vector<16x1xi32> to vector<16xi32>
    %gather3A_298 = tpu.dynamic_gather %select_n3A_270[%gather3A_297] in [0] : vector<16xf32>, vector<16xi32> -> vector<16xf32>
    %broadcast_in_dim3A_299 = arith.constant 15 : i32
    %broadcast_in_dim3A_300 = vector.broadcast %broadcast_in_dim3A_299 : i32 to vector<16x1xi32>
    %gather3A_301 = vector.shape_cast %broadcast_in_dim3A_300 : vector<16x1xi32> to vector<16xi32>
    %gather3A_302 = tpu.dynamic_gather %select_n3A_270[%gather3A_301] in [0] : vector<16xf32>, vector<16xi32> -> vector<16xf32>
    %scan3A_303 = arith.constant 0 : i32
    %scan3A_304 = arith.constant 0 : i32
    %scan3A_305 = arith.constant 128 : i32
    %scan3A_306 = arith.addi %scan3A_304, %scan3A_305 : i32
    %scan3A_307 = arith.constant 1 : i32
    scf.for %scan3A_617 = %scan3A_304 to %scan3A_306 step %scan3A_307  : i32 {
      %mul3A_618 = arith.constant 16 : i32
      %mul3A_619 = arith.muli %scan3A_617, %mul3A_618 : i32
      %get3A_620 = arith.constant 0 : i32
      %get3A_621 = arith.index_cast %get3A_620 : i32 to index
      %get3A_622 = arith.index_cast %mul3A_619 : i32 to index
      %get3A_623 = tpu.vector_load %arg6[%get3A_621, %get3A_622] {strides = array<i32>} : memref<8x2048xf32, #tpu.memory_space<vmem>>, vector<1x16xf32>,
      %get3A_624 = vector.shape_cast %get3A_623 : vector<1x16xf32> to vector<16xf32>
      %mul3A_625 = arith.mulf %get3A_624, %gather3A_274 : vector<16xf32>
      %swap3A = arith.constant 0 : i32
      %swap3A_626 = arith.index_cast %swap3A : i32 to index
      %swap3A_627 = arith.index_cast %mul3A_619 : i32 to index
      %swap3A_628 = tpu.vector_load %arg10[%swap3A_626, %swap3A_627] {strides = array<i32>} : memref<8x2048xf32, #tpu.memory_space<vmem>>, vector<1x16xf32>,
      %swap3A_629 = vector.shape_cast %swap3A_628 : vector<1x16xf32> to vector<16xf32>
      %swap3A_630 = vector.shape_cast %mul3A_625 : vector<16xf32> to vector<1x16xf32>
      tpu.vector_store %arg10[%swap3A_626, %swap3A_627], %swap3A_630 {strides = array<i32>} : memref<8x2048xf32, #tpu.memory_space<vmem>>, vector<1x16xf32>,
      %get3A_631 = arith.constant 1 : i32
      %get3A_632 = arith.index_cast %get3A_631 : i32 to index
      %get3A_633 = arith.index_cast %mul3A_619 : i32 to index
      %get3A_634 = tpu.vector_load %arg6[%get3A_632, %get3A_633] {strides = array<i32>} : memref<8x2048xf32, #tpu.memory_space<vmem>>, vector<1x16xf32>,
      %get3A_635 = vector.shape_cast %get3A_634 : vector<1x16xf32> to vector<16xf32>
      %mul3A_636 = arith.mulf %get3A_635, %gather3A_278 : vector<16xf32>
      %swap3A_637 = arith.constant 1 : i32
      %swap3A_638 = arith.index_cast %swap3A_637 : i32 to index
      %swap3A_639 = arith.index_cast %mul3A_619 : i32 to index
      %swap3A_640 = tpu.vector_load %arg10[%swap3A_638, %swap3A_639] {strides = array<i32>} : memref<8x2048xf32, #tpu.memory_space<vmem>>, vector<1x16xf32>,
      %swap3A_641 = vector.shape_cast %swap3A_640 : vector<1x16xf32> to vector<16xf32>
      %swap3A_642 = vector.shape_cast %mul3A_636 : vector<16xf32> to vector<1x16xf32>
      tpu.vector_store %arg10[%swap3A_638, %swap3A_639], %swap3A_642 {strides = array<i32>} : memref<8x2048xf32, #tpu.memory_space<vmem>>, vector<1x16xf32>,
      %get3A_643 = arith.constant 2 : i32
      %get3A_644 = arith.index_cast %get3A_643 : i32 to index
      %get3A_645 = arith.index_cast %mul3A_619 : i32 to index
      %get3A_646 = tpu.vector_load %arg6[%get3A_644, %get3A_645] {strides = array<i32>} : memref<8x2048xf32, #tpu.memory_space<vmem>>, vector<1x16xf32>,
      %get3A_647 = vector.shape_cast %get3A_646 : vector<1x16xf32> to vector<16xf32>
      %mul3A_648 = arith.mulf %get3A_647, %gather3A_282 : vector<16xf32>
      %swap3A_649 = arith.constant 2 : i32
      %swap3A_650 = arith.index_cast %swap3A_649 : i32 to index
      %swap3A_651 = arith.index_cast %mul3A_619 : i32 to index
      %swap3A_652 = tpu.vector_load %arg10[%swap3A_650, %swap3A_651] {strides = array<i32>} : memref<8x2048xf32, #tpu.memory_space<vmem>>, vector<1x16xf32>,
      %swap3A_653 = vector.shape_cast %swap3A_652 : vector<1x16xf32> to vector<16xf32>
      %swap3A_654 = vector.shape_cast %mul3A_648 : vector<16xf32> to vector<1x16xf32>
      tpu.vector_store %arg10[%swap3A_650, %swap3A_651], %swap3A_654 {strides = array<i32>} : memref<8x2048xf32, #tpu.memory_space<vmem>>, vector<1x16xf32>,
      %get3A_655 = arith.constant 3 : i32
      %get3A_656 = arith.index_cast %get3A_655 : i32 to index
      %get3A_657 = arith.index_cast %mul3A_619 : i32 to index
      %get3A_658 = tpu.vector_load %arg6[%get3A_656, %get3A_657] {strides = array<i32>} : memref<8x2048xf32, #tpu.memory_space<vmem>>, vector<1x16xf32>,
      %get3A_659 = vector.shape_cast %get3A_658 : vector<1x16xf32> to vector<16xf32>
      %mul3A_660 = arith.mulf %get3A_659, %gather3A_286 : vector<16xf32>
      %swap3A_661 = arith.constant 3 : i32
      %swap3A_662 = arith.index_cast %swap3A_661 : i32 to index
      %swap3A_663 = arith.index_cast %mul3A_619 : i32 to index
      %swap3A_664 = tpu.vector_load %arg10[%swap3A_662, %swap3A_663] {strides = array<i32>} : memref<8x2048xf32, #tpu.memory_space<vmem>>, vector<1x16xf32>,
      %swap3A_665 = vector.shape_cast %swap3A_664 : vector<1x16xf32> to vector<16xf32>
      %swap3A_666 = vector.shape_cast %mul3A_660 : vector<16xf32> to vector<1x16xf32>
      tpu.vector_store %arg10[%swap3A_662, %swap3A_663], %swap3A_666 {strides = array<i32>} : memref<8x2048xf32, #tpu.memory_space<vmem>>, vector<1x16xf32>,
      %get3A_667 = arith.constant 4 : i32
      %get3A_668 = arith.index_cast %get3A_667 : i32 to index
      %get3A_669 = arith.index_cast %mul3A_619 : i32 to index
      %get3A_670 = tpu.vector_load %arg6[%get3A_668, %get3A_669] {strides = array<i32>} : memref<8x2048xf32, #tpu.memory_space<vmem>>, vector<1x16xf32>,
      %get3A_671 = vector.shape_cast %get3A_670 : vector<1x16xf32> to vector<16xf32>
      %mul3A_672 = arith.mulf %get3A_671, %gather3A_290 : vector<16xf32>
      %swap3A_673 = arith.constant 4 : i32
      %swap3A_674 = arith.index_cast %swap3A_673 : i32 to index
      %swap3A_675 = arith.index_cast %mul3A_619 : i32 to index
      %swap3A_676 = tpu.vector_load %arg10[%swap3A_674, %swap3A_675] {strides = array<i32>} : memref<8x2048xf32, #tpu.memory_space<vmem>>, vector<1x16xf32>,
      %swap3A_677 = vector.shape_cast %swap3A_676 : vector<1x16xf32> to vector<16xf32>
      %swap3A_678 = vector.shape_cast %mul3A_672 : vector<16xf32> to vector<1x16xf32>
      tpu.vector_store %arg10[%swap3A_674, %swap3A_675], %swap3A_678 {strides = array<i32>} : memref<8x2048xf32, #tpu.memory_space<vmem>>, vector<1x16xf32>,
      %get3A_679 = arith.constant 5 : i32
      %get3A_680 = arith.index_cast %get3A_679 : i32 to index
      %get3A_681 = arith.index_cast %mul3A_619 : i32 to index
      %get3A_682 = tpu.vector_load %arg6[%get3A_680, %get3A_681] {strides = array<i32>} : memref<8x2048xf32, #tpu.memory_space<vmem>>, vector<1x16xf32>,
      %get3A_683 = vector.shape_cast %get3A_682 : vector<1x16xf32> to vector<16xf32>
      %mul3A_684 = arith.mulf %get3A_683, %gather3A_294 : vector<16xf32>
      %swap3A_685 = arith.constant 5 : i32
      %swap3A_686 = arith.index_cast %swap3A_685 : i32 to index
      %swap3A_687 = arith.index_cast %mul3A_619 : i32 to index
      %swap3A_688 = tpu.vector_load %arg10[%swap3A_686, %swap3A_687] {strides = array<i32>} : memref<8x2048xf32, #tpu.memory_space<vmem>>, vector<1x16xf32>,
      %swap3A_689 = vector.shape_cast %swap3A_688 : vector<1x16xf32> to vector<16xf32>
      %swap3A_690 = vector.shape_cast %mul3A_684 : vector<16xf32> to vector<1x16xf32>
      tpu.vector_store %arg10[%swap3A_686, %swap3A_687], %swap3A_690 {strides = array<i32>} : memref<8x2048xf32, #tpu.memory_space<vmem>>, vector<1x16xf32>,
      %get3A_691 = arith.constant 6 : i32
      %get3A_692 = arith.index_cast %get3A_691 : i32 to index
      %get3A_693 = arith.index_cast %mul3A_619 : i32 to index
      %get3A_694 = tpu.vector_load %arg6[%get3A_692, %get3A_693] {strides = array<i32>} : memref<8x2048xf32, #tpu.memory_space<vmem>>, vector<1x16xf32>,
      %get3A_695 = vector.shape_cast %get3A_694 : vector<1x16xf32> to vector<16xf32>
      %mul3A_696 = arith.mulf %get3A_695, %gather3A_298 : vector<16xf32>
      %swap3A_697 = arith.constant 6 : i32
      %swap3A_698 = arith.index_cast %swap3A_697 : i32 to index
      %swap3A_699 = arith.index_cast %mul3A_619 : i32 to index
      %swap3A_700 = tpu.vector_load %arg10[%swap3A_698, %swap3A_699] {strides = array<i32>} : memref<8x2048xf32, #tpu.memory_space<vmem>>, vector<1x16xf32>,
      %swap3A_701 = vector.shape_cast %swap3A_700 : vector<1x16xf32> to vector<16xf32>
      %swap3A_702 = vector.shape_cast %mul3A_696 : vector<16xf32> to vector<1x16xf32>
      tpu.vector_store %arg10[%swap3A_698, %swap3A_699], %swap3A_702 {strides = array<i32>} : memref<8x2048xf32, #tpu.memory_space<vmem>>, vector<1x16xf32>,
      %get3A_703 = arith.constant 7 : i32
      %get3A_704 = arith.index_cast %get3A_703 : i32 to index
      %get3A_705 = arith.index_cast %mul3A_619 : i32 to index
      %get3A_706 = tpu.vector_load %arg6[%get3A_704, %get3A_705] {strides = array<i32>} : memref<8x2048xf32, #tpu.memory_space<vmem>>, vector<1x16xf32>,
      %get3A_707 = vector.shape_cast %get3A_706 : vector<1x16xf32> to vector<16xf32>
      %mul3A_708 = arith.mulf %get3A_707, %gather3A_302 : vector<16xf32>
      %swap3A_709 = arith.constant 7 : i32
      %swap3A_710 = arith.index_cast %swap3A_709 : i32 to index
      %swap3A_711 = arith.index_cast %mul3A_619 : i32 to index
      %swap3A_712 = tpu.vector_load %arg10[%swap3A_710, %swap3A_711] {strides = array<i32>} : memref<8x2048xf32, #tpu.memory_space<vmem>>, vector<1x16xf32>,
      %swap3A_713 = vector.shape_cast %swap3A_712 : vector<1x16xf32> to vector<16xf32>
      %swap3A_714 = vector.shape_cast %mul3A_708 : vector<16xf32> to vector<1x16xf32>
      tpu.vector_store %arg10[%swap3A_710, %swap3A_711], %swap3A_714 {strides = array<i32>} : memref<8x2048xf32, #tpu.memory_space<vmem>>, vector<1x16xf32>,
    }
    %scan3A_308 = arith.constant 128 : i32
    %dma_start3A_309 = arith.constant 48 : i32
    %dma_start3A_310 = tpu.memref_slice %arg5[%dma_start3A_309] : memref<256xi32, #tpu.memory_space<vmem>> -> memref<8xi32, #tpu.memory_space<vmem>>
    %dma_start3A_311 = arith.constant 0 : i32
    %dma_start3A_312 = arith.constant 0 : i32
    %dma_start3A_313 = tpu.memref_slice %arg3[%dma_start3A_311, %dma_start3A_312] : memref<100000x2048xf32, #tpu.memory_space<hbm>> -> memref<100000x2048xf32, #tpu.memory_space<hbm>>
    tpu.enqueue_indirect_dma source(%dma_start3A_313 : memref<100000x2048xf32, #tpu.memory_space<hbm>>) target(%arg6 : memref<8x2048xf32, #tpu.memory_space<vmem>>) offsets(%dma_start3A_310 : memref<8xi32, #tpu.memory_space<vmem>>) semaphore(%arg11 : memref<!tpu.dma_semaphore, #tpu.memory_space<semaphore_mem>>)
    %add3A_314 = arith.constant 24 : i32
    %add3A_315 = arith.addi %select_n3A_32, %add3A_314 : i32
    %dma_start3A_316 = arith.constant 0 : i32
    %dma_start3A_317 = tpu.memref_slice %arg4[%select_n3A, %add3A_315, %dma_start3A_316] : memref<4x2048x2048xf32, #tpu.memory_space<hbm>> -> memref<1x8x2048xf32, #tpu.memory_space<hbm>>
    %dma_start3A_318 = tpu.memref_squeeze %dma_start3A_317 : memref<1x8x2048xf32, #tpu.memory_space<hbm>> -> memref<8x2048xf32, #tpu.memory_space<hbm>>
    %dma_start3A_319 = arith.constant 0 : i32
    %dma_start3A_320 = tpu.memref_slice %arg4[%select_n3A, %add3A_315, %dma_start3A_319] : memref<4x2048x2048xf32, #tpu.memory_space<hbm>> -> memref<1x8x2048xf32, #tpu.memory_space<hbm>>
    %dma_start3A_321 = tpu.memref_squeeze %dma_start3A_320 : memref<1x8x2048xf32, #tpu.memory_space<hbm>> -> memref<8x2048xf32, #tpu.memory_space<hbm>>
    tpu.enqueue_dma source(%arg10 : memref<8x2048xf32, #tpu.memory_space<vmem>>) target(%dma_start3A_321 : memref<8x2048xf32, #tpu.memory_space<hbm>>) target_semaphore(%arg15 : memref<!tpu.dma_semaphore, #tpu.memory_space<semaphore_mem>>)
    %scan3A_322 = arith.constant 0 : i32
    %scan3A_323 = arith.constant 0 : i32
    %scan3A_324 = arith.constant 4 : i32
    %scan3A_325 = arith.addi %scan3A_323, %scan3A_324 : i32
    %scan3A_326 = arith.constant 1 : i32
    scf.for %scan3A_617 = %scan3A_323 to %scan3A_325 step %scan3A_326  : i32 {
      %mul3A_618 = arith.constant 6 : i32
      %mul3A_619 = arith.muli %mul3A_618, %scan3A_617 : i32
      %add3A_620 = arith.constant 4 : i32
      %add3A_621 = arith.addi %mul3A_619, %add3A_620 : i32
      %add3A_622 = arith.constant 0 : i32
      %add3A_623 = arith.addi %add3A_621, %add3A_622 : i32
      %sub3A_624 = arith.constant 0 : i32
      %sub3A_625 = arith.subi %add3A_623, %sub3A_624 : i32
      %jit3A_626 = arith.constant 2 : i32
      %div3A_627 = arith.divsi %sub3A_625, %jit3A_626 : i32
      %sign3A_628 = arith.constant 0 : i32
      %sign3A_629 = arith.cmpi sgt, %sub3A_625, %sign3A_628 : i32
      %sign3A_630 = arith.extui %sign3A_629 : i1 to i32
      %sign3A_631 = arith.constant 0 : i32
      %sign3A_632 = arith.cmpi slt, %sub3A_625, %sign3A_631 : i32
      %sign3A_633 = arith.extui %sign3A_632 : i1 to i32
      %sign3A_634 = arith.subi %sign3A_630, %sign3A_633 : i32
      %sign3A_635 = arith.constant 0 : i32
      %sign3A_636 = arith.cmpi sgt, %jit3A_626, %sign3A_635 : i32
      %sign3A_637 = arith.extui %sign3A_636 : i1 to i32
      %sign3A_638 = arith.constant 0 : i32
      %sign3A_639 = arith.cmpi slt, %jit3A_626, %sign3A_638 : i32
      %sign3A_640 = arith.extui %sign3A_639 : i1 to i32
      %sign3A_641 = arith.subi %sign3A_637, %sign3A_640 : i32
      %ne3A_642 = arith.cmpi ne, %sign3A_634, %sign3A_641 : i32
      %rem3A_643 = arith.remsi %sub3A_625, %jit3A_626 : i32
      %ne3A_644 = arith.constant 0 : i32
      %ne3A_645 = arith.cmpi ne, %rem3A_643, %ne3A_644 : i32
      %and3A_646 = arith.andi %ne3A_642, %ne3A_645 : i1
      %sub3A_647 = arith.constant 1 : i32
      %sub3A_648 = arith.subi %div3A_627, %sub3A_647 : i32
      %select_n3A_649 = arith.select %and3A_646, %sub3A_648, %div3A_627 : i32
      %dma_wait3A_650 = arith.constant 0 : i32
      %dma_wait3A_651 = tpu.memref_slice %arg5[%dma_wait3A_650] : memref<256xi32, #tpu.memory_space<vmem>> -> memref<8xi32, #tpu.memory_space<vmem>>
      %dma_wait3A_652 = arith.constant 0 : i32
      %dma_wait3A_653 = arith.constant 0 : i32
      %dma_wait3A_654 = tpu.memref_slice %arg3[%dma_wait3A_652, %dma_wait3A_653] : memref<100000x2048xf32, #tpu.memory_space<hbm>> -> memref<100000x2048xf32, #tpu.memory_space<hbm>>
      tpu.wait_indirect_dma semaphore(%arg12 : memref<!tpu.dma_semaphore, #tpu.memory_space<semaphore_mem>>) src(%dma_wait3A_654 : memref<100000x2048xf32, #tpu.memory_space<hbm>>) dst(%arg7 : memref<8x2048xf32, #tpu.memory_space<vmem>>)
      %dma_wait3A_655 = arith.constant 0 : i32
      %dma_wait3A_656 = tpu.memref_slice %arg4[%select_n3A, %select_n3A_32, %dma_wait3A_655] : memref<4x2048x2048xf32, #tpu.memory_space<hbm>> -> memref<1x8x2048xf32, #tpu.memory_space<hbm>>
      %dma_wait3A_657 = tpu.memref_squeeze %dma_wait3A_656 : memref<1x8x2048xf32, #tpu.memory_space<hbm>> -> memref<8x2048xf32, #tpu.memory_space<hbm>>
      %dma_wait3A_658 = arith.constant 0 : i32
      %dma_wait3A_659 = tpu.memref_slice %arg4[%select_n3A, %select_n3A_32, %dma_wait3A_658] : memref<4x2048x2048xf32, #tpu.memory_space<hbm>> -> memref<1x8x2048xf32, #tpu.memory_space<hbm>>
      %dma_wait3A_660 = tpu.memref_squeeze %dma_wait3A_659 : memref<1x8x2048xf32, #tpu.memory_space<hbm>> -> memref<8x2048xf32, #tpu.memory_space<hbm>>
      tpu.wait_dma2 semaphore(%arg14 : memref<!tpu.dma_semaphore, #tpu.memory_space<semaphore_mem>>) src(%arg9 : memref<8x2048xf32, #tpu.memory_space<vmem>>) dst(%dma_wait3A_660 : memref<8x2048xf32, #tpu.memory_space<hbm>>)
      %mul3A_661 = arith.constant 16 : i32
      %mul3A_662 = arith.muli %select_n3A_649, %mul3A_661 : i32
      %get3A_663 = arith.index_cast %mul3A_662 : i32 to index
      %get3A_664 = tpu.vector_load %arg5[%get3A_663] {strides = array<i32>} : memref<256xi32, #tpu.memory_space<vmem>>, vector<16xi32>,
      %get3A_665 = vector.shape_cast %get3A_664 : vector<16xi32> to vector<16xi32>
      %ne3A_666 = arith.constant 0 : i32
      %ne3A_667 = vector.broadcast %ne3A_666 : i32 to vector<16xi32>
      %ne3A_668 = arith.cmpi ne, %get3A_665, %ne3A_667 : vector<16xi32>
      %jit3A_669 = arith.constant 45.2548332 : f32
      %jit3A_670 = arith.constant 0.000000e+00 : f32
      %broadcast_in_dim3A_671 = vector.broadcast %jit3A_669 : f32 to vector<16xf32>
      %broadcast_in_dim3A_672 = vector.broadcast %jit3A_670 : f32 to vector<16xf32>
      %select_n3A_673 = arith.select %ne3A_668, %broadcast_in_dim3A_671, %broadcast_in_dim3A_672 : vector<16xi1>, vector<16xf32>
      %broadcast_in_dim3A_674 = arith.constant 0 : i32
      %broadcast_in_dim3A_675 = vector.broadcast %broadcast_in_dim3A_674 : i32 to vector<16x1xi32>
      %gather3A_676 = vector.shape_cast %broadcast_in_dim3A_675 : vector<16x1xi32> to vector<16xi32>
      %gather3A_677 = tpu.dynamic_gather %select_n3A_673[%gather3A_676] in [0] : vector<16xf32>, vector<16xi32> -> vector<16xf32>
      %broadcast_in_dim3A_678 = arith.constant 1 : i32
      %broadcast_in_dim3A_679 = vector.broadcast %broadcast_in_dim3A_678 : i32 to vector<16x1xi32>
      %gather3A_680 = vector.shape_cast %broadcast_in_dim3A_679 : vector<16x1xi32> to vector<16xi32>
      %gather3A_681 = tpu.dynamic_gather %select_n3A_673[%gather3A_680] in [0] : vector<16xf32>, vector<16xi32> -> vector<16xf32>
      %broadcast_in_dim3A_682 = arith.constant 2 : i32
      %broadcast_in_dim3A_683 = vector.broadcast %broadcast_in_dim3A_682 : i32 to vector<16x1xi32>
      %gather3A_684 = vector.shape_cast %broadcast_in_dim3A_683 : vector<16x1xi32> to vector<16xi32>
      %gather3A_685 = tpu.dynamic_gather %select_n3A_673[%gather3A_684] in [0] : vector<16xf32>, vector<16xi32> -> vector<16xf32>
      %broadcast_in_dim3A_686 = arith.constant 3 : i32
      %broadcast_in_dim3A_687 = vector.broadcast %broadcast_in_dim3A_686 : i32 to vector<16x1xi32>
      %gather3A_688 = vector.shape_cast %broadcast_in_dim3A_687 : vector<16x1xi32> to vector<16xi32>
      %gather3A_689 = tpu.dynamic_gather %select_n3A_673[%gather3A_688] in [0] : vector<16xf32>, vector<16xi32> -> vector<16xf32>
      %broadcast_in_dim3A_690 = arith.constant 4 : i32
      %broadcast_in_dim3A_691 = vector.broadcast %broadcast_in_dim3A_690 : i32 to vector<16x1xi32>
      %gather3A_692 = vector.shape_cast %broadcast_in_dim3A_691 : vector<16x1xi32> to vector<16xi32>
      %gather3A_693 = tpu.dynamic_gather %select_n3A_673[%gather3A_692] in [0] : vector<16xf32>, vector<16xi32> -> vector<16xf32>
      %broadcast_in_dim3A_694 = arith.constant 5 : i32
      %broadcast_in_dim3A_695 = vector.broadcast %broadcast_in_dim3A_694 : i32 to vector<16x1xi32>
      %gather3A_696 = vector.shape_cast %broadcast_in_dim3A_695 : vector<16x1xi32> to vector<16xi32>
      %gather3A_697 = tpu.dynamic_gather %select_n3A_673[%gather3A_696] in [0] : vector<16xf32>, vector<16xi32> -> vector<16xf32>
      %broadcast_in_dim3A_698 = arith.constant 6 : i32
      %broadcast_in_dim3A_699 = vector.broadcast %broadcast_in_dim3A_698 : i32 to vector<16x1xi32>
      %gather3A_700 = vector.shape_cast %broadcast_in_dim3A_699 : vector<16x1xi32> to vector<16xi32>
      %gather3A_701 = tpu.dynamic_gather %select_n3A_673[%gather3A_700] in [0] : vector<16xf32>, vector<16xi32> -> vector<16xf32>
      %broadcast_in_dim3A_702 = arith.constant 7 : i32
      %broadcast_in_dim3A_703 = vector.broadcast %broadcast_in_dim3A_702 : i32 to vector<16x1xi32>
      %gather3A_704 = vector.shape_cast %broadcast_in_dim3A_703 : vector<16x1xi32> to vector<16xi32>
      %gather3A_705 = tpu.dynamic_gather %select_n3A_673[%gather3A_704] in [0] : vector<16xf32>, vector<16xi32> -> vector<16xf32>
      %scan3A_706 = arith.constant 0 : i32
      %scan3A_707 = arith.constant 0 : i32
      %scan3A_708 = arith.constant 128 : i32
      %scan3A_709 = arith.addi %scan3A_707, %scan3A_708 : i32
      %scan3A_710 = arith.constant 1 : i32
      scf.for %scan3A_1264 = %scan3A_707 to %scan3A_709 step %scan3A_710  : i32 {
        %mul3A_1265 = arith.constant 16 : i32
        %mul3A_1266 = arith.muli %scan3A_1264, %mul3A_1265 : i32
        %get3A_1267 = arith.constant 0 : i32
        %get3A_1268 = arith.index_cast %get3A_1267 : i32 to index
        %get3A_1269 = arith.index_cast %mul3A_1266 : i32 to index
        %get3A_1270 = tpu.vector_load %arg7[%get3A_1268, %get3A_1269] {strides = array<i32>} : memref<8x2048xf32, #tpu.memory_space<vmem>>, vector<1x16xf32>,
        %get3A_1271 = vector.shape_cast %get3A_1270 : vector<1x16xf32> to vector<16xf32>
        %mul3A_1272 = arith.mulf %get3A_1271, %gather3A_677 : vector<16xf32>
        %swap3A = arith.constant 0 : i32
        %swap3A_1273 = arith.index_cast %swap3A : i32 to index
        %swap3A_1274 = arith.index_cast %mul3A_1266 : i32 to index
        %swap3A_1275 = tpu.vector_load %arg9[%swap3A_1273, %swap3A_1274] {strides = array<i32>} : memref<8x2048xf32, #tpu.memory_space<vmem>>, vector<1x16xf32>,
        %swap3A_1276 = vector.shape_cast %swap3A_1275 : vector<1x16xf32> to vector<16xf32>
        %swap3A_1277 = vector.shape_cast %mul3A_1272 : vector<16xf32> to vector<1x16xf32>
        tpu.vector_store %arg9[%swap3A_1273, %swap3A_1274], %swap3A_1277 {strides = array<i32>} : memref<8x2048xf32, #tpu.memory_space<vmem>>, vector<1x16xf32>,
        %get3A_1278 = arith.constant 1 : i32
        %get3A_1279 = arith.index_cast %get3A_1278 : i32 to index
        %get3A_1280 = arith.index_cast %mul3A_1266 : i32 to index
        %get3A_1281 = tpu.vector_load %arg7[%get3A_1279, %get3A_1280] {strides = array<i32>} : memref<8x2048xf32, #tpu.memory_space<vmem>>, vector<1x16xf32>,
        %get3A_1282 = vector.shape_cast %get3A_1281 : vector<1x16xf32> to vector<16xf32>
        %mul3A_1283 = arith.mulf %get3A_1282, %gather3A_681 : vector<16xf32>
        %swap3A_1284 = arith.constant 1 : i32
        %swap3A_1285 = arith.index_cast %swap3A_1284 : i32 to index
        %swap3A_1286 = arith.index_cast %mul3A_1266 : i32 to index
        %swap3A_1287 = tpu.vector_load %arg9[%swap3A_1285, %swap3A_1286] {strides = array<i32>} : memref<8x2048xf32, #tpu.memory_space<vmem>>, vector<1x16xf32>,
        %swap3A_1288 = vector.shape_cast %swap3A_1287 : vector<1x16xf32> to vector<16xf32>
        %swap3A_1289 = vector.shape_cast %mul3A_1283 : vector<16xf32> to vector<1x16xf32>
        tpu.vector_store %arg9[%swap3A_1285, %swap3A_1286], %swap3A_1289 {strides = array<i32>} : memref<8x2048xf32, #tpu.memory_space<vmem>>, vector<1x16xf32>,
        %get3A_1290 = arith.constant 2 : i32
        %get3A_1291 = arith.index_cast %get3A_1290 : i32 to index
        %get3A_1292 = arith.index_cast %mul3A_1266 : i32 to index
        %get3A_1293 = tpu.vector_load %arg7[%get3A_1291, %get3A_1292] {strides = array<i32>} : memref<8x2048xf32, #tpu.memory_space<vmem>>, vector<1x16xf32>,
        %get3A_1294 = vector.shape_cast %get3A_1293 : vector<1x16xf32> to vector<16xf32>
        %mul3A_1295 = arith.mulf %get3A_1294, %gather3A_685 : vector<16xf32>
        %swap3A_1296 = arith.constant 2 : i32
        %swap3A_1297 = arith.index_cast %swap3A_1296 : i32 to index
        %swap3A_1298 = arith.index_cast %mul3A_1266 : i32 to index
        %swap3A_1299 = tpu.vector_load %arg9[%swap3A_1297, %swap3A_1298] {strides = array<i32>} : memref<8x2048xf32, #tpu.memory_space<vmem>>, vector<1x16xf32>,
        %swap3A_1300 = vector.shape_cast %swap3A_1299 : vector<1x16xf32> to vector<16xf32>
        %swap3A_1301 = vector.shape_cast %mul3A_1295 : vector<16xf32> to vector<1x16xf32>
        tpu.vector_store %arg9[%swap3A_1297, %swap3A_1298], %swap3A_1301 {strides = array<i32>} : memref<8x2048xf32, #tpu.memory_space<vmem>>, vector<1x16xf32>,
        %get3A_1302 = arith.constant 3 : i32
        %get3A_1303 = arith.index_cast %get3A_1302 : i32 to index
        %get3A_1304 = arith.index_cast %mul3A_1266 : i32 to index
        %get3A_1305 = tpu.vector_load %arg7[%get3A_1303, %get3A_1304] {strides = array<i32>} : memref<8x2048xf32, #tpu.memory_space<vmem>>, vector<1x16xf32>,
        %get3A_1306 = vector.shape_cast %get3A_1305 : vector<1x16xf32> to vector<16xf32>
        %mul3A_1307 = arith.mulf %get3A_1306, %gather3A_689 : vector<16xf32>
        %swap3A_1308 = arith.constant 3 : i32
        %swap3A_1309 = arith.index_cast %swap3A_1308 : i32 to index
        %swap3A_1310 = arith.index_cast %mul3A_1266 : i32 to index
        %swap3A_1311 = tpu.vector_load %arg9[%swap3A_1309, %swap3A_1310] {strides = array<i32>} : memref<8x2048xf32, #tpu.memory_space<vmem>>, vector<1x16xf32>,
        %swap3A_1312 = vector.shape_cast %swap3A_1311 : vector<1x16xf32> to vector<16xf32>
        %swap3A_1313 = vector.shape_cast %mul3A_1307 : vector<16xf32> to vector<1x16xf32>
        tpu.vector_store %arg9[%swap3A_1309, %swap3A_1310], %swap3A_1313 {strides = array<i32>} : memref<8x2048xf32, #tpu.memory_space<vmem>>, vector<1x16xf32>,
        %get3A_1314 = arith.constant 4 : i32
        %get3A_1315 = arith.index_cast %get3A_1314 : i32 to index
        %get3A_1316 = arith.index_cast %mul3A_1266 : i32 to index
        %get3A_1317 = tpu.vector_load %arg7[%get3A_1315, %get3A_1316] {strides = array<i32>} : memref<8x2048xf32, #tpu.memory_space<vmem>>, vector<1x16xf32>,
        %get3A_1318 = vector.shape_cast %get3A_1317 : vector<1x16xf32> to vector<16xf32>
        %mul3A_1319 = arith.mulf %get3A_1318, %gather3A_693 : vector<16xf32>
        %swap3A_1320 = arith.constant 4 : i32
        %swap3A_1321 = arith.index_cast %swap3A_1320 : i32 to index
        %swap3A_1322 = arith.index_cast %mul3A_1266 : i32 to index
        %swap3A_1323 = tpu.vector_load %arg9[%swap3A_1321, %swap3A_1322] {strides = array<i32>} : memref<8x2048xf32, #tpu.memory_space<vmem>>, vector<1x16xf32>,
        %swap3A_1324 = vector.shape_cast %swap3A_1323 : vector<1x16xf32> to vector<16xf32>
        %swap3A_1325 = vector.shape_cast %mul3A_1319 : vector<16xf32> to vector<1x16xf32>
        tpu.vector_store %arg9[%swap3A_1321, %swap3A_1322], %swap3A_1325 {strides = array<i32>} : memref<8x2048xf32, #tpu.memory_space<vmem>>, vector<1x16xf32>,
        %get3A_1326 = arith.constant 5 : i32
        %get3A_1327 = arith.index_cast %get3A_1326 : i32 to index
        %get3A_1328 = arith.index_cast %mul3A_1266 : i32 to index
        %get3A_1329 = tpu.vector_load %arg7[%get3A_1327, %get3A_1328] {strides = array<i32>} : memref<8x2048xf32, #tpu.memory_space<vmem>>, vector<1x16xf32>,
        %get3A_1330 = vector.shape_cast %get3A_1329 : vector<1x16xf32> to vector<16xf32>
        %mul3A_1331 = arith.mulf %get3A_1330, %gather3A_697 : vector<16xf32>
        %swap3A_1332 = arith.constant 5 : i32
        %swap3A_1333 = arith.index_cast %swap3A_1332 : i32 to index
        %swap3A_1334 = arith.index_cast %mul3A_1266 : i32 to index
        %swap3A_1335 = tpu.vector_load %arg9[%swap3A_1333, %swap3A_1334] {strides = array<i32>} : memref<8x2048xf32, #tpu.memory_space<vmem>>, vector<1x16xf32>,
        %swap3A_1336 = vector.shape_cast %swap3A_1335 : vector<1x16xf32> to vector<16xf32>
        %swap3A_1337 = vector.shape_cast %mul3A_1331 : vector<16xf32> to vector<1x16xf32>
        tpu.vector_store %arg9[%swap3A_1333, %swap3A_1334], %swap3A_1337 {strides = array<i32>} : memref<8x2048xf32, #tpu.memory_space<vmem>>, vector<1x16xf32>,
        %get3A_1338 = arith.constant 6 : i32
        %get3A_1339 = arith.index_cast %get3A_1338 : i32 to index
        %get3A_1340 = arith.index_cast %mul3A_1266 : i32 to index
        %get3A_1341 = tpu.vector_load %arg7[%get3A_1339, %get3A_1340] {strides = array<i32>} : memref<8x2048xf32, #tpu.memory_space<vmem>>, vector<1x16xf32>,
        %get3A_1342 = vector.shape_cast %get3A_1341 : vector<1x16xf32> to vector<16xf32>
        %mul3A_1343 = arith.mulf %get3A_1342, %gather3A_701 : vector<16xf32>
        %swap3A_1344 = arith.constant 6 : i32
        %swap3A_1345 = arith.index_cast %swap3A_1344 : i32 to index
        %swap3A_1346 = arith.index_cast %mul3A_1266 : i32 to index
        %swap3A_1347 = tpu.vector_load %arg9[%swap3A_1345, %swap3A_1346] {strides = array<i32>} : memref<8x2048xf32, #tpu.memory_space<vmem>>, vector<1x16xf32>,
        %swap3A_1348 = vector.shape_cast %swap3A_1347 : vector<1x16xf32> to vector<16xf32>
        %swap3A_1349 = vector.shape_cast %mul3A_1343 : vector<16xf32> to vector<1x16xf32>
        tpu.vector_store %arg9[%swap3A_1345, %swap3A_1346], %swap3A_1349 {strides = array<i32>} : memref<8x2048xf32, #tpu.memory_space<vmem>>, vector<1x16xf32>,
        %get3A_1350 = arith.constant 7 : i32
        %get3A_1351 = arith.index_cast %get3A_1350 : i32 to index
        %get3A_1352 = arith.index_cast %mul3A_1266 : i32 to index
        %get3A_1353 = tpu.vector_load %arg7[%get3A_1351, %get3A_1352] {strides = array<i32>} : memref<8x2048xf32, #tpu.memory_space<vmem>>, vector<1x16xf32>,
        %get3A_1354 = vector.shape_cast %get3A_1353 : vector<1x16xf32> to vector<16xf32>
        %mul3A_1355 = arith.mulf %get3A_1354, %gather3A_705 : vector<16xf32>
        %swap3A_1356 = arith.constant 7 : i32
        %swap3A_1357 = arith.index_cast %swap3A_1356 : i32 to index
        %swap3A_1358 = arith.index_cast %mul3A_1266 : i32 to index
        %swap3A_1359 = tpu.vector_load %arg9[%swap3A_1357, %swap3A_1358] {strides = array<i32>} : memref<8x2048xf32, #tpu.memory_space<vmem>>, vector<1x16xf32>,
        %swap3A_1360 = vector.shape_cast %swap3A_1359 : vector<1x16xf32> to vector<16xf32>
        %swap3A_1361 = vector.shape_cast %mul3A_1355 : vector<16xf32> to vector<1x16xf32>
        tpu.vector_store %arg9[%swap3A_1357, %swap3A_1358], %swap3A_1361 {strides = array<i32>} : memref<8x2048xf32, #tpu.memory_space<vmem>>, vector<1x16xf32>,
      }
      %scan3A_711 = arith.constant 128 : i32
      %add3A_712 = arith.constant 3 : i32
      %add3A_713 = arith.addi %add3A_623, %add3A_712 : i32
      %mul3A_714 = arith.constant 8 : i32
      %mul3A_715 = arith.muli %add3A_713, %mul3A_714 : i32
      %dma_start3A_716 = tpu.memref_slice %arg5[%mul3A_715] : memref<256xi32, #tpu.memory_space<vmem>> -> memref<8xi32, #tpu.memory_space<vmem>>
      %dma_start3A_717 = arith.constant 0 : i32
      %dma_start3A_718 = arith.constant 0 : i32
      %dma_start3A_719 = tpu.memref_slice %arg3[%dma_start3A_717, %dma_start3A_718] : memref<100000x2048xf32, #tpu.memory_space<hbm>> -> memref<100000x2048xf32, #tpu.memory_space<hbm>>
      tpu.enqueue_indirect_dma source(%dma_start3A_719 : memref<100000x2048xf32, #tpu.memory_space<hbm>>) target(%arg7 : memref<8x2048xf32, #tpu.memory_space<vmem>>) offsets(%dma_start3A_716 : memref<8xi32, #tpu.memory_space<vmem>>) semaphore(%arg12 : memref<!tpu.dma_semaphore, #tpu.memory_space<semaphore_mem>>)
      %mul3A_720 = arith.constant 8 : i32
      %mul3A_721 = arith.muli %add3A_623, %mul3A_720 : i32
      %add3A_722 = arith.addi %select_n3A_32, %mul3A_721 : i32
      %dma_start3A_723 = arith.constant 0 : i32
      %dma_start3A_724 = tpu.memref_slice %arg4[%select_n3A, %add3A_722, %dma_start3A_723] : memref<4x2048x2048xf32, #tpu.memory_space<hbm>> -> memref<1x8x2048xf32, #tpu.memory_space<hbm>>
      %dma_start3A_725 = tpu.memref_squeeze %dma_start3A_724 : memref<1x8x2048xf32, #tpu.memory_space<hbm>> -> memref<8x2048xf32, #tpu.memory_space<hbm>>
      %dma_start3A_726 = arith.constant 0 : i32
      %dma_start3A_727 = tpu.memref_slice %arg4[%select_n3A, %add3A_722, %dma_start3A_726] : memref<4x2048x2048xf32, #tpu.memory_space<hbm>> -> memref<1x8x2048xf32, #tpu.memory_space<hbm>>
      %dma_start3A_728 = tpu.memref_squeeze %dma_start3A_727 : memref<1x8x2048xf32, #tpu.memory_space<hbm>> -> memref<8x2048xf32, #tpu.memory_space<hbm>>
      tpu.enqueue_dma source(%arg9 : memref<8x2048xf32, #tpu.memory_space<vmem>>) target(%dma_start3A_728 : memref<8x2048xf32, #tpu.memory_space<hbm>>) target_semaphore(%arg14 : memref<!tpu.dma_semaphore, #tpu.memory_space<semaphore_mem>>)
      %add3A_729 = arith.constant 1 : i32
      %add3A_730 = arith.addi %add3A_621, %add3A_729 : i32
      %sub3A_731 = arith.constant 1 : i32
      %sub3A_732 = arith.subi %add3A_730, %sub3A_731 : i32
      %jit3A_733 = arith.constant 2 : i32
      %div3A_734 = arith.divsi %sub3A_732, %jit3A_733 : i32
      %sign3A_735 = arith.constant 0 : i32
      %sign3A_736 = arith.cmpi sgt, %sub3A_732, %sign3A_735 : i32
      %sign3A_737 = arith.extui %sign3A_736 : i1 to i32
      %sign3A_738 = arith.constant 0 : i32
      %sign3A_739 = arith.cmpi slt, %sub3A_732, %sign3A_738 : i32
      %sign3A_740 = arith.extui %sign3A_739 : i1 to i32
      %sign3A_741 = arith.subi %sign3A_737, %sign3A_740 : i32
      %sign3A_742 = arith.constant 0 : i32
      %sign3A_743 = arith.cmpi sgt, %jit3A_733, %sign3A_742 : i32
      %sign3A_744 = arith.extui %sign3A_743 : i1 to i32
      %sign3A_745 = arith.constant 0 : i32
      %sign3A_746 = arith.cmpi slt, %jit3A_733, %sign3A_745 : i32
      %sign3A_747 = arith.extui %sign3A_746 : i1 to i32
      %sign3A_748 = arith.subi %sign3A_744, %sign3A_747 : i32
      %ne3A_749 = arith.cmpi ne, %sign3A_741, %sign3A_748 : i32
      %rem3A_750 = arith.remsi %sub3A_732, %jit3A_733 : i32
      %ne3A_751 = arith.constant 0 : i32
      %ne3A_752 = arith.cmpi ne, %rem3A_750, %ne3A_751 : i32
      %and3A_753 = arith.andi %ne3A_749, %ne3A_752 : i1
      %sub3A_754 = arith.constant 1 : i32
      %sub3A_755 = arith.subi %div3A_734, %sub3A_754 : i32
      %select_n3A_756 = arith.select %and3A_753, %sub3A_755, %div3A_734 : i32
      %dma_wait3A_757 = arith.constant 0 : i32
      %dma_wait3A_758 = tpu.memref_slice %arg5[%dma_wait3A_757] : memref<256xi32, #tpu.memory_space<vmem>> -> memref<8xi32, #tpu.memory_space<vmem>>
      %dma_wait3A_759 = arith.constant 0 : i32
      %dma_wait3A_760 = arith.constant 0 : i32
      %dma_wait3A_761 = tpu.memref_slice %arg3[%dma_wait3A_759, %dma_wait3A_760] : memref<100000x2048xf32, #tpu.memory_space<hbm>> -> memref<100000x2048xf32, #tpu.memory_space<hbm>>
      tpu.wait_indirect_dma semaphore(%arg13 : memref<!tpu.dma_semaphore, #tpu.memory_space<semaphore_mem>>) src(%dma_wait3A_761 : memref<100000x2048xf32, #tpu.memory_space<hbm>>) dst(%arg8 : memref<8x2048xf32, #tpu.memory_space<vmem>>)
      %dma_wait3A_762 = arith.constant 0 : i32
      %dma_wait3A_763 = tpu.memref_slice %arg4[%select_n3A, %select_n3A_32, %dma_wait3A_762] : memref<4x2048x2048xf32, #tpu.memory_space<hbm>> -> memref<1x8x2048xf32, #tpu.memory_space<hbm>>
      %dma_wait3A_764 = tpu.memref_squeeze %dma_wait3A_763 : memref<1x8x2048xf32, #tpu.memory_space<hbm>> -> memref<8x2048xf32, #tpu.memory_space<hbm>>
      %dma_wait3A_765 = arith.constant 0 : i32
      %dma_wait3A_766 = tpu.memref_slice %arg4[%select_n3A, %select_n3A_32, %dma_wait3A_765] : memref<4x2048x2048xf32, #tpu.memory_space<hbm>> -> memref<1x8x2048xf32, #tpu.memory_space<hbm>>
      %dma_wait3A_767 = tpu.memref_squeeze %dma_wait3A_766 : memref<1x8x2048xf32, #tpu.memory_space<hbm>> -> memref<8x2048xf32, #tpu.memory_space<hbm>>
      tpu.wait_dma2 semaphore(%arg15 : memref<!tpu.dma_semaphore, #tpu.memory_space<semaphore_mem>>) src(%arg10 : memref<8x2048xf32, #tpu.memory_space<vmem>>) dst(%dma_wait3A_767 : memref<8x2048xf32, #tpu.memory_space<hbm>>)
      %mul3A_768 = arith.constant 16 : i32
      %mul3A_769 = arith.muli %select_n3A_756, %mul3A_768 : i32
      %get3A_770 = arith.index_cast %mul3A_769 : i32 to index
      %get3A_771 = tpu.vector_load %arg5[%get3A_770] {strides = array<i32>} : memref<256xi32, #tpu.memory_space<vmem>>, vector<16xi32>,
      %get3A_772 = vector.shape_cast %get3A_771 : vector<16xi32> to vector<16xi32>
      %ne3A_773 = arith.constant 0 : i32
      %ne3A_774 = vector.broadcast %ne3A_773 : i32 to vector<16xi32>
      %ne3A_775 = arith.cmpi ne, %get3A_772, %ne3A_774 : vector<16xi32>
      %jit3A_776 = arith.constant 45.2548332 : f32
      %jit3A_777 = arith.constant 0.000000e+00 : f32
      %broadcast_in_dim3A_778 = vector.broadcast %jit3A_776 : f32 to vector<16xf32>
      %broadcast_in_dim3A_779 = vector.broadcast %jit3A_777 : f32 to vector<16xf32>
      %select_n3A_780 = arith.select %ne3A_775, %broadcast_in_dim3A_778, %broadcast_in_dim3A_779 : vector<16xi1>, vector<16xf32>
      %broadcast_in_dim3A_781 = arith.constant 8 : i32
      %broadcast_in_dim3A_782 = vector.broadcast %broadcast_in_dim3A_781 : i32 to vector<16x1xi32>
      %gather3A_783 = vector.shape_cast %broadcast_in_dim3A_782 : vector<16x1xi32> to vector<16xi32>
      %gather3A_784 = tpu.dynamic_gather %select_n3A_780[%gather3A_783] in [0] : vector<16xf32>, vector<16xi32> -> vector<16xf32>
      %broadcast_in_dim3A_785 = arith.constant 9 : i32
      %broadcast_in_dim3A_786 = vector.broadcast %broadcast_in_dim3A_785 : i32 to vector<16x1xi32>
      %gather3A_787 = vector.shape_cast %broadcast_in_dim3A_786 : vector<16x1xi32> to vector<16xi32>
      %gather3A_788 = tpu.dynamic_gather %select_n3A_780[%gather3A_787] in [0] : vector<16xf32>, vector<16xi32> -> vector<16xf32>
      %broadcast_in_dim3A_789 = arith.constant 10 : i32
      %broadcast_in_dim3A_790 = vector.broadcast %broadcast_in_dim3A_789 : i32 to vector<16x1xi32>
      %gather3A_791 = vector.shape_cast %broadcast_in_dim3A_790 : vector<16x1xi32> to vector<16xi32>
      %gather3A_792 = tpu.dynamic_gather %select_n3A_780[%gather3A_791] in [0] : vector<16xf32>, vector<16xi32> -> vector<16xf32>
      %broadcast_in_dim3A_793 = arith.constant 11 : i32
      %broadcast_in_dim3A_794 = vector.broadcast %broadcast_in_dim3A_793 : i32 to vector<16x1xi32>
      %gather3A_795 = vector.shape_cast %broadcast_in_dim3A_794 : vector<16x1xi32> to vector<16xi32>
      %gather3A_796 = tpu.dynamic_gather %select_n3A_780[%gather3A_795] in [0] : vector<16xf32>, vector<16xi32> -> vector<16xf32>
      %broadcast_in_dim3A_797 = arith.constant 12 : i32
      %broadcast_in_dim3A_798 = vector.broadcast %broadcast_in_dim3A_797 : i32 to vector<16x1xi32>
      %gather3A_799 = vector.shape_cast %broadcast_in_dim3A_798 : vector<16x1xi32> to vector<16xi32>
      %gather3A_800 = tpu.dynamic_gather %select_n3A_780[%gather3A_799] in [0] : vector<16xf32>, vector<16xi32> -> vector<16xf32>
      %broadcast_in_dim3A_801 = arith.constant 13 : i32
      %broadcast_in_dim3A_802 = vector.broadcast %broadcast_in_dim3A_801 : i32 to vector<16x1xi32>
      %gather3A_803 = vector.shape_cast %broadcast_in_dim3A_802 : vector<16x1xi32> to vector<16xi32>
      %gather3A_804 = tpu.dynamic_gather %select_n3A_780[%gather3A_803] in [0] : vector<16xf32>, vector<16xi32> -> vector<16xf32>
      %broadcast_in_dim3A_805 = arith.constant 14 : i32
      %broadcast_in_dim3A_806 = vector.broadcast %broadcast_in_dim3A_805 : i32 to vector<16x1xi32>
      %gather3A_807 = vector.shape_cast %broadcast_in_dim3A_806 : vector<16x1xi32> to vector<16xi32>
      %gather3A_808 = tpu.dynamic_gather %select_n3A_780[%gather3A_807] in [0] : vector<16xf32>, vector<16xi32> -> vector<16xf32>
      %broadcast_in_dim3A_809 = arith.constant 15 : i32
      %broadcast_in_dim3A_810 = vector.broadcast %broadcast_in_dim3A_809 : i32 to vector<16x1xi32>
      %gather3A_811 = vector.shape_cast %broadcast_in_dim3A_810 : vector<16x1xi32> to vector<16xi32>
      %gather3A_812 = tpu.dynamic_gather %select_n3A_780[%gather3A_811] in [0] : vector<16xf32>, vector<16xi32> -> vector<16xf32>
      %scan3A_813 = arith.constant 0 : i32
      %scan3A_814 = arith.constant 0 : i32
      %scan3A_815 = arith.constant 128 : i32
      %scan3A_816 = arith.addi %scan3A_814, %scan3A_815 : i32
      %scan3A_817 = arith.constant 1 : i32
      scf.for %scan3A_1264 = %scan3A_814 to %scan3A_816 step %scan3A_817  : i32 {
        %mul3A_1265 = arith.constant 16 : i32
        %mul3A_1266 = arith.muli %scan3A_1264, %mul3A_1265 : i32
        %get3A_1267 = arith.constant 0 : i32
        %get3A_1268 = arith.index_cast %get3A_1267 : i32 to index
        %get3A_1269 = arith.index_cast %mul3A_1266 : i32 to index
        %get3A_1270 = tpu.vector_load %arg8[%get3A_1268, %get3A_1269] {strides = array<i32>} : memref<8x2048xf32, #tpu.memory_space<vmem>>, vector<1x16xf32>,
        %get3A_1271 = vector.shape_cast %get3A_1270 : vector<1x16xf32> to vector<16xf32>
        %mul3A_1272 = arith.mulf %get3A_1271, %gather3A_784 : vector<16xf32>
        %swap3A = arith.constant 0 : i32
        %swap3A_1273 = arith.index_cast %swap3A : i32 to index
        %swap3A_1274 = arith.index_cast %mul3A_1266 : i32 to index
        %swap3A_1275 = tpu.vector_load %arg10[%swap3A_1273, %swap3A_1274] {strides = array<i32>} : memref<8x2048xf32, #tpu.memory_space<vmem>>, vector<1x16xf32>,
        %swap3A_1276 = vector.shape_cast %swap3A_1275 : vector<1x16xf32> to vector<16xf32>
        %swap3A_1277 = vector.shape_cast %mul3A_1272 : vector<16xf32> to vector<1x16xf32>
        tpu.vector_store %arg10[%swap3A_1273, %swap3A_1274], %swap3A_1277 {strides = array<i32>} : memref<8x2048xf32, #tpu.memory_space<vmem>>, vector<1x16xf32>,
        %get3A_1278 = arith.constant 1 : i32
        %get3A_1279 = arith.index_cast %get3A_1278 : i32 to index
        %get3A_1280 = arith.index_cast %mul3A_1266 : i32 to index
        %get3A_1281 = tpu.vector_load %arg8[%get3A_1279, %get3A_1280] {strides = array<i32>} : memref<8x2048xf32, #tpu.memory_space<vmem>>, vector<1x16xf32>,
        %get3A_1282 = vector.shape_cast %get3A_1281 : vector<1x16xf32> to vector<16xf32>
        %mul3A_1283 = arith.mulf %get3A_1282, %gather3A_788 : vector<16xf32>
        %swap3A_1284 = arith.constant 1 : i32
        %swap3A_1285 = arith.index_cast %swap3A_1284 : i32 to index
        %swap3A_1286 = arith.index_cast %mul3A_1266 : i32 to index
        %swap3A_1287 = tpu.vector_load %arg10[%swap3A_1285, %swap3A_1286] {strides = array<i32>} : memref<8x2048xf32, #tpu.memory_space<vmem>>, vector<1x16xf32>,
        %swap3A_1288 = vector.shape_cast %swap3A_1287 : vector<1x16xf32> to vector<16xf32>
        %swap3A_1289 = vector.shape_cast %mul3A_1283 : vector<16xf32> to vector<1x16xf32>
        tpu.vector_store %arg10[%swap3A_1285, %swap3A_1286], %swap3A_1289 {strides = array<i32>} : memref<8x2048xf32, #tpu.memory_space<vmem>>, vector<1x16xf32>,
        %get3A_1290 = arith.constant 2 : i32
        %get3A_1291 = arith.index_cast %get3A_1290 : i32 to index
        %get3A_1292 = arith.index_cast %mul3A_1266 : i32 to index
        %get3A_1293 = tpu.vector_load %arg8[%get3A_1291, %get3A_1292] {strides = array<i32>} : memref<8x2048xf32, #tpu.memory_space<vmem>>, vector<1x16xf32>,
        %get3A_1294 = vector.shape_cast %get3A_1293 : vector<1x16xf32> to vector<16xf32>
        %mul3A_1295 = arith.mulf %get3A_1294, %gather3A_792 : vector<16xf32>
        %swap3A_1296 = arith.constant 2 : i32
        %swap3A_1297 = arith.index_cast %swap3A_1296 : i32 to index
        %swap3A_1298 = arith.index_cast %mul3A_1266 : i32 to index
        %swap3A_1299 = tpu.vector_load %arg10[%swap3A_1297, %swap3A_1298] {strides = array<i32>} : memref<8x2048xf32, #tpu.memory_space<vmem>>, vector<1x16xf32>,
        %swap3A_1300 = vector.shape_cast %swap3A_1299 : vector<1x16xf32> to vector<16xf32>
        %swap3A_1301 = vector.shape_cast %mul3A_1295 : vector<16xf32> to vector<1x16xf32>
        tpu.vector_store %arg10[%swap3A_1297, %swap3A_1298], %swap3A_1301 {strides = array<i32>} : memref<8x2048xf32, #tpu.memory_space<vmem>>, vector<1x16xf32>,
        %get3A_1302 = arith.constant 3 : i32
        %get3A_1303 = arith.index_cast %get3A_1302 : i32 to index
        %get3A_1304 = arith.index_cast %mul3A_1266 : i32 to index
        %get3A_1305 = tpu.vector_load %arg8[%get3A_1303, %get3A_1304] {strides = array<i32>} : memref<8x2048xf32, #tpu.memory_space<vmem>>, vector<1x16xf32>,
        %get3A_1306 = vector.shape_cast %get3A_1305 : vector<1x16xf32> to vector<16xf32>
        %mul3A_1307 = arith.mulf %get3A_1306, %gather3A_796 : vector<16xf32>
        %swap3A_1308 = arith.constant 3 : i32
        %swap3A_1309 = arith.index_cast %swap3A_1308 : i32 to index
        %swap3A_1310 = arith.index_cast %mul3A_1266 : i32 to index
        %swap3A_1311 = tpu.vector_load %arg10[%swap3A_1309, %swap3A_1310] {strides = array<i32>} : memref<8x2048xf32, #tpu.memory_space<vmem>>, vector<1x16xf32>,
        %swap3A_1312 = vector.shape_cast %swap3A_1311 : vector<1x16xf32> to vector<16xf32>
        %swap3A_1313 = vector.shape_cast %mul3A_1307 : vector<16xf32> to vector<1x16xf32>
        tpu.vector_store %arg10[%swap3A_1309, %swap3A_1310], %swap3A_1313 {strides = array<i32>} : memref<8x2048xf32, #tpu.memory_space<vmem>>, vector<1x16xf32>,
        %get3A_1314 = arith.constant 4 : i32
        %get3A_1315 = arith.index_cast %get3A_1314 : i32 to index
        %get3A_1316 = arith.index_cast %mul3A_1266 : i32 to index
        %get3A_1317 = tpu.vector_load %arg8[%get3A_1315, %get3A_1316] {strides = array<i32>} : memref<8x2048xf32, #tpu.memory_space<vmem>>, vector<1x16xf32>,
        %get3A_1318 = vector.shape_cast %get3A_1317 : vector<1x16xf32> to vector<16xf32>
        %mul3A_1319 = arith.mulf %get3A_1318, %gather3A_800 : vector<16xf32>
        %swap3A_1320 = arith.constant 4 : i32
        %swap3A_1321 = arith.index_cast %swap3A_1320 : i32 to index
        %swap3A_1322 = arith.index_cast %mul3A_1266 : i32 to index
        %swap3A_1323 = tpu.vector_load %arg10[%swap3A_1321, %swap3A_1322] {strides = array<i32>} : memref<8x2048xf32, #tpu.memory_space<vmem>>, vector<1x16xf32>,
        %swap3A_1324 = vector.shape_cast %swap3A_1323 : vector<1x16xf32> to vector<16xf32>
        %swap3A_1325 = vector.shape_cast %mul3A_1319 : vector<16xf32> to vector<1x16xf32>
        tpu.vector_store %arg10[%swap3A_1321, %swap3A_1322], %swap3A_1325 {strides = array<i32>} : memref<8x2048xf32, #tpu.memory_space<vmem>>, vector<1x16xf32>,
        %get3A_1326 = arith.constant 5 : i32
        %get3A_1327 = arith.index_cast %get3A_1326 : i32 to index
        %get3A_1328 = arith.index_cast %mul3A_1266 : i32 to index
        %get3A_1329 = tpu.vector_load %arg8[%get3A_1327, %get3A_1328] {strides = array<i32>} : memref<8x2048xf32, #tpu.memory_space<vmem>>, vector<1x16xf32>,
        %get3A_1330 = vector.shape_cast %get3A_1329 : vector<1x16xf32> to vector<16xf32>
        %mul3A_1331 = arith.mulf %get3A_1330, %gather3A_804 : vector<16xf32>
        %swap3A_1332 = arith.constant 5 : i32
        %swap3A_1333 = arith.index_cast %swap3A_1332 : i32 to index
        %swap3A_1334 = arith.index_cast %mul3A_1266 : i32 to index
        %swap3A_1335 = tpu.vector_load %arg10[%swap3A_1333, %swap3A_1334] {strides = array<i32>} : memref<8x2048xf32, #tpu.memory_space<vmem>>, vector<1x16xf32>,
        %swap3A_1336 = vector.shape_cast %swap3A_1335 : vector<1x16xf32> to vector<16xf32>
        %swap3A_1337 = vector.shape_cast %mul3A_1331 : vector<16xf32> to vector<1x16xf32>
        tpu.vector_store %arg10[%swap3A_1333, %swap3A_1334], %swap3A_1337 {strides = array<i32>} : memref<8x2048xf32, #tpu.memory_space<vmem>>, vector<1x16xf32>,
        %get3A_1338 = arith.constant 6 : i32
        %get3A_1339 = arith.index_cast %get3A_1338 : i32 to index
        %get3A_1340 = arith.index_cast %mul3A_1266 : i32 to index
        %get3A_1341 = tpu.vector_load %arg8[%get3A_1339, %get3A_1340] {strides = array<i32>} : memref<8x2048xf32, #tpu.memory_space<vmem>>, vector<1x16xf32>,
        %get3A_1342 = vector.shape_cast %get3A_1341 : vector<1x16xf32> to vector<16xf32>
        %mul3A_1343 = arith.mulf %get3A_1342, %gather3A_808 : vector<16xf32>
        %swap3A_1344 = arith.constant 6 : i32
        %swap3A_1345 = arith.index_cast %swap3A_1344 : i32 to index
        %swap3A_1346 = arith.index_cast %mul3A_1266 : i32 to index
        %swap3A_1347 = tpu.vector_load %arg10[%swap3A_1345, %swap3A_1346] {strides = array<i32>} : memref<8x2048xf32, #tpu.memory_space<vmem>>, vector<1x16xf32>,
        %swap3A_1348 = vector.shape_cast %swap3A_1347 : vector<1x16xf32> to vector<16xf32>
        %swap3A_1349 = vector.shape_cast %mul3A_1343 : vector<16xf32> to vector<1x16xf32>
        tpu.vector_store %arg10[%swap3A_1345, %swap3A_1346], %swap3A_1349 {strides = array<i32>} : memref<8x2048xf32, #tpu.memory_space<vmem>>, vector<1x16xf32>,
        %get3A_1350 = arith.constant 7 : i32
        %get3A_1351 = arith.index_cast %get3A_1350 : i32 to index
        %get3A_1352 = arith.index_cast %mul3A_1266 : i32 to index
        %get3A_1353 = tpu.vector_load %arg8[%get3A_1351, %get3A_1352] {strides = array<i32>} : memref<8x2048xf32, #tpu.memory_space<vmem>>, vector<1x16xf32>,
        %get3A_1354 = vector.shape_cast %get3A_1353 : vector<1x16xf32> to vector<16xf32>
        %mul3A_1355 = arith.mulf %get3A_1354, %gather3A_812 : vector<16xf32>
        %swap3A_1356 = arith.constant 7 : i32
        %swap3A_1357 = arith.index_cast %swap3A_1356 : i32 to index
        %swap3A_1358 = arith.index_cast %mul3A_1266 : i32 to index
        %swap3A_1359 = tpu.vector_load %arg10[%swap3A_1357, %swap3A_1358] {strides = array<i32>} : memref<8x2048xf32, #tpu.memory_space<vmem>>, vector<1x16xf32>,
        %swap3A_1360 = vector.shape_cast %swap3A_1359 : vector<1x16xf32> to vector<16xf32>
        %swap3A_1361 = vector.shape_cast %mul3A_1355 : vector<16xf32> to vector<1x16xf32>
        tpu.vector_store %arg10[%swap3A_1357, %swap3A_1358], %swap3A_1361 {strides = array<i32>} : memref<8x2048xf32, #tpu.memory_space<vmem>>, vector<1x16xf32>,
      }
      %scan3A_818 = arith.constant 128 : i32
      %add3A_819 = arith.constant 3 : i32
      %add3A_820 = arith.addi %add3A_730, %add3A_819 : i32
      %mul3A_821 = arith.constant 8 : i32
      %mul3A_822 = arith.muli %add3A_820, %mul3A_821 : i32
      %dma_start3A_823 = tpu.memref_slice %arg5[%mul3A_822] : memref<256xi32, #tpu.memory_space<vmem>> -> memref<8xi32, #tpu.memory_space<vmem>>
      %dma_start3A_824 = arith.constant 0 : i32
      %dma_start3A_825 = arith.constant 0 : i32
      %dma_start3A_826 = tpu.memref_slice %arg3[%dma_start3A_824, %dma_start3A_825] : memref<100000x2048xf32, #tpu.memory_space<hbm>> -> memref<100000x2048xf32, #tpu.memory_space<hbm>>
      tpu.enqueue_indirect_dma source(%dma_start3A_826 : memref<100000x2048xf32, #tpu.memory_space<hbm>>) target(%arg8 : memref<8x2048xf32, #tpu.memory_space<vmem>>) offsets(%dma_start3A_823 : memref<8xi32, #tpu.memory_space<vmem>>) semaphore(%arg13 : memref<!tpu.dma_semaphore, #tpu.memory_space<semaphore_mem>>)
      %mul3A_827 = arith.constant 8 : i32
      %mul3A_828 = arith.muli %add3A_730, %mul3A_827 : i32
      %add3A_829 = arith.addi %select_n3A_32, %mul3A_828 : i32
      %dma_start3A_830 = arith.constant 0 : i32
      %dma_start3A_831 = tpu.memref_slice %arg4[%select_n3A, %add3A_829, %dma_start3A_830] : memref<4x2048x2048xf32, #tpu.memory_space<hbm>> -> memref<1x8x2048xf32, #tpu.memory_space<hbm>>
      %dma_start3A_832 = tpu.memref_squeeze %dma_start3A_831 : memref<1x8x2048xf32, #tpu.memory_space<hbm>> -> memref<8x2048xf32, #tpu.memory_space<hbm>>
      %dma_start3A_833 = arith.constant 0 : i32
      %dma_start3A_834 = tpu.memref_slice %arg4[%select_n3A, %add3A_829, %dma_start3A_833] : memref<4x2048x2048xf32, #tpu.memory_space<hbm>> -> memref<1x8x2048xf32, #tpu.memory_space<hbm>>
      %dma_start3A_835 = tpu.memref_squeeze %dma_start3A_834 : memref<1x8x2048xf32, #tpu.memory_space<hbm>> -> memref<8x2048xf32, #tpu.memory_space<hbm>>
      tpu.enqueue_dma source(%arg10 : memref<8x2048xf32, #tpu.memory_space<vmem>>) target(%dma_start3A_835 : memref<8x2048xf32, #tpu.memory_space<hbm>>) target_semaphore(%arg15 : memref<!tpu.dma_semaphore, #tpu.memory_space<semaphore_mem>>)
      %add3A_836 = arith.constant 2 : i32
      %add3A_837 = arith.addi %add3A_621, %add3A_836 : i32
      %sub3A_838 = arith.constant 0 : i32
      %sub3A_839 = arith.subi %add3A_837, %sub3A_838 : i32
      %jit3A_840 = arith.constant 2 : i32
      %div3A_841 = arith.divsi %sub3A_839, %jit3A_840 : i32
      %sign3A_842 = arith.constant 0 : i32
      %sign3A_843 = arith.cmpi sgt, %sub3A_839, %sign3A_842 : i32
      %sign3A_844 = arith.extui %sign3A_843 : i1 to i32
      %sign3A_845 = arith.constant 0 : i32
      %sign3A_846 = arith.cmpi slt, %sub3A_839, %sign3A_845 : i32
      %sign3A_847 = arith.extui %sign3A_846 : i1 to i32
      %sign3A_848 = arith.subi %sign3A_844, %sign3A_847 : i32
      %sign3A_849 = arith.constant 0 : i32
      %sign3A_850 = arith.cmpi sgt, %jit3A_840, %sign3A_849 : i32
      %sign3A_851 = arith.extui %sign3A_850 : i1 to i32
      %sign3A_852 = arith.constant 0 : i32
      %sign3A_853 = arith.cmpi slt, %jit3A_840, %sign3A_852 : i32
      %sign3A_854 = arith.extui %sign3A_853 : i1 to i32
      %sign3A_855 = arith.subi %sign3A_851, %sign3A_854 : i32
      %ne3A_856 = arith.cmpi ne, %sign3A_848, %sign3A_855 : i32
      %rem3A_857 = arith.remsi %sub3A_839, %jit3A_840 : i32
      %ne3A_858 = arith.constant 0 : i32
      %ne3A_859 = arith.cmpi ne, %rem3A_857, %ne3A_858 : i32
      %and3A_860 = arith.andi %ne3A_856, %ne3A_859 : i1
      %sub3A_861 = arith.constant 1 : i32
      %sub3A_862 = arith.subi %div3A_841, %sub3A_861 : i32
      %select_n3A_863 = arith.select %and3A_860, %sub3A_862, %div3A_841 : i32
      %dma_wait3A_864 = arith.constant 0 : i32
      %dma_wait3A_865 = tpu.memref_slice %arg5[%dma_wait3A_864] : memref<256xi32, #tpu.memory_space<vmem>> -> memref<8xi32, #tpu.memory_space<vmem>>
      %dma_wait3A_866 = arith.constant 0 : i32
      %dma_wait3A_867 = arith.constant 0 : i32
      %dma_wait3A_868 = tpu.memref_slice %arg3[%dma_wait3A_866, %dma_wait3A_867] : memref<100000x2048xf32, #tpu.memory_space<hbm>> -> memref<100000x2048xf32, #tpu.memory_space<hbm>>
      tpu.wait_indirect_dma semaphore(%arg11 : memref<!tpu.dma_semaphore, #tpu.memory_space<semaphore_mem>>) src(%dma_wait3A_868 : memref<100000x2048xf32, #tpu.memory_space<hbm>>) dst(%arg6 : memref<8x2048xf32, #tpu.memory_space<vmem>>)
      %dma_wait3A_869 = arith.constant 0 : i32
      %dma_wait3A_870 = tpu.memref_slice %arg4[%select_n3A, %select_n3A_32, %dma_wait3A_869] : memref<4x2048x2048xf32, #tpu.memory_space<hbm>> -> memref<1x8x2048xf32, #tpu.memory_space<hbm>>
      %dma_wait3A_871 = tpu.memref_squeeze %dma_wait3A_870 : memref<1x8x2048xf32, #tpu.memory_space<hbm>> -> memref<8x2048xf32, #tpu.memory_space<hbm>>
      %dma_wait3A_872 = arith.constant 0 : i32
      %dma_wait3A_873 = tpu.memref_slice %arg4[%select_n3A, %select_n3A_32, %dma_wait3A_872] : memref<4x2048x2048xf32, #tpu.memory_space<hbm>> -> memref<1x8x2048xf32, #tpu.memory_space<hbm>>
      %dma_wait3A_874 = tpu.memref_squeeze %dma_wait3A_873 : memref<1x8x2048xf32, #tpu.memory_space<hbm>> -> memref<8x2048xf32, #tpu.memory_space<hbm>>
      tpu.wait_dma2 semaphore(%arg14 : memref<!tpu.dma_semaphore, #tpu.memory_space<semaphore_mem>>) src(%arg9 : memref<8x2048xf32, #tpu.memory_space<vmem>>) dst(%dma_wait3A_874 : memref<8x2048xf32, #tpu.memory_space<hbm>>)
      %mul3A_875 = arith.constant 16 : i32
      %mul3A_876 = arith.muli %select_n3A_863, %mul3A_875 : i32
      %get3A_877 = arith.index_cast %mul3A_876 : i32 to index
      %get3A_878 = tpu.vector_load %arg5[%get3A_877] {strides = array<i32>} : memref<256xi32, #tpu.memory_space<vmem>>, vector<16xi32>,
      %get3A_879 = vector.shape_cast %get3A_878 : vector<16xi32> to vector<16xi32>
      %ne3A_880 = arith.constant 0 : i32
      %ne3A_881 = vector.broadcast %ne3A_880 : i32 to vector<16xi32>
      %ne3A_882 = arith.cmpi ne, %get3A_879, %ne3A_881 : vector<16xi32>
      %jit3A_883 = arith.constant 45.2548332 : f32
      %jit3A_884 = arith.constant 0.000000e+00 : f32
      %broadcast_in_dim3A_885 = vector.broadcast %jit3A_883 : f32 to vector<16xf32>
      %broadcast_in_dim3A_886 = vector.broadcast %jit3A_884 : f32 to vector<16xf32>
      %select_n3A_887 = arith.select %ne3A_882, %broadcast_in_dim3A_885, %broadcast_in_dim3A_886 : vector<16xi1>, vector<16xf32>
      %broadcast_in_dim3A_888 = arith.constant 0 : i32
      %broadcast_in_dim3A_889 = vector.broadcast %broadcast_in_dim3A_888 : i32 to vector<16x1xi32>
      %gather3A_890 = vector.shape_cast %broadcast_in_dim3A_889 : vector<16x1xi32> to vector<16xi32>
      %gather3A_891 = tpu.dynamic_gather %select_n3A_887[%gather3A_890] in [0] : vector<16xf32>, vector<16xi32> -> vector<16xf32>
      %broadcast_in_dim3A_892 = arith.constant 1 : i32
      %broadcast_in_dim3A_893 = vector.broadcast %broadcast_in_dim3A_892 : i32 to vector<16x1xi32>
      %gather3A_894 = vector.shape_cast %broadcast_in_dim3A_893 : vector<16x1xi32> to vector<16xi32>
      %gather3A_895 = tpu.dynamic_gather %select_n3A_887[%gather3A_894] in [0] : vector<16xf32>, vector<16xi32> -> vector<16xf32>
      %broadcast_in_dim3A_896 = arith.constant 2 : i32
      %broadcast_in_dim3A_897 = vector.broadcast %broadcast_in_dim3A_896 : i32 to vector<16x1xi32>
      %gather3A_898 = vector.shape_cast %broadcast_in_dim3A_897 : vector<16x1xi32> to vector<16xi32>
      %gather3A_899 = tpu.dynamic_gather %select_n3A_887[%gather3A_898] in [0] : vector<16xf32>, vector<16xi32> -> vector<16xf32>
      %broadcast_in_dim3A_900 = arith.constant 3 : i32
      %broadcast_in_dim3A_901 = vector.broadcast %broadcast_in_dim3A_900 : i32 to vector<16x1xi32>
      %gather3A_902 = vector.shape_cast %broadcast_in_dim3A_901 : vector<16x1xi32> to vector<16xi32>
      %gather3A_903 = tpu.dynamic_gather %select_n3A_887[%gather3A_902] in [0] : vector<16xf32>, vector<16xi32> -> vector<16xf32>
      %broadcast_in_dim3A_904 = arith.constant 4 : i32
      %broadcast_in_dim3A_905 = vector.broadcast %broadcast_in_dim3A_904 : i32 to vector<16x1xi32>
      %gather3A_906 = vector.shape_cast %broadcast_in_dim3A_905 : vector<16x1xi32> to vector<16xi32>
      %gather3A_907 = tpu.dynamic_gather %select_n3A_887[%gather3A_906] in [0] : vector<16xf32>, vector<16xi32> -> vector<16xf32>
      %broadcast_in_dim3A_908 = arith.constant 5 : i32
      %broadcast_in_dim3A_909 = vector.broadcast %broadcast_in_dim3A_908 : i32 to vector<16x1xi32>
      %gather3A_910 = vector.shape_cast %broadcast_in_dim3A_909 : vector<16x1xi32> to vector<16xi32>
      %gather3A_911 = tpu.dynamic_gather %select_n3A_887[%gather3A_910] in [0] : vector<16xf32>, vector<16xi32> -> vector<16xf32>
      %broadcast_in_dim3A_912 = arith.constant 6 : i32
      %broadcast_in_dim3A_913 = vector.broadcast %broadcast_in_dim3A_912 : i32 to vector<16x1xi32>
      %gather3A_914 = vector.shape_cast %broadcast_in_dim3A_913 : vector<16x1xi32> to vector<16xi32>
      %gather3A_915 = tpu.dynamic_gather %select_n3A_887[%gather3A_914] in [0] : vector<16xf32>, vector<16xi32> -> vector<16xf32>
      %broadcast_in_dim3A_916 = arith.constant 7 : i32
      %broadcast_in_dim3A_917 = vector.broadcast %broadcast_in_dim3A_916 : i32 to vector<16x1xi32>
      %gather3A_918 = vector.shape_cast %broadcast_in_dim3A_917 : vector<16x1xi32> to vector<16xi32>
      %gather3A_919 = tpu.dynamic_gather %select_n3A_887[%gather3A_918] in [0] : vector<16xf32>, vector<16xi32> -> vector<16xf32>
      %scan3A_920 = arith.constant 0 : i32
      %scan3A_921 = arith.constant 0 : i32
      %scan3A_922 = arith.constant 128 : i32
      %scan3A_923 = arith.addi %scan3A_921, %scan3A_922 : i32
      %scan3A_924 = arith.constant 1 : i32
      scf.for %scan3A_1264 = %scan3A_921 to %scan3A_923 step %scan3A_924  : i32 {
        %mul3A_1265 = arith.constant 16 : i32
        %mul3A_1266 = arith.muli %scan3A_1264, %mul3A_1265 : i32
        %get3A_1267 = arith.constant 0 : i32
        %get3A_1268 = arith.index_cast %get3A_1267 : i32 to index
        %get3A_1269 = arith.index_cast %mul3A_1266 : i32 to index
        %get3A_1270 = tpu.vector_load %arg6[%get3A_1268, %get3A_1269] {strides = array<i32>} : memref<8x2048xf32, #tpu.memory_space<vmem>>, vector<1x16xf32>,
        %get3A_1271 = vector.shape_cast %get3A_1270 : vector<1x16xf32> to vector<16xf32>
        %mul3A_1272 = arith.mulf %get3A_1271, %gather3A_891 : vector<16xf32>
        %swap3A = arith.constant 0 : i32
        %swap3A_1273 = arith.index_cast %swap3A : i32 to index
        %swap3A_1274 = arith.index_cast %mul3A_1266 : i32 to index
        %swap3A_1275 = tpu.vector_load %arg9[%swap3A_1273, %swap3A_1274] {strides = array<i32>} : memref<8x2048xf32, #tpu.memory_space<vmem>>, vector<1x16xf32>,
        %swap3A_1276 = vector.shape_cast %swap3A_1275 : vector<1x16xf32> to vector<16xf32>
        %swap3A_1277 = vector.shape_cast %mul3A_1272 : vector<16xf32> to vector<1x16xf32>
        tpu.vector_store %arg9[%swap3A_1273, %swap3A_1274], %swap3A_1277 {strides = array<i32>} : memref<8x2048xf32, #tpu.memory_space<vmem>>, vector<1x16xf32>,
        %get3A_1278 = arith.constant 1 : i32
        %get3A_1279 = arith.index_cast %get3A_1278 : i32 to index
        %get3A_1280 = arith.index_cast %mul3A_1266 : i32 to index
        %get3A_1281 = tpu.vector_load %arg6[%get3A_1279, %get3A_1280] {strides = array<i32>} : memref<8x2048xf32, #tpu.memory_space<vmem>>, vector<1x16xf32>,
        %get3A_1282 = vector.shape_cast %get3A_1281 : vector<1x16xf32> to vector<16xf32>
        %mul3A_1283 = arith.mulf %get3A_1282, %gather3A_895 : vector<16xf32>
        %swap3A_1284 = arith.constant 1 : i32
        %swap3A_1285 = arith.index_cast %swap3A_1284 : i32 to index
        %swap3A_1286 = arith.index_cast %mul3A_1266 : i32 to index
        %swap3A_1287 = tpu.vector_load %arg9[%swap3A_1285, %swap3A_1286] {strides = array<i32>} : memref<8x2048xf32, #tpu.memory_space<vmem>>, vector<1x16xf32>,
        %swap3A_1288 = vector.shape_cast %swap3A_1287 : vector<1x16xf32> to vector<16xf32>
        %swap3A_1289 = vector.shape_cast %mul3A_1283 : vector<16xf32> to vector<1x16xf32>
        tpu.vector_store %arg9[%swap3A_1285, %swap3A_1286], %swap3A_1289 {strides = array<i32>} : memref<8x2048xf32, #tpu.memory_space<vmem>>, vector<1x16xf32>,
        %get3A_1290 = arith.constant 2 : i32
        %get3A_1291 = arith.index_cast %get3A_1290 : i32 to index
        %get3A_1292 = arith.index_cast %mul3A_1266 : i32 to index
        %get3A_1293 = tpu.vector_load %arg6[%get3A_1291, %get3A_1292] {strides = array<i32>} : memref<8x2048xf32, #tpu.memory_space<vmem>>, vector<1x16xf32>,
        %get3A_1294 = vector.shape_cast %get3A_1293 : vector<1x16xf32> to vector<16xf32>
        %mul3A_1295 = arith.mulf %get3A_1294, %gather3A_899 : vector<16xf32>
        %swap3A_1296 = arith.constant 2 : i32
        %swap3A_1297 = arith.index_cast %swap3A_1296 : i32 to index
        %swap3A_1298 = arith.index_cast %mul3A_1266 : i32 to index
        %swap3A_1299 = tpu.vector_load %arg9[%swap3A_1297, %swap3A_1298] {strides = array<i32>} : memref<8x2048xf32, #tpu.memory_space<vmem>>, vector<1x16xf32>,
        %swap3A_1300 = vector.shape_cast %swap3A_1299 : vector<1x16xf32> to vector<16xf32>
        %swap3A_1301 = vector.shape_cast %mul3A_1295 : vector<16xf32> to vector<1x16xf32>
        tpu.vector_store %arg9[%swap3A_1297, %swap3A_1298], %swap3A_1301 {strides = array<i32>} : memref<8x2048xf32, #tpu.memory_space<vmem>>, vector<1x16xf32>,
        %get3A_1302 = arith.constant 3 : i32
        %get3A_1303 = arith.index_cast %get3A_1302 : i32 to index
        %get3A_1304 = arith.index_cast %mul3A_1266 : i32 to index
        %get3A_1305 = tpu.vector_load %arg6[%get3A_1303, %get3A_1304] {strides = array<i32>} : memref<8x2048xf32, #tpu.memory_space<vmem>>, vector<1x16xf32>,
        %get3A_1306 = vector.shape_cast %get3A_1305 : vector<1x16xf32> to vector<16xf32>
        %mul3A_1307 = arith.mulf %get3A_1306, %gather3A_903 : vector<16xf32>
        %swap3A_1308 = arith.constant 3 : i32
        %swap3A_1309 = arith.index_cast %swap3A_1308 : i32 to index
        %swap3A_1310 = arith.index_cast %mul3A_1266 : i32 to index
        %swap3A_1311 = tpu.vector_load %arg9[%swap3A_1309, %swap3A_1310] {strides = array<i32>} : memref<8x2048xf32, #tpu.memory_space<vmem>>, vector<1x16xf32>,
        %swap3A_1312 = vector.shape_cast %swap3A_1311 : vector<1x16xf32> to vector<16xf32>
        %swap3A_1313 = vector.shape_cast %mul3A_1307 : vector<16xf32> to vector<1x16xf32>
        tpu.vector_store %arg9[%swap3A_1309, %swap3A_1310], %swap3A_1313 {strides = array<i32>} : memref<8x2048xf32, #tpu.memory_space<vmem>>, vector<1x16xf32>,
        %get3A_1314 = arith.constant 4 : i32
        %get3A_1315 = arith.index_cast %get3A_1314 : i32 to index
        %get3A_1316 = arith.index_cast %mul3A_1266 : i32 to index
        %get3A_1317 = tpu.vector_load %arg6[%get3A_1315, %get3A_1316] {strides = array<i32>} : memref<8x2048xf32, #tpu.memory_space<vmem>>, vector<1x16xf32>,
        %get3A_1318 = vector.shape_cast %get3A_1317 : vector<1x16xf32> to vector<16xf32>
        %mul3A_1319 = arith.mulf %get3A_1318, %gather3A_907 : vector<16xf32>
        %swap3A_1320 = arith.constant 4 : i32
        %swap3A_1321 = arith.index_cast %swap3A_1320 : i32 to index
        %swap3A_1322 = arith.index_cast %mul3A_1266 : i32 to index
        %swap3A_1323 = tpu.vector_load %arg9[%swap3A_1321, %swap3A_1322] {strides = array<i32>} : memref<8x2048xf32, #tpu.memory_space<vmem>>, vector<1x16xf32>,
        %swap3A_1324 = vector.shape_cast %swap3A_1323 : vector<1x16xf32> to vector<16xf32>
        %swap3A_1325 = vector.shape_cast %mul3A_1319 : vector<16xf32> to vector<1x16xf32>
        tpu.vector_store %arg9[%swap3A_1321, %swap3A_1322], %swap3A_1325 {strides = array<i32>} : memref<8x2048xf32, #tpu.memory_space<vmem>>, vector<1x16xf32>,
        %get3A_1326 = arith.constant 5 : i32
        %get3A_1327 = arith.index_cast %get3A_1326 : i32 to index
        %get3A_1328 = arith.index_cast %mul3A_1266 : i32 to index
        %get3A_1329 = tpu.vector_load %arg6[%get3A_1327, %get3A_1328] {strides = array<i32>} : memref<8x2048xf32, #tpu.memory_space<vmem>>, vector<1x16xf32>,
        %get3A_1330 = vector.shape_cast %get3A_1329 : vector<1x16xf32> to vector<16xf32>
        %mul3A_1331 = arith.mulf %get3A_1330, %gather3A_911 : vector<16xf32>
        %swap3A_1332 = arith.constant 5 : i32
        %swap3A_1333 = arith.index_cast %swap3A_1332 : i32 to index
        %swap3A_1334 = arith.index_cast %mul3A_1266 : i32 to index
        %swap3A_1335 = tpu.vector_load %arg9[%swap3A_1333, %swap3A_1334] {strides = array<i32>} : memref<8x2048xf32, #tpu.memory_space<vmem>>, vector<1x16xf32>,
        %swap3A_1336 = vector.shape_cast %swap3A_1335 : vector<1x16xf32> to vector<16xf32>
        %swap3A_1337 = vector.shape_cast %mul3A_1331 : vector<16xf32> to vector<1x16xf32>
        tpu.vector_store %arg9[%swap3A_1333, %swap3A_1334], %swap3A_1337 {strides = array<i32>} : memref<8x2048xf32, #tpu.memory_space<vmem>>, vector<1x16xf32>,
        %get3A_1338 = arith.constant 6 : i32
        %get3A_1339 = arith.index_cast %get3A_1338 : i32 to index
        %get3A_1340 = arith.index_cast %mul3A_1266 : i32 to index
        %get3A_1341 = tpu.vector_load %arg6[%get3A_1339, %get3A_1340] {strides = array<i32>} : memref<8x2048xf32, #tpu.memory_space<vmem>>, vector<1x16xf32>,
        %get3A_1342 = vector.shape_cast %get3A_1341 : vector<1x16xf32> to vector<16xf32>
        %mul3A_1343 = arith.mulf %get3A_1342, %gather3A_915 : vector<16xf32>
        %swap3A_1344 = arith.constant 6 : i32
        %swap3A_1345 = arith.index_cast %swap3A_1344 : i32 to index
        %swap3A_1346 = arith.index_cast %mul3A_1266 : i32 to index
        %swap3A_1347 = tpu.vector_load %arg9[%swap3A_1345, %swap3A_1346] {strides = array<i32>} : memref<8x2048xf32, #tpu.memory_space<vmem>>, vector<1x16xf32>,
        %swap3A_1348 = vector.shape_cast %swap3A_1347 : vector<1x16xf32> to vector<16xf32>
        %swap3A_1349 = vector.shape_cast %mul3A_1343 : vector<16xf32> to vector<1x16xf32>
        tpu.vector_store %arg9[%swap3A_1345, %swap3A_1346], %swap3A_1349 {strides = array<i32>} : memref<8x2048xf32, #tpu.memory_space<vmem>>, vector<1x16xf32>,
        %get3A_1350 = arith.constant 7 : i32
        %get3A_1351 = arith.index_cast %get3A_1350 : i32 to index
        %get3A_1352 = arith.index_cast %mul3A_1266 : i32 to index
        %get3A_1353 = tpu.vector_load %arg6[%get3A_1351, %get3A_1352] {strides = array<i32>} : memref<8x2048xf32, #tpu.memory_space<vmem>>, vector<1x16xf32>,
        %get3A_1354 = vector.shape_cast %get3A_1353 : vector<1x16xf32> to vector<16xf32>
        %mul3A_1355 = arith.mulf %get3A_1354, %gather3A_919 : vector<16xf32>
        %swap3A_1356 = arith.constant 7 : i32
        %swap3A_1357 = arith.index_cast %swap3A_1356 : i32 to index
        %swap3A_1358 = arith.index_cast %mul3A_1266 : i32 to index
        %swap3A_1359 = tpu.vector_load %arg9[%swap3A_1357, %swap3A_1358] {strides = array<i32>} : memref<8x2048xf32, #tpu.memory_space<vmem>>, vector<1x16xf32>,
        %swap3A_1360 = vector.shape_cast %swap3A_1359 : vector<1x16xf32> to vector<16xf32>
        %swap3A_1361 = vector.shape_cast %mul3A_1355 : vector<16xf32> to vector<1x16xf32>
        tpu.vector_store %arg9[%swap3A_1357, %swap3A_1358], %swap3A_1361 {strides = array<i32>} : memref<8x2048xf32, #tpu.memory_space<vmem>>, vector<1x16xf32>,
      }
      %scan3A_925 = arith.constant 128 : i32
      %add3A_926 = arith.constant 3 : i32
      %add3A_927 = arith.addi %add3A_837, %add3A_926 : i32
      %mul3A_928 = arith.constant 8 : i32
      %mul3A_929 = arith.muli %add3A_927, %mul3A_928 : i32
      %dma_start3A_930 = tpu.memref_slice %arg5[%mul3A_929] : memref<256xi32, #tpu.memory_space<vmem>> -> memref<8xi32, #tpu.memory_space<vmem>>
      %dma_start3A_931 = arith.constant 0 : i32
      %dma_start3A_932 = arith.constant 0 : i32
      %dma_start3A_933 = tpu.memref_slice %arg3[%dma_start3A_931, %dma_start3A_932] : memref<100000x2048xf32, #tpu.memory_space<hbm>> -> memref<100000x2048xf32, #tpu.memory_space<hbm>>
      tpu.enqueue_indirect_dma source(%dma_start3A_933 : memref<100000x2048xf32, #tpu.memory_space<hbm>>) target(%arg6 : memref<8x2048xf32, #tpu.memory_space<vmem>>) offsets(%dma_start3A_930 : memref<8xi32, #tpu.memory_space<vmem>>) semaphore(%arg11 : memref<!tpu.dma_semaphore, #tpu.memory_space<semaphore_mem>>)
      %mul3A_934 = arith.constant 8 : i32
      %mul3A_935 = arith.muli %add3A_837, %mul3A_934 : i32
      %add3A_936 = arith.addi %select_n3A_32, %mul3A_935 : i32
      %dma_start3A_937 = arith.constant 0 : i32
      %dma_start3A_938 = tpu.memref_slice %arg4[%select_n3A, %add3A_936, %dma_start3A_937] : memref<4x2048x2048xf32, #tpu.memory_space<hbm>> -> memref<1x8x2048xf32, #tpu.memory_space<hbm>>
      %dma_start3A_939 = tpu.memref_squeeze %dma_start3A_938 : memref<1x8x2048xf32, #tpu.memory_space<hbm>> -> memref<8x2048xf32, #tpu.memory_space<hbm>>
      %dma_start3A_940 = arith.constant 0 : i32
      %dma_start3A_941 = tpu.memref_slice %arg4[%select_n3A, %add3A_936, %dma_start3A_940] : memref<4x2048x2048xf32, #tpu.memory_space<hbm>> -> memref<1x8x2048xf32, #tpu.memory_space<hbm>>
      %dma_start3A_942 = tpu.memref_squeeze %dma_start3A_941 : memref<1x8x2048xf32, #tpu.memory_space<hbm>> -> memref<8x2048xf32, #tpu.memory_space<hbm>>
      tpu.enqueue_dma source(%arg9 : memref<8x2048xf32, #tpu.memory_space<vmem>>) target(%dma_start3A_942 : memref<8x2048xf32, #tpu.memory_space<hbm>>) target_semaphore(%arg14 : memref<!tpu.dma_semaphore, #tpu.memory_space<semaphore_mem>>)
      %add3A_943 = arith.constant 3 : i32
      %add3A_944 = arith.addi %add3A_621, %add3A_943 : i32
      %sub3A_945 = arith.constant 1 : i32
      %sub3A_946 = arith.subi %add3A_944, %sub3A_945 : i32
      %jit3A_947 = arith.constant 2 : i32
      %div3A_948 = arith.divsi %sub3A_946, %jit3A_947 : i32
      %sign3A_949 = arith.constant 0 : i32
      %sign3A_950 = arith.cmpi sgt, %sub3A_946, %sign3A_949 : i32
      %sign3A_951 = arith.extui %sign3A_950 : i1 to i32
      %sign3A_952 = arith.constant 0 : i32
      %sign3A_953 = arith.cmpi slt, %sub3A_946, %sign3A_952 : i32
      %sign3A_954 = arith.extui %sign3A_953 : i1 to i32
      %sign3A_955 = arith.subi %sign3A_951, %sign3A_954 : i32
      %sign3A_956 = arith.constant 0 : i32
      %sign3A_957 = arith.cmpi sgt, %jit3A_947, %sign3A_956 : i32
      %sign3A_958 = arith.extui %sign3A_957 : i1 to i32
      %sign3A_959 = arith.constant 0 : i32
      %sign3A_960 = arith.cmpi slt, %jit3A_947, %sign3A_959 : i32
      %sign3A_961 = arith.extui %sign3A_960 : i1 to i32
      %sign3A_962 = arith.subi %sign3A_958, %sign3A_961 : i32
      %ne3A_963 = arith.cmpi ne, %sign3A_955, %sign3A_962 : i32
      %rem3A_964 = arith.remsi %sub3A_946, %jit3A_947 : i32
      %ne3A_965 = arith.constant 0 : i32
      %ne3A_966 = arith.cmpi ne, %rem3A_964, %ne3A_965 : i32
      %and3A_967 = arith.andi %ne3A_963, %ne3A_966 : i1
      %sub3A_968 = arith.constant 1 : i32
      %sub3A_969 = arith.subi %div3A_948, %sub3A_968 : i32
      %select_n3A_970 = arith.select %and3A_967, %sub3A_969, %div3A_948 : i32
      %dma_wait3A_971 = arith.constant 0 : i32
      %dma_wait3A_972 = tpu.memref_slice %arg5[%dma_wait3A_971] : memref<256xi32, #tpu.memory_space<vmem>> -> memref<8xi32, #tpu.memory_space<vmem>>
      %dma_wait3A_973 = arith.constant 0 : i32
      %dma_wait3A_974 = arith.constant 0 : i32
      %dma_wait3A_975 = tpu.memref_slice %arg3[%dma_wait3A_973, %dma_wait3A_974] : memref<100000x2048xf32, #tpu.memory_space<hbm>> -> memref<100000x2048xf32, #tpu.memory_space<hbm>>
      tpu.wait_indirect_dma semaphore(%arg12 : memref<!tpu.dma_semaphore, #tpu.memory_space<semaphore_mem>>) src(%dma_wait3A_975 : memref<100000x2048xf32, #tpu.memory_space<hbm>>) dst(%arg7 : memref<8x2048xf32, #tpu.memory_space<vmem>>)
      %dma_wait3A_976 = arith.constant 0 : i32
      %dma_wait3A_977 = tpu.memref_slice %arg4[%select_n3A, %select_n3A_32, %dma_wait3A_976] : memref<4x2048x2048xf32, #tpu.memory_space<hbm>> -> memref<1x8x2048xf32, #tpu.memory_space<hbm>>
      %dma_wait3A_978 = tpu.memref_squeeze %dma_wait3A_977 : memref<1x8x2048xf32, #tpu.memory_space<hbm>> -> memref<8x2048xf32, #tpu.memory_space<hbm>>
      %dma_wait3A_979 = arith.constant 0 : i32
      %dma_wait3A_980 = tpu.memref_slice %arg4[%select_n3A, %select_n3A_32, %dma_wait3A_979] : memref<4x2048x2048xf32, #tpu.memory_space<hbm>> -> memref<1x8x2048xf32, #tpu.memory_space<hbm>>
      %dma_wait3A_981 = tpu.memref_squeeze %dma_wait3A_980 : memref<1x8x2048xf32, #tpu.memory_space<hbm>> -> memref<8x2048xf32, #tpu.memory_space<hbm>>
      tpu.wait_dma2 semaphore(%arg15 : memref<!tpu.dma_semaphore, #tpu.memory_space<semaphore_mem>>) src(%arg10 : memref<8x2048xf32, #tpu.memory_space<vmem>>) dst(%dma_wait3A_981 : memref<8x2048xf32, #tpu.memory_space<hbm>>)
      %mul3A_982 = arith.constant 16 : i32
      %mul3A_983 = arith.muli %select_n3A_970, %mul3A_982 : i32
      %get3A_984 = arith.index_cast %mul3A_983 : i32 to index
      %get3A_985 = tpu.vector_load %arg5[%get3A_984] {strides = array<i32>} : memref<256xi32, #tpu.memory_space<vmem>>, vector<16xi32>,
      %get3A_986 = vector.shape_cast %get3A_985 : vector<16xi32> to vector<16xi32>
      %ne3A_987 = arith.constant 0 : i32
      %ne3A_988 = vector.broadcast %ne3A_987 : i32 to vector<16xi32>
      %ne3A_989 = arith.cmpi ne, %get3A_986, %ne3A_988 : vector<16xi32>
      %jit3A_990 = arith.constant 45.2548332 : f32
      %jit3A_991 = arith.constant 0.000000e+00 : f32
      %broadcast_in_dim3A_992 = vector.broadcast %jit3A_990 : f32 to vector<16xf32>
      %broadcast_in_dim3A_993 = vector.broadcast %jit3A_991 : f32 to vector<16xf32>
      %select_n3A_994 = arith.select %ne3A_989, %broadcast_in_dim3A_992, %broadcast_in_dim3A_993 : vector<16xi1>, vector<16xf32>
      %broadcast_in_dim3A_995 = arith.constant 8 : i32
      %broadcast_in_dim3A_996 = vector.broadcast %broadcast_in_dim3A_995 : i32 to vector<16x1xi32>
      %gather3A_997 = vector.shape_cast %broadcast_in_dim3A_996 : vector<16x1xi32> to vector<16xi32>
      %gather3A_998 = tpu.dynamic_gather %select_n3A_994[%gather3A_997] in [0] : vector<16xf32>, vector<16xi32> -> vector<16xf32>
      %broadcast_in_dim3A_999 = arith.constant 9 : i32
      %broadcast_in_dim3A_1000 = vector.broadcast %broadcast_in_dim3A_999 : i32 to vector<16x1xi32>
      %gather3A_1001 = vector.shape_cast %broadcast_in_dim3A_1000 : vector<16x1xi32> to vector<16xi32>
      %gather3A_1002 = tpu.dynamic_gather %select_n3A_994[%gather3A_1001] in [0] : vector<16xf32>, vector<16xi32> -> vector<16xf32>
      %broadcast_in_dim3A_1003 = arith.constant 10 : i32
      %broadcast_in_dim3A_1004 = vector.broadcast %broadcast_in_dim3A_1003 : i32 to vector<16x1xi32>
      %gather3A_1005 = vector.shape_cast %broadcast_in_dim3A_1004 : vector<16x1xi32> to vector<16xi32>
      %gather3A_1006 = tpu.dynamic_gather %select_n3A_994[%gather3A_1005] in [0] : vector<16xf32>, vector<16xi32> -> vector<16xf32>
      %broadcast_in_dim3A_1007 = arith.constant 11 : i32
      %broadcast_in_dim3A_1008 = vector.broadcast %broadcast_in_dim3A_1007 : i32 to vector<16x1xi32>
      %gather3A_1009 = vector.shape_cast %broadcast_in_dim3A_1008 : vector<16x1xi32> to vector<16xi32>
      %gather3A_1010 = tpu.dynamic_gather %select_n3A_994[%gather3A_1009] in [0] : vector<16xf32>, vector<16xi32> -> vector<16xf32>
      %broadcast_in_dim3A_1011 = arith.constant 12 : i32
      %broadcast_in_dim3A_1012 = vector.broadcast %broadcast_in_dim3A_1011 : i32 to vector<16x1xi32>
      %gather3A_1013 = vector.shape_cast %broadcast_in_dim3A_1012 : vector<16x1xi32> to vector<16xi32>
      %gather3A_1014 = tpu.dynamic_gather %select_n3A_994[%gather3A_1013] in [0] : vector<16xf32>, vector<16xi32> -> vector<16xf32>
      %broadcast_in_dim3A_1015 = arith.constant 13 : i32
      %broadcast_in_dim3A_1016 = vector.broadcast %broadcast_in_dim3A_1015 : i32 to vector<16x1xi32>
      %gather3A_1017 = vector.shape_cast %broadcast_in_dim3A_1016 : vector<16x1xi32> to vector<16xi32>
      %gather3A_1018 = tpu.dynamic_gather %select_n3A_994[%gather3A_1017] in [0] : vector<16xf32>, vector<16xi32> -> vector<16xf32>
      %broadcast_in_dim3A_1019 = arith.constant 14 : i32
      %broadcast_in_dim3A_1020 = vector.broadcast %broadcast_in_dim3A_1019 : i32 to vector<16x1xi32>
      %gather3A_1021 = vector.shape_cast %broadcast_in_dim3A_1020 : vector<16x1xi32> to vector<16xi32>
      %gather3A_1022 = tpu.dynamic_gather %select_n3A_994[%gather3A_1021] in [0] : vector<16xf32>, vector<16xi32> -> vector<16xf32>
      %broadcast_in_dim3A_1023 = arith.constant 15 : i32
      %broadcast_in_dim3A_1024 = vector.broadcast %broadcast_in_dim3A_1023 : i32 to vector<16x1xi32>
      %gather3A_1025 = vector.shape_cast %broadcast_in_dim3A_1024 : vector<16x1xi32> to vector<16xi32>
      %gather3A_1026 = tpu.dynamic_gather %select_n3A_994[%gather3A_1025] in [0] : vector<16xf32>, vector<16xi32> -> vector<16xf32>
      %scan3A_1027 = arith.constant 0 : i32
      %scan3A_1028 = arith.constant 0 : i32
      %scan3A_1029 = arith.constant 128 : i32
      %scan3A_1030 = arith.addi %scan3A_1028, %scan3A_1029 : i32
      %scan3A_1031 = arith.constant 1 : i32
      scf.for %scan3A_1264 = %scan3A_1028 to %scan3A_1030 step %scan3A_1031  : i32 {
        %mul3A_1265 = arith.constant 16 : i32
        %mul3A_1266 = arith.muli %scan3A_1264, %mul3A_1265 : i32
        %get3A_1267 = arith.constant 0 : i32
        %get3A_1268 = arith.index_cast %get3A_1267 : i32 to index
        %get3A_1269 = arith.index_cast %mul3A_1266 : i32 to index
        %get3A_1270 = tpu.vector_load %arg7[%get3A_1268, %get3A_1269] {strides = array<i32>} : memref<8x2048xf32, #tpu.memory_space<vmem>>, vector<1x16xf32>,
        %get3A_1271 = vector.shape_cast %get3A_1270 : vector<1x16xf32> to vector<16xf32>
        %mul3A_1272 = arith.mulf %get3A_1271, %gather3A_998 : vector<16xf32>
        %swap3A = arith.constant 0 : i32
        %swap3A_1273 = arith.index_cast %swap3A : i32 to index
        %swap3A_1274 = arith.index_cast %mul3A_1266 : i32 to index
        %swap3A_1275 = tpu.vector_load %arg10[%swap3A_1273, %swap3A_1274] {strides = array<i32>} : memref<8x2048xf32, #tpu.memory_space<vmem>>, vector<1x16xf32>,
        %swap3A_1276 = vector.shape_cast %swap3A_1275 : vector<1x16xf32> to vector<16xf32>
        %swap3A_1277 = vector.shape_cast %mul3A_1272 : vector<16xf32> to vector<1x16xf32>
        tpu.vector_store %arg10[%swap3A_1273, %swap3A_1274], %swap3A_1277 {strides = array<i32>} : memref<8x2048xf32, #tpu.memory_space<vmem>>, vector<1x16xf32>,
        %get3A_1278 = arith.constant 1 : i32
        %get3A_1279 = arith.index_cast %get3A_1278 : i32 to index
        %get3A_1280 = arith.index_cast %mul3A_1266 : i32 to index
        %get3A_1281 = tpu.vector_load %arg7[%get3A_1279, %get3A_1280] {strides = array<i32>} : memref<8x2048xf32, #tpu.memory_space<vmem>>, vector<1x16xf32>,
        %get3A_1282 = vector.shape_cast %get3A_1281 : vector<1x16xf32> to vector<16xf32>
        %mul3A_1283 = arith.mulf %get3A_1282, %gather3A_1002 : vector<16xf32>
        %swap3A_1284 = arith.constant 1 : i32
        %swap3A_1285 = arith.index_cast %swap3A_1284 : i32 to index
        %swap3A_1286 = arith.index_cast %mul3A_1266 : i32 to index
        %swap3A_1287 = tpu.vector_load %arg10[%swap3A_1285, %swap3A_1286] {strides = array<i32>} : memref<8x2048xf32, #tpu.memory_space<vmem>>, vector<1x16xf32>,
        %swap3A_1288 = vector.shape_cast %swap3A_1287 : vector<1x16xf32> to vector<16xf32>
        %swap3A_1289 = vector.shape_cast %mul3A_1283 : vector<16xf32> to vector<1x16xf32>
        tpu.vector_store %arg10[%swap3A_1285, %swap3A_1286], %swap3A_1289 {strides = array<i32>} : memref<8x2048xf32, #tpu.memory_space<vmem>>, vector<1x16xf32>,
        %get3A_1290 = arith.constant 2 : i32
        %get3A_1291 = arith.index_cast %get3A_1290 : i32 to index
        %get3A_1292 = arith.index_cast %mul3A_1266 : i32 to index
        %get3A_1293 = tpu.vector_load %arg7[%get3A_1291, %get3A_1292] {strides = array<i32>} : memref<8x2048xf32, #tpu.memory_space<vmem>>, vector<1x16xf32>,
        %get3A_1294 = vector.shape_cast %get3A_1293 : vector<1x16xf32> to vector<16xf32>
        %mul3A_1295 = arith.mulf %get3A_1294, %gather3A_1006 : vector<16xf32>
        %swap3A_1296 = arith.constant 2 : i32
        %swap3A_1297 = arith.index_cast %swap3A_1296 : i32 to index
        %swap3A_1298 = arith.index_cast %mul3A_1266 : i32 to index
        %swap3A_1299 = tpu.vector_load %arg10[%swap3A_1297, %swap3A_1298] {strides = array<i32>} : memref<8x2048xf32, #tpu.memory_space<vmem>>, vector<1x16xf32>,
        %swap3A_1300 = vector.shape_cast %swap3A_1299 : vector<1x16xf32> to vector<16xf32>
        %swap3A_1301 = vector.shape_cast %mul3A_1295 : vector<16xf32> to vector<1x16xf32>
        tpu.vector_store %arg10[%swap3A_1297, %swap3A_1298], %swap3A_1301 {strides = array<i32>} : memref<8x2048xf32, #tpu.memory_space<vmem>>, vector<1x16xf32>,
        %get3A_1302 = arith.constant 3 : i32
        %get3A_1303 = arith.index_cast %get3A_1302 : i32 to index
        %get3A_1304 = arith.index_cast %mul3A_1266 : i32 to index
        %get3A_1305 = tpu.vector_load %arg7[%get3A_1303, %get3A_1304] {strides = array<i32>} : memref<8x2048xf32, #tpu.memory_space<vmem>>, vector<1x16xf32>,
        %get3A_1306 = vector.shape_cast %get3A_1305 : vector<1x16xf32> to vector<16xf32>
        %mul3A_1307 = arith.mulf %get3A_1306, %gather3A_1010 : vector<16xf32>
        %swap3A_1308 = arith.constant 3 : i32
        %swap3A_1309 = arith.index_cast %swap3A_1308 : i32 to index
        %swap3A_1310 = arith.index_cast %mul3A_1266 : i32 to index
        %swap3A_1311 = tpu.vector_load %arg10[%swap3A_1309, %swap3A_1310] {strides = array<i32>} : memref<8x2048xf32, #tpu.memory_space<vmem>>, vector<1x16xf32>,
        %swap3A_1312 = vector.shape_cast %swap3A_1311 : vector<1x16xf32> to vector<16xf32>
        %swap3A_1313 = vector.shape_cast %mul3A_1307 : vector<16xf32> to vector<1x16xf32>
        tpu.vector_store %arg10[%swap3A_1309, %swap3A_1310], %swap3A_1313 {strides = array<i32>} : memref<8x2048xf32, #tpu.memory_space<vmem>>, vector<1x16xf32>,
        %get3A_1314 = arith.constant 4 : i32
        %get3A_1315 = arith.index_cast %get3A_1314 : i32 to index
        %get3A_1316 = arith.index_cast %mul3A_1266 : i32 to index
        %get3A_1317 = tpu.vector_load %arg7[%get3A_1315, %get3A_1316] {strides = array<i32>} : memref<8x2048xf32, #tpu.memory_space<vmem>>, vector<1x16xf32>,
        %get3A_1318 = vector.shape_cast %get3A_1317 : vector<1x16xf32> to vector<16xf32>
        %mul3A_1319 = arith.mulf %get3A_1318, %gather3A_1014 : vector<16xf32>
        %swap3A_1320 = arith.constant 4 : i32
        %swap3A_1321 = arith.index_cast %swap3A_1320 : i32 to index
        %swap3A_1322 = arith.index_cast %mul3A_1266 : i32 to index
        %swap3A_1323 = tpu.vector_load %arg10[%swap3A_1321, %swap3A_1322] {strides = array<i32>} : memref<8x2048xf32, #tpu.memory_space<vmem>>, vector<1x16xf32>,
        %swap3A_1324 = vector.shape_cast %swap3A_1323 : vector<1x16xf32> to vector<16xf32>
        %swap3A_1325 = vector.shape_cast %mul3A_1319 : vector<16xf32> to vector<1x16xf32>
        tpu.vector_store %arg10[%swap3A_1321, %swap3A_1322], %swap3A_1325 {strides = array<i32>} : memref<8x2048xf32, #tpu.memory_space<vmem>>, vector<1x16xf32>,
        %get3A_1326 = arith.constant 5 : i32
        %get3A_1327 = arith.index_cast %get3A_1326 : i32 to index
        %get3A_1328 = arith.index_cast %mul3A_1266 : i32 to index
        %get3A_1329 = tpu.vector_load %arg7[%get3A_1327, %get3A_1328] {strides = array<i32>} : memref<8x2048xf32, #tpu.memory_space<vmem>>, vector<1x16xf32>,
        %get3A_1330 = vector.shape_cast %get3A_1329 : vector<1x16xf32> to vector<16xf32>
        %mul3A_1331 = arith.mulf %get3A_1330, %gather3A_1018 : vector<16xf32>
        %swap3A_1332 = arith.constant 5 : i32
        %swap3A_1333 = arith.index_cast %swap3A_1332 : i32 to index
        %swap3A_1334 = arith.index_cast %mul3A_1266 : i32 to index
        %swap3A_1335 = tpu.vector_load %arg10[%swap3A_1333, %swap3A_1334] {strides = array<i32>} : memref<8x2048xf32, #tpu.memory_space<vmem>>, vector<1x16xf32>,
        %swap3A_1336 = vector.shape_cast %swap3A_1335 : vector<1x16xf32> to vector<16xf32>
        %swap3A_1337 = vector.shape_cast %mul3A_1331 : vector<16xf32> to vector<1x16xf32>
        tpu.vector_store %arg10[%swap3A_1333, %swap3A_1334], %swap3A_1337 {strides = array<i32>} : memref<8x2048xf32, #tpu.memory_space<vmem>>, vector<1x16xf32>,
        %get3A_1338 = arith.constant 6 : i32
        %get3A_1339 = arith.index_cast %get3A_1338 : i32 to index
        %get3A_1340 = arith.index_cast %mul3A_1266 : i32 to index
        %get3A_1341 = tpu.vector_load %arg7[%get3A_1339, %get3A_1340] {strides = array<i32>} : memref<8x2048xf32, #tpu.memory_space<vmem>>, vector<1x16xf32>,
        %get3A_1342 = vector.shape_cast %get3A_1341 : vector<1x16xf32> to vector<16xf32>
        %mul3A_1343 = arith.mulf %get3A_1342, %gather3A_1022 : vector<16xf32>
        %swap3A_1344 = arith.constant 6 : i32
        %swap3A_1345 = arith.index_cast %swap3A_1344 : i32 to index
        %swap3A_1346 = arith.index_cast %mul3A_1266 : i32 to index
        %swap3A_1347 = tpu.vector_load %arg10[%swap3A_1345, %swap3A_1346] {strides = array<i32>} : memref<8x2048xf32, #tpu.memory_space<vmem>>, vector<1x16xf32>,
        %swap3A_1348 = vector.shape_cast %swap3A_1347 : vector<1x16xf32> to vector<16xf32>
        %swap3A_1349 = vector.shape_cast %mul3A_1343 : vector<16xf32> to vector<1x16xf32>
        tpu.vector_store %arg10[%swap3A_1345, %swap3A_1346], %swap3A_1349 {strides = array<i32>} : memref<8x2048xf32, #tpu.memory_space<vmem>>, vector<1x16xf32>,
        %get3A_1350 = arith.constant 7 : i32
        %get3A_1351 = arith.index_cast %get3A_1350 : i32 to index
        %get3A_1352 = arith.index_cast %mul3A_1266 : i32 to index
        %get3A_1353 = tpu.vector_load %arg7[%get3A_1351, %get3A_1352] {strides = array<i32>} : memref<8x2048xf32, #tpu.memory_space<vmem>>, vector<1x16xf32>,
        %get3A_1354 = vector.shape_cast %get3A_1353 : vector<1x16xf32> to vector<16xf32>
        %mul3A_1355 = arith.mulf %get3A_1354, %gather3A_1026 : vector<16xf32>
        %swap3A_1356 = arith.constant 7 : i32
        %swap3A_1357 = arith.index_cast %swap3A_1356 : i32 to index
        %swap3A_1358 = arith.index_cast %mul3A_1266 : i32 to index
        %swap3A_1359 = tpu.vector_load %arg10[%swap3A_1357, %swap3A_1358] {strides = array<i32>} : memref<8x2048xf32, #tpu.memory_space<vmem>>, vector<1x16xf32>,
        %swap3A_1360 = vector.shape_cast %swap3A_1359 : vector<1x16xf32> to vector<16xf32>
        %swap3A_1361 = vector.shape_cast %mul3A_1355 : vector<16xf32> to vector<1x16xf32>
        tpu.vector_store %arg10[%swap3A_1357, %swap3A_1358], %swap3A_1361 {strides = array<i32>} : memref<8x2048xf32, #tpu.memory_space<vmem>>, vector<1x16xf32>,
      }
      %scan3A_1032 = arith.constant 128 : i32
      %add3A_1033 = arith.constant 3 : i32
      %add3A_1034 = arith.addi %add3A_944, %add3A_1033 : i32
      %mul3A_1035 = arith.constant 8 : i32
      %mul3A_1036 = arith.muli %add3A_1034, %mul3A_1035 : i32
      %dma_start3A_1037 = tpu.memref_slice %arg5[%mul3A_1036] : memref<256xi32, #tpu.memory_space<vmem>> -> memref<8xi32, #tpu.memory_space<vmem>>
      %dma_start3A_1038 = arith.constant 0 : i32
      %dma_start3A_1039 = arith.constant 0 : i32
      %dma_start3A_1040 = tpu.memref_slice %arg3[%dma_start3A_1038, %dma_start3A_1039] : memref<100000x2048xf32, #tpu.memory_space<hbm>> -> memref<100000x2048xf32, #tpu.memory_space<hbm>>
      tpu.enqueue_indirect_dma source(%dma_start3A_1040 : memref<100000x2048xf32, #tpu.memory_space<hbm>>) target(%arg7 : memref<8x2048xf32, #tpu.memory_space<vmem>>) offsets(%dma_start3A_1037 : memref<8xi32, #tpu.memory_space<vmem>>) semaphore(%arg12 : memref<!tpu.dma_semaphore, #tpu.memory_space<semaphore_mem>>)
      %mul3A_1041 = arith.constant 8 : i32
      %mul3A_1042 = arith.muli %add3A_944, %mul3A_1041 : i32
      %add3A_1043 = arith.addi %select_n3A_32, %mul3A_1042 : i32
      %dma_start3A_1044 = arith.constant 0 : i32
      %dma_start3A_1045 = tpu.memref_slice %arg4[%select_n3A, %add3A_1043, %dma_start3A_1044] : memref<4x2048x2048xf32, #tpu.memory_space<hbm>> -> memref<1x8x2048xf32, #tpu.memory_space<hbm>>
      %dma_start3A_1046 = tpu.memref_squeeze %dma_start3A_1045 : memref<1x8x2048xf32, #tpu.memory_space<hbm>> -> memref<8x2048xf32, #tpu.memory_space<hbm>>
      %dma_start3A_1047 = arith.constant 0 : i32
      %dma_start3A_1048 = tpu.memref_slice %arg4[%select_n3A, %add3A_1043, %dma_start3A_1047] : memref<4x2048x2048xf32, #tpu.memory_space<hbm>> -> memref<1x8x2048xf32, #tpu.memory_space<hbm>>
      %dma_start3A_1049 = tpu.memref_squeeze %dma_start3A_1048 : memref<1x8x2048xf32, #tpu.memory_space<hbm>> -> memref<8x2048xf32, #tpu.memory_space<hbm>>
      tpu.enqueue_dma source(%arg10 : memref<8x2048xf32, #tpu.memory_space<vmem>>) target(%dma_start3A_1049 : memref<8x2048xf32, #tpu.memory_space<hbm>>) target_semaphore(%arg15 : memref<!tpu.dma_semaphore, #tpu.memory_space<semaphore_mem>>)
      %add3A_1050 = arith.constant 4 : i32
      %add3A_1051 = arith.addi %add3A_621, %add3A_1050 : i32
      %sub3A_1052 = arith.constant 0 : i32
      %sub3A_1053 = arith.subi %add3A_1051, %sub3A_1052 : i32
      %jit3A_1054 = arith.constant 2 : i32
      %div3A_1055 = arith.divsi %sub3A_1053, %jit3A_1054 : i32
      %sign3A_1056 = arith.constant 0 : i32
      %sign3A_1057 = arith.cmpi sgt, %sub3A_1053, %sign3A_1056 : i32
      %sign3A_1058 = arith.extui %sign3A_1057 : i1 to i32
      %sign3A_1059 = arith.constant 0 : i32
      %sign3A_1060 = arith.cmpi slt, %sub3A_1053, %sign3A_1059 : i32
      %sign3A_1061 = arith.extui %sign3A_1060 : i1 to i32
      %sign3A_1062 = arith.subi %sign3A_1058, %sign3A_1061 : i32
      %sign3A_1063 = arith.constant 0 : i32
      %sign3A_1064 = arith.cmpi sgt, %jit3A_1054, %sign3A_1063 : i32
      %sign3A_1065 = arith.extui %sign3A_1064 : i1 to i32
      %sign3A_1066 = arith.constant 0 : i32
      %sign3A_1067 = arith.cmpi slt, %jit3A_1054, %sign3A_1066 : i32
      %sign3A_1068 = arith.extui %sign3A_1067 : i1 to i32
      %sign3A_1069 = arith.subi %sign3A_1065, %sign3A_1068 : i32
      %ne3A_1070 = arith.cmpi ne, %sign3A_1062, %sign3A_1069 : i32
      %rem3A_1071 = arith.remsi %sub3A_1053, %jit3A_1054 : i32
      %ne3A_1072 = arith.constant 0 : i32
      %ne3A_1073 = arith.cmpi ne, %rem3A_1071, %ne3A_1072 : i32
      %and3A_1074 = arith.andi %ne3A_1070, %ne3A_1073 : i1
      %sub3A_1075 = arith.constant 1 : i32
      %sub3A_1076 = arith.subi %div3A_1055, %sub3A_1075 : i32
      %select_n3A_1077 = arith.select %and3A_1074, %sub3A_1076, %div3A_1055 : i32
      %dma_wait3A_1078 = arith.constant 0 : i32
      %dma_wait3A_1079 = tpu.memref_slice %arg5[%dma_wait3A_1078] : memref<256xi32, #tpu.memory_space<vmem>> -> memref<8xi32, #tpu.memory_space<vmem>>
      %dma_wait3A_1080 = arith.constant 0 : i32
      %dma_wait3A_1081 = arith.constant 0 : i32
      %dma_wait3A_1082 = tpu.memref_slice %arg3[%dma_wait3A_1080, %dma_wait3A_1081] : memref<100000x2048xf32, #tpu.memory_space<hbm>> -> memref<100000x2048xf32, #tpu.memory_space<hbm>>
      tpu.wait_indirect_dma semaphore(%arg13 : memref<!tpu.dma_semaphore, #tpu.memory_space<semaphore_mem>>) src(%dma_wait3A_1082 : memref<100000x2048xf32, #tpu.memory_space<hbm>>) dst(%arg8 : memref<8x2048xf32, #tpu.memory_space<vmem>>)
      %dma_wait3A_1083 = arith.constant 0 : i32
      %dma_wait3A_1084 = tpu.memref_slice %arg4[%select_n3A, %select_n3A_32, %dma_wait3A_1083] : memref<4x2048x2048xf32, #tpu.memory_space<hbm>> -> memref<1x8x2048xf32, #tpu.memory_space<hbm>>
      %dma_wait3A_1085 = tpu.memref_squeeze %dma_wait3A_1084 : memref<1x8x2048xf32, #tpu.memory_space<hbm>> -> memref<8x2048xf32, #tpu.memory_space<hbm>>
      %dma_wait3A_1086 = arith.constant 0 : i32
      %dma_wait3A_1087 = tpu.memref_slice %arg4[%select_n3A, %select_n3A_32, %dma_wait3A_1086] : memref<4x2048x2048xf32, #tpu.memory_space<hbm>> -> memref<1x8x2048xf32, #tpu.memory_space<hbm>>
      %dma_wait3A_1088 = tpu.memref_squeeze %dma_wait3A_1087 : memref<1x8x2048xf32, #tpu.memory_space<hbm>> -> memref<8x2048xf32, #tpu.memory_space<hbm>>
      tpu.wait_dma2 semaphore(%arg14 : memref<!tpu.dma_semaphore, #tpu.memory_space<semaphore_mem>>) src(%arg9 : memref<8x2048xf32, #tpu.memory_space<vmem>>) dst(%dma_wait3A_1088 : memref<8x2048xf32, #tpu.memory_space<hbm>>)
      %mul3A_1089 = arith.constant 16 : i32
      %mul3A_1090 = arith.muli %select_n3A_1077, %mul3A_1089 : i32
      %get3A_1091 = arith.index_cast %mul3A_1090 : i32 to index
      %get3A_1092 = tpu.vector_load %arg5[%get3A_1091] {strides = array<i32>} : memref<256xi32, #tpu.memory_space<vmem>>, vector<16xi32>,
      %get3A_1093 = vector.shape_cast %get3A_1092 : vector<16xi32> to vector<16xi32>
      %ne3A_1094 = arith.constant 0 : i32
      %ne3A_1095 = vector.broadcast %ne3A_1094 : i32 to vector<16xi32>
      %ne3A_1096 = arith.cmpi ne, %get3A_1093, %ne3A_1095 : vector<16xi32>
      %jit3A_1097 = arith.constant 45.2548332 : f32
      %jit3A_1098 = arith.constant 0.000000e+00 : f32
      %broadcast_in_dim3A_1099 = vector.broadcast %jit3A_1097 : f32 to vector<16xf32>
      %broadcast_in_dim3A_1100 = vector.broadcast %jit3A_1098 : f32 to vector<16xf32>
      %select_n3A_1101 = arith.select %ne3A_1096, %broadcast_in_dim3A_1099, %broadcast_in_dim3A_1100 : vector<16xi1>, vector<16xf32>
      %broadcast_in_dim3A_1102 = arith.constant 0 : i32
      %broadcast_in_dim3A_1103 = vector.broadcast %broadcast_in_dim3A_1102 : i32 to vector<16x1xi32>
      %gather3A_1104 = vector.shape_cast %broadcast_in_dim3A_1103 : vector<16x1xi32> to vector<16xi32>
      %gather3A_1105 = tpu.dynamic_gather %select_n3A_1101[%gather3A_1104] in [0] : vector<16xf32>, vector<16xi32> -> vector<16xf32>
      %broadcast_in_dim3A_1106 = arith.constant 1 : i32
      %broadcast_in_dim3A_1107 = vector.broadcast %broadcast_in_dim3A_1106 : i32 to vector<16x1xi32>
      %gather3A_1108 = vector.shape_cast %broadcast_in_dim3A_1107 : vector<16x1xi32> to vector<16xi32>
      %gather3A_1109 = tpu.dynamic_gather %select_n3A_1101[%gather3A_1108] in [0] : vector<16xf32>, vector<16xi32> -> vector<16xf32>
      %broadcast_in_dim3A_1110 = arith.constant 2 : i32
      %broadcast_in_dim3A_1111 = vector.broadcast %broadcast_in_dim3A_1110 : i32 to vector<16x1xi32>
      %gather3A_1112 = vector.shape_cast %broadcast_in_dim3A_1111 : vector<16x1xi32> to vector<16xi32>
      %gather3A_1113 = tpu.dynamic_gather %select_n3A_1101[%gather3A_1112] in [0] : vector<16xf32>, vector<16xi32> -> vector<16xf32>
      %broadcast_in_dim3A_1114 = arith.constant 3 : i32
      %broadcast_in_dim3A_1115 = vector.broadcast %broadcast_in_dim3A_1114 : i32 to vector<16x1xi32>
      %gather3A_1116 = vector.shape_cast %broadcast_in_dim3A_1115 : vector<16x1xi32> to vector<16xi32>
      %gather3A_1117 = tpu.dynamic_gather %select_n3A_1101[%gather3A_1116] in [0] : vector<16xf32>, vector<16xi32> -> vector<16xf32>
      %broadcast_in_dim3A_1118 = arith.constant 4 : i32
      %broadcast_in_dim3A_1119 = vector.broadcast %broadcast_in_dim3A_1118 : i32 to vector<16x1xi32>
      %gather3A_1120 = vector.shape_cast %broadcast_in_dim3A_1119 : vector<16x1xi32> to vector<16xi32>
      %gather3A_1121 = tpu.dynamic_gather %select_n3A_1101[%gather3A_1120] in [0] : vector<16xf32>, vector<16xi32> -> vector<16xf32>
      %broadcast_in_dim3A_1122 = arith.constant 5 : i32
      %broadcast_in_dim3A_1123 = vector.broadcast %broadcast_in_dim3A_1122 : i32 to vector<16x1xi32>
      %gather3A_1124 = vector.shape_cast %broadcast_in_dim3A_1123 : vector<16x1xi32> to vector<16xi32>
      %gather3A_1125 = tpu.dynamic_gather %select_n3A_1101[%gather3A_1124] in [0] : vector<16xf32>, vector<16xi32> -> vector<16xf32>
      %broadcast_in_dim3A_1126 = arith.constant 6 : i32
      %broadcast_in_dim3A_1127 = vector.broadcast %broadcast_in_dim3A_1126 : i32 to vector<16x1xi32>
      %gather3A_1128 = vector.shape_cast %broadcast_in_dim3A_1127 : vector<16x1xi32> to vector<16xi32>
      %gather3A_1129 = tpu.dynamic_gather %select_n3A_1101[%gather3A_1128] in [0] : vector<16xf32>, vector<16xi32> -> vector<16xf32>
      %broadcast_in_dim3A_1130 = arith.constant 7 : i32
      %broadcast_in_dim3A_1131 = vector.broadcast %broadcast_in_dim3A_1130 : i32 to vector<16x1xi32>
      %gather3A_1132 = vector.shape_cast %broadcast_in_dim3A_1131 : vector<16x1xi32> to vector<16xi32>
      %gather3A_1133 = tpu.dynamic_gather %select_n3A_1101[%gather3A_1132] in [0] : vector<16xf32>, vector<16xi32> -> vector<16xf32>
      %scan3A_1134 = arith.constant 0 : i32
      %scan3A_1135 = arith.constant 0 : i32
      %scan3A_1136 = arith.constant 128 : i32
      %scan3A_1137 = arith.addi %scan3A_1135, %scan3A_1136 : i32
      %scan3A_1138 = arith.constant 1 : i32
      scf.for %scan3A_1264 = %scan3A_1135 to %scan3A_1137 step %scan3A_1138  : i32 {
        %mul3A_1265 = arith.constant 16 : i32
        %mul3A_1266 = arith.muli %scan3A_1264, %mul3A_1265 : i32
        %get3A_1267 = arith.constant 0 : i32
        %get3A_1268 = arith.index_cast %get3A_1267 : i32 to index
        %get3A_1269 = arith.index_cast %mul3A_1266 : i32 to index
        %get3A_1270 = tpu.vector_load %arg8[%get3A_1268, %get3A_1269] {strides = array<i32>} : memref<8x2048xf32, #tpu.memory_space<vmem>>, vector<1x16xf32>,
        %get3A_1271 = vector.shape_cast %get3A_1270 : vector<1x16xf32> to vector<16xf32>
        %mul3A_1272 = arith.mulf %get3A_1271, %gather3A_1105 : vector<16xf32>
        %swap3A = arith.constant 0 : i32
        %swap3A_1273 = arith.index_cast %swap3A : i32 to index
        %swap3A_1274 = arith.index_cast %mul3A_1266 : i32 to index
        %swap3A_1275 = tpu.vector_load %arg9[%swap3A_1273, %swap3A_1274] {strides = array<i32>} : memref<8x2048xf32, #tpu.memory_space<vmem>>, vector<1x16xf32>,
        %swap3A_1276 = vector.shape_cast %swap3A_1275 : vector<1x16xf32> to vector<16xf32>
        %swap3A_1277 = vector.shape_cast %mul3A_1272 : vector<16xf32> to vector<1x16xf32>
        tpu.vector_store %arg9[%swap3A_1273, %swap3A_1274], %swap3A_1277 {strides = array<i32>} : memref<8x2048xf32, #tpu.memory_space<vmem>>, vector<1x16xf32>,
        %get3A_1278 = arith.constant 1 : i32
        %get3A_1279 = arith.index_cast %get3A_1278 : i32 to index
        %get3A_1280 = arith.index_cast %mul3A_1266 : i32 to index
        %get3A_1281 = tpu.vector_load %arg8[%get3A_1279, %get3A_1280] {strides = array<i32>} : memref<8x2048xf32, #tpu.memory_space<vmem>>, vector<1x16xf32>,
        %get3A_1282 = vector.shape_cast %get3A_1281 : vector<1x16xf32> to vector<16xf32>
        %mul3A_1283 = arith.mulf %get3A_1282, %gather3A_1109 : vector<16xf32>
        %swap3A_1284 = arith.constant 1 : i32
        %swap3A_1285 = arith.index_cast %swap3A_1284 : i32 to index
        %swap3A_1286 = arith.index_cast %mul3A_1266 : i32 to index
        %swap3A_1287 = tpu.vector_load %arg9[%swap3A_1285, %swap3A_1286] {strides = array<i32>} : memref<8x2048xf32, #tpu.memory_space<vmem>>, vector<1x16xf32>,
        %swap3A_1288 = vector.shape_cast %swap3A_1287 : vector<1x16xf32> to vector<16xf32>
        %swap3A_1289 = vector.shape_cast %mul3A_1283 : vector<16xf32> to vector<1x16xf32>
        tpu.vector_store %arg9[%swap3A_1285, %swap3A_1286], %swap3A_1289 {strides = array<i32>} : memref<8x2048xf32, #tpu.memory_space<vmem>>, vector<1x16xf32>,
        %get3A_1290 = arith.constant 2 : i32
        %get3A_1291 = arith.index_cast %get3A_1290 : i32 to index
        %get3A_1292 = arith.index_cast %mul3A_1266 : i32 to index
        %get3A_1293 = tpu.vector_load %arg8[%get3A_1291, %get3A_1292] {strides = array<i32>} : memref<8x2048xf32, #tpu.memory_space<vmem>>, vector<1x16xf32>,
        %get3A_1294 = vector.shape_cast %get3A_1293 : vector<1x16xf32> to vector<16xf32>
        %mul3A_1295 = arith.mulf %get3A_1294, %gather3A_1113 : vector<16xf32>
        %swap3A_1296 = arith.constant 2 : i32
        %swap3A_1297 = arith.index_cast %swap3A_1296 : i32 to index
        %swap3A_1298 = arith.index_cast %mul3A_1266 : i32 to index
        %swap3A_1299 = tpu.vector_load %arg9[%swap3A_1297, %swap3A_1298] {strides = array<i32>} : memref<8x2048xf32, #tpu.memory_space<vmem>>, vector<1x16xf32>,
        %swap3A_1300 = vector.shape_cast %swap3A_1299 : vector<1x16xf32> to vector<16xf32>
        %swap3A_1301 = vector.shape_cast %mul3A_1295 : vector<16xf32> to vector<1x16xf32>
        tpu.vector_store %arg9[%swap3A_1297, %swap3A_1298], %swap3A_1301 {strides = array<i32>} : memref<8x2048xf32, #tpu.memory_space<vmem>>, vector<1x16xf32>,
        %get3A_1302 = arith.constant 3 : i32
        %get3A_1303 = arith.index_cast %get3A_1302 : i32 to index
        %get3A_1304 = arith.index_cast %mul3A_1266 : i32 to index
        %get3A_1305 = tpu.vector_load %arg8[%get3A_1303, %get3A_1304] {strides = array<i32>} : memref<8x2048xf32, #tpu.memory_space<vmem>>, vector<1x16xf32>,
        %get3A_1306 = vector.shape_cast %get3A_1305 : vector<1x16xf32> to vector<16xf32>
        %mul3A_1307 = arith.mulf %get3A_1306, %gather3A_1117 : vector<16xf32>
        %swap3A_1308 = arith.constant 3 : i32
        %swap3A_1309 = arith.index_cast %swap3A_1308 : i32 to index
        %swap3A_1310 = arith.index_cast %mul3A_1266 : i32 to index
        %swap3A_1311 = tpu.vector_load %arg9[%swap3A_1309, %swap3A_1310] {strides = array<i32>} : memref<8x2048xf32, #tpu.memory_space<vmem>>, vector<1x16xf32>,
        %swap3A_1312 = vector.shape_cast %swap3A_1311 : vector<1x16xf32> to vector<16xf32>
        %swap3A_1313 = vector.shape_cast %mul3A_1307 : vector<16xf32> to vector<1x16xf32>
        tpu.vector_store %arg9[%swap3A_1309, %swap3A_1310], %swap3A_1313 {strides = array<i32>} : memref<8x2048xf32, #tpu.memory_space<vmem>>, vector<1x16xf32>,
        %get3A_1314 = arith.constant 4 : i32
        %get3A_1315 = arith.index_cast %get3A_1314 : i32 to index
        %get3A_1316 = arith.index_cast %mul3A_1266 : i32 to index
        %get3A_1317 = tpu.vector_load %arg8[%get3A_1315, %get3A_1316] {strides = array<i32>} : memref<8x2048xf32, #tpu.memory_space<vmem>>, vector<1x16xf32>,
        %get3A_1318 = vector.shape_cast %get3A_1317 : vector<1x16xf32> to vector<16xf32>
        %mul3A_1319 = arith.mulf %get3A_1318, %gather3A_1121 : vector<16xf32>
        %swap3A_1320 = arith.constant 4 : i32
        %swap3A_1321 = arith.index_cast %swap3A_1320 : i32 to index
        %swap3A_1322 = arith.index_cast %mul3A_1266 : i32 to index
        %swap3A_1323 = tpu.vector_load %arg9[%swap3A_1321, %swap3A_1322] {strides = array<i32>} : memref<8x2048xf32, #tpu.memory_space<vmem>>, vector<1x16xf32>,
        %swap3A_1324 = vector.shape_cast %swap3A_1323 : vector<1x16xf32> to vector<16xf32>
        %swap3A_1325 = vector.shape_cast %mul3A_1319 : vector<16xf32> to vector<1x16xf32>
        tpu.vector_store %arg9[%swap3A_1321, %swap3A_1322], %swap3A_1325 {strides = array<i32>} : memref<8x2048xf32, #tpu.memory_space<vmem>>, vector<1x16xf32>,
        %get3A_1326 = arith.constant 5 : i32
        %get3A_1327 = arith.index_cast %get3A_1326 : i32 to index
        %get3A_1328 = arith.index_cast %mul3A_1266 : i32 to index
        %get3A_1329 = tpu.vector_load %arg8[%get3A_1327, %get3A_1328] {strides = array<i32>} : memref<8x2048xf32, #tpu.memory_space<vmem>>, vector<1x16xf32>,
        %get3A_1330 = vector.shape_cast %get3A_1329 : vector<1x16xf32> to vector<16xf32>
        %mul3A_1331 = arith.mulf %get3A_1330, %gather3A_1125 : vector<16xf32>
        %swap3A_1332 = arith.constant 5 : i32
        %swap3A_1333 = arith.index_cast %swap3A_1332 : i32 to index
        %swap3A_1334 = arith.index_cast %mul3A_1266 : i32 to index
        %swap3A_1335 = tpu.vector_load %arg9[%swap3A_1333, %swap3A_1334] {strides = array<i32>} : memref<8x2048xf32, #tpu.memory_space<vmem>>, vector<1x16xf32>,
        %swap3A_1336 = vector.shape_cast %swap3A_1335 : vector<1x16xf32> to vector<16xf32>
        %swap3A_1337 = vector.shape_cast %mul3A_1331 : vector<16xf32> to vector<1x16xf32>
        tpu.vector_store %arg9[%swap3A_1333, %swap3A_1334], %swap3A_1337 {strides = array<i32>} : memref<8x2048xf32, #tpu.memory_space<vmem>>, vector<1x16xf32>,
        %get3A_1338 = arith.constant 6 : i32
        %get3A_1339 = arith.index_cast %get3A_1338 : i32 to index
        %get3A_1340 = arith.index_cast %mul3A_1266 : i32 to index
        %get3A_1341 = tpu.vector_load %arg8[%get3A_1339, %get3A_1340] {strides = array<i32>} : memref<8x2048xf32, #tpu.memory_space<vmem>>, vector<1x16xf32>,
        %get3A_1342 = vector.shape_cast %get3A_1341 : vector<1x16xf32> to vector<16xf32>
        %mul3A_1343 = arith.mulf %get3A_1342, %gather3A_1129 : vector<16xf32>
        %swap3A_1344 = arith.constant 6 : i32
        %swap3A_1345 = arith.index_cast %swap3A_1344 : i32 to index
        %swap3A_1346 = arith.index_cast %mul3A_1266 : i32 to index
        %swap3A_1347 = tpu.vector_load %arg9[%swap3A_1345, %swap3A_1346] {strides = array<i32>} : memref<8x2048xf32, #tpu.memory_space<vmem>>, vector<1x16xf32>,
        %swap3A_1348 = vector.shape_cast %swap3A_1347 : vector<1x16xf32> to vector<16xf32>
        %swap3A_1349 = vector.shape_cast %mul3A_1343 : vector<16xf32> to vector<1x16xf32>
        tpu.vector_store %arg9[%swap3A_1345, %swap3A_1346], %swap3A_1349 {strides = array<i32>} : memref<8x2048xf32, #tpu.memory_space<vmem>>, vector<1x16xf32>,
        %get3A_1350 = arith.constant 7 : i32
        %get3A_1351 = arith.index_cast %get3A_1350 : i32 to index
        %get3A_1352 = arith.index_cast %mul3A_1266 : i32 to index
        %get3A_1353 = tpu.vector_load %arg8[%get3A_1351, %get3A_1352] {strides = array<i32>} : memref<8x2048xf32, #tpu.memory_space<vmem>>, vector<1x16xf32>,
        %get3A_1354 = vector.shape_cast %get3A_1353 : vector<1x16xf32> to vector<16xf32>
        %mul3A_1355 = arith.mulf %get3A_1354, %gather3A_1133 : vector<16xf32>
        %swap3A_1356 = arith.constant 7 : i32
        %swap3A_1357 = arith.index_cast %swap3A_1356 : i32 to index
        %swap3A_1358 = arith.index_cast %mul3A_1266 : i32 to index
        %swap3A_1359 = tpu.vector_load %arg9[%swap3A_1357, %swap3A_1358] {strides = array<i32>} : memref<8x2048xf32, #tpu.memory_space<vmem>>, vector<1x16xf32>,
        %swap3A_1360 = vector.shape_cast %swap3A_1359 : vector<1x16xf32> to vector<16xf32>
        %swap3A_1361 = vector.shape_cast %mul3A_1355 : vector<16xf32> to vector<1x16xf32>
        tpu.vector_store %arg9[%swap3A_1357, %swap3A_1358], %swap3A_1361 {strides = array<i32>} : memref<8x2048xf32, #tpu.memory_space<vmem>>, vector<1x16xf32>,
      }
      %scan3A_1139 = arith.constant 128 : i32
      %add3A_1140 = arith.constant 3 : i32
      %add3A_1141 = arith.addi %add3A_1051, %add3A_1140 : i32
      %mul3A_1142 = arith.constant 8 : i32
      %mul3A_1143 = arith.muli %add3A_1141, %mul3A_1142 : i32
      %dma_start3A_1144 = tpu.memref_slice %arg5[%mul3A_1143] : memref<256xi32, #tpu.memory_space<vmem>> -> memref<8xi32, #tpu.memory_space<vmem>>
      %dma_start3A_1145 = arith.constant 0 : i32
      %dma_start3A_1146 = arith.constant 0 : i32
      %dma_start3A_1147 = tpu.memref_slice %arg3[%dma_start3A_1145, %dma_start3A_1146] : memref<100000x2048xf32, #tpu.memory_space<hbm>> -> memref<100000x2048xf32, #tpu.memory_space<hbm>>
      tpu.enqueue_indirect_dma source(%dma_start3A_1147 : memref<100000x2048xf32, #tpu.memory_space<hbm>>) target(%arg8 : memref<8x2048xf32, #tpu.memory_space<vmem>>) offsets(%dma_start3A_1144 : memref<8xi32, #tpu.memory_space<vmem>>) semaphore(%arg13 : memref<!tpu.dma_semaphore, #tpu.memory_space<semaphore_mem>>)
      %mul3A_1148 = arith.constant 8 : i32
      %mul3A_1149 = arith.muli %add3A_1051, %mul3A_1148 : i32
      %add3A_1150 = arith.addi %select_n3A_32, %mul3A_1149 : i32
      %dma_start3A_1151 = arith.constant 0 : i32
      %dma_start3A_1152 = tpu.memref_slice %arg4[%select_n3A, %add3A_1150, %dma_start3A_1151] : memref<4x2048x2048xf32, #tpu.memory_space<hbm>> -> memref<1x8x2048xf32, #tpu.memory_space<hbm>>
      %dma_start3A_1153 = tpu.memref_squeeze %dma_start3A_1152 : memref<1x8x2048xf32, #tpu.memory_space<hbm>> -> memref<8x2048xf32, #tpu.memory_space<hbm>>
      %dma_start3A_1154 = arith.constant 0 : i32
      %dma_start3A_1155 = tpu.memref_slice %arg4[%select_n3A, %add3A_1150, %dma_start3A_1154] : memref<4x2048x2048xf32, #tpu.memory_space<hbm>> -> memref<1x8x2048xf32, #tpu.memory_space<hbm>>
      %dma_start3A_1156 = tpu.memref_squeeze %dma_start3A_1155 : memref<1x8x2048xf32, #tpu.memory_space<hbm>> -> memref<8x2048xf32, #tpu.memory_space<hbm>>
      tpu.enqueue_dma source(%arg9 : memref<8x2048xf32, #tpu.memory_space<vmem>>) target(%dma_start3A_1156 : memref<8x2048xf32, #tpu.memory_space<hbm>>) target_semaphore(%arg14 : memref<!tpu.dma_semaphore, #tpu.memory_space<semaphore_mem>>)
      %add3A_1157 = arith.constant 5 : i32
      %add3A_1158 = arith.addi %add3A_621, %add3A_1157 : i32
      %sub3A_1159 = arith.constant 1 : i32
      %sub3A_1160 = arith.subi %add3A_1158, %sub3A_1159 : i32
      %jit3A_1161 = arith.constant 2 : i32
      %div3A_1162 = arith.divsi %sub3A_1160, %jit3A_1161 : i32
      %sign3A_1163 = arith.constant 0 : i32
      %sign3A_1164 = arith.cmpi sgt, %sub3A_1160, %sign3A_1163 : i32
      %sign3A_1165 = arith.extui %sign3A_1164 : i1 to i32
      %sign3A_1166 = arith.constant 0 : i32
      %sign3A_1167 = arith.cmpi slt, %sub3A_1160, %sign3A_1166 : i32
      %sign3A_1168 = arith.extui %sign3A_1167 : i1 to i32
      %sign3A_1169 = arith.subi %sign3A_1165, %sign3A_1168 : i32
      %sign3A_1170 = arith.constant 0 : i32
      %sign3A_1171 = arith.cmpi sgt, %jit3A_1161, %sign3A_1170 : i32
      %sign3A_1172 = arith.extui %sign3A_1171 : i1 to i32
      %sign3A_1173 = arith.constant 0 : i32
      %sign3A_1174 = arith.cmpi slt, %jit3A_1161, %sign3A_1173 : i32
      %sign3A_1175 = arith.extui %sign3A_1174 : i1 to i32
      %sign3A_1176 = arith.subi %sign3A_1172, %sign3A_1175 : i32
      %ne3A_1177 = arith.cmpi ne, %sign3A_1169, %sign3A_1176 : i32
      %rem3A_1178 = arith.remsi %sub3A_1160, %jit3A_1161 : i32
      %ne3A_1179 = arith.constant 0 : i32
      %ne3A_1180 = arith.cmpi ne, %rem3A_1178, %ne3A_1179 : i32
      %and3A_1181 = arith.andi %ne3A_1177, %ne3A_1180 : i1
      %sub3A_1182 = arith.constant 1 : i32
      %sub3A_1183 = arith.subi %div3A_1162, %sub3A_1182 : i32
      %select_n3A_1184 = arith.select %and3A_1181, %sub3A_1183, %div3A_1162 : i32
      %dma_wait3A_1185 = arith.constant 0 : i32
      %dma_wait3A_1186 = tpu.memref_slice %arg5[%dma_wait3A_1185] : memref<256xi32, #tpu.memory_space<vmem>> -> memref<8xi32, #tpu.memory_space<vmem>>
      %dma_wait3A_1187 = arith.constant 0 : i32
      %dma_wait3A_1188 = arith.constant 0 : i32
      %dma_wait3A_1189 = tpu.memref_slice %arg3[%dma_wait3A_1187, %dma_wait3A_1188] : memref<100000x2048xf32, #tpu.memory_space<hbm>> -> memref<100000x2048xf32, #tpu.memory_space<hbm>>
      tpu.wait_indirect_dma semaphore(%arg11 : memref<!tpu.dma_semaphore, #tpu.memory_space<semaphore_mem>>) src(%dma_wait3A_1189 : memref<100000x2048xf32, #tpu.memory_space<hbm>>) dst(%arg6 : memref<8x2048xf32, #tpu.memory_space<vmem>>)
      %dma_wait3A_1190 = arith.constant 0 : i32
      %dma_wait3A_1191 = tpu.memref_slice %arg4[%select_n3A, %select_n3A_32, %dma_wait3A_1190] : memref<4x2048x2048xf32, #tpu.memory_space<hbm>> -> memref<1x8x2048xf32, #tpu.memory_space<hbm>>
      %dma_wait3A_1192 = tpu.memref_squeeze %dma_wait3A_1191 : memref<1x8x2048xf32, #tpu.memory_space<hbm>> -> memref<8x2048xf32, #tpu.memory_space<hbm>>
      %dma_wait3A_1193 = arith.constant 0 : i32
      %dma_wait3A_1194 = tpu.memref_slice %arg4[%select_n3A, %select_n3A_32, %dma_wait3A_1193] : memref<4x2048x2048xf32, #tpu.memory_space<hbm>> -> memref<1x8x2048xf32, #tpu.memory_space<hbm>>
      %dma_wait3A_1195 = tpu.memref_squeeze %dma_wait3A_1194 : memref<1x8x2048xf32, #tpu.memory_space<hbm>> -> memref<8x2048xf32, #tpu.memory_space<hbm>>
      tpu.wait_dma2 semaphore(%arg15 : memref<!tpu.dma_semaphore, #tpu.memory_space<semaphore_mem>>) src(%arg10 : memref<8x2048xf32, #tpu.memory_space<vmem>>) dst(%dma_wait3A_1195 : memref<8x2048xf32, #tpu.memory_space<hbm>>)
      %mul3A_1196 = arith.constant 16 : i32
      %mul3A_1197 = arith.muli %select_n3A_1184, %mul3A_1196 : i32
      %get3A_1198 = arith.index_cast %mul3A_1197 : i32 to index
      %get3A_1199 = tpu.vector_load %arg5[%get3A_1198] {strides = array<i32>} : memref<256xi32, #tpu.memory_space<vmem>>, vector<16xi32>,
      %get3A_1200 = vector.shape_cast %get3A_1199 : vector<16xi32> to vector<16xi32>
      %ne3A_1201 = arith.constant 0 : i32
      %ne3A_1202 = vector.broadcast %ne3A_1201 : i32 to vector<16xi32>
      %ne3A_1203 = arith.cmpi ne, %get3A_1200, %ne3A_1202 : vector<16xi32>
      %jit3A_1204 = arith.constant 45.2548332 : f32
      %jit3A_1205 = arith.constant 0.000000e+00 : f32
      %broadcast_in_dim3A_1206 = vector.broadcast %jit3A_1204 : f32 to vector<16xf32>
      %broadcast_in_dim3A_1207 = vector.broadcast %jit3A_1205 : f32 to vector<16xf32>
      %select_n3A_1208 = arith.select %ne3A_1203, %broadcast_in_dim3A_1206, %broadcast_in_dim3A_1207 : vector<16xi1>, vector<16xf32>
      %broadcast_in_dim3A_1209 = arith.constant 8 : i32
      %broadcast_in_dim3A_1210 = vector.broadcast %broadcast_in_dim3A_1209 : i32 to vector<16x1xi32>
      %gather3A_1211 = vector.shape_cast %broadcast_in_dim3A_1210 : vector<16x1xi32> to vector<16xi32>
      %gather3A_1212 = tpu.dynamic_gather %select_n3A_1208[%gather3A_1211] in [0] : vector<16xf32>, vector<16xi32> -> vector<16xf32>
      %broadcast_in_dim3A_1213 = arith.constant 9 : i32
      %broadcast_in_dim3A_1214 = vector.broadcast %broadcast_in_dim3A_1213 : i32 to vector<16x1xi32>
      %gather3A_1215 = vector.shape_cast %broadcast_in_dim3A_1214 : vector<16x1xi32> to vector<16xi32>
      %gather3A_1216 = tpu.dynamic_gather %select_n3A_1208[%gather3A_1215] in [0] : vector<16xf32>, vector<16xi32> -> vector<16xf32>
      %broadcast_in_dim3A_1217 = arith.constant 10 : i32
      %broadcast_in_dim3A_1218 = vector.broadcast %broadcast_in_dim3A_1217 : i32 to vector<16x1xi32>
      %gather3A_1219 = vector.shape_cast %broadcast_in_dim3A_1218 : vector<16x1xi32> to vector<16xi32>
      %gather3A_1220 = tpu.dynamic_gather %select_n3A_1208[%gather3A_1219] in [0] : vector<16xf32>, vector<16xi32> -> vector<16xf32>
      %broadcast_in_dim3A_1221 = arith.constant 11 : i32
      %broadcast_in_dim3A_1222 = vector.broadcast %broadcast_in_dim3A_1221 : i32 to vector<16x1xi32>
      %gather3A_1223 = vector.shape_cast %broadcast_in_dim3A_1222 : vector<16x1xi32> to vector<16xi32>
      %gather3A_1224 = tpu.dynamic_gather %select_n3A_1208[%gather3A_1223] in [0] : vector<16xf32>, vector<16xi32> -> vector<16xf32>
      %broadcast_in_dim3A_1225 = arith.constant 12 : i32
      %broadcast_in_dim3A_1226 = vector.broadcast %broadcast_in_dim3A_1225 : i32 to vector<16x1xi32>
      %gather3A_1227 = vector.shape_cast %broadcast_in_dim3A_1226 : vector<16x1xi32> to vector<16xi32>
      %gather3A_1228 = tpu.dynamic_gather %select_n3A_1208[%gather3A_1227] in [0] : vector<16xf32>, vector<16xi32> -> vector<16xf32>
      %broadcast_in_dim3A_1229 = arith.constant 13 : i32
      %broadcast_in_dim3A_1230 = vector.broadcast %broadcast_in_dim3A_1229 : i32 to vector<16x1xi32>
      %gather3A_1231 = vector.shape_cast %broadcast_in_dim3A_1230 : vector<16x1xi32> to vector<16xi32>
      %gather3A_1232 = tpu.dynamic_gather %select_n3A_1208[%gather3A_1231] in [0] : vector<16xf32>, vector<16xi32> -> vector<16xf32>
      %broadcast_in_dim3A_1233 = arith.constant 14 : i32
      %broadcast_in_dim3A_1234 = vector.broadcast %broadcast_in_dim3A_1233 : i32 to vector<16x1xi32>
      %gather3A_1235 = vector.shape_cast %broadcast_in_dim3A_1234 : vector<16x1xi32> to vector<16xi32>
      %gather3A_1236 = tpu.dynamic_gather %select_n3A_1208[%gather3A_1235] in [0] : vector<16xf32>, vector<16xi32> -> vector<16xf32>
      %broadcast_in_dim3A_1237 = arith.constant 15 : i32
      %broadcast_in_dim3A_1238 = vector.broadcast %broadcast_in_dim3A_1237 : i32 to vector<16x1xi32>
      %gather3A_1239 = vector.shape_cast %broadcast_in_dim3A_1238 : vector<16x1xi32> to vector<16xi32>
      %gather3A_1240 = tpu.dynamic_gather %select_n3A_1208[%gather3A_1239] in [0] : vector<16xf32>, vector<16xi32> -> vector<16xf32>
      %scan3A_1241 = arith.constant 0 : i32
      %scan3A_1242 = arith.constant 0 : i32
      %scan3A_1243 = arith.constant 128 : i32
      %scan3A_1244 = arith.addi %scan3A_1242, %scan3A_1243 : i32
      %scan3A_1245 = arith.constant 1 : i32
      scf.for %scan3A_1264 = %scan3A_1242 to %scan3A_1244 step %scan3A_1245  : i32 {
        %mul3A_1265 = arith.constant 16 : i32
        %mul3A_1266 = arith.muli %scan3A_1264, %mul3A_1265 : i32
        %get3A_1267 = arith.constant 0 : i32
        %get3A_1268 = arith.index_cast %get3A_1267 : i32 to index
        %get3A_1269 = arith.index_cast %mul3A_1266 : i32 to index
        %get3A_1270 = tpu.vector_load %arg6[%get3A_1268, %get3A_1269] {strides = array<i32>} : memref<8x2048xf32, #tpu.memory_space<vmem>>, vector<1x16xf32>,
        %get3A_1271 = vector.shape_cast %get3A_1270 : vector<1x16xf32> to vector<16xf32>
        %mul3A_1272 = arith.mulf %get3A_1271, %gather3A_1212 : vector<16xf32>
        %swap3A = arith.constant 0 : i32
        %swap3A_1273 = arith.index_cast %swap3A : i32 to index
        %swap3A_1274 = arith.index_cast %mul3A_1266 : i32 to index
        %swap3A_1275 = tpu.vector_load %arg10[%swap3A_1273, %swap3A_1274] {strides = array<i32>} : memref<8x2048xf32, #tpu.memory_space<vmem>>, vector<1x16xf32>,
        %swap3A_1276 = vector.shape_cast %swap3A_1275 : vector<1x16xf32> to vector<16xf32>
        %swap3A_1277 = vector.shape_cast %mul3A_1272 : vector<16xf32> to vector<1x16xf32>
        tpu.vector_store %arg10[%swap3A_1273, %swap3A_1274], %swap3A_1277 {strides = array<i32>} : memref<8x2048xf32, #tpu.memory_space<vmem>>, vector<1x16xf32>,
        %get3A_1278 = arith.constant 1 : i32
        %get3A_1279 = arith.index_cast %get3A_1278 : i32 to index
        %get3A_1280 = arith.index_cast %mul3A_1266 : i32 to index
        %get3A_1281 = tpu.vector_load %arg6[%get3A_1279, %get3A_1280] {strides = array<i32>} : memref<8x2048xf32, #tpu.memory_space<vmem>>, vector<1x16xf32>,
        %get3A_1282 = vector.shape_cast %get3A_1281 : vector<1x16xf32> to vector<16xf32>
        %mul3A_1283 = arith.mulf %get3A_1282, %gather3A_1216 : vector<16xf32>
        %swap3A_1284 = arith.constant 1 : i32
        %swap3A_1285 = arith.index_cast %swap3A_1284 : i32 to index
        %swap3A_1286 = arith.index_cast %mul3A_1266 : i32 to index
        %swap3A_1287 = tpu.vector_load %arg10[%swap3A_1285, %swap3A_1286] {strides = array<i32>} : memref<8x2048xf32, #tpu.memory_space<vmem>>, vector<1x16xf32>,
        %swap3A_1288 = vector.shape_cast %swap3A_1287 : vector<1x16xf32> to vector<16xf32>
        %swap3A_1289 = vector.shape_cast %mul3A_1283 : vector<16xf32> to vector<1x16xf32>
        tpu.vector_store %arg10[%swap3A_1285, %swap3A_1286], %swap3A_1289 {strides = array<i32>} : memref<8x2048xf32, #tpu.memory_space<vmem>>, vector<1x16xf32>,
        %get3A_1290 = arith.constant 2 : i32
        %get3A_1291 = arith.index_cast %get3A_1290 : i32 to index
        %get3A_1292 = arith.index_cast %mul3A_1266 : i32 to index
        %get3A_1293 = tpu.vector_load %arg6[%get3A_1291, %get3A_1292] {strides = array<i32>} : memref<8x2048xf32, #tpu.memory_space<vmem>>, vector<1x16xf32>,
        %get3A_1294 = vector.shape_cast %get3A_1293 : vector<1x16xf32> to vector<16xf32>
        %mul3A_1295 = arith.mulf %get3A_1294, %gather3A_1220 : vector<16xf32>
        %swap3A_1296 = arith.constant 2 : i32
        %swap3A_1297 = arith.index_cast %swap3A_1296 : i32 to index
        %swap3A_1298 = arith.index_cast %mul3A_1266 : i32 to index
        %swap3A_1299 = tpu.vector_load %arg10[%swap3A_1297, %swap3A_1298] {strides = array<i32>} : memref<8x2048xf32, #tpu.memory_space<vmem>>, vector<1x16xf32>,
        %swap3A_1300 = vector.shape_cast %swap3A_1299 : vector<1x16xf32> to vector<16xf32>
        %swap3A_1301 = vector.shape_cast %mul3A_1295 : vector<16xf32> to vector<1x16xf32>
        tpu.vector_store %arg10[%swap3A_1297, %swap3A_1298], %swap3A_1301 {strides = array<i32>} : memref<8x2048xf32, #tpu.memory_space<vmem>>, vector<1x16xf32>,
        %get3A_1302 = arith.constant 3 : i32
        %get3A_1303 = arith.index_cast %get3A_1302 : i32 to index
        %get3A_1304 = arith.index_cast %mul3A_1266 : i32 to index
        %get3A_1305 = tpu.vector_load %arg6[%get3A_1303, %get3A_1304] {strides = array<i32>} : memref<8x2048xf32, #tpu.memory_space<vmem>>, vector<1x16xf32>,
        %get3A_1306 = vector.shape_cast %get3A_1305 : vector<1x16xf32> to vector<16xf32>
        %mul3A_1307 = arith.mulf %get3A_1306, %gather3A_1224 : vector<16xf32>
        %swap3A_1308 = arith.constant 3 : i32
        %swap3A_1309 = arith.index_cast %swap3A_1308 : i32 to index
        %swap3A_1310 = arith.index_cast %mul3A_1266 : i32 to index
        %swap3A_1311 = tpu.vector_load %arg10[%swap3A_1309, %swap3A_1310] {strides = array<i32>} : memref<8x2048xf32, #tpu.memory_space<vmem>>, vector<1x16xf32>,
        %swap3A_1312 = vector.shape_cast %swap3A_1311 : vector<1x16xf32> to vector<16xf32>
        %swap3A_1313 = vector.shape_cast %mul3A_1307 : vector<16xf32> to vector<1x16xf32>
        tpu.vector_store %arg10[%swap3A_1309, %swap3A_1310], %swap3A_1313 {strides = array<i32>} : memref<8x2048xf32, #tpu.memory_space<vmem>>, vector<1x16xf32>,
        %get3A_1314 = arith.constant 4 : i32
        %get3A_1315 = arith.index_cast %get3A_1314 : i32 to index
        %get3A_1316 = arith.index_cast %mul3A_1266 : i32 to index
        %get3A_1317 = tpu.vector_load %arg6[%get3A_1315, %get3A_1316] {strides = array<i32>} : memref<8x2048xf32, #tpu.memory_space<vmem>>, vector<1x16xf32>,
        %get3A_1318 = vector.shape_cast %get3A_1317 : vector<1x16xf32> to vector<16xf32>
        %mul3A_1319 = arith.mulf %get3A_1318, %gather3A_1228 : vector<16xf32>
        %swap3A_1320 = arith.constant 4 : i32
        %swap3A_1321 = arith.index_cast %swap3A_1320 : i32 to index
        %swap3A_1322 = arith.index_cast %mul3A_1266 : i32 to index
        %swap3A_1323 = tpu.vector_load %arg10[%swap3A_1321, %swap3A_1322] {strides = array<i32>} : memref<8x2048xf32, #tpu.memory_space<vmem>>, vector<1x16xf32>,
        %swap3A_1324 = vector.shape_cast %swap3A_1323 : vector<1x16xf32> to vector<16xf32>
        %swap3A_1325 = vector.shape_cast %mul3A_1319 : vector<16xf32> to vector<1x16xf32>
        tpu.vector_store %arg10[%swap3A_1321, %swap3A_1322], %swap3A_1325 {strides = array<i32>} : memref<8x2048xf32, #tpu.memory_space<vmem>>, vector<1x16xf32>,
        %get3A_1326 = arith.constant 5 : i32
        %get3A_1327 = arith.index_cast %get3A_1326 : i32 to index
        %get3A_1328 = arith.index_cast %mul3A_1266 : i32 to index
        %get3A_1329 = tpu.vector_load %arg6[%get3A_1327, %get3A_1328] {strides = array<i32>} : memref<8x2048xf32, #tpu.memory_space<vmem>>, vector<1x16xf32>,
        %get3A_1330 = vector.shape_cast %get3A_1329 : vector<1x16xf32> to vector<16xf32>
        %mul3A_1331 = arith.mulf %get3A_1330, %gather3A_1232 : vector<16xf32>
        %swap3A_1332 = arith.constant 5 : i32
        %swap3A_1333 = arith.index_cast %swap3A_1332 : i32 to index
        %swap3A_1334 = arith.index_cast %mul3A_1266 : i32 to index
        %swap3A_1335 = tpu.vector_load %arg10[%swap3A_1333, %swap3A_1334] {strides = array<i32>} : memref<8x2048xf32, #tpu.memory_space<vmem>>, vector<1x16xf32>,
        %swap3A_1336 = vector.shape_cast %swap3A_1335 : vector<1x16xf32> to vector<16xf32>
        %swap3A_1337 = vector.shape_cast %mul3A_1331 : vector<16xf32> to vector<1x16xf32>
        tpu.vector_store %arg10[%swap3A_1333, %swap3A_1334], %swap3A_1337 {strides = array<i32>} : memref<8x2048xf32, #tpu.memory_space<vmem>>, vector<1x16xf32>,
        %get3A_1338 = arith.constant 6 : i32
        %get3A_1339 = arith.index_cast %get3A_1338 : i32 to index
        %get3A_1340 = arith.index_cast %mul3A_1266 : i32 to index
        %get3A_1341 = tpu.vector_load %arg6[%get3A_1339, %get3A_1340] {strides = array<i32>} : memref<8x2048xf32, #tpu.memory_space<vmem>>, vector<1x16xf32>,
        %get3A_1342 = vector.shape_cast %get3A_1341 : vector<1x16xf32> to vector<16xf32>
        %mul3A_1343 = arith.mulf %get3A_1342, %gather3A_1236 : vector<16xf32>
        %swap3A_1344 = arith.constant 6 : i32
        %swap3A_1345 = arith.index_cast %swap3A_1344 : i32 to index
        %swap3A_1346 = arith.index_cast %mul3A_1266 : i32 to index
        %swap3A_1347 = tpu.vector_load %arg10[%swap3A_1345, %swap3A_1346] {strides = array<i32>} : memref<8x2048xf32, #tpu.memory_space<vmem>>, vector<1x16xf32>,
        %swap3A_1348 = vector.shape_cast %swap3A_1347 : vector<1x16xf32> to vector<16xf32>
        %swap3A_1349 = vector.shape_cast %mul3A_1343 : vector<16xf32> to vector<1x16xf32>
        tpu.vector_store %arg10[%swap3A_1345, %swap3A_1346], %swap3A_1349 {strides = array<i32>} : memref<8x2048xf32, #tpu.memory_space<vmem>>, vector<1x16xf32>,
        %get3A_1350 = arith.constant 7 : i32
        %get3A_1351 = arith.index_cast %get3A_1350 : i32 to index
        %get3A_1352 = arith.index_cast %mul3A_1266 : i32 to index
        %get3A_1353 = tpu.vector_load %arg6[%get3A_1351, %get3A_1352] {strides = array<i32>} : memref<8x2048xf32, #tpu.memory_space<vmem>>, vector<1x16xf32>,
        %get3A_1354 = vector.shape_cast %get3A_1353 : vector<1x16xf32> to vector<16xf32>
        %mul3A_1355 = arith.mulf %get3A_1354, %gather3A_1240 : vector<16xf32>
        %swap3A_1356 = arith.constant 7 : i32
        %swap3A_1357 = arith.index_cast %swap3A_1356 : i32 to index
        %swap3A_1358 = arith.index_cast %mul3A_1266 : i32 to index
        %swap3A_1359 = tpu.vector_load %arg10[%swap3A_1357, %swap3A_1358] {strides = array<i32>} : memref<8x2048xf32, #tpu.memory_space<vmem>>, vector<1x16xf32>,
        %swap3A_1360 = vector.shape_cast %swap3A_1359 : vector<1x16xf32> to vector<16xf32>
        %swap3A_1361 = vector.shape_cast %mul3A_1355 : vector<16xf32> to vector<1x16xf32>
        tpu.vector_store %arg10[%swap3A_1357, %swap3A_1358], %swap3A_1361 {strides = array<i32>} : memref<8x2048xf32, #tpu.memory_space<vmem>>, vector<1x16xf32>,
      }
      %scan3A_1246 = arith.constant 128 : i32
      %add3A_1247 = arith.constant 3 : i32
      %add3A_1248 = arith.addi %add3A_1158, %add3A_1247 : i32
      %mul3A_1249 = arith.constant 8 : i32
      %mul3A_1250 = arith.muli %add3A_1248, %mul3A_1249 : i32
      %dma_start3A_1251 = tpu.memref_slice %arg5[%mul3A_1250] : memref<256xi32, #tpu.memory_space<vmem>> -> memref<8xi32, #tpu.memory_space<vmem>>
      %dma_start3A_1252 = arith.constant 0 : i32
      %dma_start3A_1253 = arith.constant 0 : i32
      %dma_start3A_1254 = tpu.memref_slice %arg3[%dma_start3A_1252, %dma_start3A_1253] : memref<100000x2048xf32, #tpu.memory_space<hbm>> -> memref<100000x2048xf32, #tpu.memory_space<hbm>>
      tpu.enqueue_indirect_dma source(%dma_start3A_1254 : memref<100000x2048xf32, #tpu.memory_space<hbm>>) target(%arg6 : memref<8x2048xf32, #tpu.memory_space<vmem>>) offsets(%dma_start3A_1251 : memref<8xi32, #tpu.memory_space<vmem>>) semaphore(%arg11 : memref<!tpu.dma_semaphore, #tpu.memory_space<semaphore_mem>>)
      %mul3A_1255 = arith.constant 8 : i32
      %mul3A_1256 = arith.muli %add3A_1158, %mul3A_1255 : i32
      %add3A_1257 = arith.addi %select_n3A_32, %mul3A_1256 : i32
      %dma_start3A_1258 = arith.constant 0 : i32
      %dma_start3A_1259 = tpu.memref_slice %arg4[%select_n3A, %add3A_1257, %dma_start3A_1258] : memref<4x2048x2048xf32, #tpu.memory_space<hbm>> -> memref<1x8x2048xf32, #tpu.memory_space<hbm>>
      %dma_start3A_1260 = tpu.memref_squeeze %dma_start3A_1259 : memref<1x8x2048xf32, #tpu.memory_space<hbm>> -> memref<8x2048xf32, #tpu.memory_space<hbm>>
      %dma_start3A_1261 = arith.constant 0 : i32
      %dma_start3A_1262 = tpu.memref_slice %arg4[%select_n3A, %add3A_1257, %dma_start3A_1261] : memref<4x2048x2048xf32, #tpu.memory_space<hbm>> -> memref<1x8x2048xf32, #tpu.memory_space<hbm>>
      %dma_start3A_1263 = tpu.memref_squeeze %dma_start3A_1262 : memref<1x8x2048xf32, #tpu.memory_space<hbm>> -> memref<8x2048xf32, #tpu.memory_space<hbm>>
      tpu.enqueue_dma source(%arg10 : memref<8x2048xf32, #tpu.memory_space<vmem>>) target(%dma_start3A_1263 : memref<8x2048xf32, #tpu.memory_space<hbm>>) target_semaphore(%arg15 : memref<!tpu.dma_semaphore, #tpu.memory_space<semaphore_mem>>)
    }
    %scan3A_327 = arith.constant 4 : i32
    %dma_wait3A_328 = arith.constant 0 : i32
    %dma_wait3A_329 = tpu.memref_slice %arg5[%dma_wait3A_328] : memref<256xi32, #tpu.memory_space<vmem>> -> memref<8xi32, #tpu.memory_space<vmem>>
    %dma_wait3A_330 = arith.constant 0 : i32
    %dma_wait3A_331 = arith.constant 0 : i32
    %dma_wait3A_332 = tpu.memref_slice %arg3[%dma_wait3A_330, %dma_wait3A_331] : memref<100000x2048xf32, #tpu.memory_space<hbm>> -> memref<100000x2048xf32, #tpu.memory_space<hbm>>
    tpu.wait_indirect_dma semaphore(%arg12 : memref<!tpu.dma_semaphore, #tpu.memory_space<semaphore_mem>>) src(%dma_wait3A_332 : memref<100000x2048xf32, #tpu.memory_space<hbm>>) dst(%arg7 : memref<8x2048xf32, #tpu.memory_space<vmem>>)
    %dma_wait3A_333 = arith.constant 0 : i32
    %dma_wait3A_334 = tpu.memref_slice %arg4[%select_n3A, %select_n3A_32, %dma_wait3A_333] : memref<4x2048x2048xf32, #tpu.memory_space<hbm>> -> memref<1x8x2048xf32, #tpu.memory_space<hbm>>
    %dma_wait3A_335 = tpu.memref_squeeze %dma_wait3A_334 : memref<1x8x2048xf32, #tpu.memory_space<hbm>> -> memref<8x2048xf32, #tpu.memory_space<hbm>>
    %dma_wait3A_336 = arith.constant 0 : i32
    %dma_wait3A_337 = tpu.memref_slice %arg4[%select_n3A, %select_n3A_32, %dma_wait3A_336] : memref<4x2048x2048xf32, #tpu.memory_space<hbm>> -> memref<1x8x2048xf32, #tpu.memory_space<hbm>>
    %dma_wait3A_338 = tpu.memref_squeeze %dma_wait3A_337 : memref<1x8x2048xf32, #tpu.memory_space<hbm>> -> memref<8x2048xf32, #tpu.memory_space<hbm>>
    tpu.wait_dma2 semaphore(%arg14 : memref<!tpu.dma_semaphore, #tpu.memory_space<semaphore_mem>>) src(%arg9 : memref<8x2048xf32, #tpu.memory_space<vmem>>) dst(%dma_wait3A_338 : memref<8x2048xf32, #tpu.memory_space<hbm>>)
    %get3A_339 = arith.constant 224 : index
    %get3A_340 = tpu.vector_load %arg5[%get3A_339] {strides = array<i32>} : memref<256xi32, #tpu.memory_space<vmem>>, vector<16xi32>,
    %get3A_341 = vector.shape_cast %get3A_340 : vector<16xi32> to vector<16xi32>
    %ne3A_342 = arith.constant 0 : i32
    %ne3A_343 = vector.broadcast %ne3A_342 : i32 to vector<16xi32>
    %ne3A_344 = arith.cmpi ne, %get3A_341, %ne3A_343 : vector<16xi32>
    %jit3A_345 = arith.constant 45.2548332 : f32
    %jit3A_346 = arith.constant 0.000000e+00 : f32
    %broadcast_in_dim3A_347 = vector.broadcast %jit3A_345 : f32 to vector<16xf32>
    %broadcast_in_dim3A_348 = vector.broadcast %jit3A_346 : f32 to vector<16xf32>
    %select_n3A_349 = arith.select %ne3A_344, %broadcast_in_dim3A_347, %broadcast_in_dim3A_348 : vector<16xi1>, vector<16xf32>
    %broadcast_in_dim3A_350 = arith.constant 0 : i32
    %broadcast_in_dim3A_351 = vector.broadcast %broadcast_in_dim3A_350 : i32 to vector<16x1xi32>
    %gather3A_352 = vector.shape_cast %broadcast_in_dim3A_351 : vector<16x1xi32> to vector<16xi32>
    %gather3A_353 = tpu.dynamic_gather %select_n3A_349[%gather3A_352] in [0] : vector<16xf32>, vector<16xi32> -> vector<16xf32>
    %broadcast_in_dim3A_354 = arith.constant 1 : i32
    %broadcast_in_dim3A_355 = vector.broadcast %broadcast_in_dim3A_354 : i32 to vector<16x1xi32>
    %gather3A_356 = vector.shape_cast %broadcast_in_dim3A_355 : vector<16x1xi32> to vector<16xi32>
    %gather3A_357 = tpu.dynamic_gather %select_n3A_349[%gather3A_356] in [0] : vector<16xf32>, vector<16xi32> -> vector<16xf32>
    %broadcast_in_dim3A_358 = arith.constant 2 : i32
    %broadcast_in_dim3A_359 = vector.broadcast %broadcast_in_dim3A_358 : i32 to vector<16x1xi32>
    %gather3A_360 = vector.shape_cast %broadcast_in_dim3A_359 : vector<16x1xi32> to vector<16xi32>
    %gather3A_361 = tpu.dynamic_gather %select_n3A_349[%gather3A_360] in [0] : vector<16xf32>, vector<16xi32> -> vector<16xf32>
    %broadcast_in_dim3A_362 = arith.constant 3 : i32
    %broadcast_in_dim3A_363 = vector.broadcast %broadcast_in_dim3A_362 : i32 to vector<16x1xi32>
    %gather3A_364 = vector.shape_cast %broadcast_in_dim3A_363 : vector<16x1xi32> to vector<16xi32>
    %gather3A_365 = tpu.dynamic_gather %select_n3A_349[%gather3A_364] in [0] : vector<16xf32>, vector<16xi32> -> vector<16xf32>
    %broadcast_in_dim3A_366 = arith.constant 4 : i32
    %broadcast_in_dim3A_367 = vector.broadcast %broadcast_in_dim3A_366 : i32 to vector<16x1xi32>
    %gather3A_368 = vector.shape_cast %broadcast_in_dim3A_367 : vector<16x1xi32> to vector<16xi32>
    %gather3A_369 = tpu.dynamic_gather %select_n3A_349[%gather3A_368] in [0] : vector<16xf32>, vector<16xi32> -> vector<16xf32>
    %broadcast_in_dim3A_370 = arith.constant 5 : i32
    %broadcast_in_dim3A_371 = vector.broadcast %broadcast_in_dim3A_370 : i32 to vector<16x1xi32>
    %gather3A_372 = vector.shape_cast %broadcast_in_dim3A_371 : vector<16x1xi32> to vector<16xi32>
    %gather3A_373 = tpu.dynamic_gather %select_n3A_349[%gather3A_372] in [0] : vector<16xf32>, vector<16xi32> -> vector<16xf32>
    %broadcast_in_dim3A_374 = arith.constant 6 : i32
    %broadcast_in_dim3A_375 = vector.broadcast %broadcast_in_dim3A_374 : i32 to vector<16x1xi32>
    %gather3A_376 = vector.shape_cast %broadcast_in_dim3A_375 : vector<16x1xi32> to vector<16xi32>
    %gather3A_377 = tpu.dynamic_gather %select_n3A_349[%gather3A_376] in [0] : vector<16xf32>, vector<16xi32> -> vector<16xf32>
    %broadcast_in_dim3A_378 = arith.constant 7 : i32
    %broadcast_in_dim3A_379 = vector.broadcast %broadcast_in_dim3A_378 : i32 to vector<16x1xi32>
    %gather3A_380 = vector.shape_cast %broadcast_in_dim3A_379 : vector<16x1xi32> to vector<16xi32>
    %gather3A_381 = tpu.dynamic_gather %select_n3A_349[%gather3A_380] in [0] : vector<16xf32>, vector<16xi32> -> vector<16xf32>
    %scan3A_382 = arith.constant 0 : i32
    %scan3A_383 = arith.constant 0 : i32
    %scan3A_384 = arith.constant 128 : i32
    %scan3A_385 = arith.addi %scan3A_383, %scan3A_384 : i32
    %scan3A_386 = arith.constant 1 : i32
    scf.for %scan3A_617 = %scan3A_383 to %scan3A_385 step %scan3A_386  : i32 {
      %mul3A_618 = arith.constant 16 : i32
      %mul3A_619 = arith.muli %scan3A_617, %mul3A_618 : i32
      %get3A_620 = arith.constant 0 : i32
      %get3A_621 = arith.index_cast %get3A_620 : i32 to index
      %get3A_622 = arith.index_cast %mul3A_619 : i32 to index
      %get3A_623 = tpu.vector_load %arg7[%get3A_621, %get3A_622] {strides = array<i32>} : memref<8x2048xf32, #tpu.memory_space<vmem>>, vector<1x16xf32>,
      %get3A_624 = vector.shape_cast %get3A_623 : vector<1x16xf32> to vector<16xf32>
      %mul3A_625 = arith.mulf %get3A_624, %gather3A_353 : vector<16xf32>
      %swap3A = arith.constant 0 : i32
      %swap3A_626 = arith.index_cast %swap3A : i32 to index
      %swap3A_627 = arith.index_cast %mul3A_619 : i32 to index
      %swap3A_628 = tpu.vector_load %arg9[%swap3A_626, %swap3A_627] {strides = array<i32>} : memref<8x2048xf32, #tpu.memory_space<vmem>>, vector<1x16xf32>,
      %swap3A_629 = vector.shape_cast %swap3A_628 : vector<1x16xf32> to vector<16xf32>
      %swap3A_630 = vector.shape_cast %mul3A_625 : vector<16xf32> to vector<1x16xf32>
      tpu.vector_store %arg9[%swap3A_626, %swap3A_627], %swap3A_630 {strides = array<i32>} : memref<8x2048xf32, #tpu.memory_space<vmem>>, vector<1x16xf32>,
      %get3A_631 = arith.constant 1 : i32
      %get3A_632 = arith.index_cast %get3A_631 : i32 to index
      %get3A_633 = arith.index_cast %mul3A_619 : i32 to index
      %get3A_634 = tpu.vector_load %arg7[%get3A_632, %get3A_633] {strides = array<i32>} : memref<8x2048xf32, #tpu.memory_space<vmem>>, vector<1x16xf32>,
      %get3A_635 = vector.shape_cast %get3A_634 : vector<1x16xf32> to vector<16xf32>
      %mul3A_636 = arith.mulf %get3A_635, %gather3A_357 : vector<16xf32>
      %swap3A_637 = arith.constant 1 : i32
      %swap3A_638 = arith.index_cast %swap3A_637 : i32 to index
      %swap3A_639 = arith.index_cast %mul3A_619 : i32 to index
      %swap3A_640 = tpu.vector_load %arg9[%swap3A_638, %swap3A_639] {strides = array<i32>} : memref<8x2048xf32, #tpu.memory_space<vmem>>, vector<1x16xf32>,
      %swap3A_641 = vector.shape_cast %swap3A_640 : vector<1x16xf32> to vector<16xf32>
      %swap3A_642 = vector.shape_cast %mul3A_636 : vector<16xf32> to vector<1x16xf32>
      tpu.vector_store %arg9[%swap3A_638, %swap3A_639], %swap3A_642 {strides = array<i32>} : memref<8x2048xf32, #tpu.memory_space<vmem>>, vector<1x16xf32>,
      %get3A_643 = arith.constant 2 : i32
      %get3A_644 = arith.index_cast %get3A_643 : i32 to index
      %get3A_645 = arith.index_cast %mul3A_619 : i32 to index
      %get3A_646 = tpu.vector_load %arg7[%get3A_644, %get3A_645] {strides = array<i32>} : memref<8x2048xf32, #tpu.memory_space<vmem>>, vector<1x16xf32>,
      %get3A_647 = vector.shape_cast %get3A_646 : vector<1x16xf32> to vector<16xf32>
      %mul3A_648 = arith.mulf %get3A_647, %gather3A_361 : vector<16xf32>
      %swap3A_649 = arith.constant 2 : i32
      %swap3A_650 = arith.index_cast %swap3A_649 : i32 to index
      %swap3A_651 = arith.index_cast %mul3A_619 : i32 to index
      %swap3A_652 = tpu.vector_load %arg9[%swap3A_650, %swap3A_651] {strides = array<i32>} : memref<8x2048xf32, #tpu.memory_space<vmem>>, vector<1x16xf32>,
      %swap3A_653 = vector.shape_cast %swap3A_652 : vector<1x16xf32> to vector<16xf32>
      %swap3A_654 = vector.shape_cast %mul3A_648 : vector<16xf32> to vector<1x16xf32>
      tpu.vector_store %arg9[%swap3A_650, %swap3A_651], %swap3A_654 {strides = array<i32>} : memref<8x2048xf32, #tpu.memory_space<vmem>>, vector<1x16xf32>,
      %get3A_655 = arith.constant 3 : i32
      %get3A_656 = arith.index_cast %get3A_655 : i32 to index
      %get3A_657 = arith.index_cast %mul3A_619 : i32 to index
      %get3A_658 = tpu.vector_load %arg7[%get3A_656, %get3A_657] {strides = array<i32>} : memref<8x2048xf32, #tpu.memory_space<vmem>>, vector<1x16xf32>,
      %get3A_659 = vector.shape_cast %get3A_658 : vector<1x16xf32> to vector<16xf32>
      %mul3A_660 = arith.mulf %get3A_659, %gather3A_365 : vector<16xf32>
      %swap3A_661 = arith.constant 3 : i32
      %swap3A_662 = arith.index_cast %swap3A_661 : i32 to index
      %swap3A_663 = arith.index_cast %mul3A_619 : i32 to index
      %swap3A_664 = tpu.vector_load %arg9[%swap3A_662, %swap3A_663] {strides = array<i32>} : memref<8x2048xf32, #tpu.memory_space<vmem>>, vector<1x16xf32>,
      %swap3A_665 = vector.shape_cast %swap3A_664 : vector<1x16xf32> to vector<16xf32>
      %swap3A_666 = vector.shape_cast %mul3A_660 : vector<16xf32> to vector<1x16xf32>
      tpu.vector_store %arg9[%swap3A_662, %swap3A_663], %swap3A_666 {strides = array<i32>} : memref<8x2048xf32, #tpu.memory_space<vmem>>, vector<1x16xf32>,
      %get3A_667 = arith.constant 4 : i32
      %get3A_668 = arith.index_cast %get3A_667 : i32 to index
      %get3A_669 = arith.index_cast %mul3A_619 : i32 to index
      %get3A_670 = tpu.vector_load %arg7[%get3A_668, %get3A_669] {strides = array<i32>} : memref<8x2048xf32, #tpu.memory_space<vmem>>, vector<1x16xf32>,
      %get3A_671 = vector.shape_cast %get3A_670 : vector<1x16xf32> to vector<16xf32>
      %mul3A_672 = arith.mulf %get3A_671, %gather3A_369 : vector<16xf32>
      %swap3A_673 = arith.constant 4 : i32
      %swap3A_674 = arith.index_cast %swap3A_673 : i32 to index
      %swap3A_675 = arith.index_cast %mul3A_619 : i32 to index
      %swap3A_676 = tpu.vector_load %arg9[%swap3A_674, %swap3A_675] {strides = array<i32>} : memref<8x2048xf32, #tpu.memory_space<vmem>>, vector<1x16xf32>,
      %swap3A_677 = vector.shape_cast %swap3A_676 : vector<1x16xf32> to vector<16xf32>
      %swap3A_678 = vector.shape_cast %mul3A_672 : vector<16xf32> to vector<1x16xf32>
      tpu.vector_store %arg9[%swap3A_674, %swap3A_675], %swap3A_678 {strides = array<i32>} : memref<8x2048xf32, #tpu.memory_space<vmem>>, vector<1x16xf32>,
      %get3A_679 = arith.constant 5 : i32
      %get3A_680 = arith.index_cast %get3A_679 : i32 to index
      %get3A_681 = arith.index_cast %mul3A_619 : i32 to index
      %get3A_682 = tpu.vector_load %arg7[%get3A_680, %get3A_681] {strides = array<i32>} : memref<8x2048xf32, #tpu.memory_space<vmem>>, vector<1x16xf32>,
      %get3A_683 = vector.shape_cast %get3A_682 : vector<1x16xf32> to vector<16xf32>
      %mul3A_684 = arith.mulf %get3A_683, %gather3A_373 : vector<16xf32>
      %swap3A_685 = arith.constant 5 : i32
      %swap3A_686 = arith.index_cast %swap3A_685 : i32 to index
      %swap3A_687 = arith.index_cast %mul3A_619 : i32 to index
      %swap3A_688 = tpu.vector_load %arg9[%swap3A_686, %swap3A_687] {strides = array<i32>} : memref<8x2048xf32, #tpu.memory_space<vmem>>, vector<1x16xf32>,
      %swap3A_689 = vector.shape_cast %swap3A_688 : vector<1x16xf32> to vector<16xf32>
      %swap3A_690 = vector.shape_cast %mul3A_684 : vector<16xf32> to vector<1x16xf32>
      tpu.vector_store %arg9[%swap3A_686, %swap3A_687], %swap3A_690 {strides = array<i32>} : memref<8x2048xf32, #tpu.memory_space<vmem>>, vector<1x16xf32>,
      %get3A_691 = arith.constant 6 : i32
      %get3A_692 = arith.index_cast %get3A_691 : i32 to index
      %get3A_693 = arith.index_cast %mul3A_619 : i32 to index
      %get3A_694 = tpu.vector_load %arg7[%get3A_692, %get3A_693] {strides = array<i32>} : memref<8x2048xf32, #tpu.memory_space<vmem>>, vector<1x16xf32>,
      %get3A_695 = vector.shape_cast %get3A_694 : vector<1x16xf32> to vector<16xf32>
      %mul3A_696 = arith.mulf %get3A_695, %gather3A_377 : vector<16xf32>
      %swap3A_697 = arith.constant 6 : i32
      %swap3A_698 = arith.index_cast %swap3A_697 : i32 to index
      %swap3A_699 = arith.index_cast %mul3A_619 : i32 to index
      %swap3A_700 = tpu.vector_load %arg9[%swap3A_698, %swap3A_699] {strides = array<i32>} : memref<8x2048xf32, #tpu.memory_space<vmem>>, vector<1x16xf32>,
      %swap3A_701 = vector.shape_cast %swap3A_700 : vector<1x16xf32> to vector<16xf32>
      %swap3A_702 = vector.shape_cast %mul3A_696 : vector<16xf32> to vector<1x16xf32>
      tpu.vector_store %arg9[%swap3A_698, %swap3A_699], %swap3A_702 {strides = array<i32>} : memref<8x2048xf32, #tpu.memory_space<vmem>>, vector<1x16xf32>,
      %get3A_703 = arith.constant 7 : i32
      %get3A_704 = arith.index_cast %get3A_703 : i32 to index
      %get3A_705 = arith.index_cast %mul3A_619 : i32 to index
      %get3A_706 = tpu.vector_load %arg7[%get3A_704, %get3A_705] {strides = array<i32>} : memref<8x2048xf32, #tpu.memory_space<vmem>>, vector<1x16xf32>,
      %get3A_707 = vector.shape_cast %get3A_706 : vector<1x16xf32> to vector<16xf32>
      %mul3A_708 = arith.mulf %get3A_707, %gather3A_381 : vector<16xf32>
      %swap3A_709 = arith.constant 7 : i32
      %swap3A_710 = arith.index_cast %swap3A_709 : i32 to index
      %swap3A_711 = arith.index_cast %mul3A_619 : i32 to index
      %swap3A_712 = tpu.vector_load %arg9[%swap3A_710, %swap3A_711] {strides = array<i32>} : memref<8x2048xf32, #tpu.memory_space<vmem>>, vector<1x16xf32>,
      %swap3A_713 = vector.shape_cast %swap3A_712 : vector<1x16xf32> to vector<16xf32>
      %swap3A_714 = vector.shape_cast %mul3A_708 : vector<16xf32> to vector<1x16xf32>
      tpu.vector_store %arg9[%swap3A_710, %swap3A_711], %swap3A_714 {strides = array<i32>} : memref<8x2048xf32, #tpu.memory_space<vmem>>, vector<1x16xf32>,
    }
    %scan3A_387 = arith.constant 128 : i32
    %dma_start3A_388 = arith.constant 248 : i32
    %dma_start3A_389 = tpu.memref_slice %arg5[%dma_start3A_388] : memref<256xi32, #tpu.memory_space<vmem>> -> memref<8xi32, #tpu.memory_space<vmem>>
    %dma_start3A_390 = arith.constant 0 : i32
    %dma_start3A_391 = arith.constant 0 : i32
    %dma_start3A_392 = tpu.memref_slice %arg3[%dma_start3A_390, %dma_start3A_391] : memref<100000x2048xf32, #tpu.memory_space<hbm>> -> memref<100000x2048xf32, #tpu.memory_space<hbm>>
    tpu.enqueue_indirect_dma source(%dma_start3A_392 : memref<100000x2048xf32, #tpu.memory_space<hbm>>) target(%arg7 : memref<8x2048xf32, #tpu.memory_space<vmem>>) offsets(%dma_start3A_389 : memref<8xi32, #tpu.memory_space<vmem>>) semaphore(%arg12 : memref<!tpu.dma_semaphore, #tpu.memory_space<semaphore_mem>>)
    %add3A_393 = arith.constant 224 : i32
    %add3A_394 = arith.addi %select_n3A_32, %add3A_393 : i32
    %dma_start3A_395 = arith.constant 0 : i32
    %dma_start3A_396 = tpu.memref_slice %arg4[%select_n3A, %add3A_394, %dma_start3A_395] : memref<4x2048x2048xf32, #tpu.memory_space<hbm>> -> memref<1x8x2048xf32, #tpu.memory_space<hbm>>
    %dma_start3A_397 = tpu.memref_squeeze %dma_start3A_396 : memref<1x8x2048xf32, #tpu.memory_space<hbm>> -> memref<8x2048xf32, #tpu.memory_space<hbm>>
    %dma_start3A_398 = arith.constant 0 : i32
    %dma_start3A_399 = tpu.memref_slice %arg4[%select_n3A, %add3A_394, %dma_start3A_398] : memref<4x2048x2048xf32, #tpu.memory_space<hbm>> -> memref<1x8x2048xf32, #tpu.memory_space<hbm>>
    %dma_start3A_400 = tpu.memref_squeeze %dma_start3A_399 : memref<1x8x2048xf32, #tpu.memory_space<hbm>> -> memref<8x2048xf32, #tpu.memory_space<hbm>>
    tpu.enqueue_dma source(%arg9 : memref<8x2048xf32, #tpu.memory_space<vmem>>) target(%dma_start3A_400 : memref<8x2048xf32, #tpu.memory_space<hbm>>) target_semaphore(%arg14 : memref<!tpu.dma_semaphore, #tpu.memory_space<semaphore_mem>>)
    %dma_wait3A_401 = arith.constant 0 : i32
    %dma_wait3A_402 = tpu.memref_slice %arg5[%dma_wait3A_401] : memref<256xi32, #tpu.memory_space<vmem>> -> memref<8xi32, #tpu.memory_space<vmem>>
    %dma_wait3A_403 = arith.constant 0 : i32
    %dma_wait3A_404 = arith.constant 0 : i32
    %dma_wait3A_405 = tpu.memref_slice %arg3[%dma_wait3A_403, %dma_wait3A_404] : memref<100000x2048xf32, #tpu.memory_space<hbm>> -> memref<100000x2048xf32, #tpu.memory_space<hbm>>
    tpu.wait_indirect_dma semaphore(%arg13 : memref<!tpu.dma_semaphore, #tpu.memory_space<semaphore_mem>>) src(%dma_wait3A_405 : memref<100000x2048xf32, #tpu.memory_space<hbm>>) dst(%arg8 : memref<8x2048xf32, #tpu.memory_space<vmem>>)
    %dma_wait3A_406 = arith.constant 0 : i32
    %dma_wait3A_407 = tpu.memref_slice %arg4[%select_n3A, %select_n3A_32, %dma_wait3A_406] : memref<4x2048x2048xf32, #tpu.memory_space<hbm>> -> memref<1x8x2048xf32, #tpu.memory_space<hbm>>
    %dma_wait3A_408 = tpu.memref_squeeze %dma_wait3A_407 : memref<1x8x2048xf32, #tpu.memory_space<hbm>> -> memref<8x2048xf32, #tpu.memory_space<hbm>>
    %dma_wait3A_409 = arith.constant 0 : i32
    %dma_wait3A_410 = tpu.memref_slice %arg4[%select_n3A, %select_n3A_32, %dma_wait3A_409] : memref<4x2048x2048xf32, #tpu.memory_space<hbm>> -> memref<1x8x2048xf32, #tpu.memory_space<hbm>>
    %dma_wait3A_411 = tpu.memref_squeeze %dma_wait3A_410 : memref<1x8x2048xf32, #tpu.memory_space<hbm>> -> memref<8x2048xf32, #tpu.memory_space<hbm>>
    tpu.wait_dma2 semaphore(%arg15 : memref<!tpu.dma_semaphore, #tpu.memory_space<semaphore_mem>>) src(%arg10 : memref<8x2048xf32, #tpu.memory_space<vmem>>) dst(%dma_wait3A_411 : memref<8x2048xf32, #tpu.memory_space<hbm>>)
    %get3A_412 = arith.constant 224 : index
    %get3A_413 = tpu.vector_load %arg5[%get3A_412] {strides = array<i32>} : memref<256xi32, #tpu.memory_space<vmem>>, vector<16xi32>,
    %get3A_414 = vector.shape_cast %get3A_413 : vector<16xi32> to vector<16xi32>
    %ne3A_415 = arith.constant 0 : i32
    %ne3A_416 = vector.broadcast %ne3A_415 : i32 to vector<16xi32>
    %ne3A_417 = arith.cmpi ne, %get3A_414, %ne3A_416 : vector<16xi32>
    %jit3A_418 = arith.constant 45.2548332 : f32
    %jit3A_419 = arith.constant 0.000000e+00 : f32
    %broadcast_in_dim3A_420 = vector.broadcast %jit3A_418 : f32 to vector<16xf32>
    %broadcast_in_dim3A_421 = vector.broadcast %jit3A_419 : f32 to vector<16xf32>
    %select_n3A_422 = arith.select %ne3A_417, %broadcast_in_dim3A_420, %broadcast_in_dim3A_421 : vector<16xi1>, vector<16xf32>
    %broadcast_in_dim3A_423 = arith.constant 8 : i32
    %broadcast_in_dim3A_424 = vector.broadcast %broadcast_in_dim3A_423 : i32 to vector<16x1xi32>
    %gather3A_425 = vector.shape_cast %broadcast_in_dim3A_424 : vector<16x1xi32> to vector<16xi32>
    %gather3A_426 = tpu.dynamic_gather %select_n3A_422[%gather3A_425] in [0] : vector<16xf32>, vector<16xi32> -> vector<16xf32>
    %broadcast_in_dim3A_427 = arith.constant 9 : i32
    %broadcast_in_dim3A_428 = vector.broadcast %broadcast_in_dim3A_427 : i32 to vector<16x1xi32>
    %gather3A_429 = vector.shape_cast %broadcast_in_dim3A_428 : vector<16x1xi32> to vector<16xi32>
    %gather3A_430 = tpu.dynamic_gather %select_n3A_422[%gather3A_429] in [0] : vector<16xf32>, vector<16xi32> -> vector<16xf32>
    %broadcast_in_dim3A_431 = arith.constant 10 : i32
    %broadcast_in_dim3A_432 = vector.broadcast %broadcast_in_dim3A_431 : i32 to vector<16x1xi32>
    %gather3A_433 = vector.shape_cast %broadcast_in_dim3A_432 : vector<16x1xi32> to vector<16xi32>
    %gather3A_434 = tpu.dynamic_gather %select_n3A_422[%gather3A_433] in [0] : vector<16xf32>, vector<16xi32> -> vector<16xf32>
    %broadcast_in_dim3A_435 = arith.constant 11 : i32
    %broadcast_in_dim3A_436 = vector.broadcast %broadcast_in_dim3A_435 : i32 to vector<16x1xi32>
    %gather3A_437 = vector.shape_cast %broadcast_in_dim3A_436 : vector<16x1xi32> to vector<16xi32>
    %gather3A_438 = tpu.dynamic_gather %select_n3A_422[%gather3A_437] in [0] : vector<16xf32>, vector<16xi32> -> vector<16xf32>
    %broadcast_in_dim3A_439 = arith.constant 12 : i32
    %broadcast_in_dim3A_440 = vector.broadcast %broadcast_in_dim3A_439 : i32 to vector<16x1xi32>
    %gather3A_441 = vector.shape_cast %broadcast_in_dim3A_440 : vector<16x1xi32> to vector<16xi32>
    %gather3A_442 = tpu.dynamic_gather %select_n3A_422[%gather3A_441] in [0] : vector<16xf32>, vector<16xi32> -> vector<16xf32>
    %broadcast_in_dim3A_443 = arith.constant 13 : i32
    %broadcast_in_dim3A_444 = vector.broadcast %broadcast_in_dim3A_443 : i32 to vector<16x1xi32>
    %gather3A_445 = vector.shape_cast %broadcast_in_dim3A_444 : vector<16x1xi32> to vector<16xi32>
    %gather3A_446 = tpu.dynamic_gather %select_n3A_422[%gather3A_445] in [0] : vector<16xf32>, vector<16xi32> -> vector<16xf32>
    %broadcast_in_dim3A_447 = arith.constant 14 : i32
    %broadcast_in_dim3A_448 = vector.broadcast %broadcast_in_dim3A_447 : i32 to vector<16x1xi32>
    %gather3A_449 = vector.shape_cast %broadcast_in_dim3A_448 : vector<16x1xi32> to vector<16xi32>
    %gather3A_450 = tpu.dynamic_gather %select_n3A_422[%gather3A_449] in [0] : vector<16xf32>, vector<16xi32> -> vector<16xf32>
    %broadcast_in_dim3A_451 = arith.constant 15 : i32
    %broadcast_in_dim3A_452 = vector.broadcast %broadcast_in_dim3A_451 : i32 to vector<16x1xi32>
    %gather3A_453 = vector.shape_cast %broadcast_in_dim3A_452 : vector<16x1xi32> to vector<16xi32>
    %gather3A_454 = tpu.dynamic_gather %select_n3A_422[%gather3A_453] in [0] : vector<16xf32>, vector<16xi32> -> vector<16xf32>
    %scan3A_455 = arith.constant 0 : i32
    %scan3A_456 = arith.constant 0 : i32
    %scan3A_457 = arith.constant 128 : i32
    %scan3A_458 = arith.addi %scan3A_456, %scan3A_457 : i32
    %scan3A_459 = arith.constant 1 : i32
    scf.for %scan3A_617 = %scan3A_456 to %scan3A_458 step %scan3A_459  : i32 {
      %mul3A_618 = arith.constant 16 : i32
      %mul3A_619 = arith.muli %scan3A_617, %mul3A_618 : i32
      %get3A_620 = arith.constant 0 : i32
      %get3A_621 = arith.index_cast %get3A_620 : i32 to index
      %get3A_622 = arith.index_cast %mul3A_619 : i32 to index
      %get3A_623 = tpu.vector_load %arg8[%get3A_621, %get3A_622] {strides = array<i32>} : memref<8x2048xf32, #tpu.memory_space<vmem>>, vector<1x16xf32>,
      %get3A_624 = vector.shape_cast %get3A_623 : vector<1x16xf32> to vector<16xf32>
      %mul3A_625 = arith.mulf %get3A_624, %gather3A_426 : vector<16xf32>
      %swap3A = arith.constant 0 : i32
      %swap3A_626 = arith.index_cast %swap3A : i32 to index
      %swap3A_627 = arith.index_cast %mul3A_619 : i32 to index
      %swap3A_628 = tpu.vector_load %arg10[%swap3A_626, %swap3A_627] {strides = array<i32>} : memref<8x2048xf32, #tpu.memory_space<vmem>>, vector<1x16xf32>,
      %swap3A_629 = vector.shape_cast %swap3A_628 : vector<1x16xf32> to vector<16xf32>
      %swap3A_630 = vector.shape_cast %mul3A_625 : vector<16xf32> to vector<1x16xf32>
      tpu.vector_store %arg10[%swap3A_626, %swap3A_627], %swap3A_630 {strides = array<i32>} : memref<8x2048xf32, #tpu.memory_space<vmem>>, vector<1x16xf32>,
      %get3A_631 = arith.constant 1 : i32
      %get3A_632 = arith.index_cast %get3A_631 : i32 to index
      %get3A_633 = arith.index_cast %mul3A_619 : i32 to index
      %get3A_634 = tpu.vector_load %arg8[%get3A_632, %get3A_633] {strides = array<i32>} : memref<8x2048xf32, #tpu.memory_space<vmem>>, vector<1x16xf32>,
      %get3A_635 = vector.shape_cast %get3A_634 : vector<1x16xf32> to vector<16xf32>
      %mul3A_636 = arith.mulf %get3A_635, %gather3A_430 : vector<16xf32>
      %swap3A_637 = arith.constant 1 : i32
      %swap3A_638 = arith.index_cast %swap3A_637 : i32 to index
      %swap3A_639 = arith.index_cast %mul3A_619 : i32 to index
      %swap3A_640 = tpu.vector_load %arg10[%swap3A_638, %swap3A_639] {strides = array<i32>} : memref<8x2048xf32, #tpu.memory_space<vmem>>, vector<1x16xf32>,
      %swap3A_641 = vector.shape_cast %swap3A_640 : vector<1x16xf32> to vector<16xf32>
      %swap3A_642 = vector.shape_cast %mul3A_636 : vector<16xf32> to vector<1x16xf32>
      tpu.vector_store %arg10[%swap3A_638, %swap3A_639], %swap3A_642 {strides = array<i32>} : memref<8x2048xf32, #tpu.memory_space<vmem>>, vector<1x16xf32>,
      %get3A_643 = arith.constant 2 : i32
      %get3A_644 = arith.index_cast %get3A_643 : i32 to index
      %get3A_645 = arith.index_cast %mul3A_619 : i32 to index
      %get3A_646 = tpu.vector_load %arg8[%get3A_644, %get3A_645] {strides = array<i32>} : memref<8x2048xf32, #tpu.memory_space<vmem>>, vector<1x16xf32>,
      %get3A_647 = vector.shape_cast %get3A_646 : vector<1x16xf32> to vector<16xf32>
      %mul3A_648 = arith.mulf %get3A_647, %gather3A_434 : vector<16xf32>
      %swap3A_649 = arith.constant 2 : i32
      %swap3A_650 = arith.index_cast %swap3A_649 : i32 to index
      %swap3A_651 = arith.index_cast %mul3A_619 : i32 to index
      %swap3A_652 = tpu.vector_load %arg10[%swap3A_650, %swap3A_651] {strides = array<i32>} : memref<8x2048xf32, #tpu.memory_space<vmem>>, vector<1x16xf32>,
      %swap3A_653 = vector.shape_cast %swap3A_652 : vector<1x16xf32> to vector<16xf32>
      %swap3A_654 = vector.shape_cast %mul3A_648 : vector<16xf32> to vector<1x16xf32>
      tpu.vector_store %arg10[%swap3A_650, %swap3A_651], %swap3A_654 {strides = array<i32>} : memref<8x2048xf32, #tpu.memory_space<vmem>>, vector<1x16xf32>,
      %get3A_655 = arith.constant 3 : i32
      %get3A_656 = arith.index_cast %get3A_655 : i32 to index
      %get3A_657 = arith.index_cast %mul3A_619 : i32 to index
      %get3A_658 = tpu.vector_load %arg8[%get3A_656, %get3A_657] {strides = array<i32>} : memref<8x2048xf32, #tpu.memory_space<vmem>>, vector<1x16xf32>,
      %get3A_659 = vector.shape_cast %get3A_658 : vector<1x16xf32> to vector<16xf32>
      %mul3A_660 = arith.mulf %get3A_659, %gather3A_438 : vector<16xf32>
      %swap3A_661 = arith.constant 3 : i32
      %swap3A_662 = arith.index_cast %swap3A_661 : i32 to index
      %swap3A_663 = arith.index_cast %mul3A_619 : i32 to index
      %swap3A_664 = tpu.vector_load %arg10[%swap3A_662, %swap3A_663] {strides = array<i32>} : memref<8x2048xf32, #tpu.memory_space<vmem>>, vector<1x16xf32>,
      %swap3A_665 = vector.shape_cast %swap3A_664 : vector<1x16xf32> to vector<16xf32>
      %swap3A_666 = vector.shape_cast %mul3A_660 : vector<16xf32> to vector<1x16xf32>
      tpu.vector_store %arg10[%swap3A_662, %swap3A_663], %swap3A_666 {strides = array<i32>} : memref<8x2048xf32, #tpu.memory_space<vmem>>, vector<1x16xf32>,
      %get3A_667 = arith.constant 4 : i32
      %get3A_668 = arith.index_cast %get3A_667 : i32 to index
      %get3A_669 = arith.index_cast %mul3A_619 : i32 to index
      %get3A_670 = tpu.vector_load %arg8[%get3A_668, %get3A_669] {strides = array<i32>} : memref<8x2048xf32, #tpu.memory_space<vmem>>, vector<1x16xf32>,
      %get3A_671 = vector.shape_cast %get3A_670 : vector<1x16xf32> to vector<16xf32>
      %mul3A_672 = arith.mulf %get3A_671, %gather3A_442 : vector<16xf32>
      %swap3A_673 = arith.constant 4 : i32
      %swap3A_674 = arith.index_cast %swap3A_673 : i32 to index
      %swap3A_675 = arith.index_cast %mul3A_619 : i32 to index
      %swap3A_676 = tpu.vector_load %arg10[%swap3A_674, %swap3A_675] {strides = array<i32>} : memref<8x2048xf32, #tpu.memory_space<vmem>>, vector<1x16xf32>,
      %swap3A_677 = vector.shape_cast %swap3A_676 : vector<1x16xf32> to vector<16xf32>
      %swap3A_678 = vector.shape_cast %mul3A_672 : vector<16xf32> to vector<1x16xf32>
      tpu.vector_store %arg10[%swap3A_674, %swap3A_675], %swap3A_678 {strides = array<i32>} : memref<8x2048xf32, #tpu.memory_space<vmem>>, vector<1x16xf32>,
      %get3A_679 = arith.constant 5 : i32
      %get3A_680 = arith.index_cast %get3A_679 : i32 to index
      %get3A_681 = arith.index_cast %mul3A_619 : i32 to index
      %get3A_682 = tpu.vector_load %arg8[%get3A_680, %get3A_681] {strides = array<i32>} : memref<8x2048xf32, #tpu.memory_space<vmem>>, vector<1x16xf32>,
      %get3A_683 = vector.shape_cast %get3A_682 : vector<1x16xf32> to vector<16xf32>
      %mul3A_684 = arith.mulf %get3A_683, %gather3A_446 : vector<16xf32>
      %swap3A_685 = arith.constant 5 : i32
      %swap3A_686 = arith.index_cast %swap3A_685 : i32 to index
      %swap3A_687 = arith.index_cast %mul3A_619 : i32 to index
      %swap3A_688 = tpu.vector_load %arg10[%swap3A_686, %swap3A_687] {strides = array<i32>} : memref<8x2048xf32, #tpu.memory_space<vmem>>, vector<1x16xf32>,
      %swap3A_689 = vector.shape_cast %swap3A_688 : vector<1x16xf32> to vector<16xf32>
      %swap3A_690 = vector.shape_cast %mul3A_684 : vector<16xf32> to vector<1x16xf32>
      tpu.vector_store %arg10[%swap3A_686, %swap3A_687], %swap3A_690 {strides = array<i32>} : memref<8x2048xf32, #tpu.memory_space<vmem>>, vector<1x16xf32>,
      %get3A_691 = arith.constant 6 : i32
      %get3A_692 = arith.index_cast %get3A_691 : i32 to index
      %get3A_693 = arith.index_cast %mul3A_619 : i32 to index
      %get3A_694 = tpu.vector_load %arg8[%get3A_692, %get3A_693] {strides = array<i32>} : memref<8x2048xf32, #tpu.memory_space<vmem>>, vector<1x16xf32>,
      %get3A_695 = vector.shape_cast %get3A_694 : vector<1x16xf32> to vector<16xf32>
      %mul3A_696 = arith.mulf %get3A_695, %gather3A_450 : vector<16xf32>
      %swap3A_697 = arith.constant 6 : i32
      %swap3A_698 = arith.index_cast %swap3A_697 : i32 to index
      %swap3A_699 = arith.index_cast %mul3A_619 : i32 to index
      %swap3A_700 = tpu.vector_load %arg10[%swap3A_698, %swap3A_699] {strides = array<i32>} : memref<8x2048xf32, #tpu.memory_space<vmem>>, vector<1x16xf32>,
      %swap3A_701 = vector.shape_cast %swap3A_700 : vector<1x16xf32> to vector<16xf32>
      %swap3A_702 = vector.shape_cast %mul3A_696 : vector<16xf32> to vector<1x16xf32>
      tpu.vector_store %arg10[%swap3A_698, %swap3A_699], %swap3A_702 {strides = array<i32>} : memref<8x2048xf32, #tpu.memory_space<vmem>>, vector<1x16xf32>,
      %get3A_703 = arith.constant 7 : i32
      %get3A_704 = arith.index_cast %get3A_703 : i32 to index
      %get3A_705 = arith.index_cast %mul3A_619 : i32 to index
      %get3A_706 = tpu.vector_load %arg8[%get3A_704, %get3A_705] {strides = array<i32>} : memref<8x2048xf32, #tpu.memory_space<vmem>>, vector<1x16xf32>,
      %get3A_707 = vector.shape_cast %get3A_706 : vector<1x16xf32> to vector<16xf32>
      %mul3A_708 = arith.mulf %get3A_707, %gather3A_454 : vector<16xf32>
      %swap3A_709 = arith.constant 7 : i32
      %swap3A_710 = arith.index_cast %swap3A_709 : i32 to index
      %swap3A_711 = arith.index_cast %mul3A_619 : i32 to index
      %swap3A_712 = tpu.vector_load %arg10[%swap3A_710, %swap3A_711] {strides = array<i32>} : memref<8x2048xf32, #tpu.memory_space<vmem>>, vector<1x16xf32>,
      %swap3A_713 = vector.shape_cast %swap3A_712 : vector<1x16xf32> to vector<16xf32>
      %swap3A_714 = vector.shape_cast %mul3A_708 : vector<16xf32> to vector<1x16xf32>
      tpu.vector_store %arg10[%swap3A_710, %swap3A_711], %swap3A_714 {strides = array<i32>} : memref<8x2048xf32, #tpu.memory_space<vmem>>, vector<1x16xf32>,
    }
    %scan3A_460 = arith.constant 128 : i32
    %add3A_461 = arith.constant 232 : i32
    %add3A_462 = arith.addi %select_n3A_32, %add3A_461 : i32
    %dma_start3A_463 = arith.constant 0 : i32
    %dma_start3A_464 = tpu.memref_slice %arg4[%select_n3A, %add3A_462, %dma_start3A_463] : memref<4x2048x2048xf32, #tpu.memory_space<hbm>> -> memref<1x8x2048xf32, #tpu.memory_space<hbm>>
    %dma_start3A_465 = tpu.memref_squeeze %dma_start3A_464 : memref<1x8x2048xf32, #tpu.memory_space<hbm>> -> memref<8x2048xf32, #tpu.memory_space<hbm>>
    %dma_start3A_466 = arith.constant 0 : i32
    %dma_start3A_467 = tpu.memref_slice %arg4[%select_n3A, %add3A_462, %dma_start3A_466] : memref<4x2048x2048xf32, #tpu.memory_space<hbm>> -> memref<1x8x2048xf32, #tpu.memory_space<hbm>>
    %dma_start3A_468 = tpu.memref_squeeze %dma_start3A_467 : memref<1x8x2048xf32, #tpu.memory_space<hbm>> -> memref<8x2048xf32, #tpu.memory_space<hbm>>
    tpu.enqueue_dma source(%arg10 : memref<8x2048xf32, #tpu.memory_space<vmem>>) target(%dma_start3A_468 : memref<8x2048xf32, #tpu.memory_space<hbm>>) target_semaphore(%arg15 : memref<!tpu.dma_semaphore, #tpu.memory_space<semaphore_mem>>)
    %dma_wait3A_469 = arith.constant 0 : i32
    %dma_wait3A_470 = tpu.memref_slice %arg5[%dma_wait3A_469] : memref<256xi32, #tpu.memory_space<vmem>> -> memref<8xi32, #tpu.memory_space<vmem>>
    %dma_wait3A_471 = arith.constant 0 : i32
    %dma_wait3A_472 = arith.constant 0 : i32
    %dma_wait3A_473 = tpu.memref_slice %arg3[%dma_wait3A_471, %dma_wait3A_472] : memref<100000x2048xf32, #tpu.memory_space<hbm>> -> memref<100000x2048xf32, #tpu.memory_space<hbm>>
    tpu.wait_indirect_dma semaphore(%arg11 : memref<!tpu.dma_semaphore, #tpu.memory_space<semaphore_mem>>) src(%dma_wait3A_473 : memref<100000x2048xf32, #tpu.memory_space<hbm>>) dst(%arg6 : memref<8x2048xf32, #tpu.memory_space<vmem>>)
    %dma_wait3A_474 = arith.constant 0 : i32
    %dma_wait3A_475 = tpu.memref_slice %arg4[%select_n3A, %select_n3A_32, %dma_wait3A_474] : memref<4x2048x2048xf32, #tpu.memory_space<hbm>> -> memref<1x8x2048xf32, #tpu.memory_space<hbm>>
    %dma_wait3A_476 = tpu.memref_squeeze %dma_wait3A_475 : memref<1x8x2048xf32, #tpu.memory_space<hbm>> -> memref<8x2048xf32, #tpu.memory_space<hbm>>
    %dma_wait3A_477 = arith.constant 0 : i32
    %dma_wait3A_478 = tpu.memref_slice %arg4[%select_n3A, %select_n3A_32, %dma_wait3A_477] : memref<4x2048x2048xf32, #tpu.memory_space<hbm>> -> memref<1x8x2048xf32, #tpu.memory_space<hbm>>
    %dma_wait3A_479 = tpu.memref_squeeze %dma_wait3A_478 : memref<1x8x2048xf32, #tpu.memory_space<hbm>> -> memref<8x2048xf32, #tpu.memory_space<hbm>>
    tpu.wait_dma2 semaphore(%arg14 : memref<!tpu.dma_semaphore, #tpu.memory_space<semaphore_mem>>) src(%arg9 : memref<8x2048xf32, #tpu.memory_space<vmem>>) dst(%dma_wait3A_479 : memref<8x2048xf32, #tpu.memory_space<hbm>>)
    %get3A_480 = arith.constant 240 : index
    %get3A_481 = tpu.vector_load %arg5[%get3A_480] {strides = array<i32>} : memref<256xi32, #tpu.memory_space<vmem>>, vector<16xi32>,
    %get3A_482 = vector.shape_cast %get3A_481 : vector<16xi32> to vector<16xi32>
    %ne3A_483 = arith.constant 0 : i32
    %ne3A_484 = vector.broadcast %ne3A_483 : i32 to vector<16xi32>
    %ne3A_485 = arith.cmpi ne, %get3A_482, %ne3A_484 : vector<16xi32>
    %jit3A_486 = arith.constant 45.2548332 : f32
    %jit3A_487 = arith.constant 0.000000e+00 : f32
    %broadcast_in_dim3A_488 = vector.broadcast %jit3A_486 : f32 to vector<16xf32>
    %broadcast_in_dim3A_489 = vector.broadcast %jit3A_487 : f32 to vector<16xf32>
    %select_n3A_490 = arith.select %ne3A_485, %broadcast_in_dim3A_488, %broadcast_in_dim3A_489 : vector<16xi1>, vector<16xf32>
    %broadcast_in_dim3A_491 = arith.constant 0 : i32
    %broadcast_in_dim3A_492 = vector.broadcast %broadcast_in_dim3A_491 : i32 to vector<16x1xi32>
    %gather3A_493 = vector.shape_cast %broadcast_in_dim3A_492 : vector<16x1xi32> to vector<16xi32>
    %gather3A_494 = tpu.dynamic_gather %select_n3A_490[%gather3A_493] in [0] : vector<16xf32>, vector<16xi32> -> vector<16xf32>
    %broadcast_in_dim3A_495 = arith.constant 1 : i32
    %broadcast_in_dim3A_496 = vector.broadcast %broadcast_in_dim3A_495 : i32 to vector<16x1xi32>
    %gather3A_497 = vector.shape_cast %broadcast_in_dim3A_496 : vector<16x1xi32> to vector<16xi32>
    %gather3A_498 = tpu.dynamic_gather %select_n3A_490[%gather3A_497] in [0] : vector<16xf32>, vector<16xi32> -> vector<16xf32>
    %broadcast_in_dim3A_499 = arith.constant 2 : i32
    %broadcast_in_dim3A_500 = vector.broadcast %broadcast_in_dim3A_499 : i32 to vector<16x1xi32>
    %gather3A_501 = vector.shape_cast %broadcast_in_dim3A_500 : vector<16x1xi32> to vector<16xi32>
    %gather3A_502 = tpu.dynamic_gather %select_n3A_490[%gather3A_501] in [0] : vector<16xf32>, vector<16xi32> -> vector<16xf32>
    %broadcast_in_dim3A_503 = arith.constant 3 : i32
    %broadcast_in_dim3A_504 = vector.broadcast %broadcast_in_dim3A_503 : i32 to vector<16x1xi32>
    %gather3A_505 = vector.shape_cast %broadcast_in_dim3A_504 : vector<16x1xi32> to vector<16xi32>
    %gather3A_506 = tpu.dynamic_gather %select_n3A_490[%gather3A_505] in [0] : vector<16xf32>, vector<16xi32> -> vector<16xf32>
    %broadcast_in_dim3A_507 = arith.constant 4 : i32
    %broadcast_in_dim3A_508 = vector.broadcast %broadcast_in_dim3A_507 : i32 to vector<16x1xi32>
    %gather3A_509 = vector.shape_cast %broadcast_in_dim3A_508 : vector<16x1xi32> to vector<16xi32>
    %gather3A_510 = tpu.dynamic_gather %select_n3A_490[%gather3A_509] in [0] : vector<16xf32>, vector<16xi32> -> vector<16xf32>
    %broadcast_in_dim3A_511 = arith.constant 5 : i32
    %broadcast_in_dim3A_512 = vector.broadcast %broadcast_in_dim3A_511 : i32 to vector<16x1xi32>
    %gather3A_513 = vector.shape_cast %broadcast_in_dim3A_512 : vector<16x1xi32> to vector<16xi32>
    %gather3A_514 = tpu.dynamic_gather %select_n3A_490[%gather3A_513] in [0] : vector<16xf32>, vector<16xi32> -> vector<16xf32>
    %broadcast_in_dim3A_515 = arith.constant 6 : i32
    %broadcast_in_dim3A_516 = vector.broadcast %broadcast_in_dim3A_515 : i32 to vector<16x1xi32>
    %gather3A_517 = vector.shape_cast %broadcast_in_dim3A_516 : vector<16x1xi32> to vector<16xi32>
    %gather3A_518 = tpu.dynamic_gather %select_n3A_490[%gather3A_517] in [0] : vector<16xf32>, vector<16xi32> -> vector<16xf32>
    %broadcast_in_dim3A_519 = arith.constant 7 : i32
    %broadcast_in_dim3A_520 = vector.broadcast %broadcast_in_dim3A_519 : i32 to vector<16x1xi32>
    %gather3A_521 = vector.shape_cast %broadcast_in_dim3A_520 : vector<16x1xi32> to vector<16xi32>
    %gather3A_522 = tpu.dynamic_gather %select_n3A_490[%gather3A_521] in [0] : vector<16xf32>, vector<16xi32> -> vector<16xf32>
    %scan3A_523 = arith.constant 0 : i32
    %scan3A_524 = arith.constant 0 : i32
    %scan3A_525 = arith.constant 128 : i32
    %scan3A_526 = arith.addi %scan3A_524, %scan3A_525 : i32
    %scan3A_527 = arith.constant 1 : i32
    scf.for %scan3A_617 = %scan3A_524 to %scan3A_526 step %scan3A_527  : i32 {
      %mul3A_618 = arith.constant 16 : i32
      %mul3A_619 = arith.muli %scan3A_617, %mul3A_618 : i32
      %get3A_620 = arith.constant 0 : i32
      %get3A_621 = arith.index_cast %get3A_620 : i32 to index
      %get3A_622 = arith.index_cast %mul3A_619 : i32 to index
      %get3A_623 = tpu.vector_load %arg6[%get3A_621, %get3A_622] {strides = array<i32>} : memref<8x2048xf32, #tpu.memory_space<vmem>>, vector<1x16xf32>,
      %get3A_624 = vector.shape_cast %get3A_623 : vector<1x16xf32> to vector<16xf32>
      %mul3A_625 = arith.mulf %get3A_624, %gather3A_494 : vector<16xf32>
      %swap3A = arith.constant 0 : i32
      %swap3A_626 = arith.index_cast %swap3A : i32 to index
      %swap3A_627 = arith.index_cast %mul3A_619 : i32 to index
      %swap3A_628 = tpu.vector_load %arg9[%swap3A_626, %swap3A_627] {strides = array<i32>} : memref<8x2048xf32, #tpu.memory_space<vmem>>, vector<1x16xf32>,
      %swap3A_629 = vector.shape_cast %swap3A_628 : vector<1x16xf32> to vector<16xf32>
      %swap3A_630 = vector.shape_cast %mul3A_625 : vector<16xf32> to vector<1x16xf32>
      tpu.vector_store %arg9[%swap3A_626, %swap3A_627], %swap3A_630 {strides = array<i32>} : memref<8x2048xf32, #tpu.memory_space<vmem>>, vector<1x16xf32>,
      %get3A_631 = arith.constant 1 : i32
      %get3A_632 = arith.index_cast %get3A_631 : i32 to index
      %get3A_633 = arith.index_cast %mul3A_619 : i32 to index
      %get3A_634 = tpu.vector_load %arg6[%get3A_632, %get3A_633] {strides = array<i32>} : memref<8x2048xf32, #tpu.memory_space<vmem>>, vector<1x16xf32>,
      %get3A_635 = vector.shape_cast %get3A_634 : vector<1x16xf32> to vector<16xf32>
      %mul3A_636 = arith.mulf %get3A_635, %gather3A_498 : vector<16xf32>
      %swap3A_637 = arith.constant 1 : i32
      %swap3A_638 = arith.index_cast %swap3A_637 : i32 to index
      %swap3A_639 = arith.index_cast %mul3A_619 : i32 to index
      %swap3A_640 = tpu.vector_load %arg9[%swap3A_638, %swap3A_639] {strides = array<i32>} : memref<8x2048xf32, #tpu.memory_space<vmem>>, vector<1x16xf32>,
      %swap3A_641 = vector.shape_cast %swap3A_640 : vector<1x16xf32> to vector<16xf32>
      %swap3A_642 = vector.shape_cast %mul3A_636 : vector<16xf32> to vector<1x16xf32>
      tpu.vector_store %arg9[%swap3A_638, %swap3A_639], %swap3A_642 {strides = array<i32>} : memref<8x2048xf32, #tpu.memory_space<vmem>>, vector<1x16xf32>,
      %get3A_643 = arith.constant 2 : i32
      %get3A_644 = arith.index_cast %get3A_643 : i32 to index
      %get3A_645 = arith.index_cast %mul3A_619 : i32 to index
      %get3A_646 = tpu.vector_load %arg6[%get3A_644, %get3A_645] {strides = array<i32>} : memref<8x2048xf32, #tpu.memory_space<vmem>>, vector<1x16xf32>,
      %get3A_647 = vector.shape_cast %get3A_646 : vector<1x16xf32> to vector<16xf32>
      %mul3A_648 = arith.mulf %get3A_647, %gather3A_502 : vector<16xf32>
      %swap3A_649 = arith.constant 2 : i32
      %swap3A_650 = arith.index_cast %swap3A_649 : i32 to index
      %swap3A_651 = arith.index_cast %mul3A_619 : i32 to index
      %swap3A_652 = tpu.vector_load %arg9[%swap3A_650, %swap3A_651] {strides = array<i32>} : memref<8x2048xf32, #tpu.memory_space<vmem>>, vector<1x16xf32>,
      %swap3A_653 = vector.shape_cast %swap3A_652 : vector<1x16xf32> to vector<16xf32>
      %swap3A_654 = vector.shape_cast %mul3A_648 : vector<16xf32> to vector<1x16xf32>
      tpu.vector_store %arg9[%swap3A_650, %swap3A_651], %swap3A_654 {strides = array<i32>} : memref<8x2048xf32, #tpu.memory_space<vmem>>, vector<1x16xf32>,
      %get3A_655 = arith.constant 3 : i32
      %get3A_656 = arith.index_cast %get3A_655 : i32 to index
      %get3A_657 = arith.index_cast %mul3A_619 : i32 to index
      %get3A_658 = tpu.vector_load %arg6[%get3A_656, %get3A_657] {strides = array<i32>} : memref<8x2048xf32, #tpu.memory_space<vmem>>, vector<1x16xf32>,
      %get3A_659 = vector.shape_cast %get3A_658 : vector<1x16xf32> to vector<16xf32>
      %mul3A_660 = arith.mulf %get3A_659, %gather3A_506 : vector<16xf32>
      %swap3A_661 = arith.constant 3 : i32
      %swap3A_662 = arith.index_cast %swap3A_661 : i32 to index
      %swap3A_663 = arith.index_cast %mul3A_619 : i32 to index
      %swap3A_664 = tpu.vector_load %arg9[%swap3A_662, %swap3A_663] {strides = array<i32>} : memref<8x2048xf32, #tpu.memory_space<vmem>>, vector<1x16xf32>,
      %swap3A_665 = vector.shape_cast %swap3A_664 : vector<1x16xf32> to vector<16xf32>
      %swap3A_666 = vector.shape_cast %mul3A_660 : vector<16xf32> to vector<1x16xf32>
      tpu.vector_store %arg9[%swap3A_662, %swap3A_663], %swap3A_666 {strides = array<i32>} : memref<8x2048xf32, #tpu.memory_space<vmem>>, vector<1x16xf32>,
      %get3A_667 = arith.constant 4 : i32
      %get3A_668 = arith.index_cast %get3A_667 : i32 to index
      %get3A_669 = arith.index_cast %mul3A_619 : i32 to index
      %get3A_670 = tpu.vector_load %arg6[%get3A_668, %get3A_669] {strides = array<i32>} : memref<8x2048xf32, #tpu.memory_space<vmem>>, vector<1x16xf32>,
      %get3A_671 = vector.shape_cast %get3A_670 : vector<1x16xf32> to vector<16xf32>
      %mul3A_672 = arith.mulf %get3A_671, %gather3A_510 : vector<16xf32>
      %swap3A_673 = arith.constant 4 : i32
      %swap3A_674 = arith.index_cast %swap3A_673 : i32 to index
      %swap3A_675 = arith.index_cast %mul3A_619 : i32 to index
      %swap3A_676 = tpu.vector_load %arg9[%swap3A_674, %swap3A_675] {strides = array<i32>} : memref<8x2048xf32, #tpu.memory_space<vmem>>, vector<1x16xf32>,
      %swap3A_677 = vector.shape_cast %swap3A_676 : vector<1x16xf32> to vector<16xf32>
      %swap3A_678 = vector.shape_cast %mul3A_672 : vector<16xf32> to vector<1x16xf32>
      tpu.vector_store %arg9[%swap3A_674, %swap3A_675], %swap3A_678 {strides = array<i32>} : memref<8x2048xf32, #tpu.memory_space<vmem>>, vector<1x16xf32>,
      %get3A_679 = arith.constant 5 : i32
      %get3A_680 = arith.index_cast %get3A_679 : i32 to index
      %get3A_681 = arith.index_cast %mul3A_619 : i32 to index
      %get3A_682 = tpu.vector_load %arg6[%get3A_680, %get3A_681] {strides = array<i32>} : memref<8x2048xf32, #tpu.memory_space<vmem>>, vector<1x16xf32>,
      %get3A_683 = vector.shape_cast %get3A_682 : vector<1x16xf32> to vector<16xf32>
      %mul3A_684 = arith.mulf %get3A_683, %gather3A_514 : vector<16xf32>
      %swap3A_685 = arith.constant 5 : i32
      %swap3A_686 = arith.index_cast %swap3A_685 : i32 to index
      %swap3A_687 = arith.index_cast %mul3A_619 : i32 to index
      %swap3A_688 = tpu.vector_load %arg9[%swap3A_686, %swap3A_687] {strides = array<i32>} : memref<8x2048xf32, #tpu.memory_space<vmem>>, vector<1x16xf32>,
      %swap3A_689 = vector.shape_cast %swap3A_688 : vector<1x16xf32> to vector<16xf32>
      %swap3A_690 = vector.shape_cast %mul3A_684 : vector<16xf32> to vector<1x16xf32>
      tpu.vector_store %arg9[%swap3A_686, %swap3A_687], %swap3A_690 {strides = array<i32>} : memref<8x2048xf32, #tpu.memory_space<vmem>>, vector<1x16xf32>,
      %get3A_691 = arith.constant 6 : i32
      %get3A_692 = arith.index_cast %get3A_691 : i32 to index
      %get3A_693 = arith.index_cast %mul3A_619 : i32 to index
      %get3A_694 = tpu.vector_load %arg6[%get3A_692, %get3A_693] {strides = array<i32>} : memref<8x2048xf32, #tpu.memory_space<vmem>>, vector<1x16xf32>,
      %get3A_695 = vector.shape_cast %get3A_694 : vector<1x16xf32> to vector<16xf32>
      %mul3A_696 = arith.mulf %get3A_695, %gather3A_518 : vector<16xf32>
      %swap3A_697 = arith.constant 6 : i32
      %swap3A_698 = arith.index_cast %swap3A_697 : i32 to index
      %swap3A_699 = arith.index_cast %mul3A_619 : i32 to index
      %swap3A_700 = tpu.vector_load %arg9[%swap3A_698, %swap3A_699] {strides = array<i32>} : memref<8x2048xf32, #tpu.memory_space<vmem>>, vector<1x16xf32>,
      %swap3A_701 = vector.shape_cast %swap3A_700 : vector<1x16xf32> to vector<16xf32>
      %swap3A_702 = vector.shape_cast %mul3A_696 : vector<16xf32> to vector<1x16xf32>
      tpu.vector_store %arg9[%swap3A_698, %swap3A_699], %swap3A_702 {strides = array<i32>} : memref<8x2048xf32, #tpu.memory_space<vmem>>, vector<1x16xf32>,
      %get3A_703 = arith.constant 7 : i32
      %get3A_704 = arith.index_cast %get3A_703 : i32 to index
      %get3A_705 = arith.index_cast %mul3A_619 : i32 to index
      %get3A_706 = tpu.vector_load %arg6[%get3A_704, %get3A_705] {strides = array<i32>} : memref<8x2048xf32, #tpu.memory_space<vmem>>, vector<1x16xf32>,
      %get3A_707 = vector.shape_cast %get3A_706 : vector<1x16xf32> to vector<16xf32>
      %mul3A_708 = arith.mulf %get3A_707, %gather3A_522 : vector<16xf32>
      %swap3A_709 = arith.constant 7 : i32
      %swap3A_710 = arith.index_cast %swap3A_709 : i32 to index
      %swap3A_711 = arith.index_cast %mul3A_619 : i32 to index
      %swap3A_712 = tpu.vector_load %arg9[%swap3A_710, %swap3A_711] {strides = array<i32>} : memref<8x2048xf32, #tpu.memory_space<vmem>>, vector<1x16xf32>,
      %swap3A_713 = vector.shape_cast %swap3A_712 : vector<1x16xf32> to vector<16xf32>
      %swap3A_714 = vector.shape_cast %mul3A_708 : vector<16xf32> to vector<1x16xf32>
      tpu.vector_store %arg9[%swap3A_710, %swap3A_711], %swap3A_714 {strides = array<i32>} : memref<8x2048xf32, #tpu.memory_space<vmem>>, vector<1x16xf32>,
    }
    %scan3A_528 = arith.constant 128 : i32
    %add3A_529 = arith.constant 240 : i32
    %add3A_530 = arith.addi %select_n3A_32, %add3A_529 : i32
    %dma_start3A_531 = arith.constant 0 : i32
    %dma_start3A_532 = tpu.memref_slice %arg4[%select_n3A, %add3A_530, %dma_start3A_531] : memref<4x2048x2048xf32, #tpu.memory_space<hbm>> -> memref<1x8x2048xf32, #tpu.memory_space<hbm>>
    %dma_start3A_533 = tpu.memref_squeeze %dma_start3A_532 : memref<1x8x2048xf32, #tpu.memory_space<hbm>> -> memref<8x2048xf32, #tpu.memory_space<hbm>>
    %dma_start3A_534 = arith.constant 0 : i32
    %dma_start3A_535 = tpu.memref_slice %arg4[%select_n3A, %add3A_530, %dma_start3A_534] : memref<4x2048x2048xf32, #tpu.memory_space<hbm>> -> memref<1x8x2048xf32, #tpu.memory_space<hbm>>
    %dma_start3A_536 = tpu.memref_squeeze %dma_start3A_535 : memref<1x8x2048xf32, #tpu.memory_space<hbm>> -> memref<8x2048xf32, #tpu.memory_space<hbm>>
    tpu.enqueue_dma source(%arg9 : memref<8x2048xf32, #tpu.memory_space<vmem>>) target(%dma_start3A_536 : memref<8x2048xf32, #tpu.memory_space<hbm>>) target_semaphore(%arg14 : memref<!tpu.dma_semaphore, #tpu.memory_space<semaphore_mem>>)
    %dma_wait3A_537 = arith.constant 0 : i32
    %dma_wait3A_538 = tpu.memref_slice %arg5[%dma_wait3A_537] : memref<256xi32, #tpu.memory_space<vmem>> -> memref<8xi32, #tpu.memory_space<vmem>>
    %dma_wait3A_539 = arith.constant 0 : i32
    %dma_wait3A_540 = arith.constant 0 : i32
    %dma_wait3A_541 = tpu.memref_slice %arg3[%dma_wait3A_539, %dma_wait3A_540] : memref<100000x2048xf32, #tpu.memory_space<hbm>> -> memref<100000x2048xf32, #tpu.memory_space<hbm>>
    tpu.wait_indirect_dma semaphore(%arg12 : memref<!tpu.dma_semaphore, #tpu.memory_space<semaphore_mem>>) src(%dma_wait3A_541 : memref<100000x2048xf32, #tpu.memory_space<hbm>>) dst(%arg7 : memref<8x2048xf32, #tpu.memory_space<vmem>>)
    %dma_wait3A_542 = arith.constant 0 : i32
    %dma_wait3A_543 = tpu.memref_slice %arg4[%select_n3A, %select_n3A_32, %dma_wait3A_542] : memref<4x2048x2048xf32, #tpu.memory_space<hbm>> -> memref<1x8x2048xf32, #tpu.memory_space<hbm>>
    %dma_wait3A_544 = tpu.memref_squeeze %dma_wait3A_543 : memref<1x8x2048xf32, #tpu.memory_space<hbm>> -> memref<8x2048xf32, #tpu.memory_space<hbm>>
    %dma_wait3A_545 = arith.constant 0 : i32
    %dma_wait3A_546 = tpu.memref_slice %arg4[%select_n3A, %select_n3A_32, %dma_wait3A_545] : memref<4x2048x2048xf32, #tpu.memory_space<hbm>> -> memref<1x8x2048xf32, #tpu.memory_space<hbm>>
    %dma_wait3A_547 = tpu.memref_squeeze %dma_wait3A_546 : memref<1x8x2048xf32, #tpu.memory_space<hbm>> -> memref<8x2048xf32, #tpu.memory_space<hbm>>
    tpu.wait_dma2 semaphore(%arg15 : memref<!tpu.dma_semaphore, #tpu.memory_space<semaphore_mem>>) src(%arg10 : memref<8x2048xf32, #tpu.memory_space<vmem>>) dst(%dma_wait3A_547 : memref<8x2048xf32, #tpu.memory_space<hbm>>)
    %get3A_548 = arith.constant 240 : index
    %get3A_549 = tpu.vector_load %arg5[%get3A_548] {strides = array<i32>} : memref<256xi32, #tpu.memory_space<vmem>>, vector<16xi32>,
    %get3A_550 = vector.shape_cast %get3A_549 : vector<16xi32> to vector<16xi32>
    %ne3A_551 = arith.constant 0 : i32
    %ne3A_552 = vector.broadcast %ne3A_551 : i32 to vector<16xi32>
    %ne3A_553 = arith.cmpi ne, %get3A_550, %ne3A_552 : vector<16xi32>
    %jit3A_554 = arith.constant 45.2548332 : f32
    %jit3A_555 = arith.constant 0.000000e+00 : f32
    %broadcast_in_dim3A_556 = vector.broadcast %jit3A_554 : f32 to vector<16xf32>
    %broadcast_in_dim3A_557 = vector.broadcast %jit3A_555 : f32 to vector<16xf32>
    %select_n3A_558 = arith.select %ne3A_553, %broadcast_in_dim3A_556, %broadcast_in_dim3A_557 : vector<16xi1>, vector<16xf32>
    %broadcast_in_dim3A_559 = arith.constant 8 : i32
    %broadcast_in_dim3A_560 = vector.broadcast %broadcast_in_dim3A_559 : i32 to vector<16x1xi32>
    %gather3A_561 = vector.shape_cast %broadcast_in_dim3A_560 : vector<16x1xi32> to vector<16xi32>
    %gather3A_562 = tpu.dynamic_gather %select_n3A_558[%gather3A_561] in [0] : vector<16xf32>, vector<16xi32> -> vector<16xf32>
    %broadcast_in_dim3A_563 = arith.constant 9 : i32
    %broadcast_in_dim3A_564 = vector.broadcast %broadcast_in_dim3A_563 : i32 to vector<16x1xi32>
    %gather3A_565 = vector.shape_cast %broadcast_in_dim3A_564 : vector<16x1xi32> to vector<16xi32>
    %gather3A_566 = tpu.dynamic_gather %select_n3A_558[%gather3A_565] in [0] : vector<16xf32>, vector<16xi32> -> vector<16xf32>
    %broadcast_in_dim3A_567 = arith.constant 10 : i32
    %broadcast_in_dim3A_568 = vector.broadcast %broadcast_in_dim3A_567 : i32 to vector<16x1xi32>
    %gather3A_569 = vector.shape_cast %broadcast_in_dim3A_568 : vector<16x1xi32> to vector<16xi32>
    %gather3A_570 = tpu.dynamic_gather %select_n3A_558[%gather3A_569] in [0] : vector<16xf32>, vector<16xi32> -> vector<16xf32>
    %broadcast_in_dim3A_571 = arith.constant 11 : i32
    %broadcast_in_dim3A_572 = vector.broadcast %broadcast_in_dim3A_571 : i32 to vector<16x1xi32>
    %gather3A_573 = vector.shape_cast %broadcast_in_dim3A_572 : vector<16x1xi32> to vector<16xi32>
    %gather3A_574 = tpu.dynamic_gather %select_n3A_558[%gather3A_573] in [0] : vector<16xf32>, vector<16xi32> -> vector<16xf32>
    %broadcast_in_dim3A_575 = arith.constant 12 : i32
    %broadcast_in_dim3A_576 = vector.broadcast %broadcast_in_dim3A_575 : i32 to vector<16x1xi32>
    %gather3A_577 = vector.shape_cast %broadcast_in_dim3A_576 : vector<16x1xi32> to vector<16xi32>
    %gather3A_578 = tpu.dynamic_gather %select_n3A_558[%gather3A_577] in [0] : vector<16xf32>, vector<16xi32> -> vector<16xf32>
    %broadcast_in_dim3A_579 = arith.constant 13 : i32
    %broadcast_in_dim3A_580 = vector.broadcast %broadcast_in_dim3A_579 : i32 to vector<16x1xi32>
    %gather3A_581 = vector.shape_cast %broadcast_in_dim3A_580 : vector<16x1xi32> to vector<16xi32>
    %gather3A_582 = tpu.dynamic_gather %select_n3A_558[%gather3A_581] in [0] : vector<16xf32>, vector<16xi32> -> vector<16xf32>
    %broadcast_in_dim3A_583 = arith.constant 14 : i32
    %broadcast_in_dim3A_584 = vector.broadcast %broadcast_in_dim3A_583 : i32 to vector<16x1xi32>
    %gather3A_585 = vector.shape_cast %broadcast_in_dim3A_584 : vector<16x1xi32> to vector<16xi32>
    %gather3A_586 = tpu.dynamic_gather %select_n3A_558[%gather3A_585] in [0] : vector<16xf32>, vector<16xi32> -> vector<16xf32>
    %broadcast_in_dim3A_587 = arith.constant 15 : i32
    %broadcast_in_dim3A_588 = vector.broadcast %broadcast_in_dim3A_587 : i32 to vector<16x1xi32>
    %gather3A_589 = vector.shape_cast %broadcast_in_dim3A_588 : vector<16x1xi32> to vector<16xi32>
    %gather3A_590 = tpu.dynamic_gather %select_n3A_558[%gather3A_589] in [0] : vector<16xf32>, vector<16xi32> -> vector<16xf32>
    %scan3A_591 = arith.constant 0 : i32
    %scan3A_592 = arith.constant 0 : i32
    %scan3A_593 = arith.constant 128 : i32
    %scan3A_594 = arith.addi %scan3A_592, %scan3A_593 : i32
    %scan3A_595 = arith.constant 1 : i32
    scf.for %scan3A_617 = %scan3A_592 to %scan3A_594 step %scan3A_595  : i32 {
      %mul3A_618 = arith.constant 16 : i32
      %mul3A_619 = arith.muli %scan3A_617, %mul3A_618 : i32
      %get3A_620 = arith.constant 0 : i32
      %get3A_621 = arith.index_cast %get3A_620 : i32 to index
      %get3A_622 = arith.index_cast %mul3A_619 : i32 to index
      %get3A_623 = tpu.vector_load %arg7[%get3A_621, %get3A_622] {strides = array<i32>} : memref<8x2048xf32, #tpu.memory_space<vmem>>, vector<1x16xf32>,
      %get3A_624 = vector.shape_cast %get3A_623 : vector<1x16xf32> to vector<16xf32>
      %mul3A_625 = arith.mulf %get3A_624, %gather3A_562 : vector<16xf32>
      %swap3A = arith.constant 0 : i32
      %swap3A_626 = arith.index_cast %swap3A : i32 to index
      %swap3A_627 = arith.index_cast %mul3A_619 : i32 to index
      %swap3A_628 = tpu.vector_load %arg10[%swap3A_626, %swap3A_627] {strides = array<i32>} : memref<8x2048xf32, #tpu.memory_space<vmem>>, vector<1x16xf32>,
      %swap3A_629 = vector.shape_cast %swap3A_628 : vector<1x16xf32> to vector<16xf32>
      %swap3A_630 = vector.shape_cast %mul3A_625 : vector<16xf32> to vector<1x16xf32>
      tpu.vector_store %arg10[%swap3A_626, %swap3A_627], %swap3A_630 {strides = array<i32>} : memref<8x2048xf32, #tpu.memory_space<vmem>>, vector<1x16xf32>,
      %get3A_631 = arith.constant 1 : i32
      %get3A_632 = arith.index_cast %get3A_631 : i32 to index
      %get3A_633 = arith.index_cast %mul3A_619 : i32 to index
      %get3A_634 = tpu.vector_load %arg7[%get3A_632, %get3A_633] {strides = array<i32>} : memref<8x2048xf32, #tpu.memory_space<vmem>>, vector<1x16xf32>,
      %get3A_635 = vector.shape_cast %get3A_634 : vector<1x16xf32> to vector<16xf32>
      %mul3A_636 = arith.mulf %get3A_635, %gather3A_566 : vector<16xf32>
      %swap3A_637 = arith.constant 1 : i32
      %swap3A_638 = arith.index_cast %swap3A_637 : i32 to index
      %swap3A_639 = arith.index_cast %mul3A_619 : i32 to index
      %swap3A_640 = tpu.vector_load %arg10[%swap3A_638, %swap3A_639] {strides = array<i32>} : memref<8x2048xf32, #tpu.memory_space<vmem>>, vector<1x16xf32>,
      %swap3A_641 = vector.shape_cast %swap3A_640 : vector<1x16xf32> to vector<16xf32>
      %swap3A_642 = vector.shape_cast %mul3A_636 : vector<16xf32> to vector<1x16xf32>
      tpu.vector_store %arg10[%swap3A_638, %swap3A_639], %swap3A_642 {strides = array<i32>} : memref<8x2048xf32, #tpu.memory_space<vmem>>, vector<1x16xf32>,
      %get3A_643 = arith.constant 2 : i32
      %get3A_644 = arith.index_cast %get3A_643 : i32 to index
      %get3A_645 = arith.index_cast %mul3A_619 : i32 to index
      %get3A_646 = tpu.vector_load %arg7[%get3A_644, %get3A_645] {strides = array<i32>} : memref<8x2048xf32, #tpu.memory_space<vmem>>, vector<1x16xf32>,
      %get3A_647 = vector.shape_cast %get3A_646 : vector<1x16xf32> to vector<16xf32>
      %mul3A_648 = arith.mulf %get3A_647, %gather3A_570 : vector<16xf32>
      %swap3A_649 = arith.constant 2 : i32
      %swap3A_650 = arith.index_cast %swap3A_649 : i32 to index
      %swap3A_651 = arith.index_cast %mul3A_619 : i32 to index
      %swap3A_652 = tpu.vector_load %arg10[%swap3A_650, %swap3A_651] {strides = array<i32>} : memref<8x2048xf32, #tpu.memory_space<vmem>>, vector<1x16xf32>,
      %swap3A_653 = vector.shape_cast %swap3A_652 : vector<1x16xf32> to vector<16xf32>
      %swap3A_654 = vector.shape_cast %mul3A_648 : vector<16xf32> to vector<1x16xf32>
      tpu.vector_store %arg10[%swap3A_650, %swap3A_651], %swap3A_654 {strides = array<i32>} : memref<8x2048xf32, #tpu.memory_space<vmem>>, vector<1x16xf32>,
      %get3A_655 = arith.constant 3 : i32
      %get3A_656 = arith.index_cast %get3A_655 : i32 to index
      %get3A_657 = arith.index_cast %mul3A_619 : i32 to index
      %get3A_658 = tpu.vector_load %arg7[%get3A_656, %get3A_657] {strides = array<i32>} : memref<8x2048xf32, #tpu.memory_space<vmem>>, vector<1x16xf32>,
      %get3A_659 = vector.shape_cast %get3A_658 : vector<1x16xf32> to vector<16xf32>
      %mul3A_660 = arith.mulf %get3A_659, %gather3A_574 : vector<16xf32>
      %swap3A_661 = arith.constant 3 : i32
      %swap3A_662 = arith.index_cast %swap3A_661 : i32 to index
      %swap3A_663 = arith.index_cast %mul3A_619 : i32 to index
      %swap3A_664 = tpu.vector_load %arg10[%swap3A_662, %swap3A_663] {strides = array<i32>} : memref<8x2048xf32, #tpu.memory_space<vmem>>, vector<1x16xf32>,
      %swap3A_665 = vector.shape_cast %swap3A_664 : vector<1x16xf32> to vector<16xf32>
      %swap3A_666 = vector.shape_cast %mul3A_660 : vector<16xf32> to vector<1x16xf32>
      tpu.vector_store %arg10[%swap3A_662, %swap3A_663], %swap3A_666 {strides = array<i32>} : memref<8x2048xf32, #tpu.memory_space<vmem>>, vector<1x16xf32>,
      %get3A_667 = arith.constant 4 : i32
      %get3A_668 = arith.index_cast %get3A_667 : i32 to index
      %get3A_669 = arith.index_cast %mul3A_619 : i32 to index
      %get3A_670 = tpu.vector_load %arg7[%get3A_668, %get3A_669] {strides = array<i32>} : memref<8x2048xf32, #tpu.memory_space<vmem>>, vector<1x16xf32>,
      %get3A_671 = vector.shape_cast %get3A_670 : vector<1x16xf32> to vector<16xf32>
      %mul3A_672 = arith.mulf %get3A_671, %gather3A_578 : vector<16xf32>
      %swap3A_673 = arith.constant 4 : i32
      %swap3A_674 = arith.index_cast %swap3A_673 : i32 to index
      %swap3A_675 = arith.index_cast %mul3A_619 : i32 to index
      %swap3A_676 = tpu.vector_load %arg10[%swap3A_674, %swap3A_675] {strides = array<i32>} : memref<8x2048xf32, #tpu.memory_space<vmem>>, vector<1x16xf32>,
      %swap3A_677 = vector.shape_cast %swap3A_676 : vector<1x16xf32> to vector<16xf32>
      %swap3A_678 = vector.shape_cast %mul3A_672 : vector<16xf32> to vector<1x16xf32>
      tpu.vector_store %arg10[%swap3A_674, %swap3A_675], %swap3A_678 {strides = array<i32>} : memref<8x2048xf32, #tpu.memory_space<vmem>>, vector<1x16xf32>,
      %get3A_679 = arith.constant 5 : i32
      %get3A_680 = arith.index_cast %get3A_679 : i32 to index
      %get3A_681 = arith.index_cast %mul3A_619 : i32 to index
      %get3A_682 = tpu.vector_load %arg7[%get3A_680, %get3A_681] {strides = array<i32>} : memref<8x2048xf32, #tpu.memory_space<vmem>>, vector<1x16xf32>,
      %get3A_683 = vector.shape_cast %get3A_682 : vector<1x16xf32> to vector<16xf32>
      %mul3A_684 = arith.mulf %get3A_683, %gather3A_582 : vector<16xf32>
      %swap3A_685 = arith.constant 5 : i32
      %swap3A_686 = arith.index_cast %swap3A_685 : i32 to index
      %swap3A_687 = arith.index_cast %mul3A_619 : i32 to index
      %swap3A_688 = tpu.vector_load %arg10[%swap3A_686, %swap3A_687] {strides = array<i32>} : memref<8x2048xf32, #tpu.memory_space<vmem>>, vector<1x16xf32>,
      %swap3A_689 = vector.shape_cast %swap3A_688 : vector<1x16xf32> to vector<16xf32>
      %swap3A_690 = vector.shape_cast %mul3A_684 : vector<16xf32> to vector<1x16xf32>
      tpu.vector_store %arg10[%swap3A_686, %swap3A_687], %swap3A_690 {strides = array<i32>} : memref<8x2048xf32, #tpu.memory_space<vmem>>, vector<1x16xf32>,
      %get3A_691 = arith.constant 6 : i32
      %get3A_692 = arith.index_cast %get3A_691 : i32 to index
      %get3A_693 = arith.index_cast %mul3A_619 : i32 to index
      %get3A_694 = tpu.vector_load %arg7[%get3A_692, %get3A_693] {strides = array<i32>} : memref<8x2048xf32, #tpu.memory_space<vmem>>, vector<1x16xf32>,
      %get3A_695 = vector.shape_cast %get3A_694 : vector<1x16xf32> to vector<16xf32>
      %mul3A_696 = arith.mulf %get3A_695, %gather3A_586 : vector<16xf32>
      %swap3A_697 = arith.constant 6 : i32
      %swap3A_698 = arith.index_cast %swap3A_697 : i32 to index
      %swap3A_699 = arith.index_cast %mul3A_619 : i32 to index
      %swap3A_700 = tpu.vector_load %arg10[%swap3A_698, %swap3A_699] {strides = array<i32>} : memref<8x2048xf32, #tpu.memory_space<vmem>>, vector<1x16xf32>,
      %swap3A_701 = vector.shape_cast %swap3A_700 : vector<1x16xf32> to vector<16xf32>
      %swap3A_702 = vector.shape_cast %mul3A_696 : vector<16xf32> to vector<1x16xf32>
      tpu.vector_store %arg10[%swap3A_698, %swap3A_699], %swap3A_702 {strides = array<i32>} : memref<8x2048xf32, #tpu.memory_space<vmem>>, vector<1x16xf32>,
      %get3A_703 = arith.constant 7 : i32
      %get3A_704 = arith.index_cast %get3A_703 : i32 to index
      %get3A_705 = arith.index_cast %mul3A_619 : i32 to index
      %get3A_706 = tpu.vector_load %arg7[%get3A_704, %get3A_705] {strides = array<i32>} : memref<8x2048xf32, #tpu.memory_space<vmem>>, vector<1x16xf32>,
      %get3A_707 = vector.shape_cast %get3A_706 : vector<1x16xf32> to vector<16xf32>
      %mul3A_708 = arith.mulf %get3A_707, %gather3A_590 : vector<16xf32>
      %swap3A_709 = arith.constant 7 : i32
      %swap3A_710 = arith.index_cast %swap3A_709 : i32 to index
      %swap3A_711 = arith.index_cast %mul3A_619 : i32 to index
      %swap3A_712 = tpu.vector_load %arg10[%swap3A_710, %swap3A_711] {strides = array<i32>} : memref<8x2048xf32, #tpu.memory_space<vmem>>, vector<1x16xf32>,
      %swap3A_713 = vector.shape_cast %swap3A_712 : vector<1x16xf32> to vector<16xf32>
      %swap3A_714 = vector.shape_cast %mul3A_708 : vector<16xf32> to vector<1x16xf32>
      tpu.vector_store %arg10[%swap3A_710, %swap3A_711], %swap3A_714 {strides = array<i32>} : memref<8x2048xf32, #tpu.memory_space<vmem>>, vector<1x16xf32>,
    }
    %scan3A_596 = arith.constant 128 : i32
    %add3A_597 = arith.constant 248 : i32
    %add3A_598 = arith.addi %select_n3A_32, %add3A_597 : i32
    %dma_start3A_599 = arith.constant 0 : i32
    %dma_start3A_600 = tpu.memref_slice %arg4[%select_n3A, %add3A_598, %dma_start3A_599] : memref<4x2048x2048xf32, #tpu.memory_space<hbm>> -> memref<1x8x2048xf32, #tpu.memory_space<hbm>>
    %dma_start3A_601 = tpu.memref_squeeze %dma_start3A_600 : memref<1x8x2048xf32, #tpu.memory_space<hbm>> -> memref<8x2048xf32, #tpu.memory_space<hbm>>
    %dma_start3A_602 = arith.constant 0 : i32
    %dma_start3A_603 = tpu.memref_slice %arg4[%select_n3A, %add3A_598, %dma_start3A_602] : memref<4x2048x2048xf32, #tpu.memory_space<hbm>> -> memref<1x8x2048xf32, #tpu.memory_space<hbm>>
    %dma_start3A_604 = tpu.memref_squeeze %dma_start3A_603 : memref<1x8x2048xf32, #tpu.memory_space<hbm>> -> memref<8x2048xf32, #tpu.memory_space<hbm>>
    tpu.enqueue_dma source(%arg10 : memref<8x2048xf32, #tpu.memory_space<vmem>>) target(%dma_start3A_604 : memref<8x2048xf32, #tpu.memory_space<hbm>>) target_semaphore(%arg15 : memref<!tpu.dma_semaphore, #tpu.memory_space<semaphore_mem>>)
    %dma_wait3A_605 = arith.constant 0 : i32
    %dma_wait3A_606 = tpu.memref_slice %arg4[%select_n3A, %select_n3A_32, %dma_wait3A_605] : memref<4x2048x2048xf32, #tpu.memory_space<hbm>> -> memref<1x8x2048xf32, #tpu.memory_space<hbm>>
    %dma_wait3A_607 = tpu.memref_squeeze %dma_wait3A_606 : memref<1x8x2048xf32, #tpu.memory_space<hbm>> -> memref<8x2048xf32, #tpu.memory_space<hbm>>
    %dma_wait3A_608 = arith.constant 0 : i32
    %dma_wait3A_609 = tpu.memref_slice %arg4[%select_n3A, %select_n3A_32, %dma_wait3A_608] : memref<4x2048x2048xf32, #tpu.memory_space<hbm>> -> memref<1x8x2048xf32, #tpu.memory_space<hbm>>
    %dma_wait3A_610 = tpu.memref_squeeze %dma_wait3A_609 : memref<1x8x2048xf32, #tpu.memory_space<hbm>> -> memref<8x2048xf32, #tpu.memory_space<hbm>>
    tpu.wait_dma2 semaphore(%arg14 : memref<!tpu.dma_semaphore, #tpu.memory_space<semaphore_mem>>) src(%arg9 : memref<8x2048xf32, #tpu.memory_space<vmem>>) dst(%dma_wait3A_610 : memref<8x2048xf32, #tpu.memory_space<hbm>>)
    %dma_wait3A_611 = arith.constant 0 : i32
    %dma_wait3A_612 = tpu.memref_slice %arg4[%select_n3A, %select_n3A_32, %dma_wait3A_611] : memref<4x2048x2048xf32, #tpu.memory_space<hbm>> -> memref<1x8x2048xf32, #tpu.memory_space<hbm>>
    %dma_wait3A_613 = tpu.memref_squeeze %dma_wait3A_612 : memref<1x8x2048xf32, #tpu.memory_space<hbm>> -> memref<8x2048xf32, #tpu.memory_space<hbm>>
    %dma_wait3A_614 = arith.constant 0 : i32
    %dma_wait3A_615 = tpu.memref_slice %arg4[%select_n3A, %select_n3A_32, %dma_wait3A_614] : memref<4x2048x2048xf32, #tpu.memory_space<hbm>> -> memref<1x8x2048xf32, #tpu.memory_space<hbm>>
    %dma_wait3A_616 = tpu.memref_squeeze %dma_wait3A_615 : memref<1x8x2048xf32, #tpu.memory_space<hbm>> -> memref<8x2048xf32, #tpu.memory_space<hbm>>
    tpu.wait_dma2 semaphore(%arg15 : memref<!tpu.dma_semaphore, #tpu.memory_space<semaphore_mem>>) src(%arg10 : memref<8x2048xf32, #tpu.memory_space<vmem>>) dst(%dma_wait3A_616 : memref<8x2048xf32, #tpu.memory_space<hbm>>)
    return
  }
}

</mosaic_0001>

<sc_bundles>
// kernel: kernel.3.cloned.1.call-start
scs
__scs_entry_jumppad:
0x0: {  	(pc) =	sbr.rel $0x88, $3  }
0x1: {  	(tag) =	ssettag $0x0;
	lr =	simm.s32 $0x1  }
0x2: {  	[smem:$0x3F9F] =	sst lr;
	_ =	strace $0xD0000000  }
0x3: {  	_ = 	snop  }
0x4: {  	_ = 	snop  }
0x5: {  	_ = 	snop  }
0x6: {  	_ = 	snop  }
0x7: {  	_ = 	snop  }
__scs_overlays_trampoline_lowered:
0x8: {  	[smem:$0x3FAE] =	sst s0  }
0x9: {  	[smem:$0x3FAF] =	sst s1  }
0xa: {  	[smem:$0x3FB0] =	sst s2  }
0xb: {  	[smem:$0x3FB1] =	sst s3  }
0xc: {  	[smem:$0x3FB2] =	sst s4  }
0xd: {  	[smem:$0x3FB3] =	sst s5  }
0xe: {  	[smem:$0x3FB4] =	sst s6  }
0xf: {  	[smem:$0x3FB5] =	sst s7  }
0x10: {  	[smem:$0x3FB6] =	sst s8  }
0x11: {  	[smem:$0x3FB7] =	sst s9;
	s0 =	simm.s32 @!p0 $0x0  }
0x12: {  	s1 =	sld [smem:$0x3F9D];
	s0 =	simm.s32 @p0 $0x1  }
0x13: {  	[smem:$0x3FB8] =	sst s0;
	s0 =	simm.s32 @!p1 $0x0  }
0x14: {  	s2 =	sld [smem:$0x3F9C];
	s0 =	simm.s32 @p1 $0x1  }
0x15: {  	[smem:$0x3FB9] =	sst s0;
	s0 =	simm.s32 @!p2 $0x0  }
0x16: {  	s3 =	sld [smem:$0x3FDB];
	s0 =	simm.s32 @p2 $0x1  }
0x17: {  	s4 =	simm.s32 $0x1BF5;
	[smem:$0x3FBB] =	sst s0  }
0x18: {  	s0 =	sld [smem:$0x3F9E];
	_ =	swait.ge [sflag:s4], $0x0  }
0x19: {  	s7 =	sld [smem:$0x3F9F]  }
0x1a: {  	s8 =	sadd.s32 $0xFFFFE003, lr  }
0x1b: {  	s9 =	sadd.s32 $0xFFFFFEF7, lr;
	s5 =	simm.s32 $0xFFFFFFFF;
	p2 =	slt.u32 s8, $0xFFFFF086  }
0x1c: {  	p1 =	slt.u32 s9, $0xF7A;
	s5 =	simm.s32 @!p2 $0x0  }
0x1d: {  	s5 =	simm.s32 @p1 $0x1;
	p0 =	seq.s32 s7, s2  }
0x1e: {  	s7 =	smul.u32 @!p0 $0xF7A, s2;
	p2 =	seq.s32 @!p0 s5, $0x0  }
0x1f: {  	s9 =	smul.u32 $0xF7A, s1;
	s8 =	simm.s32 @!p0 $0x1BF5;
	p2 =	por !p2, p0  }
0x20: {  	[sflag:s8] =	ssyncset.s32 @!p0 $0xFFFFF086;
	s6 =	sadd.s32 @!p0 s3, s7;
	s7 =	simm.s32 @!p0 $0x108  }
0x21: {  	s3 =	sadd.s32 s3, s9;
	s6 =	sadd.s32 @!p0 $0x88, s6;
	s7 =	simm.s32 @p2 $0x1082  }
0x22: {  	[simem:s7], [sflag:s8] =	dma.local @!p0 [hbm:s6], $0xF7A  }
0x23: {  	s9 =	sor.u32 $0xD0000000, s2;
	s6 =	simm.s32 $0x108;
	_ =	swait.ge @!p0 [sflag:s8], $0x0  }
0x24: {  	s3 =	sadd.s32 $0x88, s3;
	s6 =	simm.s32 @!p1 $0x1082;
	[sflag:s4] =	ssyncset.s32 $0xFFFFF086  }
0x25: {  	[simem:s6], [sflag:s4] =	dma.local [hbm:s3], $0xF7A  }
0x26: {  	[smem:$0x3F9F] =	sst s1;
	(tag) =	ssettag s2;
	_ =	strace s9  }
0x27: {  	s1 =	sld [smem:$0x3FAF]  }
0x28: {  	s2 =	sld [smem:$0x3FB0]  }
0x29: {  	s4 =	sld [smem:$0x3FB2]  }
0x2a: {  	p0 =	seq.s32 s5, $0x0;
	s5 =	sld [smem:$0x3FB3]  }
0x2b: {  	s6 =	sld [smem:$0x3FB4]  }
0x2c: {  	s7 =	sld [smem:$0x3FB5]  }
0x2d: {  	s3 =	simm.s32 $0x108;
	s8 =	sld [smem:$0x3FB6]  }
0x2e: {  	s3 =	simm.s32 @!p0 $0x1082;
	s9 =	sld [smem:$0x3FB7]  }
0x2f: {  	lr =	sadd.s32 s0, s3;
	s0 =	sld [smem:$0x3FAE]  }
0x30: {  	s3 =	sld [smem:$0x3FB1]  }
0x31: {  	[smem:$0x3FBA] =	sst s10  }
0x32: {  	s10 =	sld [smem:$0x3FB8];
	_ =	sdelay $0x3  }
0x33: {  	p0 =	seq.s32 s10, $0x1;
	s10 =	sld [smem:$0x3FBA];
	_ =	sdelay $0x3  }
0x34: {  	[smem:$0x3FBA] =	sst s10  }
0x35: {  	s10 =	sld [smem:$0x3FB9];
	_ =	sdelay $0x3  }
0x36: {  	p1 =	seq.s32 s10, $0x1;
	s10 =	sld [smem:$0x3FBA];
	_ =	sdelay $0x3  }
0x37: {  	[smem:$0x3FBA] =	sst s10  }
0x38: {  	s10 =	sld [smem:$0x3FBB]  }
0x39: {  	_ = 	snop;
	(pc) =	sbr.ind lr, $3  }
0x3a: {  	_ = 	snop  }
0x3b: {  	_ = 	snop  }
0x3c: {  	p2 =	seq.s32 s10, $0x1;
	s10 =	sld [smem:$0x3FBA]  }
0x3d: {  	_ =	shalt  }
0x3e: {  	_ =	shalt  }
0x3f: {  	_ =	shalt  }
0x40: {  	_ =	shalt  }
0x41: {  	_ =	shalt  }
0x42: {  	_ =	shalt  }
0x43: {  	_ =	shalt  }
0x44: {  	_ =	shalt  }
0x45: {  	_ =	shalt  }
0x46: {  	_ =	shalt  }
0x47: {  	_ =	shalt  }
0x48: {  	_ =	shalt  }
0x49: {  	_ =	shalt  }
0x4a: {  	_ =	shalt  }
0x4b: {  	_ =	shalt  }
0x4c: {  	_ =	shalt  }
0x4d: {  	_ =	shalt  }
0x4e: {  	_ =	shalt  }
0x4f: {  	_ =	shalt  }
0x50: {  	_ =	shalt  }
0x51: {  	_ =	shalt  }
0x52: {  	_ =	shalt  }
0x53: {  	_ =	shalt  }
0x54: {  	_ =	shalt  }
0x55: {  	_ =	shalt  }
0x56: {  	_ =	shalt  }
0x57: {  	_ =	shalt  }
0x58: {  	_ =	shalt  }
0x59: {  	_ =	shalt  }
0x5a: {  	_ =	shalt  }
0x5b: {  	_ =	shalt  }
0x5c: {  	_ =	shalt  }
0x5d: {  	_ =	shalt  }
0x5e: {  	_ =	shalt  }
0x5f: {  	_ =	shalt  }
0x60: {  	_ =	shalt  }
0x61: {  	_ =	shalt  }
0x62: {  	_ =	shalt  }
0x63: {  	_ =	shalt  }
0x64: {  	_ =	shalt  }
0x65: {  	_ =	shalt  }
0x66: {  	_ =	shalt  }
0x67: {  	_ =	shalt  }
0x68: {  	_ =	shalt  }
0x69: {  	_ =	shalt  }
0x6a: {  	_ =	shalt  }
0x6b: {  	_ =	shalt  }
0x6c: {  	_ =	shalt  }
0x6d: {  	_ =	shalt  }
0x6e: {  	_ =	shalt  }
0x6f: {  	_ =	shalt  }
0x70: {  	_ =	shalt  }
0x71: {  	_ =	shalt  }
0x72: {  	_ =	shalt  }
0x73: {  	_ =	shalt  }
0x74: {  	_ =	shalt  }
0x75: {  	_ =	shalt  }
0x76: {  	_ =	shalt  }
0x77: {  	_ =	shalt  }
0x78: {  	_ =	shalt  }
0x79: {  	_ =	shalt  }
0x7a: {  	_ =	shalt  }
0x7b: {  	_ =	shalt  }
0x7c: {  	_ =	shalt  }
0x7d: {  	_ =	shalt  }
0x7e: {  	_ =	shalt  }
0x7f: {  	_ =	shalt  }
0x80: {  	_ =	shalt  }
0x81: {  	_ =	shalt  }
0x82: {  	_ =	shalt  }
0x83: {  	_ =	shalt  }
0x84: {  	_ =	shalt  }
0x85: {  	_ =	shalt  }
0x86: {  	_ =	shalt  }
0x87: {  	_ =	shalt  }
.Lfunc_end0:
.L_simem_size_0:
called_computation.1_lowered:
.L_overlay_start_0:
0x88: {  	s2 =	sld [smem:$0x3FD9]  }
0x89: {  	s3 =	sld [smem:$0x3FFE];
	_ =	sdelay $0x1  }
0x8a: {  	s1 =	srdreg.scid  }
0x8b: {  	s0 =	sand.u32 $0x1, s1  }
0x8c: {  	s17 =	sshll.u32 s0, $0xA;
	s2 =	sadd.s32 s3, s2  }
0x8d: {  	s2 =	sadd.s32 s2, s17  }
0x8e: {  	[smem:$0x3FC6] =	sst s2  }
0x8f: {  	_ = 	snop  }
0x90: {  	s2 =	sld [smem:$0x3FC9]  }
0x91: {  	s18 =	sld [smem:$0x3FC8];
	(tm) =	ssettm $0x1  }
0x92: {  	s4 =	sld [smem:$0x3FFB];
	_ =	sdelay $0x3  }
0x93: {  	_ =	strace s4  }
0x94: {  	s4 =	sld [smem:$0x3FFC];
	_ =	sdelay $0x3  }
0x95: {  	_ =	strace s4  }
0x96: {  	s4 =	sld [smem:$0x3FFD];
	_ =	sdelay $0x3  }
0x97: {  	_ =	strace s4  }
0x98: {  	_ =	strace $0x8FFFFFFF  }
0x99: {  	s19 =	sld [smem:$0x3FDB];
	_ =	sdelay $0x1  }
0x9a: {  	s5 =	simm.s32 $_scs_section_size  }
0x9b: {  	s6 =	simm.s32 $_size__tile_overlayer_lowered;
	s7 =	simm.s32 $_tile_overlayer_lowered  }
0x9c: {  	s22 =	simm.s32 $0x1BFF;
	s21 =	sshll.u32 s7, $0x1;
	s4 =	sadd.s32 s5, s19  }
0x9d: {  	s8 =	simm.s32 $0x0;
	s20 =	sshll.u32 s6, $0x1;
	s6 =	sadd.s32 s21, s4  }
0x9e: {  	[timem:s8], [sflag:s22] =	dma.local [hbm:s6], s20  }
0x9f: {  	_ =	swait.ge [sflag:s22], s20  }
0xa0: {  	s5 =	ssub.s32 $0x0, s20;
	[sflag:s22] =	ssyncset.done $0x0  }
0xa1: {  	[sflag:s22] =	ssyncadd.s32 s5;
	_ =	sdelay $0x1  }
0xa2: {  	s23 =	simm.s32 $0x1B8B  }
0xa3: {  	_ =	swait.ge [sflag:s23], $0x1  }
0xa4: {  	[sflag:s23] =	ssyncset.done $0x0  }
0xa5: {  	s25 =	simm.s32 $0x1B8E;
	s24 =	sld [smem:$0x3FFE];
	[sflag:s23] =	ssyncadd.s32 $0xFFFFFFFF  }
0xa6: {  	s26 =	simm.s32 $execute0_lowered;
	[smem:$0x3FD2] =	sst s25  }
0xa7: {  	s6 =	sshll.u32 s26, $0x1;
	_ =	strace $0x80000046;
	[dreg:$0x1] =	wrdreg $0xFFFFFFFF  }
0xa8: {  	s28 =	simm.s32 $_size_execute0_lowered;
	s4 =	sadd.s32 s4, s6;
	[dreg:$0x0] =	wrdreg $0x0  }
0xa9: {  	s6 =	sshll.u32 s28, $0x1;
	[dreg:$0x2] =	wrdreg s4  }
0xaa: {  	[dreg:$0x3] =	wrdreg s6  }
0xab: {  	[dreg:$0x4] =	wrdreg $0xC0  }
0xac: {  	_ =	task [dreg:s8], $0x5FFFF  }
0xad: {  	[dreg:$0x1] =	wrdreg $0xFFFFFFFF  }
0xae: {  	[dreg:$0x0] =	wrdreg $0x60  }
0xaf: {  	[dreg:$0x2] =	wrdreg s2  }
0xb0: {  	[dreg:$0x3] =	wrdreg s18  }
0xb1: {  	[dreg:$0x4] =	wrdreg s24  }
0xb2: {  	[dreg:$0x5] =	wrdreg $0x9  }
0xb3: {  	_ =	task.clear_ibuf [dreg:s8], $0x6FFFF;
	_ =	strace $0x90000046  }
0xb4: {  	s29 =	simm.s32 $0x9;
	_ =	strace $0x80000048  }
0xb5: {  	_ =	swait.ge [sflag:s29], $0x1  }
0xb6: {  	[sflag:s29] =	ssyncadd.s32 $0xFFFFFFFF  }
0xb7: {  	_ =	strace $0x90000048  }
0xb8: {  	_ =	sfence  }
0xb9: {  	s30 =	sld [smem:$0x0];
	_ =	sdelay $0x2  }
0xba: {  	s31 =	sshll.u32 s1, $0xD;
	s1 =	sshrl.u32 s1, $0x2  }
0xbb: {  	s3 =	sand.u32 $0x4000, s31;
	s1 =	sadd.s32 s1, s30  }
0xbc: {  	s0 =	sor.u32 s3, s0;
	s1 =	sshll.u32 s1, $0x11  }
0xbd: {  	s0 =	sor.u32 s1, s0  }
0xbe: {  	s0 =	sadd.s32 $0x8F2B, s0  }
0xbf: {  	[sflag:s0] =	ssyncadd.remote.s32 $0x1  }
0xc0: {  	_ =	sfence.sel $0xFFFF  }
0xc1: {  	[dreg:$0x0] =	wrdreg $0xFFFFFFFF;
	(pc) =	sbr.abs _section_cstart, $3  }
0xc2: {  	[dreg:$0x1] =	wrdreg $0xFFFFFFFF  }
0xc3: {  	_ =	task.clear_ibuf [dreg:s8], $0x2FFFF;
	_ =	strace $0x9FFFFFFF  }
0xc4: {  	(tm) =	ssettm $0x7FFFFFFF  }
0xc5: {  	_ =	shalt  }
tec
execute0_lowered:
.L_overlay_start_1:
0x0: {  	(tag) =	ssettag $0x1  }
0x1: {  	s0 =	rddreg [dreg:$0x0]  }
0x2: {  	s1 =	srdreg.scid;
	s25 =	rddreg [dreg:$0x1]  }
0x3: {  	s6 =	stileid.u32;
	s5 =	rddreg [dreg:$0x2]  }
0x4: {  	s29 =	simm.s32 $0x1;
	s31 =	simm.s32 $0x2;
	s28 =	simm.s32 $0x0  }
0x5: {  	s1 =	sand.u32 $0x1, s1;
	s3 =	sshll.u32 s6, $0x9;
	s6 =	sshrl.u32 s6, $0x2  }
0x6: {  	s5 =	sadd.s32 $0x800, s5;
	s4 =	sshll.u32 s1, $0x8;
	s3 =	sand.u32 $0x600, s3  }
0x7: {  	s9 =	sadd.s32 $0x200, s25;
	s8 =	sshll.u32 s6, $0x7;
	s3 =	sor.u32 s4, s3  }
0x8: {  	s1 =	ssub.s32 $0x2, s1;
	s4 =	simm.s32 $0x0;
	s7 =	sshll.u32 s3, $0x2  }
0x9: {  	s17 =	sshrl.u32 s1, $0x1;
	[smem:$0x7FF] =	sst s4;
	s7 =	sor.u32 s8, s7  }
0xa: {  	s1 =	ssub.s32 s1, s17;
	s18 =	sshll.u32 s3, $0xB;
	s7 =	sshrl.u32 s7, $0x3  }
0xb: {  	s2 =	sor.u32 $0x28, s3;
	s8 =	sshll.u32 s6, $0x16;
	s0 =	sadd.s32 s0, s7  }
0xc: {  	_ =	strace $0x80000047;
	[dreg:$0x4] =	wrdreg s0;
	s0 =	sor.u32 s8, s18  }
0xd: {  	[dreg:$0x9] =	wrdreg s2;
	s26 =	smax.u32 s1, $0x1;
	s0 =	sshrl.u32 s0, $0x3  }
0xe: {  	s10 =	sadd.s32 $0x300, s25;
	[dreg:$0xe] =	wrdreg s26;
	s0 =	sadd.s32 s5, s0  }
0xf: {  	v2 =	vlaneseq.u32;
	s11 =	sadd.s32 $0x400, s25;
	s19 =	sadd.s32 $0x800, s0;
	[dreg:$0x5] =	wrdreg s0  }
0x10: {  	v0 =	vimm.s32 $0x4;
	vm0 =	vmmov $0xffff;
	v4 =	vimm.s32 $0x0;
	s12 =	sadd.s32 $0x500, s25;
	s20 =	sadd.s32 $0x1000, s0;
	[dreg:$0x6] =	wrdreg s19  }
0x11: {  	v5 =	vimm.f32 $4.525483320e+01;
	v6 =	vimm.s32 $0x1;
	v7 =	vimm.s32 $0x2;
	s13 =	sadd.s32 $0x600, s25;
	s21 =	sadd.s32 $0x1800, s0;
	[dreg:$0x7] =	wrdreg s20  }
0x12: {  	v8 =	vimm.s32 $0x3;
	v9 =	vimm.s32 $0x5;
	v10 =	vimm.s32 $0x6;
	s14 =	sadd.s32 $0x700, s25;
	s22 =	sadd.s32 $0xE000, s0;
	[dreg:$0x8] =	wrdreg s21  }
0x13: {  	v11 =	vimm.s32 $0x8;
	v12 =	vimm.s32 $0x9;
	v13 =	vimm.s32 $0xA;
	s30 =	sshrl.u32 s3, $0x3;
	s23 =	sadd.s32 $0xE800, s0;
	[dreg:$0xa] =	wrdreg s22  }
0x14: {  	v14 =	vimm.s32 $0xB;
	v15 =	vimm.s32 $0xC;
	v16 =	vimm.s32 $0xD;
	s1 =	simm.s32 $0x0;
	s24 =	sadd.s32 $0xF000, s0;
	[dreg:$0xb] =	wrdreg s23  }
0x15: {  	v17 =	vimm.s32 $0xE;
	v18 =	vimm.s32 $0xF;
	v3 =	vshrl.u32 v2, $0x3;
	s26 =	simm.s32 $0x5;
	s0 =	sadd.s32 $0xF800, s0;
	[dreg:$0xc] =	wrdreg s24  }
0x16: {  	v1 =	vand.u32 $0x7, v2;
	v2 =	vimm.s32 $0x7;
	v3 =	vmul.u32 $0x8, v3;
	s7 =	sadd.s32 $0x100, s25;
	[dreg:$0xd] =	wrdreg s0;
	s20 =	simm.s32 $0x4  }
.LBB2_1:
0x17: {  	[dreg:$0xf] =	wrdreg s1  }
0x18: {  	s21 =	rddreg [dreg:$0x4]  }
0x19: {  	s0 =	simm.s32 $0x80;
	s2 =	simm.s32 $0x200;
	s22 =	simm.s32 $0x6  }
0x1a: {  	[tilespmem:s4], [sflag:$0x6] =	stream.strided.gather [hbm4b:s21+s0], $0x100, s2, s0, $0x38;
	[tilespmem:$0x14100] =	vst v63  }
0x1b: {  	_ =	swait.ge [sflag:s22], $0x100  }
0x1c: {  	[sflag:s22] =	ssyncset.done $0x0  }
0x1d: {  	[sflag:s22] =	ssyncadd.s32 $0xFFFFFF00  }
0x1e: {  	v19 =	vld.msk [tilespmem:$0x0], $0xff;
	_ =	sdelay $0x4  }
0x1f: {  	v20 =	vshll.u32 v19, $0x4  }
0x20: {  	v19 =	vand.u32 $0x7, v19;
	v20 =	vand.u32 $0xFFFFFF80, v20  }
0x21: {  	v19 =	vor.u32 v19, v20  }
0x22: {  	v19 =	vperm.xlane v19, v1;
	_ =	sdelay $0x1  }
0x23: {  	v19 =	vadd.s32 v3, v19;
	_ =	sdelay $0x3  }
0x24: {  	s0 =	simm.s32 $0x100  }
0x25: {  	[tilespmem:s0], [sflag:$0x1] =	stream.indirect_vreg.gather [hbm4b:s25+s4], $0x80, v19, vm0, $0xb8;
	[tilespmem:$0x14100] =	vst v63  }
0x26: {  	s23 =	simm.s32 $0x900  }
0x27: {  	[tilespmem:s23], [sflag:$0x1] =	stream.indirect_vreg.gather [hbm4b:s7+s4], $0x80, v19, vm0, $0xb8;
	[tilespmem:$0x14100] =	vst v63  }
0x28: {  	s24 =	simm.s32 $0x1100  }
0x29: {  	[tilespmem:s24], [sflag:$0x1] =	stream.indirect_vreg.gather [hbm4b:s9+s4], $0x80, v19, vm0, $0xb8;
	[tilespmem:$0x14100] =	vst v63  }
0x2a: {  	s2 =	simm.s32 $0x1900  }
0x2b: {  	[tilespmem:s2], [sflag:$0x1] =	stream.indirect_vreg.gather [hbm4b:s10+s4], $0x80, v19, vm0, $0xb8;
	[tilespmem:$0x14100] =	vst v63  }
0x2c: {  	s6 =	simm.s32 $0x2100  }
0x2d: {  	[tilespmem:s6], [sflag:$0x1] =	stream.indirect_vreg.gather [hbm4b:s11+s4], $0x80, v19, vm0, $0xb8;
	[tilespmem:$0x14100] =	vst v63  }
0x2e: {  	s15 =	simm.s32 $0x2900  }
0x2f: {  	[tilespmem:s15], [sflag:$0x1] =	stream.indirect_vreg.gather [hbm4b:s12+s4], $0x80, v19, vm0, $0xb8;
	[tilespmem:$0x14100] =	vst v63  }
0x30: {  	s16 =	simm.s32 $0x3100  }
0x31: {  	[tilespmem:s16], [sflag:$0x1] =	stream.indirect_vreg.gather [hbm4b:s13+s4], $0x80, v19, vm0, $0xb8;
	[tilespmem:$0x14100] =	vst v63  }
0x32: {  	s17 =	simm.s32 $0x3900  }
0x33: {  	[tilespmem:s17], [sflag:$0x1] =	stream.indirect_vreg.gather [hbm4b:s14+s4], $0x80, v19, vm0, $0xb8;
	[tilespmem:$0x14100] =	vst v63  }
0x34: {  	v19 =	vld.msk [tilespmem:$0x8], $0xff;
	_ =	sdelay $0x4  }
0x35: {  	v20 =	vshll.u32 v19, $0x4  }
0x36: {  	v19 =	vand.u32 $0x7, v19;
	v20 =	vand.u32 $0xFFFFFF80, v20  }
0x37: {  	v19 =	vor.u32 v19, v20  }
0x38: {  	v19 =	vperm.xlane v19, v1;
	_ =	sdelay $0x1  }
0x39: {  	v19 =	vadd.s32 v3, v19;
	_ =	sdelay $0x3  }
0x3a: {  	s18 =	simm.s32 $0x4100  }
0x3b: {  	[tilespmem:s18], [sflag:$0x2] =	stream.indirect_vreg.gather [hbm4b:s25+s4], $0x80, v19, vm0, $0xb8;
	[tilespmem:$0x14100] =	vst v63  }
0x3c: {  	s19 =	simm.s32 $0x4900  }
0x3d: {  	[tilespmem:s19], [sflag:$0x2] =	stream.indirect_vreg.gather [hbm4b:s7+s4], $0x80, v19, vm0, $0xb8;
	[tilespmem:$0x14100] =	vst v63  }
0x3e: {  	s21 =	simm.s32 $0x5100  }
0x3f: {  	[tilespmem:s21], [sflag:$0x2] =	stream.indirect_vreg.gather [hbm4b:s9+s4], $0x80, v19, vm0, $0xb8;
	[tilespmem:$0x14100] =	vst v63  }
0x40: {  	s22 =	simm.s32 $0x5900  }
0x41: {  	[tilespmem:s22], [sflag:$0x2] =	stream.indirect_vreg.gather [hbm4b:s10+s4], $0x80, v19, vm0, $0xb8;
	[tilespmem:$0x14100] =	vst v63  }
0x42: {  	s23 =	simm.s32 $0x6100  }
0x43: {  	[tilespmem:s23], [sflag:$0x2] =	stream.indirect_vreg.gather [hbm4b:s11+s4], $0x80, v19, vm0, $0xb8;
	[tilespmem:$0x14100] =	vst v63  }
0x44: {  	s24 =	simm.s32 $0x6900  }
0x45: {  	[tilespmem:s24], [sflag:$0x2] =	stream.indirect_vreg.gather [hbm4b:s12+s4], $0x80, v19, vm0, $0xb8;
	[tilespmem:$0x14100] =	vst v63  }
0x46: {  	s2 =	simm.s32 $0x7100  }
0x47: {  	[tilespmem:s2], [sflag:$0x2] =	stream.indirect_vreg.gather [hbm4b:s13+s4], $0x80, v19, vm0, $0xb8;
	[tilespmem:$0x14100] =	vst v63  }
0x48: {  	s6 =	simm.s32 $0x7900  }
0x49: {  	[tilespmem:s6], [sflag:$0x2] =	stream.indirect_vreg.gather [hbm4b:s14+s4], $0x80, v19, vm0, $0xb8;
	[tilespmem:$0x14100] =	vst v63  }
0x4a: {  	v19 =	vld.msk [tilespmem:$0x10], $0xff;
	_ =	sdelay $0x4  }
0x4b: {  	v20 =	vshll.u32 v19, $0x4  }
0x4c: {  	v19 =	vand.u32 $0x7, v19;
	v20 =	vand.u32 $0xFFFFFF80, v20  }
0x4d: {  	v19 =	vor.u32 v19, v20  }
0x4e: {  	v19 =	vperm.xlane v19, v1;
	_ =	sdelay $0x1  }
0x4f: {  	v19 =	vadd.s32 v3, v19;
	_ =	sdelay $0x3  }
0x50: {  	s15 =	simm.s32 $0x8100  }
0x51: {  	[tilespmem:s15], [sflag:$0x3] =	stream.indirect_vreg.gather [hbm4b:s25+s4], $0x80, v19, vm0, $0xb8;
	[tilespmem:$0x14100] =	vst v63  }
0x52: {  	s16 =	simm.s32 $0x8900  }
0x53: {  	[tilespmem:s16], [sflag:$0x3] =	stream.indirect_vreg.gather [hbm4b:s7+s4], $0x80, v19, vm0, $0xb8;
	[tilespmem:$0x14100] =	vst v63  }
0x54: {  	s17 =	simm.s32 $0x9100  }
0x55: {  	[tilespmem:s17], [sflag:$0x3] =	stream.indirect_vreg.gather [hbm4b:s9+s4], $0x80, v19, vm0, $0xb8;
	[tilespmem:$0x14100] =	vst v63  }
0x56: {  	s18 =	simm.s32 $0x9900  }
0x57: {  	[tilespmem:s18], [sflag:$0x3] =	stream.indirect_vreg.gather [hbm4b:s10+s4], $0x80, v19, vm0, $0xb8;
	[tilespmem:$0x14100] =	vst v63  }
0x58: {  	s19 =	simm.s32 $0xA100  }
0x59: {  	[tilespmem:s19], [sflag:$0x3] =	stream.indirect_vreg.gather [hbm4b:s11+s4], $0x80, v19, vm0, $0xb8;
	[tilespmem:$0x14100] =	vst v63  }
0x5a: {  	s21 =	simm.s32 $0xA900  }
0x5b: {  	[tilespmem:s21], [sflag:$0x3] =	stream.indirect_vreg.gather [hbm4b:s12+s4], $0x80, v19, vm0, $0xb8;
	[tilespmem:$0x14100] =	vst v63  }
0x5c: {  	s22 =	simm.s32 $0xB100  }
0x5d: {  	[tilespmem:s22], [sflag:$0x3] =	stream.indirect_vreg.gather [hbm4b:s13+s4], $0x80, v19, vm0, $0xb8;
	[tilespmem:$0x14100] =	vst v63  }
0x5e: {  	s23 =	simm.s32 $0xB900  }
0x5f: {  	[tilespmem:s23], [sflag:$0x3] =	stream.indirect_vreg.gather [hbm4b:s14+s4], $0x80, v19, vm0, $0xb8;
	[tilespmem:$0x14100] =	vst v63  }
0x60: {  	_ =	swait.ge [sflag:s29], $0x4000  }
0x61: {  	[sflag:s29] =	ssyncset.done $0x0  }
0x62: {  	[sflag:s29] =	ssyncadd.s32 $0xFFFFC000  }
0x63: {  	v19 =	vld [tilespmem:$0x0];
	_ =	sdelay $0x1  }
0x64: {  	s6 =	sand.u32 $0x70, s4;
	s15 =	sand.u32 $0x3C00, s4  }
0x65: {  	s6 =	sor.u32 s6, s15  }
0x66: {  	v22 =	vld [tilespmem:s6+$0x100]  }
0x67: {  	v23 =	vld [tilespmem:s6+$0x180];
	vm1 =	veq.s32 v19, $0x0  }
0x68: {  	v28 =	vld [tilespmem:s6+$0x300];
	v26 =	vsel vm1, $0x0, v5  }
0x69: {  	v27 =	vld [tilespmem:s6+$0x280];
	v20 =	vperm.xlane v26, v4  }
0x6a: {  	v24 =	vld [tilespmem:s6+$0x200];
	v21 =	vperm.xlane v26, v6  }
0x6b: {  	v30 =	vld [tilespmem:s6+$0x380];
	v25 =	vperm.xlane v26, v0;
	v29 =	vmul.f32 v22, v20  }
0x6c: {  	v32 =	vld [tilespmem:s6+$0x400];
	v22 =	vperm.xlane v26, v8;
	v31 =	vmul.f32 v23, v21  }
0x6d: {  	v19 =	vperm.xlane v26, v7;
	v28 =	vmul.f32 v28, v25;
	[tilespmem:s6+$0xC100] =	vst v29  }
0x6e: {  	v23 =	vperm.xlane v26, v9;
	[tilespmem:s6+$0xC180] =	vst v31;
	v27 =	vmul.f32 v27, v22  }
0x6f: {  	v29 =	vmul.f32 v24, v19;
	v24 =	vperm.xlane v26, v10;
	[tilespmem:s6+$0xC300] =	vst v28  }
0x70: {  	s24 =	sand.u32 $0x7, s4;
	[tilespmem:s6+$0xC280] =	vst v27;
	v27 =	vmul.f32 v30, v23  }
0x71: {  	s15 =	sshll.u32 s24, $0x4;
	[tilespmem:s6+$0xC200] =	vst v29;
	v28 =	vmul.f32 v32, v24  }
0x72: {  	s15 =	sadd.s32 $0x0, s15;
	[tilespmem:s6+$0xC380] =	vst v27  }
0x73: {  	s15 =	sor.u32 $0x380, s15;
	[tilespmem:s6+$0xC400] =	vst v28  }
0x74: {  	v27 =	vld [tilespmem:s15+$0x100];
	_ =	sdelay $0x2  }
0x75: {  	v26 =	vperm.xlane v26, v2;
	_ =	sdelay $0x1  }
0x76: {  	s16 =	simm.s32 $0x10;
	s6 =	simm.s32 $0x80;
	v27 =	vmul.f32 v27, v26  }
0x77: {  	s16 =	sand.u32 $0x70, s16;
	s17 =	sand.u32 $0x3C00, s6  }
0x78: {  	s16 =	sor.u32 s16, s17;
	[tilespmem:s15+$0xC100] =	vst v27  }
0x79: {  	v31 =	vld [tilespmem:s16+$0x100]  }
0x7a: {  	v30 =	vld [tilespmem:s16+$0x180]  }
0x7b: {  	v29 =	vld [tilespmem:s16+$0x200]  }
0x7c: {  	v28 =	vld [tilespmem:s16+$0x280]  }
0x7d: {  	s17 =	simm.s32 $0x20;
	s15 =	simm.s32 $0x0;
	v27 =	vld [tilespmem:s16+$0x300]  }
.LBB2_2:
0x7e: {  	p0 =	sne.s32 s17, $0x7F0;
	v31 =	vmul.f32 v31, v20;
	v32 =	vld [tilespmem:s16+$0x380]  }
0x7f: {  	v30 =	vmul.f32 v30, v21;
	v33 =	vld [tilespmem:s16+$0x400]  }
0x80: {  	[tilespmem:s16+$0xC100] =	vst v31;
	v29 =	vmul.f32 v29, v19  }
0x81: {  	[tilespmem:s16+$0xC180] =	vst v30;
	v28 =	vmul.f32 v28, v22  }
0x82: {  	s15 =	sadd.s32 $0x1, s15;
	[tilespmem:s16+$0xC200] =	vst v29;
	v27 =	vmul.f32 v27, v25  }
0x83: {  	s18 =	sand.u32 $0x7, s15;
	[tilespmem:s16+$0xC280] =	vst v28;
	v28 =	vmul.f32 v32, v23  }
0x84: {  	s18 =	sshll.u32 s18, $0x4;
	[tilespmem:s16+$0xC300] =	vst v27;
	v27 =	vmul.f32 v33, v24  }
0x85: {  	s18 =	sadd.s32 s18, s6;
	[tilespmem:s16+$0xC380] =	vst v28  }
0x86: {  	s18 =	sor.u32 $0x380, s18;
	[tilespmem:s16+$0xC400] =	vst v27  }
0x87: {  	v27 =	vld [tilespmem:s18+$0x100];
	_ =	sdelay $0x4  }
0x88: {  	s6 =	sadd.s32 $0x80, s6;
	v27 =	vmul.f32 v27, v26  }
0x89: {  	s21 =	sand.u32 $0x3C00, s6;
	s16 =	sand.u32 $0x70, s17  }
0x8a: {  	s16 =	sor.u32 s16, s21;
	[tilespmem:s18+$0xC100] =	vst v27  }
.Ltmp0:
0x8b: {  	v31 =	vld [tilespmem:s16+$0x100];
	(pc) =	sbr.rel @p0 .LBB2_2-.Ltmp0, $4  }
0x8c: {  	v30 =	vld [tilespmem:s16+$0x180]  }
0x8d: {  	v29 =	vld [tilespmem:s16+$0x200]  }
0x8e: {  	v28 =	vld [tilespmem:s16+$0x280]  }
0x8f: {  	s17 =	sadd.s32 $0x10, s17;
	v27 =	vld [tilespmem:s16+$0x300]  }
0x90: {  	v20 =	vmul.f32 v31, v20;
	v31 =	vld [tilespmem:s16+$0x380]  }
0x91: {  	v21 =	vmul.f32 v30, v21;
	v30 =	vld [tilespmem:s16+$0x400]  }
0x92: {  	[tilespmem:s16+$0xC100] =	vst v20;
	v19 =	vmul.f32 v29, v19  }
0x93: {  	[tilespmem:s16+$0xC180] =	vst v21;
	v20 =	vmul.f32 v28, v22  }
0x94: {  	s15 =	sadd.s32 $0x1, s15;
	[tilespmem:s16+$0xC200] =	vst v19;
	v19 =	vmul.f32 v27, v25  }
0x95: {  	s15 =	sand.u32 $0x7, s15;
	[tilespmem:s16+$0xC280] =	vst v20;
	v20 =	vmul.f32 v31, v23  }
0x96: {  	s15 =	sshll.u32 s15, $0x4;
	[tilespmem:s16+$0xC300] =	vst v19;
	v19 =	vmul.f32 v30, v24  }
0x97: {  	s6 =	sadd.s32 s15, s6;
	[tilespmem:s16+$0xC380] =	vst v20  }
0x98: {  	s6 =	sor.u32 $0x380, s6;
	[tilespmem:s16+$0xC400] =	vst v19  }
0x99: {  	v19 =	vld [tilespmem:s6+$0x100];
	_ =	sdelay $0x4  }
0x9a: {  	v19 =	vmul.f32 v19, v26;
	_ =	sdelay $0x1  }
0x9b: {  	[tilespmem:s6+$0xC100] =	vst v19  }
0x9c: {  	v19 =	vld.msk [tilespmem:$0x18], $0xff;
	_ =	sdelay $0x4  }
0x9d: {  	v20 =	vshll.u32 v19, $0x4  }
0x9e: {  	v19 =	vand.u32 $0x7, v19;
	v20 =	vand.u32 $0xFFFFFF80, v20  }
0x9f: {  	v19 =	vor.u32 v19, v20  }
0xa0: {  	v19 =	vperm.xlane v19, v1;
	_ =	sdelay $0x1  }
0xa1: {  	v19 =	vadd.s32 v3, v19;
	_ =	sdelay $0x3  }
0xa2: {  	s6 =	simm.s32 $0x0  }
0xa3: {  	[tilespmem:s0], [sflag:$0x1] =	stream.indirect_vreg.gather [hbm4b:s25+s6], $0x80, v19, vm0, $0xb8;
	[tilespmem:$0x14100] =	vst v63  }
0xa4: {  	s1 =	simm.s32 $0x900  }
0xa5: {  	[tilespmem:s1], [sflag:$0x1] =	stream.indirect_vreg.gather [hbm4b:s7+s6], $0x80, v19, vm0, $0xb8;
	[tilespmem:$0x14100] =	vst v63  }
0xa6: {  	s24 =	simm.s32 $0x1100  }
0xa7: {  	[tilespmem:s24], [sflag:$0x1] =	stream.indirect_vreg.gather [hbm4b:s9+s6], $0x80, v19, vm0, $0xb8;
	[tilespmem:$0x14100] =	vst v63  }
0xa8: {  	s2 =	simm.s32 $0x1900  }
0xa9: {  	[tilespmem:s2], [sflag:$0x1] =	stream.indirect_vreg.gather [hbm4b:s10+s6], $0x80, v19, vm0, $0xb8;
	[tilespmem:$0x14100] =	vst v63  }
0xaa: {  	s15 =	simm.s32 $0x2100  }
0xab: {  	[tilespmem:s15], [sflag:$0x1] =	stream.indirect_vreg.gather [hbm4b:s11+s6], $0x80, v19, vm0, $0xb8;
	[tilespmem:$0x14100] =	vst v63  }
0xac: {  	s16 =	simm.s32 $0x2900  }
0xad: {  	[tilespmem:s16], [sflag:$0x1] =	stream.indirect_vreg.gather [hbm4b:s12+s6], $0x80, v19, vm0, $0xb8;
	[tilespmem:$0x14100] =	vst v63  }
0xae: {  	s17 =	simm.s32 $0x3100  }
0xaf: {  	[tilespmem:s17], [sflag:$0x1] =	stream.indirect_vreg.gather [hbm4b:s13+s6], $0x80, v19, vm0, $0xb8;
	[tilespmem:$0x14100] =	vst v63  }
0xb0: {  	s18 =	simm.s32 $0x3900  }
0xb1: {  	[tilespmem:s18], [sflag:$0x1] =	stream.indirect_vreg.gather [hbm4b:s14+s6], $0x80, v19, vm0, $0xb8;
	[tilespmem:$0x14100] =	vst v63  }
0xb2: {  	s19 =	rddreg [dreg:$0x5];
	s2 =	simm.s32 $0xC100  }
0xb3: {  	[hbm4b:s19+s6] =	stream.linear.scatter [tilespmem:s2], [sflag:$0x4], $0x4000, $0x38;
	[tilespmem:$0x14100] =	vst v63  }
0xb4: {  	_ =	swait.ge [sflag:s31], $0x4000  }
0xb5: {  	[sflag:s31] =	ssyncset.done $0x0  }
0xb6: {  	[sflag:s31] =	ssyncadd.s32 $0xFFFFC000  }
0xb7: {  	v19 =	vld [tilespmem:$0x0];
	_ =	sdelay $0x1  }
0xb8: {  	s21 =	sand.u32 $0x70, s6;
	s22 =	sand.u32 $0x3C00, s6  }
0xb9: {  	s15 =	sor.u32 s21, s22  }
0xba: {  	v22 =	vld [tilespmem:s15+$0x4100]  }
0xbb: {  	v23 =	vld [tilespmem:s15+$0x4180];
	vm1 =	veq.s32 v19, $0x0  }
0xbc: {  	v28 =	vld [tilespmem:s15+$0x4300];
	v26 =	vsel vm1, $0x0, v5  }
0xbd: {  	v27 =	vld [tilespmem:s15+$0x4280];
	v20 =	vperm.xlane v26, v11  }
0xbe: {  	v24 =	vld [tilespmem:s15+$0x4200];
	v21 =	vperm.xlane v26, v12  }
0xbf: {  	v30 =	vld [tilespmem:s15+$0x4380];
	v25 =	vperm.xlane v26, v15;
	v29 =	vmul.f32 v22, v20  }
0xc0: {  	v32 =	vld [tilespmem:s15+$0x4400];
	v22 =	vperm.xlane v26, v14;
	v31 =	vmul.f32 v23, v21  }
0xc1: {  	v19 =	vperm.xlane v26, v13;
	v28 =	vmul.f32 v28, v25;
	[tilespmem:s15+$0x10100] =	vst v29  }
0xc2: {  	v23 =	vperm.xlane v26, v16;
	[tilespmem:s15+$0x10180] =	vst v31;
	v27 =	vmul.f32 v27, v22  }
0xc3: {  	v29 =	vmul.f32 v24, v19;
	v24 =	vperm.xlane v26, v17;
	[tilespmem:s15+$0x10300] =	vst v28  }
0xc4: {  	s23 =	sand.u32 $0x7, s6;
	[tilespmem:s15+$0x10280] =	vst v27;
	v27 =	vmul.f32 v30, v23  }
0xc5: {  	s16 =	sshll.u32 s23, $0x4;
	[tilespmem:s15+$0x10200] =	vst v29;
	v28 =	vmul.f32 v32, v24  }
0xc6: {  	s16 =	sadd.s32 $0x0, s16;
	[tilespmem:s15+$0x10380] =	vst v27  }
0xc7: {  	s24 =	sor.u32 $0x380, s16;
	[tilespmem:s15+$0x10400] =	vst v28  }
0xc8: {  	v27 =	vld [tilespmem:s24+$0x4100];
	_ =	sdelay $0x2  }
0xc9: {  	v26 =	vperm.xlane v26, v18;
	_ =	sdelay $0x1  }
0xca: {  	s17 =	simm.s32 $0x10;
	s16 =	simm.s32 $0x80;
	v27 =	vmul.f32 v27, v26  }
0xcb: {  	s17 =	sand.u32 $0x70, s17;
	s18 =	sand.u32 $0x3C00, s16  }
0xcc: {  	s17 =	sor.u32 s17, s18;
	[tilespmem:s24+$0x10100] =	vst v27  }
0xcd: {  	v31 =	vld [tilespmem:s17+$0x4100]  }
0xce: {  	v30 =	vld [tilespmem:s17+$0x4180]  }
0xcf: {  	v29 =	vld [tilespmem:s17+$0x4200]  }
0xd0: {  	v28 =	vld [tilespmem:s17+$0x4280]  }
0xd1: {  	s15 =	simm.s32 $0x20;
	v27 =	vld [tilespmem:s17+$0x4300]  }
.LBB2_4:
0xd2: {  	p0 =	sne.s32 s15, $0x7F0;
	v31 =	vmul.f32 v31, v20;
	v32 =	vld [tilespmem:s17+$0x4380]  }
0xd3: {  	v30 =	vmul.f32 v30, v21;
	v33 =	vld [tilespmem:s17+$0x4400]  }
0xd4: {  	[tilespmem:s17+$0x10100] =	vst v31;
	v29 =	vmul.f32 v29, v19  }
0xd5: {  	[tilespmem:s17+$0x10180] =	vst v30;
	v28 =	vmul.f32 v28, v22  }
0xd6: {  	s6 =	sadd.s32 $0x1, s6;
	[tilespmem:s17+$0x10200] =	vst v29;
	v27 =	vmul.f32 v27, v25  }
0xd7: {  	s18 =	sand.u32 $0x7, s6;
	[tilespmem:s17+$0x10280] =	vst v28;
	v28 =	vmul.f32 v32, v23  }
0xd8: {  	s18 =	sshll.u32 s18, $0x4;
	[tilespmem:s17+$0x10300] =	vst v27;
	v27 =	vmul.f32 v33, v24  }
0xd9: {  	s18 =	sadd.s32 s18, s16;
	[tilespmem:s17+$0x10380] =	vst v28  }
0xda: {  	s18 =	sor.u32 $0x380, s18;
	[tilespmem:s17+$0x10400] =	vst v27  }
0xdb: {  	v27 =	vld [tilespmem:s18+$0x4100];
	_ =	sdelay $0x4  }
0xdc: {  	s16 =	sadd.s32 $0x80, s16;
	v27 =	vmul.f32 v27, v26  }
0xdd: {  	s21 =	sand.u32 $0x3C00, s16;
	s17 =	sand.u32 $0x70, s15  }
0xde: {  	s17 =	sor.u32 s17, s21;
	[tilespmem:s18+$0x10100] =	vst v27  }
.Ltmp1:
0xdf: {  	v31 =	vld [tilespmem:s17+$0x4100];
	(pc) =	sbr.rel @p0 .LBB2_4-.Ltmp1, $4  }
0xe0: {  	v30 =	vld [tilespmem:s17+$0x4180]  }
0xe1: {  	v29 =	vld [tilespmem:s17+$0x4200]  }
0xe2: {  	v28 =	vld [tilespmem:s17+$0x4280]  }
0xe3: {  	s15 =	sadd.s32 $0x10, s15;
	v27 =	vld [tilespmem:s17+$0x4300]  }
0xe4: {  	v20 =	vmul.f32 v31, v20;
	v31 =	vld [tilespmem:s17+$0x4380]  }
0xe5: {  	v21 =	vmul.f32 v30, v21;
	v30 =	vld [tilespmem:s17+$0x4400]  }
0xe6: {  	[tilespmem:s17+$0x10100] =	vst v20;
	v19 =	vmul.f32 v29, v19  }
0xe7: {  	[tilespmem:s17+$0x10180] =	vst v21;
	v20 =	vmul.f32 v28, v22  }
0xe8: {  	s6 =	sadd.s32 $0x1, s6;
	[tilespmem:s17+$0x10200] =	vst v19;
	v19 =	vmul.f32 v27, v25  }
0xe9: {  	s6 =	sand.u32 $0x7, s6;
	[tilespmem:s17+$0x10280] =	vst v20;
	v20 =	vmul.f32 v31, v23  }
0xea: {  	s6 =	sshll.u32 s6, $0x4;
	[tilespmem:s17+$0x10300] =	vst v19;
	v19 =	vmul.f32 v30, v24  }
0xeb: {  	s6 =	sadd.s32 s6, s16;
	[tilespmem:s17+$0x10380] =	vst v20  }
0xec: {  	s6 =	sor.u32 $0x380, s6;
	[tilespmem:s17+$0x10400] =	vst v19  }
0xed: {  	v19 =	vld [tilespmem:s6+$0x4100];
	_ =	sdelay $0x4  }
0xee: {  	v19 =	vmul.f32 v19, v26;
	_ =	sdelay $0x1  }
0xef: {  	[tilespmem:s6+$0x10100] =	vst v19  }
0xf0: {  	v19 =	vld.msk [tilespmem:$0x20], $0xff;
	_ =	sdelay $0x4  }
0xf1: {  	v20 =	vshll.u32 v19, $0x4  }
0xf2: {  	v19 =	vand.u32 $0x7, v19;
	v20 =	vand.u32 $0xFFFFFF80, v20  }
0xf3: {  	v19 =	vor.u32 v19, v20  }
0xf4: {  	v19 =	vperm.xlane v19, v1;
	_ =	sdelay $0x1  }
0xf5: {  	v19 =	vadd.s32 v3, v19;
	_ =	sdelay $0x3  }
0xf6: {  	s1 =	simm.s32 $0x4100;
	s6 =	simm.s32 $0x0  }
0xf7: {  	[tilespmem:s1], [sflag:$0x2] =	stream.indirect_vreg.gather [hbm4b:s25+s6], $0x80, v19, vm0, $0xb8;
	[tilespmem:$0x14100] =	vst v63  }
0xf8: {  	s22 =	simm.s32 $0x4900  }
0xf9: {  	[tilespmem:s22], [sflag:$0x2] =	stream.indirect_vreg.gather [hbm4b:s7+s6], $0x80, v19, vm0, $0xb8;
	[tilespmem:$0x14100] =	vst v63  }
0xfa: {  	s23 =	simm.s32 $0x5100  }
0xfb: {  	[tilespmem:s23], [sflag:$0x2] =	stream.indirect_vreg.gather [hbm4b:s9+s6], $0x80, v19, vm0, $0xb8;
	[tilespmem:$0x14100] =	vst v63  }
0xfc: {  	s24 =	simm.s32 $0x5900  }
0xfd: {  	[tilespmem:s24], [sflag:$0x2] =	stream.indirect_vreg.gather [hbm4b:s10+s6], $0x80, v19, vm0, $0xb8;
	[tilespmem:$0x14100] =	vst v63  }
0xfe: {  	s2 =	simm.s32 $0x6100  }
0xff: {  	[tilespmem:s2], [sflag:$0x2] =	stream.indirect_vreg.gather [hbm4b:s11+s6], $0x80, v19, vm0, $0xb8;
	[tilespmem:$0x14100] =	vst v63  }
0x100: {  	s15 =	simm.s32 $0x6900  }
0x101: {  	[tilespmem:s15], [sflag:$0x2] =	stream.indirect_vreg.gather [hbm4b:s12+s6], $0x80, v19, vm0, $0xb8;
	[tilespmem:$0x14100] =	vst v63  }
0x102: {  	s16 =	simm.s32 $0x7100  }
0x103: {  	[tilespmem:s16], [sflag:$0x2] =	stream.indirect_vreg.gather [hbm4b:s13+s6], $0x80, v19, vm0, $0xb8;
	[tilespmem:$0x14100] =	vst v63  }
0x104: {  	s17 =	simm.s32 $0x7900  }
0x105: {  	[tilespmem:s17], [sflag:$0x2] =	stream.indirect_vreg.gather [hbm4b:s14+s6], $0x80, v19, vm0, $0xb8;
	[tilespmem:$0x14100] =	vst v63  }
0x106: {  	s18 =	rddreg [dreg:$0x6];
	s19 =	simm.s32 $0x3;
	s2 =	simm.s32 $0x10100  }
0x107: {  	[hbm4b:s18+s6] =	stream.linear.scatter [tilespmem:s2], [sflag:$0x5], $0x4000, $0x38;
	[tilespmem:$0x14100] =	vst v63  }
0x108: {  	_ =	swait.ge [sflag:s19], $0x4000  }
0x109: {  	[sflag:s19] =	ssyncset.done $0x0  }
0x10a: {  	[sflag:s19] =	ssyncadd.s32 $0xFFFFC000  }
0x10b: {  	_ =	swait.ge [sflag:s20], $0x4000  }
0x10c: {  	[sflag:s20] =	ssyncset.done $0x0  }
0x10d: {  	[sflag:s20] =	ssyncadd.s32 $0xFFFFC000  }
0x10e: {  	v19 =	vld [tilespmem:$0x10];
	_ =	sdelay $0x1  }
0x10f: {  	s21 =	sand.u32 $0x3C00, s6;
	s15 =	sand.u32 $0x70, s6  }
0x110: {  	s15 =	sor.u32 s15, s21  }
0x111: {  	v22 =	vld [tilespmem:s15+$0x8100]  }
0x112: {  	v23 =	vld [tilespmem:s15+$0x8180];
	vm1 =	veq.s32 v19, $0x0  }
0x113: {  	v28 =	vld [tilespmem:s15+$0x8300];
	v26 =	vsel vm1, $0x0, v5  }
0x114: {  	v27 =	vld [tilespmem:s15+$0x8280];
	v20 =	vperm.xlane v26, v4  }
0x115: {  	v24 =	vld [tilespmem:s15+$0x8200];
	v21 =	vperm.xlane v26, v6  }
0x116: {  	v30 =	vld [tilespmem:s15+$0x8380];
	v25 =	vperm.xlane v26, v0;
	v29 =	vmul.f32 v22, v20  }
0x117: {  	v32 =	vld [tilespmem:s15+$0x8400];
	v22 =	vperm.xlane v26, v8;
	v31 =	vmul.f32 v23, v21  }
0x118: {  	v19 =	vperm.xlane v26, v7;
	v28 =	vmul.f32 v28, v25;
	[tilespmem:s15+$0xC100] =	vst v29  }
0x119: {  	v23 =	vperm.xlane v26, v9;
	[tilespmem:s15+$0xC180] =	vst v31;
	v27 =	vmul.f32 v27, v22  }
0x11a: {  	v29 =	vmul.f32 v24, v19;
	v24 =	vperm.xlane v26, v10;
	[tilespmem:s15+$0xC300] =	vst v28  }
0x11b: {  	s22 =	sand.u32 $0x7, s6;
	[tilespmem:s15+$0xC280] =	vst v27;
	v27 =	vmul.f32 v30, v23  }
0x11c: {  	s16 =	sshll.u32 s22, $0x4;
	[tilespmem:s15+$0xC200] =	vst v29;
	v28 =	vmul.f32 v32, v24  }
0x11d: {  	s16 =	sadd.s32 $0x0, s16;
	[tilespmem:s15+$0xC380] =	vst v27  }
0x11e: {  	s23 =	sor.u32 $0x380, s16;
	[tilespmem:s15+$0xC400] =	vst v28  }
0x11f: {  	v27 =	vld [tilespmem:s23+$0x8100];
	_ =	sdelay $0x2  }
0x120: {  	v26 =	vperm.xlane v26, v2;
	_ =	sdelay $0x1  }
0x121: {  	s24 =	simm.s32 $0x10;
	s16 =	simm.s32 $0x80;
	v27 =	vmul.f32 v27, v26  }
0x122: {  	s17 =	sand.u32 $0x70, s24;
	s18 =	sand.u32 $0x3C00, s16  }
0x123: {  	s17 =	sor.u32 s17, s18;
	[tilespmem:s23+$0xC100] =	vst v27  }
0x124: {  	v31 =	vld [tilespmem:s17+$0x8100]  }
0x125: {  	v30 =	vld [tilespmem:s17+$0x8180]  }
0x126: {  	v29 =	vld [tilespmem:s17+$0x8200]  }
0x127: {  	v28 =	vld [tilespmem:s17+$0x8280]  }
0x128: {  	s15 =	simm.s32 $0x20;
	v27 =	vld [tilespmem:s17+$0x8300]  }
.LBB2_6:
0x129: {  	p0 =	sne.s32 s15, $0x7F0;
	v31 =	vmul.f32 v31, v20;
	v32 =	vld [tilespmem:s17+$0x8380]  }
0x12a: {  	v30 =	vmul.f32 v30, v21;
	v33 =	vld [tilespmem:s17+$0x8400]  }
0x12b: {  	[tilespmem:s17+$0xC100] =	vst v31;
	v29 =	vmul.f32 v29, v19  }
0x12c: {  	[tilespmem:s17+$0xC180] =	vst v30;
	v28 =	vmul.f32 v28, v22  }
0x12d: {  	s6 =	sadd.s32 $0x1, s6;
	[tilespmem:s17+$0xC200] =	vst v29;
	v27 =	vmul.f32 v27, v25  }
0x12e: {  	s18 =	sand.u32 $0x7, s6;
	[tilespmem:s17+$0xC280] =	vst v28;
	v28 =	vmul.f32 v32, v23  }
0x12f: {  	s18 =	sshll.u32 s18, $0x4;
	[tilespmem:s17+$0xC300] =	vst v27;
	v27 =	vmul.f32 v33, v24  }
0x130: {  	s18 =	sadd.s32 s18, s16;
	[tilespmem:s17+$0xC380] =	vst v28  }
0x131: {  	s18 =	sor.u32 $0x380, s18;
	[tilespmem:s17+$0xC400] =	vst v27  }
0x132: {  	v27 =	vld [tilespmem:s18+$0x8100];
	_ =	sdelay $0x4  }
0x133: {  	s16 =	sadd.s32 $0x80, s16;
	v27 =	vmul.f32 v27, v26  }
0x134: {  	s21 =	sand.u32 $0x3C00, s16;
	s17 =	sand.u32 $0x70, s15  }
0x135: {  	s17 =	sor.u32 s17, s21;
	[tilespmem:s18+$0xC100] =	vst v27  }
.Ltmp2:
0x136: {  	v31 =	vld [tilespmem:s17+$0x8100];
	(pc) =	sbr.rel @p0 .LBB2_6-.Ltmp2, $4  }
0x137: {  	v30 =	vld [tilespmem:s17+$0x8180]  }
0x138: {  	v29 =	vld [tilespmem:s17+$0x8200]  }
0x139: {  	v28 =	vld [tilespmem:s17+$0x8280]  }
0x13a: {  	s15 =	sadd.s32 $0x10, s15;
	v27 =	vld [tilespmem:s17+$0x8300]  }
0x13b: {  	v20 =	vmul.f32 v31, v20;
	v31 =	vld [tilespmem:s17+$0x8380]  }
0x13c: {  	v21 =	vmul.f32 v30, v21;
	v30 =	vld [tilespmem:s17+$0x8400]  }
0x13d: {  	[tilespmem:s17+$0xC100] =	vst v20;
	v19 =	vmul.f32 v29, v19  }
0x13e: {  	[tilespmem:s17+$0xC180] =	vst v21;
	v20 =	vmul.f32 v28, v22  }
0x13f: {  	s6 =	sadd.s32 $0x1, s6;
	[tilespmem:s17+$0xC200] =	vst v19;
	v19 =	vmul.f32 v27, v25  }
0x140: {  	s6 =	sand.u32 $0x7, s6;
	[tilespmem:s17+$0xC280] =	vst v20;
	v20 =	vmul.f32 v31, v23  }
0x141: {  	s6 =	sshll.u32 s6, $0x4;
	[tilespmem:s17+$0xC300] =	vst v19;
	v19 =	vmul.f32 v30, v24  }
0x142: {  	s6 =	sadd.s32 s6, s16;
	[tilespmem:s17+$0xC380] =	vst v20  }
0x143: {  	s6 =	sor.u32 $0x380, s6;
	[tilespmem:s17+$0xC400] =	vst v19  }
0x144: {  	v19 =	vld [tilespmem:s6+$0x8100];
	_ =	sdelay $0x4  }
0x145: {  	v19 =	vmul.f32 v19, v26;
	_ =	sdelay $0x1  }
0x146: {  	[tilespmem:s6+$0xC100] =	vst v19  }
0x147: {  	v19 =	vld.msk [tilespmem:$0x28], $0xff;
	_ =	sdelay $0x4  }
0x148: {  	v20 =	vshll.u32 v19, $0x4  }
0x149: {  	v19 =	vand.u32 $0x7, v19;
	v20 =	vand.u32 $0xFFFFFF80, v20  }
0x14a: {  	v19 =	vor.u32 v19, v20  }
0x14b: {  	v19 =	vperm.xlane v19, v1;
	_ =	sdelay $0x1  }
0x14c: {  	v19 =	vadd.s32 v3, v19;
	_ =	sdelay $0x3  }
0x14d: {  	s1 =	simm.s32 $0x8100;
	s6 =	simm.s32 $0x0  }
0x14e: {  	[tilespmem:s1], [sflag:$0x3] =	stream.indirect_vreg.gather [hbm4b:s25+s6], $0x80, v19, vm0, $0xb8;
	[tilespmem:$0x14100] =	vst v63  }
0x14f: {  	s23 =	simm.s32 $0x8900  }
0x150: {  	[tilespmem:s23], [sflag:$0x3] =	stream.indirect_vreg.gather [hbm4b:s7+s6], $0x80, v19, vm0, $0xb8;
	[tilespmem:$0x14100] =	vst v63  }
0x151: {  	s24 =	simm.s32 $0x9100  }
0x152: {  	[tilespmem:s24], [sflag:$0x3] =	stream.indirect_vreg.gather [hbm4b:s9+s6], $0x80, v19, vm0, $0xb8;
	[tilespmem:$0x14100] =	vst v63  }
0x153: {  	s2 =	simm.s32 $0x9900  }
0x154: {  	[tilespmem:s2], [sflag:$0x3] =	stream.indirect_vreg.gather [hbm4b:s10+s6], $0x80, v19, vm0, $0xb8;
	[tilespmem:$0x14100] =	vst v63  }
0x155: {  	s15 =	simm.s32 $0xA100  }
0x156: {  	[tilespmem:s15], [sflag:$0x3] =	stream.indirect_vreg.gather [hbm4b:s11+s6], $0x80, v19, vm0, $0xb8;
	[tilespmem:$0x14100] =	vst v63  }
0x157: {  	s16 =	simm.s32 $0xA900  }
0x158: {  	[tilespmem:s16], [sflag:$0x3] =	stream.indirect_vreg.gather [hbm4b:s12+s6], $0x80, v19, vm0, $0xb8;
	[tilespmem:$0x14100] =	vst v63  }
0x159: {  	s17 =	simm.s32 $0xB100  }
0x15a: {  	[tilespmem:s17], [sflag:$0x3] =	stream.indirect_vreg.gather [hbm4b:s13+s6], $0x80, v19, vm0, $0xb8;
	[tilespmem:$0x14100] =	vst v63  }
0x15b: {  	s18 =	simm.s32 $0xB900  }
0x15c: {  	[tilespmem:s18], [sflag:$0x3] =	stream.indirect_vreg.gather [hbm4b:s14+s6], $0x80, v19, vm0, $0xb8;
	[tilespmem:$0x14100] =	vst v63  }
0x15d: {  	s19 =	rddreg [dreg:$0x7];
	s2 =	simm.s32 $0xC100  }
0x15e: {  	[hbm4b:s19+s6] =	stream.linear.scatter [tilespmem:s2], [sflag:$0x4], $0x4000, $0x38;
	[tilespmem:$0x14100] =	vst v63  }
0x15f: {  	_ =	swait.ge [sflag:s29], $0x4000  }
0x160: {  	[sflag:s29] =	ssyncset.done $0x0  }
0x161: {  	[sflag:s29] =	ssyncadd.s32 $0xFFFFC000  }
0x162: {  	_ =	swait.ge [sflag:s26], $0x4000  }
0x163: {  	[sflag:s26] =	ssyncset.done $0x0  }
0x164: {  	[sflag:s26] =	ssyncadd.s32 $0xFFFFC000  }
0x165: {  	v19 =	vld [tilespmem:$0x10];
	_ =	sdelay $0x1  }
0x166: {  	s21 =	sand.u32 $0x3C00, s6;
	s15 =	sand.u32 $0x70, s6  }
0x167: {  	s15 =	sor.u32 s15, s21  }
0x168: {  	v22 =	vld [tilespmem:s15+$0x100]  }
0x169: {  	v23 =	vld [tilespmem:s15+$0x180];
	vm1 =	veq.s32 v19, $0x0  }
0x16a: {  	v28 =	vld [tilespmem:s15+$0x300];
	v26 =	vsel vm1, $0x0, v5  }
0x16b: {  	v27 =	vld [tilespmem:s15+$0x280];
	v20 =	vperm.xlane v26, v11  }
0x16c: {  	v24 =	vld [tilespmem:s15+$0x200];
	v21 =	vperm.xlane v26, v12  }
0x16d: {  	v30 =	vld [tilespmem:s15+$0x380];
	v25 =	vperm.xlane v26, v15;
	v29 =	vmul.f32 v22, v20  }
0x16e: {  	v32 =	vld [tilespmem:s15+$0x400];
	v22 =	vperm.xlane v26, v14;
	v31 =	vmul.f32 v23, v21  }
0x16f: {  	v19 =	vperm.xlane v26, v13;
	v28 =	vmul.f32 v28, v25;
	[tilespmem:s15+$0x10100] =	vst v29  }
0x170: {  	v23 =	vperm.xlane v26, v16;
	[tilespmem:s15+$0x10180] =	vst v31;
	v27 =	vmul.f32 v27, v22  }
0x171: {  	v29 =	vmul.f32 v24, v19;
	v24 =	vperm.xlane v26, v17;
	[tilespmem:s15+$0x10300] =	vst v28  }
0x172: {  	s22 =	sand.u32 $0x7, s6;
	[tilespmem:s15+$0x10280] =	vst v27;
	v27 =	vmul.f32 v30, v23  }
0x173: {  	s16 =	sshll.u32 s22, $0x4;
	[tilespmem:s15+$0x10200] =	vst v29;
	v28 =	vmul.f32 v32, v24  }
0x174: {  	s16 =	sadd.s32 $0x0, s16;
	[tilespmem:s15+$0x10380] =	vst v27  }
0x175: {  	s23 =	sor.u32 $0x380, s16;
	[tilespmem:s15+$0x10400] =	vst v28  }
0x176: {  	v27 =	vld [tilespmem:s23+$0x100];
	_ =	sdelay $0x2  }
0x177: {  	v26 =	vperm.xlane v26, v18;
	_ =	sdelay $0x1  }
0x178: {  	s24 =	simm.s32 $0x10;
	s16 =	simm.s32 $0x80;
	v27 =	vmul.f32 v27, v26  }
0x179: {  	s17 =	sand.u32 $0x70, s24;
	s18 =	sand.u32 $0x3C00, s16  }
0x17a: {  	s17 =	sor.u32 s17, s18;
	[tilespmem:s23+$0x10100] =	vst v27  }
0x17b: {  	v31 =	vld [tilespmem:s17+$0x100]  }
0x17c: {  	v30 =	vld [tilespmem:s17+$0x180]  }
0x17d: {  	v29 =	vld [tilespmem:s17+$0x200]  }
0x17e: {  	v28 =	vld [tilespmem:s17+$0x280]  }
0x17f: {  	s15 =	simm.s32 $0x20;
	v27 =	vld [tilespmem:s17+$0x300]  }
.LBB2_8:
0x180: {  	p0 =	sne.s32 s15, $0x7F0;
	v31 =	vmul.f32 v31, v20;
	v32 =	vld [tilespmem:s17+$0x380]  }
0x181: {  	v30 =	vmul.f32 v30, v21;
	v33 =	vld [tilespmem:s17+$0x400]  }
0x182: {  	[tilespmem:s17+$0x10100] =	vst v31;
	v29 =	vmul.f32 v29, v19  }
0x183: {  	[tilespmem:s17+$0x10180] =	vst v30;
	v28 =	vmul.f32 v28, v22  }
0x184: {  	s6 =	sadd.s32 $0x1, s6;
	[tilespmem:s17+$0x10200] =	vst v29;
	v27 =	vmul.f32 v27, v25  }
0x185: {  	s18 =	sand.u32 $0x7, s6;
	[tilespmem:s17+$0x10280] =	vst v28;
	v28 =	vmul.f32 v32, v23  }
0x186: {  	s18 =	sshll.u32 s18, $0x4;
	[tilespmem:s17+$0x10300] =	vst v27;
	v27 =	vmul.f32 v33, v24  }
0x187: {  	s18 =	sadd.s32 s18, s16;
	[tilespmem:s17+$0x10380] =	vst v28  }
0x188: {  	s18 =	sor.u32 $0x380, s18;
	[tilespmem:s17+$0x10400] =	vst v27  }
0x189: {  	v27 =	vld [tilespmem:s18+$0x100];
	_ =	sdelay $0x4  }
0x18a: {  	s16 =	sadd.s32 $0x80, s16;
	v27 =	vmul.f32 v27, v26  }
0x18b: {  	s21 =	sand.u32 $0x3C00, s16;
	s17 =	sand.u32 $0x70, s15  }
0x18c: {  	s17 =	sor.u32 s17, s21;
	[tilespmem:s18+$0x10100] =	vst v27  }
.Ltmp3:
0x18d: {  	v31 =	vld [tilespmem:s17+$0x100];
	(pc) =	sbr.rel @p0 .LBB2_8-.Ltmp3, $4  }
0x18e: {  	v30 =	vld [tilespmem:s17+$0x180]  }
0x18f: {  	v29 =	vld [tilespmem:s17+$0x200]  }
0x190: {  	v28 =	vld [tilespmem:s17+$0x280]  }
0x191: {  	s15 =	sadd.s32 $0x10, s15;
	v27 =	vld [tilespmem:s17+$0x300]  }
0x192: {  	v20 =	vmul.f32 v31, v20;
	v62 =	vld [tilespmem:s17+$0x380]  }
0x193: {  	v63 =	vld [tilespmem:s17+$0x400];
	v21 =	vmul.f32 v30, v21  }
0x194: {  	[tilespmem:s17+$0x10100] =	vst v20;
	v19 =	vmul.f32 v29, v19  }
0x195: {  	[tilespmem:s17+$0x10180] =	vst v21;
	v20 =	vmul.f32 v28, v22  }
0x196: {  	s6 =	sadd.s32 $0x1, s6;
	[tilespmem:s17+$0x10200] =	vst v19;
	v19 =	vmul.f32 v27, v25  }
0x197: {  	s6 =	sand.u32 $0x7, s6;
	[tilespmem:s17+$0x10280] =	vst v20;
	v20 =	vmul.f32 v62, v23  }
0x198: {  	s6 =	sshll.u32 s6, $0x4;
	[tilespmem:s17+$0x10300] =	vst v19;
	v19 =	vmul.f32 v63, v24  }
0x199: {  	s6 =	sadd.s32 s6, s16;
	[tilespmem:s17+$0x10380] =	vst v20  }
0x19a: {  	s6 =	sor.u32 $0x380, s6;
	[tilespmem:s17+$0x10400] =	vst v19  }
0x19b: {  	v19 =	vld [tilespmem:s6+$0x100];
	_ =	sdelay $0x4  }
0x19c: {  	v19 =	vmul.f32 v19, v26;
	_ =	sdelay $0x1  }
0x19d: {  	[tilespmem:s6+$0x10100] =	vst v19  }
0x19e: {  	v19 =	vld.msk [tilespmem:$0x30], $0xff;
	_ =	sdelay $0x4  }
0x19f: {  	v20 =	vshll.u32 v19, $0x4  }
0x1a0: {  	v19 =	vand.u32 $0x7, v19;
	v20 =	vand.u32 $0xFFFFFF80, v20  }
0x1a1: {  	v19 =	vor.u32 v19, v20  }
0x1a2: {  	v19 =	vperm.xlane v19, v1;
	_ =	sdelay $0x1  }
0x1a3: {  	v19 =	vadd.s32 v3, v19;
	_ =	sdelay $0x4  }
0x1a4: {  	[tilespmem:s0], [sflag:$0x1] =	stream.indirect_vreg.gather [hbm4b:s25+s28], $0x80, v19, vm0, $0xb8;
	[tilespmem:$0x14100] =	vst v63  }
0x1a5: {  	s16 =	simm.s32 $0x900  }
0x1a6: {  	[tilespmem:s16], [sflag:$0x1] =	stream.indirect_vreg.gather [hbm4b:s7+s28], $0x80, v19, vm0, $0xb8;
	[tilespmem:$0x14100] =	vst v63  }
0x1a7: {  	s17 =	simm.s32 $0x1100  }
0x1a8: {  	[tilespmem:s17], [sflag:$0x1] =	stream.indirect_vreg.gather [hbm4b:s9+s28], $0x80, v19, vm0, $0xb8;
	[tilespmem:$0x14100] =	vst v63  }
0x1a9: {  	s18 =	simm.s32 $0x1900  }
0x1aa: {  	[tilespmem:s18], [sflag:$0x1] =	stream.indirect_vreg.gather [hbm4b:s10+s28], $0x80, v19, vm0, $0xb8;
	[tilespmem:$0x14100] =	vst v63  }
0x1ab: {  	s19 =	simm.s32 $0x2100  }
0x1ac: {  	[tilespmem:s19], [sflag:$0x1] =	stream.indirect_vreg.gather [hbm4b:s11+s28], $0x80, v19, vm0, $0xb8;
	[tilespmem:$0x14100] =	vst v63  }
0x1ad: {  	s21 =	simm.s32 $0x2900  }
0x1ae: {  	[tilespmem:s21], [sflag:$0x1] =	stream.indirect_vreg.gather [hbm4b:s12+s28], $0x80, v19, vm0, $0xb8;
	[tilespmem:$0x14100] =	vst v63  }
0x1af: {  	s22 =	simm.s32 $0x3100  }
0x1b0: {  	[tilespmem:s22], [sflag:$0x1] =	stream.indirect_vreg.gather [hbm4b:s13+s28], $0x80, v19, vm0, $0xb8;
	[tilespmem:$0x14100] =	vst v63  }
0x1b1: {  	s23 =	simm.s32 $0x3900  }
0x1b2: {  	[tilespmem:s23], [sflag:$0x1] =	stream.indirect_vreg.gather [hbm4b:s14+s28], $0x80, v19, vm0, $0xb8;
	[tilespmem:$0x14100] =	vst v63  }
0x1b3: {  	s1 =	rddreg [dreg:$0x8];
	s24 =	simm.s32 $0x10100;
	s6 =	simm.s32 $0x0  }
0x1b4: {  	[hbm4b:s1+s28] =	stream.linear.scatter [tilespmem:s24], [sflag:$0x5], $0x4000, $0x38;
	[tilespmem:$0x14100] =	vst v63  }
.LBB2_10:
0x1b5: {  	_ =	swait.ge [sflag:s31], $0x4000  }
0x1b6: {  	s22 =	smul.u32 $0x6, s6;
	[sflag:s31] =	ssyncset.done $0x0  }
0x1b7: {  	[sflag:s31] =	ssyncadd.s32 $0xFFFFC000  }
0x1b8: {  	s17 =	sadd.s32 $0x4, s22;
	_ =	swait.ge [sflag:s20], $0x4000  }
0x1b9: {  	s15 =	sshll.u32 s17, $0x5;
	[sflag:s20] =	ssyncset.done $0x0  }
0x1ba: {  	s16 =	sshrl.u32 s15, $0x2;
	[sflag:s20] =	ssyncadd.s32 $0xFFFFC000  }
0x1bb: {  	v19 =	vld [tilespmem:s16+$0x0];
	_ =	sdelay $0x1  }
0x1bc: {  	s23 =	sand.u32 $0x70, s28;
	s18 =	sand.u32 $0x3C00, s28  }
0x1bd: {  	s15 =	sor.u32 s23, s18  }
0x1be: {  	v22 =	vld [tilespmem:s15+$0x4100]  }
0x1bf: {  	v23 =	vld [tilespmem:s15+$0x4180];
	vm1 =	veq.s32 v19, $0x0  }
0x1c0: {  	v28 =	vld [tilespmem:s15+$0x4300];
	v26 =	vsel vm1, $0x0, v5  }
0x1c1: {  	v27 =	vld [tilespmem:s15+$0x4280];
	v20 =	vperm.xlane v26, v4  }
0x1c2: {  	v24 =	vld [tilespmem:s15+$0x4200];
	v21 =	vperm.xlane v26, v6  }
0x1c3: {  	v30 =	vld [tilespmem:s15+$0x4380];
	v25 =	vperm.xlane v26, v0;
	v29 =	vmul.f32 v22, v20  }
0x1c4: {  	v32 =	vld [tilespmem:s15+$0x4400];
	v22 =	vperm.xlane v26, v8;
	v31 =	vmul.f32 v23, v21  }
0x1c5: {  	v19 =	vperm.xlane v26, v7;
	v28 =	vmul.f32 v28, v25;
	[tilespmem:s15+$0xC100] =	vst v29  }
0x1c6: {  	v23 =	vperm.xlane v26, v9;
	[tilespmem:s15+$0xC180] =	vst v31;
	v27 =	vmul.f32 v27, v22  }
0x1c7: {  	v29 =	vmul.f32 v24, v19;
	v24 =	vperm.xlane v26, v10;
	[tilespmem:s15+$0xC300] =	vst v28  }
0x1c8: {  	s24 =	sand.u32 $0x7, s28;
	[tilespmem:s15+$0xC280] =	vst v27;
	v27 =	vmul.f32 v30, v23  }
0x1c9: {  	s18 =	sshll.u32 s24, $0x4;
	[tilespmem:s15+$0xC200] =	vst v29;
	v28 =	vmul.f32 v32, v24  }
0x1ca: {  	s18 =	sadd.s32 $0x0, s18;
	[tilespmem:s15+$0xC380] =	vst v27  }
0x1cb: {  	s0 =	smov.u32 s25;
	s25 =	sor.u32 $0x380, s18;
	[tilespmem:s15+$0xC400] =	vst v28  }
0x1cc: {  	v27 =	vld [tilespmem:s25+$0x4100];
	_ =	sdelay $0x2  }
0x1cd: {  	v26 =	vperm.xlane v26, v2;
	_ =	sdelay $0x1  }
0x1ce: {  	s21 =	simm.s32 $0x10;
	s18 =	simm.s32 $0x80;
	v27 =	vmul.f32 v27, v26  }
0x1cf: {  	s21 =	sand.u32 $0x70, s21;
	s23 =	sand.u32 $0x3C00, s18  }
0x1d0: {  	s21 =	sor.u32 s21, s23;
	[tilespmem:s25+$0xC100] =	vst v27  }
0x1d1: {  	v31 =	vld [tilespmem:s21+$0x4100]  }
0x1d2: {  	v30 =	vld [tilespmem:s21+$0x4180]  }
0x1d3: {  	v29 =	vld [tilespmem:s21+$0x4200]  }
0x1d4: {  	v28 =	vld [tilespmem:s21+$0x4280]  }
0x1d5: {  	s2 =	smov.u32 s3;
	s23 =	simm.s32 $0x20;
	s15 =	simm.s32 $0x0;
	v27 =	vld [tilespmem:s21+$0x4300]  }
.LBB2_11:
0x1d6: {  	p0 =	sne.s32 s23, $0x7F0;
	v31 =	vmul.f32 v31, v20;
	v32 =	vld [tilespmem:s21+$0x4380]  }
0x1d7: {  	v30 =	vmul.f32 v30, v21;
	v33 =	vld [tilespmem:s21+$0x4400]  }
0x1d8: {  	[tilespmem:s21+$0xC100] =	vst v31;
	v29 =	vmul.f32 v29, v19  }
0x1d9: {  	[tilespmem:s21+$0xC180] =	vst v30;
	v28 =	vmul.f32 v28, v22  }
0x1da: {  	s15 =	sadd.s32 $0x1, s15;
	[tilespmem:s21+$0xC200] =	vst v29;
	v27 =	vmul.f32 v27, v25  }
0x1db: {  	s24 =	sand.u32 $0x7, s15;
	[tilespmem:s21+$0xC280] =	vst v28;
	v28 =	vmul.f32 v32, v23  }
0x1dc: {  	s24 =	sshll.u32 s24, $0x4;
	[tilespmem:s21+$0xC300] =	vst v27;
	v27 =	vmul.f32 v33, v24  }
0x1dd: {  	s24 =	sadd.s32 s24, s18;
	[tilespmem:s21+$0xC380] =	vst v28  }
0x1de: {  	s24 =	sor.u32 $0x380, s24;
	[tilespmem:s21+$0xC400] =	vst v27  }
0x1df: {  	v27 =	vld [tilespmem:s24+$0x4100];
	_ =	sdelay $0x4  }
0x1e0: {  	s18 =	sadd.s32 $0x80, s18;
	v27 =	vmul.f32 v27, v26  }
0x1e1: {  	s25 =	sand.u32 $0x3C00, s18;
	s21 =	sand.u32 $0x70, s23  }
0x1e2: {  	s21 =	sor.u32 s21, s25;
	[tilespmem:s24+$0xC100] =	vst v27  }
.Ltmp4:
0x1e3: {  	v31 =	vld [tilespmem:s21+$0x4100];
	(pc) =	sbr.rel @p0 .LBB2_11-.Ltmp4, $4  }
0x1e4: {  	v30 =	vld [tilespmem:s21+$0x4180]  }
0x1e5: {  	v29 =	vld [tilespmem:s21+$0x4200]  }
0x1e6: {  	v28 =	vld [tilespmem:s21+$0x4280]  }
0x1e7: {  	s23 =	sadd.s32 $0x10, s23;
	v27 =	vld [tilespmem:s21+$0x4300]  }
0x1e8: {  	v20 =	vmul.f32 v31, v20;
	v31 =	vld [tilespmem:s21+$0x4380]  }
0x1e9: {  	v21 =	vmul.f32 v30, v21;
	v30 =	vld [tilespmem:s21+$0x4400]  }
0x1ea: {  	[tilespmem:s21+$0xC100] =	vst v20;
	v19 =	vmul.f32 v29, v19  }
0x1eb: {  	[tilespmem:s21+$0xC180] =	vst v21;
	v20 =	vmul.f32 v28, v22  }
0x1ec: {  	s15 =	sadd.s32 $0x1, s15;
	[tilespmem:s21+$0xC200] =	vst v19;
	v19 =	vmul.f32 v27, v25  }
0x1ed: {  	s15 =	sand.u32 $0x7, s15;
	[tilespmem:s21+$0xC280] =	vst v20;
	v20 =	vmul.f32 v31, v23  }
0x1ee: {  	s15 =	sshll.u32 s15, $0x4;
	[tilespmem:s21+$0xC300] =	vst v19;
	v19 =	vmul.f32 v30, v24  }
0x1ef: {  	s15 =	sadd.s32 s15, s18;
	[tilespmem:s21+$0xC380] =	vst v20  }
0x1f0: {  	s15 =	sor.u32 $0x380, s15;
	[tilespmem:s21+$0xC400] =	vst v19  }
0x1f1: {  	v19 =	vld [tilespmem:s15+$0x4100];
	_ =	sdelay $0x4  }
0x1f2: {  	v19 =	vmul.f32 v19, v26  }
0x1f3: {  	s18 =	smul.u32 $0x30, s6  }
0x1f4: {  	[tilespmem:s15+$0xC100] =	vst v19  }
0x1f5: {  	v19 =	vld.msk [tilespmem:s18+$0x38], $0xff;
	_ =	sdelay $0x4  }
0x1f6: {  	v20 =	vshll.u32 v19, $0x4  }
0x1f7: {  	v19 =	vand.u32 $0x7, v19;
	v20 =	vand.u32 $0xFFFFFF80, v20  }
0x1f8: {  	v19 =	vor.u32 v19, v20  }
0x1f9: {  	v19 =	vperm.xlane v19, v1;
	_ =	sdelay $0x1  }
0x1fa: {  	v19 =	vadd.s32 v3, v19;
	_ =	sdelay $0x3  }
0x1fb: {  	s1 =	simm.s32 $0x4100;
	s21 =	simm.s32 $0x0  }
0x1fc: {  	[tilespmem:s1], [sflag:$0x2] =	stream.indirect_vreg.gather [hbm4b:s0+s21], $0x80, v19, vm0, $0xb8;
	[tilespmem:$0x14100] =	vst v63  }
0x1fd: {  	s24 =	simm.s32 $0x4900  }
0x1fe: {  	[tilespmem:s24], [sflag:$0x2] =	stream.indirect_vreg.gather [hbm4b:s7+s21], $0x80, v19, vm0, $0xb8;
	[tilespmem:$0x14100] =	vst v63  }
0x1ff: {  	s25 =	simm.s32 $0x5100  }
0x200: {  	[tilespmem:s25], [sflag:$0x2] =	stream.indirect_vreg.gather [hbm4b:s9+s21], $0x80, v19, vm0, $0xb8;
	[tilespmem:$0x14100] =	vst v63  }
0x201: {  	s3 =	simm.s32 $0x5900  }
0x202: {  	[tilespmem:s3], [sflag:$0x2] =	stream.indirect_vreg.gather [hbm4b:s10+s21], $0x80, v19, vm0, $0xb8;
	[tilespmem:$0x14100] =	vst v63  }
0x203: {  	s15 =	simm.s32 $0x6100;
	s25 =	sadd.s32 s30, s17  }
0x204: {  	[tilespmem:s15], [sflag:$0x2] =	stream.indirect_vreg.gather [hbm4b:s11+s21], $0x80, v19, vm0, $0xb8;
	[tilespmem:$0x14100] =	vst v63  }
0x205: {  	s19 =	simm.s32 $0x6900;
	s15 =	sshll.u32 s25, $0xE  }
0x206: {  	[tilespmem:s19], [sflag:$0x2] =	stream.indirect_vreg.gather [hbm4b:s12+s21], $0x80, v19, vm0, $0xb8;
	[tilespmem:$0x14100] =	vst v63  }
0x207: {  	s23 =	simm.s32 $0x7100;
	s15 =	sadd.s32 s8, s15  }
0x208: {  	[tilespmem:s23], [sflag:$0x2] =	stream.indirect_vreg.gather [hbm4b:s13+s21], $0x80, v19, vm0, $0xb8;
	[tilespmem:$0x14100] =	vst v63  }
0x209: {  	s24 =	simm.s32 $0x7900;
	s17 =	simm.s32 $0x3;
	s15 =	sshrl.u32 s15, $0x3  }
0x20a: {  	[tilespmem:s24], [sflag:$0x2] =	stream.indirect_vreg.gather [hbm4b:s14+s21], $0x80, v19, vm0, $0xb8;
	[tilespmem:$0x14100] =	vst v63  }
0x20b: {  	s3 =	smov.u32 s30;
	s30 =	simm.s32 $0xC100;
	s15 =	sadd.s32 s5, s15  }
0x20c: {  	[hbm4b:s15+s21] =	stream.linear.scatter [tilespmem:s30], [sflag:$0x4], $0x4000, $0x38;
	[tilespmem:$0x14100] =	vst v63  }
0x20d: {  	_ =	swait.ge [sflag:s17], $0x4000  }
0x20e: {  	[sflag:s17] =	ssyncset.done $0x0  }
0x20f: {  	[sflag:s17] =	ssyncadd.s32 $0xFFFFC000  }
0x210: {  	_ =	swait.ge [sflag:s26], $0x4000  }
0x211: {  	[sflag:s26] =	ssyncset.done $0x0  }
0x212: {  	[sflag:s26] =	ssyncadd.s32 $0xFFFFC000  }
0x213: {  	v19 =	vld [tilespmem:s16+$0x0];
	_ =	sdelay $0x1  }
0x214: {  	s19 =	sand.u32 $0x70, s21;
	s23 =	sand.u32 $0x3C00, s21  }
0x215: {  	s15 =	sor.u32 s19, s23  }
0x216: {  	v22 =	vld [tilespmem:s15+$0x8100]  }
0x217: {  	v23 =	vld [tilespmem:s15+$0x8180];
	vm1 =	veq.s32 v19, $0x0  }
0x218: {  	v28 =	vld [tilespmem:s15+$0x8300];
	v26 =	vsel vm1, $0x0, v5  }
0x219: {  	v27 =	vld [tilespmem:s15+$0x8280];
	v20 =	vperm.xlane v26, v11  }
0x21a: {  	v24 =	vld [tilespmem:s15+$0x8200];
	v21 =	vperm.xlane v26, v12  }
0x21b: {  	v30 =	vld [tilespmem:s15+$0x8380];
	v25 =	vperm.xlane v26, v15;
	v29 =	vmul.f32 v22, v20  }
0x21c: {  	v32 =	vld [tilespmem:s15+$0x8400];
	v22 =	vperm.xlane v26, v14;
	v31 =	vmul.f32 v23, v21  }
0x21d: {  	v19 =	vperm.xlane v26, v13;
	v28 =	vmul.f32 v28, v25;
	[tilespmem:s15+$0x10100] =	vst v29  }
0x21e: {  	v23 =	vperm.xlane v26, v16;
	[tilespmem:s15+$0x10180] =	vst v31;
	v27 =	vmul.f32 v27, v22  }
0x21f: {  	v29 =	vmul.f32 v24, v19;
	v24 =	vperm.xlane v26, v17;
	[tilespmem:s15+$0x10300] =	vst v28  }
0x220: {  	s24 =	sand.u32 $0x7, s21;
	[tilespmem:s15+$0x10280] =	vst v27;
	v27 =	vmul.f32 v30, v23  }
0x221: {  	s16 =	sshll.u32 s24, $0x4;
	[tilespmem:s15+$0x10200] =	vst v29;
	v28 =	vmul.f32 v32, v24  }
0x222: {  	s16 =	sadd.s32 $0x0, s16;
	[tilespmem:s15+$0x10380] =	vst v27  }
0x223: {  	s25 =	sor.u32 $0x380, s16;
	[tilespmem:s15+$0x10400] =	vst v28  }
0x224: {  	v27 =	vld [tilespmem:s25+$0x8100];
	_ =	sdelay $0x2  }
0x225: {  	v26 =	vperm.xlane v26, v18;
	_ =	sdelay $0x1  }
0x226: {  	s30 =	simm.s32 $0x10;
	s16 =	simm.s32 $0x80;
	v27 =	vmul.f32 v27, v26  }
0x227: {  	s17 =	sand.u32 $0x70, s30;
	s23 =	sand.u32 $0x3C00, s16  }
0x228: {  	s23 =	sor.u32 s17, s23;
	[tilespmem:s25+$0x10100] =	vst v27  }
0x229: {  	v31 =	vld [tilespmem:s23+$0x8100]  }
0x22a: {  	v30 =	vld [tilespmem:s23+$0x8180]  }
0x22b: {  	v29 =	vld [tilespmem:s23+$0x8200]  }
0x22c: {  	v28 =	vld [tilespmem:s23+$0x8280]  }
0x22d: {  	s17 =	sadd.s32 $0x38, s18;
	s15 =	simm.s32 $0x20;
	v27 =	vld [tilespmem:s23+$0x8300]  }
.LBB2_13:
0x22e: {  	p0 =	sne.s32 s15, $0x7F0;
	v31 =	vmul.f32 v31, v20;
	v32 =	vld [tilespmem:s23+$0x8380]  }
0x22f: {  	v30 =	vmul.f32 v30, v21;
	v33 =	vld [tilespmem:s23+$0x8400]  }
0x230: {  	[tilespmem:s23+$0x10100] =	vst v31;
	v29 =	vmul.f32 v29, v19  }
0x231: {  	[tilespmem:s23+$0x10180] =	vst v30;
	v28 =	vmul.f32 v28, v22  }
0x232: {  	s21 =	sadd.s32 $0x1, s21;
	[tilespmem:s23+$0x10200] =	vst v29;
	v27 =	vmul.f32 v27, v25  }
0x233: {  	s24 =	sand.u32 $0x7, s21;
	[tilespmem:s23+$0x10280] =	vst v28;
	v28 =	vmul.f32 v32, v23  }
0x234: {  	s24 =	sshll.u32 s24, $0x4;
	[tilespmem:s23+$0x10300] =	vst v27;
	v27 =	vmul.f32 v33, v24  }
0x235: {  	s24 =	sadd.s32 s24, s16;
	[tilespmem:s23+$0x10380] =	vst v28  }
0x236: {  	s24 =	sor.u32 $0x380, s24;
	[tilespmem:s23+$0x10400] =	vst v27  }
0x237: {  	v27 =	vld [tilespmem:s24+$0x8100];
	_ =	sdelay $0x4  }
0x238: {  	s16 =	sadd.s32 $0x80, s16;
	v27 =	vmul.f32 v27, v26  }
0x239: {  	s25 =	sand.u32 $0x3C00, s16;
	s23 =	sand.u32 $0x70, s15  }
0x23a: {  	s23 =	sor.u32 s23, s25;
	[tilespmem:s24+$0x10100] =	vst v27  }
.Ltmp5:
0x23b: {  	v31 =	vld [tilespmem:s23+$0x8100];
	(pc) =	sbr.rel @p0 .LBB2_13-.Ltmp5, $4  }
0x23c: {  	v30 =	vld [tilespmem:s23+$0x8180]  }
0x23d: {  	v29 =	vld [tilespmem:s23+$0x8200]  }
0x23e: {  	v28 =	vld [tilespmem:s23+$0x8280]  }
0x23f: {  	s15 =	sadd.s32 $0x10, s15;
	v27 =	vld [tilespmem:s23+$0x8300]  }
0x240: {  	v20 =	vmul.f32 v31, v20;
	v31 =	vld [tilespmem:s23+$0x8380]  }
0x241: {  	v21 =	vmul.f32 v30, v21;
	v30 =	vld [tilespmem:s23+$0x8400]  }
0x242: {  	[tilespmem:s23+$0x10100] =	vst v20;
	v19 =	vmul.f32 v29, v19  }
0x243: {  	[tilespmem:s23+$0x10180] =	vst v21;
	v20 =	vmul.f32 v28, v22  }
0x244: {  	s15 =	sadd.s32 $0x1, s21;
	[tilespmem:s23+$0x10200] =	vst v19;
	v19 =	vmul.f32 v27, v25  }
0x245: {  	s15 =	sand.u32 $0x7, s15;
	[tilespmem:s23+$0x10280] =	vst v20;
	v20 =	vmul.f32 v31, v23  }
0x246: {  	s15 =	sshll.u32 s15, $0x4;
	[tilespmem:s23+$0x10300] =	vst v19;
	v19 =	vmul.f32 v30, v24  }
0x247: {  	s15 =	sadd.s32 s15, s16;
	[tilespmem:s23+$0x10380] =	vst v20  }
0x248: {  	s15 =	sor.u32 $0x380, s15;
	[tilespmem:s23+$0x10400] =	vst v19  }
0x249: {  	v19 =	vld [tilespmem:s15+$0x8100];
	_ =	sdelay $0x4  }
0x24a: {  	v19 =	vmul.f32 v19, v26  }
0x24b: {  	s21 =	sadd.s32 $0x8, s22  }
0x24c: {  	s16 =	sshll.u32 s21, $0x3;
	[tilespmem:s15+$0x10100] =	vst v19  }
0x24d: {  	v19 =	vld.msk [tilespmem:s16+$0x0], $0xff;
	_ =	sdelay $0x4  }
0x24e: {  	v20 =	vshll.u32 v19, $0x4  }
0x24f: {  	v19 =	vand.u32 $0x7, v19;
	v20 =	vand.u32 $0xFFFFFF80, v20  }
0x250: {  	v19 =	vor.u32 v19, v20  }
0x251: {  	v19 =	vperm.xlane v19, v1;
	_ =	sdelay $0x1  }
0x252: {  	v19 =	vadd.s32 v3, v19;
	_ =	sdelay $0x3  }
0x253: {  	s24 =	simm.s32 $0x0;
	s1 =	simm.s32 $0x8100  }
0x254: {  	[tilespmem:s1], [sflag:$0x3] =	stream.indirect_vreg.gather [hbm4b:s0+s24], $0x80, v19, vm0, $0xb8;
	[tilespmem:$0x14100] =	vst v63  }
0x255: {  	s19 =	simm.s32 $0x8900  }
0x256: {  	[tilespmem:s19], [sflag:$0x3] =	stream.indirect_vreg.gather [hbm4b:s7+s24], $0x80, v19, vm0, $0xb8;
	[tilespmem:$0x14100] =	vst v63  }
0x257: {  	s23 =	simm.s32 $0x9100  }
0x258: {  	[tilespmem:s23], [sflag:$0x3] =	stream.indirect_vreg.gather [hbm4b:s9+s24], $0x80, v19, vm0, $0xb8;
	[tilespmem:$0x14100] =	vst v63  }
0x259: {  	s25 =	simm.s32 $0x9900  }
0x25a: {  	[tilespmem:s25], [sflag:$0x3] =	stream.indirect_vreg.gather [hbm4b:s10+s24], $0x80, v19, vm0, $0xb8;
	[tilespmem:$0x14100] =	vst v63  }
0x25b: {  	s15 =	simm.s32 $0xA100  }
0x25c: {  	[tilespmem:s15], [sflag:$0x3] =	stream.indirect_vreg.gather [hbm4b:s11+s24], $0x80, v19, vm0, $0xb8;
	[tilespmem:$0x14100] =	vst v63  }
0x25d: {  	s19 =	simm.s32 $0xA900;
	s15 =	rddreg [dreg:$0x9]  }
0x25e: {  	[tilespmem:s19], [sflag:$0x3] =	stream.indirect_vreg.gather [hbm4b:s12+s24], $0x80, v19, vm0, $0xb8;
	[tilespmem:$0x14100] =	vst v63  }
0x25f: {  	s19 =	sadd.s32 s18, s15  }
0x260: {  	s23 =	simm.s32 $0xB100;
	s15 =	sshll.u32 s19, $0xB  }
0x261: {  	[tilespmem:s23], [sflag:$0x3] =	stream.indirect_vreg.gather [hbm4b:s13+s24], $0x80, v19, vm0, $0xb8;
	[tilespmem:$0x14100] =	vst v63  }
0x262: {  	s15 =	sadd.s32 s8, s15  }
0x263: {  	s25 =	simm.s32 $0xB900;
	s15 =	sshrl.u32 s15, $0x3  }
0x264: {  	[tilespmem:s25], [sflag:$0x3] =	stream.indirect_vreg.gather [hbm4b:s14+s24], $0x80, v19, vm0, $0xb8;
	[tilespmem:$0x14100] =	vst v63  }
0x265: {  	s23 =	simm.s32 $0x10100;
	s15 =	sadd.s32 s5, s15  }
0x266: {  	[hbm4b:s15+s24] =	stream.linear.scatter [tilespmem:s23], [sflag:$0x5], $0x4000, $0x38;
	[tilespmem:$0x14100] =	vst v63  }
0x267: {  	_ =	swait.ge [sflag:s29], $0x4000  }
0x268: {  	[sflag:s29] =	ssyncset.done $0x0  }
0x269: {  	[sflag:s29] =	ssyncadd.s32 $0xFFFFC000  }
0x26a: {  	s23 =	sadd.s32 $0x6, s22;
	_ =	swait.ge [sflag:s20], $0x4000  }
0x26b: {  	s25 =	sshll.u32 s23, $0x5;
	[sflag:s20] =	ssyncset.done $0x0  }
0x26c: {  	s22 =	sshrl.u32 s25, $0x2;
	[sflag:s20] =	ssyncadd.s32 $0xFFFFC000  }
0x26d: {  	v19 =	vld [tilespmem:s22+$0x0];
	_ =	sdelay $0x1  }
0x26e: {  	s1 =	sand.u32 $0x70, s24;
	s25 =	sand.u32 $0x3C00, s24  }
0x26f: {  	s15 =	sor.u32 s1, s25  }
0x270: {  	v22 =	vld [tilespmem:s15+$0x100]  }
0x271: {  	v23 =	vld [tilespmem:s15+$0x180];
	vm1 =	veq.s32 v19, $0x0  }
0x272: {  	v28 =	vld [tilespmem:s15+$0x300];
	v26 =	vsel vm1, $0x0, v5  }
0x273: {  	v27 =	vld [tilespmem:s15+$0x280];
	v20 =	vperm.xlane v26, v4  }
0x274: {  	v24 =	vld [tilespmem:s15+$0x200];
	v21 =	vperm.xlane v26, v6  }
0x275: {  	v30 =	vld [tilespmem:s15+$0x380];
	v25 =	vperm.xlane v26, v0;
	v29 =	vmul.f32 v22, v20  }
0x276: {  	v32 =	vld [tilespmem:s15+$0x400];
	v22 =	vperm.xlane v26, v8;
	v31 =	vmul.f32 v23, v21  }
0x277: {  	v19 =	vperm.xlane v26, v7;
	v28 =	vmul.f32 v28, v25;
	[tilespmem:s15+$0xC100] =	vst v29  }
0x278: {  	v23 =	vperm.xlane v26, v9;
	[tilespmem:s15+$0xC180] =	vst v31;
	v27 =	vmul.f32 v27, v22  }
0x279: {  	v29 =	vmul.f32 v24, v19;
	v24 =	vperm.xlane v26, v10;
	[tilespmem:s15+$0xC300] =	vst v28  }
0x27a: {  	s19 =	sand.u32 $0x7, s24;
	[tilespmem:s15+$0xC280] =	vst v27;
	v27 =	vmul.f32 v30, v23  }
0x27b: {  	s25 =	sshll.u32 s19, $0x4;
	[tilespmem:s15+$0xC200] =	vst v29;
	v28 =	vmul.f32 v32, v24  }
0x27c: {  	s25 =	sadd.s32 $0x0, s25;
	[tilespmem:s15+$0xC380] =	vst v27  }
0x27d: {  	s30 =	sor.u32 $0x380, s25;
	[tilespmem:s15+$0xC400] =	vst v28  }
0x27e: {  	v27 =	vld [tilespmem:s30+$0x100];
	_ =	sdelay $0x2  }
0x27f: {  	v26 =	vperm.xlane v26, v2;
	_ =	sdelay $0x1  }
0x280: {  	s1 =	simm.s32 $0x10;
	s25 =	simm.s32 $0x80;
	v27 =	vmul.f32 v27, v26  }
0x281: {  	s19 =	sand.u32 $0x3C00, s25;
	s15 =	sand.u32 $0x70, s1  }
0x282: {  	s15 =	sor.u32 s15, s19;
	[tilespmem:s30+$0xC100] =	vst v27  }
0x283: {  	v31 =	vld [tilespmem:s15+$0x100]  }
0x284: {  	v30 =	vld [tilespmem:s15+$0x180]  }
0x285: {  	v29 =	vld [tilespmem:s15+$0x200]  }
0x286: {  	v28 =	vld [tilespmem:s15+$0x280]  }
0x287: {  	s30 =	simm.s32 $0x20;
	v27 =	vld [tilespmem:s15+$0x300]  }
.LBB2_15:
0x288: {  	p0 =	sne.s32 s30, $0x7F0;
	v31 =	vmul.f32 v31, v20;
	v32 =	vld [tilespmem:s15+$0x380]  }
0x289: {  	v30 =	vmul.f32 v30, v21;
	v33 =	vld [tilespmem:s15+$0x400]  }
0x28a: {  	[tilespmem:s15+$0xC100] =	vst v31;
	v29 =	vmul.f32 v29, v19  }
0x28b: {  	[tilespmem:s15+$0xC180] =	vst v30;
	v28 =	vmul.f32 v28, v22  }
0x28c: {  	s24 =	sadd.s32 $0x1, s24;
	[tilespmem:s15+$0xC200] =	vst v29;
	v27 =	vmul.f32 v27, v25  }
0x28d: {  	s1 =	sand.u32 $0x7, s24;
	[tilespmem:s15+$0xC280] =	vst v28;
	v28 =	vmul.f32 v32, v23  }
0x28e: {  	s1 =	sshll.u32 s1, $0x4;
	[tilespmem:s15+$0xC300] =	vst v27;
	v27 =	vmul.f32 v33, v24  }
0x28f: {  	s1 =	sadd.s32 s1, s25;
	[tilespmem:s15+$0xC380] =	vst v28  }
0x290: {  	s1 =	sor.u32 $0x380, s1;
	[tilespmem:s15+$0xC400] =	vst v27  }
0x291: {  	v27 =	vld [tilespmem:s1+$0x100];
	_ =	sdelay $0x4  }
0x292: {  	s25 =	sadd.s32 $0x80, s25;
	v27 =	vmul.f32 v27, v26  }
0x293: {  	s19 =	sand.u32 $0x3C00, s25;
	s15 =	sand.u32 $0x70, s30  }
0x294: {  	s15 =	sor.u32 s15, s19;
	[tilespmem:s1+$0xC100] =	vst v27  }
.Ltmp6:
0x295: {  	v31 =	vld [tilespmem:s15+$0x100];
	(pc) =	sbr.rel @p0 .LBB2_15-.Ltmp6, $4  }
0x296: {  	v30 =	vld [tilespmem:s15+$0x180]  }
0x297: {  	v29 =	vld [tilespmem:s15+$0x200]  }
0x298: {  	v28 =	vld [tilespmem:s15+$0x280]  }
0x299: {  	s30 =	sadd.s32 $0x10, s30;
	v27 =	vld [tilespmem:s15+$0x300]  }
0x29a: {  	v20 =	vmul.f32 v31, v20;
	v31 =	vld [tilespmem:s15+$0x380]  }
0x29b: {  	v21 =	vmul.f32 v30, v21;
	v30 =	vld [tilespmem:s15+$0x400]  }
0x29c: {  	[tilespmem:s15+$0xC100] =	vst v20;
	v19 =	vmul.f32 v29, v19  }
0x29d: {  	[tilespmem:s15+$0xC180] =	vst v21;
	v20 =	vmul.f32 v28, v22  }
0x29e: {  	s1 =	sadd.s32 $0x1, s24;
	[tilespmem:s15+$0xC200] =	vst v19;
	v19 =	vmul.f32 v27, v25  }
0x29f: {  	s1 =	sand.u32 $0x7, s1;
	[tilespmem:s15+$0xC280] =	vst v20;
	v20 =	vmul.f32 v31, v23  }
0x2a0: {  	s1 =	sshll.u32 s1, $0x4;
	[tilespmem:s15+$0xC300] =	vst v19;
	v19 =	vmul.f32 v30, v24  }
0x2a1: {  	s1 =	sadd.s32 s1, s25;
	[tilespmem:s15+$0xC380] =	vst v20  }
0x2a2: {  	s1 =	sor.u32 $0x380, s1;
	[tilespmem:s15+$0xC400] =	vst v19  }
0x2a3: {  	v19 =	vld [tilespmem:s1+$0x100];
	_ =	sdelay $0x4  }
0x2a4: {  	v19 =	vmul.f32 v19, v26;
	_ =	sdelay $0x1  }
0x2a5: {  	[tilespmem:s1+$0xC100] =	vst v19  }
0x2a6: {  	v19 =	vld.msk [tilespmem:s18+$0x48], $0xff;
	_ =	sdelay $0x4  }
0x2a7: {  	v20 =	vshll.u32 v19, $0x4  }
0x2a8: {  	v19 =	vand.u32 $0x7, v19;
	v20 =	vand.u32 $0xFFFFFF80, v20  }
0x2a9: {  	v19 =	vor.u32 v19, v20  }
0x2aa: {  	v19 =	vperm.xlane v19, v1;
	_ =	sdelay $0x1  }
0x2ab: {  	v19 =	vadd.s32 v3, v19;
	_ =	sdelay $0x3  }
0x2ac: {  	s24 =	simm.s32 $0x0;
	s25 =	smov.u32 s0;
	s0 =	simm.s32 $0x100  }
0x2ad: {  	[tilespmem:s0], [sflag:$0x1] =	stream.indirect_vreg.gather [hbm4b:s25+s24], $0x80, v19, vm0, $0xb8;
	[tilespmem:$0x14100] =	vst v63  }
0x2ae: {  	s19 =	simm.s32 $0x900  }
0x2af: {  	[tilespmem:s19], [sflag:$0x1] =	stream.indirect_vreg.gather [hbm4b:s7+s24], $0x80, v19, vm0, $0xb8;
	[tilespmem:$0x14100] =	vst v63  }
0x2b0: {  	s15 =	simm.s32 $0x1100  }
0x2b1: {  	[tilespmem:s15], [sflag:$0x1] =	stream.indirect_vreg.gather [hbm4b:s9+s24], $0x80, v19, vm0, $0xb8;
	[tilespmem:$0x14100] =	vst v63  }
0x2b2: {  	s19 =	simm.s32 $0x1900  }
0x2b3: {  	[tilespmem:s19], [sflag:$0x1] =	stream.indirect_vreg.gather [hbm4b:s10+s24], $0x80, v19, vm0, $0xb8;
	[tilespmem:$0x14100] =	vst v63  }
0x2b4: {  	s30 =	smov.u32 s3;
	s3 =	sadd.s32 s3, s23;
	s15 =	simm.s32 $0x2100  }
0x2b5: {  	[tilespmem:s15], [sflag:$0x1] =	stream.indirect_vreg.gather [hbm4b:s11+s24], $0x80, v19, vm0, $0xb8;
	[tilespmem:$0x14100] =	vst v63  }
0x2b6: {  	s1 =	sshll.u32 s3, $0xE;
	s19 =	simm.s32 $0x2900  }
0x2b7: {  	[tilespmem:s19], [sflag:$0x1] =	stream.indirect_vreg.gather [hbm4b:s12+s24], $0x80, v19, vm0, $0xb8;
	[tilespmem:$0x14100] =	vst v63  }
0x2b8: {  	s1 =	sadd.s32 s8, s1;
	s15 =	simm.s32 $0x3100  }
0x2b9: {  	[tilespmem:s15], [sflag:$0x1] =	stream.indirect_vreg.gather [hbm4b:s13+s24], $0x80, v19, vm0, $0xb8;
	[tilespmem:$0x14100] =	vst v63  }
0x2ba: {  	s1 =	sshrl.u32 s1, $0x3;
	s19 =	simm.s32 $0x3900  }
0x2bb: {  	[tilespmem:s19], [sflag:$0x1] =	stream.indirect_vreg.gather [hbm4b:s14+s24], $0x80, v19, vm0, $0xb8;
	[tilespmem:$0x14100] =	vst v63  }
0x2bc: {  	s1 =	sadd.s32 s5, s1;
	s15 =	simm.s32 $0xC100  }
0x2bd: {  	[hbm4b:s1+s24] =	stream.linear.scatter [tilespmem:s15], [sflag:$0x4], $0x4000, $0x38;
	[tilespmem:$0x14100] =	vst v63  }
0x2be: {  	_ =	swait.ge [sflag:s31], $0x4000  }
0x2bf: {  	[sflag:s31] =	ssyncset.done $0x0  }
0x2c0: {  	[sflag:s31] =	ssyncadd.s32 $0xFFFFC000  }
0x2c1: {  	_ =	swait.ge [sflag:s26], $0x4000  }
0x2c2: {  	[sflag:s26] =	ssyncset.done $0x0  }
0x2c3: {  	[sflag:s26] =	ssyncadd.s32 $0xFFFFC000  }
0x2c4: {  	v19 =	vld [tilespmem:s22+$0x0];
	_ =	sdelay $0x1  }
0x2c5: {  	s19 =	sand.u32 $0x70, s24;
	s22 =	sand.u32 $0x3C00, s24  }
0x2c6: {  	s1 =	sor.u32 s19, s22  }
0x2c7: {  	v22 =	vld [tilespmem:s1+$0x4100]  }
0x2c8: {  	v23 =	vld [tilespmem:s1+$0x4180];
	vm1 =	veq.s32 v19, $0x0  }
0x2c9: {  	v28 =	vld [tilespmem:s1+$0x4300];
	v26 =	vsel vm1, $0x0, v5  }
0x2ca: {  	v27 =	vld [tilespmem:s1+$0x4280];
	v20 =	vperm.xlane v26, v11  }
0x2cb: {  	v24 =	vld [tilespmem:s1+$0x4200];
	v21 =	vperm.xlane v26, v12  }
0x2cc: {  	v30 =	vld [tilespmem:s1+$0x4380];
	v25 =	vperm.xlane v26, v15;
	v29 =	vmul.f32 v22, v20  }
0x2cd: {  	v32 =	vld [tilespmem:s1+$0x4400];
	v22 =	vperm.xlane v26, v14;
	v31 =	vmul.f32 v23, v21  }
0x2ce: {  	v19 =	vperm.xlane v26, v13;
	v28 =	vmul.f32 v28, v25;
	[tilespmem:s1+$0x10100] =	vst v29  }
0x2cf: {  	v23 =	vperm.xlane v26, v16;
	[tilespmem:s1+$0x10180] =	vst v31;
	v27 =	vmul.f32 v27, v22  }
0x2d0: {  	v29 =	vmul.f32 v24, v19;
	v24 =	vperm.xlane v26, v17;
	[tilespmem:s1+$0x10300] =	vst v28  }
0x2d1: {  	s23 =	sand.u32 $0x7, s24;
	[tilespmem:s1+$0x10280] =	vst v27;
	v27 =	vmul.f32 v30, v23  }
0x2d2: {  	s15 =	sshll.u32 s23, $0x4;
	[tilespmem:s1+$0x10200] =	vst v29;
	v28 =	vmul.f32 v32, v24  }
0x2d3: {  	s15 =	sadd.s32 $0x0, s15;
	[tilespmem:s1+$0x10380] =	vst v27  }
0x2d4: {  	s3 =	sor.u32 $0x380, s15;
	[tilespmem:s1+$0x10400] =	vst v28  }
0x2d5: {  	v27 =	vld [tilespmem:s3+$0x4100];
	_ =	sdelay $0x2  }
0x2d6: {  	v26 =	vperm.xlane v26, v18;
	_ =	sdelay $0x1  }
0x2d7: {  	s23 =	simm.s32 $0x10;
	s22 =	simm.s32 $0x80;
	v27 =	vmul.f32 v27, v26  }
0x2d8: {  	s15 =	sand.u32 $0x70, s23;
	s19 =	sand.u32 $0x3C00, s22  }
0x2d9: {  	s23 =	sor.u32 s15, s19;
	[tilespmem:s3+$0x10100] =	vst v27  }
0x2da: {  	v31 =	vld [tilespmem:s23+$0x4100]  }
0x2db: {  	v30 =	vld [tilespmem:s23+$0x4180]  }
0x2dc: {  	v29 =	vld [tilespmem:s23+$0x4200]  }
0x2dd: {  	v28 =	vld [tilespmem:s23+$0x4280]  }
0x2de: {  	s18 =	sadd.s32 $0x48, s18;
	s15 =	simm.s32 $0x20;
	v27 =	vld [tilespmem:s23+$0x4300]  }
.LBB2_17:
0x2df: {  	p0 =	sne.s32 s15, $0x7F0;
	v31 =	vmul.f32 v31, v20;
	v32 =	vld [tilespmem:s23+$0x4380]  }
0x2e0: {  	v30 =	vmul.f32 v30, v21;
	v33 =	vld [tilespmem:s23+$0x4400]  }
0x2e1: {  	[tilespmem:s23+$0x10100] =	vst v31;
	v29 =	vmul.f32 v29, v19  }
0x2e2: {  	[tilespmem:s23+$0x10180] =	vst v30;
	v28 =	vmul.f32 v28, v22  }
0x2e3: {  	s24 =	sadd.s32 $0x1, s24;
	[tilespmem:s23+$0x10200] =	vst v29;
	v27 =	vmul.f32 v27, v25  }
0x2e4: {  	s1 =	sand.u32 $0x7, s24;
	[tilespmem:s23+$0x10280] =	vst v28;
	v28 =	vmul.f32 v32, v23  }
0x2e5: {  	s1 =	sshll.u32 s1, $0x4;
	[tilespmem:s23+$0x10300] =	vst v27;
	v27 =	vmul.f32 v33, v24  }
0x2e6: {  	s1 =	sadd.s32 s1, s22;
	[tilespmem:s23+$0x10380] =	vst v28  }
0x2e7: {  	s1 =	sor.u32 $0x380, s1;
	[tilespmem:s23+$0x10400] =	vst v27  }
0x2e8: {  	v27 =	vld [tilespmem:s1+$0x4100];
	_ =	sdelay $0x4  }
0x2e9: {  	s22 =	sadd.s32 $0x80, s22;
	v27 =	vmul.f32 v27, v26  }
0x2ea: {  	s19 =	sand.u32 $0x70, s15;
	s23 =	sand.u32 $0x3C00, s22  }
0x2eb: {  	s23 =	sor.u32 s19, s23;
	[tilespmem:s1+$0x10100] =	vst v27  }
.Ltmp7:
0x2ec: {  	v31 =	vld [tilespmem:s23+$0x4100];
	(pc) =	sbr.rel @p0 .LBB2_17-.Ltmp7, $4  }
0x2ed: {  	v30 =	vld [tilespmem:s23+$0x4180]  }
0x2ee: {  	v29 =	vld [tilespmem:s23+$0x4200]  }
0x2ef: {  	v28 =	vld [tilespmem:s23+$0x4280]  }
0x2f0: {  	s15 =	sadd.s32 $0x10, s15;
	v27 =	vld [tilespmem:s23+$0x4300]  }
0x2f1: {  	v20 =	vmul.f32 v31, v20;
	v31 =	vld [tilespmem:s23+$0x4380]  }
0x2f2: {  	v21 =	vmul.f32 v30, v21;
	v30 =	vld [tilespmem:s23+$0x4400]  }
0x2f3: {  	[tilespmem:s23+$0x10100] =	vst v20;
	v19 =	vmul.f32 v29, v19  }
0x2f4: {  	[tilespmem:s23+$0x10180] =	vst v21;
	v20 =	vmul.f32 v28, v22  }
0x2f5: {  	s1 =	sadd.s32 $0x1, s24;
	[tilespmem:s23+$0x10200] =	vst v19;
	v19 =	vmul.f32 v27, v25  }
0x2f6: {  	s1 =	sand.u32 $0x7, s1;
	[tilespmem:s23+$0x10280] =	vst v20;
	v20 =	vmul.f32 v31, v23  }
0x2f7: {  	s1 =	sshll.u32 s1, $0x4;
	[tilespmem:s23+$0x10300] =	vst v19;
	v19 =	vmul.f32 v30, v24  }
0x2f8: {  	s1 =	sadd.s32 s1, s22;
	[tilespmem:s23+$0x10380] =	vst v20  }
0x2f9: {  	s1 =	sor.u32 $0x380, s1;
	[tilespmem:s23+$0x10400] =	vst v19  }
0x2fa: {  	v19 =	vld [tilespmem:s1+$0x4100];
	_ =	sdelay $0x4  }
0x2fb: {  	s15 =	smul.u32 $0xC0, s6;
	v19 =	vmul.f32 v19, v26;
	_ =	sdelay $0x1  }
0x2fc: {  	s22 =	sshra.s32 s15, $0x2;
	[tilespmem:s1+$0x10100] =	vst v19  }
0x2fd: {  	v19 =	vld.msk [tilespmem:s22+$0x50], $0xff;
	_ =	sdelay $0x4  }
0x2fe: {  	v20 =	vshll.u32 v19, $0x4  }
0x2ff: {  	v19 =	vand.u32 $0x7, v19;
	v20 =	vand.u32 $0xFFFFFF80, v20  }
0x300: {  	v19 =	vor.u32 v19, v20  }
0x301: {  	v19 =	vperm.xlane v19, v1;
	_ =	sdelay $0x1  }
0x302: {  	v19 =	vadd.s32 v3, v19;
	_ =	sdelay $0x3  }
0x303: {  	s19 =	simm.s32 $0x4100;
	s23 =	simm.s32 $0x0  }
0x304: {  	[tilespmem:s19], [sflag:$0x2] =	stream.indirect_vreg.gather [hbm4b:s25+s23], $0x80, v19, vm0, $0xb8;
	[tilespmem:$0x14100] =	vst v63  }
0x305: {  	s24 =	simm.s32 $0x4900  }
0x306: {  	[tilespmem:s24], [sflag:$0x2] =	stream.indirect_vreg.gather [hbm4b:s7+s23], $0x80, v19, vm0, $0xb8;
	[tilespmem:$0x14100] =	vst v63  }
0x307: {  	s3 =	simm.s32 $0x5100  }
0x308: {  	[tilespmem:s3], [sflag:$0x2] =	stream.indirect_vreg.gather [hbm4b:s9+s23], $0x80, v19, vm0, $0xb8;
	[tilespmem:$0x14100] =	vst v63  }
0x309: {  	s15 =	simm.s32 $0x5900  }
0x30a: {  	[tilespmem:s15], [sflag:$0x2] =	stream.indirect_vreg.gather [hbm4b:s10+s23], $0x80, v19, vm0, $0xb8;
	[tilespmem:$0x14100] =	vst v63  }
0x30b: {  	s19 =	simm.s32 $0x6100  }
0x30c: {  	[tilespmem:s19], [sflag:$0x2] =	stream.indirect_vreg.gather [hbm4b:s11+s23], $0x80, v19, vm0, $0xb8;
	[tilespmem:$0x14100] =	vst v63  }
0x30d: {  	s19 =	sadd.s32 s2, s17  }
0x30e: {  	s24 =	simm.s32 $0x6900;
	s1 =	sshll.u32 s19, $0xB  }
0x30f: {  	[tilespmem:s24], [sflag:$0x2] =	stream.indirect_vreg.gather [hbm4b:s12+s23], $0x80, v19, vm0, $0xb8;
	[tilespmem:$0x14100] =	vst v63  }
0x310: {  	s3 =	simm.s32 $0x7100;
	s1 =	sadd.s32 s8, s1  }
0x311: {  	[tilespmem:s3], [sflag:$0x2] =	stream.indirect_vreg.gather [hbm4b:s13+s23], $0x80, v19, vm0, $0xb8;
	[tilespmem:$0x14100] =	vst v63  }
0x312: {  	s15 =	simm.s32 $0x7900;
	s1 =	sshrl.u32 s1, $0x3  }
0x313: {  	[tilespmem:s15], [sflag:$0x2] =	stream.indirect_vreg.gather [hbm4b:s14+s23], $0x80, v19, vm0, $0xb8;
	[tilespmem:$0x14100] =	vst v63  }
0x314: {  	s24 =	simm.s32 $0x10100;
	s1 =	sadd.s32 s5, s1;
	s15 =	simm.s32 $0x3  }
0x315: {  	[hbm4b:s1+s23] =	stream.linear.scatter [tilespmem:s24], [sflag:$0x5], $0x4000, $0x38;
	[tilespmem:$0x14100] =	vst v63  }
0x316: {  	_ =	swait.ge [sflag:s15], $0x4000  }
0x317: {  	[sflag:s15] =	ssyncset.done $0x0  }
0x318: {  	[sflag:s15] =	ssyncadd.s32 $0xFFFFC000  }
0x319: {  	_ =	swait.ge [sflag:s20], $0x4000  }
0x31a: {  	s17 =	sshll.u32 s21, $0x5;
	[sflag:s20] =	ssyncset.done $0x0  }
0x31b: {  	s17 =	sshrl.u32 s17, $0x2;
	[sflag:s20] =	ssyncadd.s32 $0xFFFFC000  }
0x31c: {  	v19 =	vld [tilespmem:s17+$0x0];
	_ =	sdelay $0x1  }
0x31d: {  	s21 =	sand.u32 $0x3C00, s23;
	s19 =	sand.u32 $0x70, s23  }
0x31e: {  	s1 =	sor.u32 s19, s21  }
0x31f: {  	v22 =	vld [tilespmem:s1+$0x8100]  }
0x320: {  	v23 =	vld [tilespmem:s1+$0x8180];
	vm1 =	veq.s32 v19, $0x0  }
0x321: {  	v28 =	vld [tilespmem:s1+$0x8300];
	v26 =	vsel vm1, $0x0, v5  }
0x322: {  	v27 =	vld [tilespmem:s1+$0x8280];
	v20 =	vperm.xlane v26, v4  }
0x323: {  	v24 =	vld [tilespmem:s1+$0x8200];
	v21 =	vperm.xlane v26, v6  }
0x324: {  	v30 =	vld [tilespmem:s1+$0x8380];
	v25 =	vperm.xlane v26, v0;
	v29 =	vmul.f32 v22, v20  }
0x325: {  	v32 =	vld [tilespmem:s1+$0x8400];
	v22 =	vperm.xlane v26, v8;
	v31 =	vmul.f32 v23, v21  }
0x326: {  	v19 =	vperm.xlane v26, v7;
	v28 =	vmul.f32 v28, v25;
	[tilespmem:s1+$0xC100] =	vst v29  }
0x327: {  	v23 =	vperm.xlane v26, v9;
	[tilespmem:s1+$0xC180] =	vst v31;
	v27 =	vmul.f32 v27, v22  }
0x328: {  	v29 =	vmul.f32 v24, v19;
	v24 =	vperm.xlane v26, v10;
	[tilespmem:s1+$0xC300] =	vst v28  }
0x329: {  	s24 =	sand.u32 $0x7, s23;
	[tilespmem:s1+$0xC280] =	vst v27;
	v27 =	vmul.f32 v30, v23  }
0x32a: {  	s15 =	sshll.u32 s24, $0x4;
	[tilespmem:s1+$0xC200] =	vst v29;
	v28 =	vmul.f32 v32, v24  }
0x32b: {  	s15 =	sadd.s32 $0x0, s15;
	[tilespmem:s1+$0xC380] =	vst v27  }
0x32c: {  	s3 =	smov.u32 s2;
	s2 =	sor.u32 $0x380, s15;
	[tilespmem:s1+$0xC400] =	vst v28  }
0x32d: {  	v27 =	vld [tilespmem:s2+$0x8100];
	_ =	sdelay $0x2  }
0x32e: {  	v26 =	vperm.xlane v26, v2;
	_ =	sdelay $0x1  }
0x32f: {  	s21 =	simm.s32 $0x80;
	s24 =	simm.s32 $0x10;
	v27 =	vmul.f32 v27, v26  }
0x330: {  	s19 =	sand.u32 $0x3C00, s21;
	s15 =	sand.u32 $0x70, s24  }
0x331: {  	s15 =	sor.u32 s15, s19;
	[tilespmem:s2+$0xC100] =	vst v27  }
0x332: {  	v31 =	vld [tilespmem:s15+$0x8100]  }
0x333: {  	v30 =	vld [tilespmem:s15+$0x8180]  }
0x334: {  	v29 =	vld [tilespmem:s15+$0x8200]  }
0x335: {  	v28 =	vld [tilespmem:s15+$0x8280]  }
0x336: {  	s24 =	simm.s32 $0x20;
	v27 =	vld [tilespmem:s15+$0x8300]  }
.LBB2_19:
0x337: {  	p0 =	sne.s32 s24, $0x7F0;
	v31 =	vmul.f32 v31, v20;
	v32 =	vld [tilespmem:s15+$0x8380]  }
0x338: {  	v30 =	vmul.f32 v30, v21;
	v33 =	vld [tilespmem:s15+$0x8400]  }
0x339: {  	[tilespmem:s15+$0xC100] =	vst v31;
	v29 =	vmul.f32 v29, v19  }
0x33a: {  	[tilespmem:s15+$0xC180] =	vst v30;
	v28 =	vmul.f32 v28, v22  }
0x33b: {  	s23 =	sadd.s32 $0x1, s23;
	[tilespmem:s15+$0xC200] =	vst v29;
	v27 =	vmul.f32 v27, v25  }
0x33c: {  	s1 =	sand.u32 $0x7, s23;
	[tilespmem:s15+$0xC280] =	vst v28;
	v28 =	vmul.f32 v32, v23  }
0x33d: {  	s1 =	sshll.u32 s1, $0x4;
	[tilespmem:s15+$0xC300] =	vst v27;
	v27 =	vmul.f32 v33, v24  }
0x33e: {  	s1 =	sadd.s32 s1, s21;
	[tilespmem:s15+$0xC380] =	vst v28  }
0x33f: {  	s1 =	sor.u32 $0x380, s1;
	[tilespmem:s15+$0xC400] =	vst v27  }
0x340: {  	v27 =	vld [tilespmem:s1+$0x8100];
	_ =	sdelay $0x4  }
0x341: {  	s21 =	sadd.s32 $0x80, s21;
	v27 =	vmul.f32 v27, v26  }
0x342: {  	s19 =	sand.u32 $0x3C00, s21;
	s15 =	sand.u32 $0x70, s24  }
0x343: {  	s15 =	sor.u32 s15, s19;
	[tilespmem:s1+$0xC100] =	vst v27  }
.Ltmp8:
0x344: {  	v31 =	vld [tilespmem:s15+$0x8100];
	(pc) =	sbr.rel @p0 .LBB2_19-.Ltmp8, $4  }
0x345: {  	v30 =	vld [tilespmem:s15+$0x8180]  }
0x346: {  	v29 =	vld [tilespmem:s15+$0x8200]  }
0x347: {  	v28 =	vld [tilespmem:s15+$0x8280]  }
0x348: {  	s24 =	sadd.s32 $0x10, s24;
	v27 =	vld [tilespmem:s15+$0x8300]  }
0x349: {  	v20 =	vmul.f32 v31, v20;
	v31 =	vld [tilespmem:s15+$0x8380]  }
0x34a: {  	v21 =	vmul.f32 v30, v21;
	v30 =	vld [tilespmem:s15+$0x8400]  }
0x34b: {  	[tilespmem:s15+$0xC100] =	vst v20;
	v19 =	vmul.f32 v29, v19  }
0x34c: {  	[tilespmem:s15+$0xC180] =	vst v21;
	v20 =	vmul.f32 v28, v22  }
0x34d: {  	s1 =	sadd.s32 $0x1, s23;
	[tilespmem:s15+$0xC200] =	vst v19;
	v19 =	vmul.f32 v27, v25  }
0x34e: {  	s1 =	sand.u32 $0x7, s1;
	[tilespmem:s15+$0xC280] =	vst v20;
	v20 =	vmul.f32 v31, v23  }
0x34f: {  	s1 =	sshll.u32 s1, $0x4;
	[tilespmem:s15+$0xC300] =	vst v19;
	v19 =	vmul.f32 v30, v24  }
0x350: {  	s1 =	sadd.s32 s1, s21;
	[tilespmem:s15+$0xC380] =	vst v20  }
0x351: {  	s1 =	sor.u32 $0x380, s1;
	[tilespmem:s15+$0xC400] =	vst v19  }
0x352: {  	v19 =	vld [tilespmem:s1+$0x8100];
	_ =	sdelay $0x4  }
0x353: {  	v19 =	vmul.f32 v19, v26;
	_ =	sdelay $0x1  }
0x354: {  	[tilespmem:s1+$0xC100] =	vst v19  }
0x355: {  	v19 =	vld.msk [tilespmem:s22+$0x58], $0xff;
	_ =	sdelay $0x4  }
0x356: {  	v20 =	vshll.u32 v19, $0x4  }
0x357: {  	v19 =	vand.u32 $0x7, v19;
	v20 =	vand.u32 $0xFFFFFF80, v20  }
0x358: {  	v19 =	vor.u32 v19, v20  }
0x359: {  	v19 =	vperm.xlane v19, v1;
	_ =	sdelay $0x1  }
0x35a: {  	v19 =	vadd.s32 v3, v19;
	_ =	sdelay $0x3  }
0x35b: {  	s19 =	simm.s32 $0x8100;
	s21 =	simm.s32 $0x0  }
0x35c: {  	[tilespmem:s19], [sflag:$0x3] =	stream.indirect_vreg.gather [hbm4b:s25+s21], $0x80, v19, vm0, $0xb8;
	[tilespmem:$0x14100] =	vst v63  }
0x35d: {  	s23 =	simm.s32 $0x8900  }
0x35e: {  	[tilespmem:s23], [sflag:$0x3] =	stream.indirect_vreg.gather [hbm4b:s7+s21], $0x80, v19, vm0, $0xb8;
	[tilespmem:$0x14100] =	vst v63  }
0x35f: {  	s24 =	simm.s32 $0x9100  }
0x360: {  	[tilespmem:s24], [sflag:$0x3] =	stream.indirect_vreg.gather [hbm4b:s9+s21], $0x80, v19, vm0, $0xb8;
	[tilespmem:$0x14100] =	vst v63  }
0x361: {  	s2 =	simm.s32 $0x9900  }
0x362: {  	[tilespmem:s2], [sflag:$0x3] =	stream.indirect_vreg.gather [hbm4b:s10+s21], $0x80, v19, vm0, $0xb8;
	[tilespmem:$0x14100] =	vst v63  }
0x363: {  	s15 =	simm.s32 $0xA100;
	s2 =	sadd.s32 s3, s16  }
0x364: {  	[tilespmem:s15], [sflag:$0x3] =	stream.indirect_vreg.gather [hbm4b:s11+s21], $0x80, v19, vm0, $0xb8;
	[tilespmem:$0x14100] =	vst v63  }
0x365: {  	s19 =	simm.s32 $0xA900;
	s1 =	sshll.u32 s2, $0xB  }
0x366: {  	[tilespmem:s19], [sflag:$0x3] =	stream.indirect_vreg.gather [hbm4b:s12+s21], $0x80, v19, vm0, $0xb8;
	[tilespmem:$0x14100] =	vst v63  }
0x367: {  	s23 =	simm.s32 $0xB100;
	s1 =	sadd.s32 s8, s1  }
0x368: {  	[tilespmem:s23], [sflag:$0x3] =	stream.indirect_vreg.gather [hbm4b:s13+s21], $0x80, v19, vm0, $0xb8;
	[tilespmem:$0x14100] =	vst v63  }
0x369: {  	s24 =	simm.s32 $0xB900;
	s1 =	sshrl.u32 s1, $0x3  }
0x36a: {  	[tilespmem:s24], [sflag:$0x3] =	stream.indirect_vreg.gather [hbm4b:s14+s21], $0x80, v19, vm0, $0xb8;
	[tilespmem:$0x14100] =	vst v63  }
0x36b: {  	s2 =	simm.s32 $0xC100;
	s1 =	sadd.s32 s5, s1  }
0x36c: {  	[hbm4b:s1+s21] =	stream.linear.scatter [tilespmem:s2], [sflag:$0x4], $0x4000, $0x38;
	[tilespmem:$0x14100] =	vst v63  }
0x36d: {  	_ =	swait.ge [sflag:s29], $0x4000  }
0x36e: {  	[sflag:s29] =	ssyncset.done $0x0  }
0x36f: {  	[sflag:s29] =	ssyncadd.s32 $0xFFFFC000  }
0x370: {  	_ =	swait.ge [sflag:s26], $0x4000  }
0x371: {  	[sflag:s26] =	ssyncset.done $0x0  }
0x372: {  	[sflag:s26] =	ssyncadd.s32 $0xFFFFC000  }
0x373: {  	v19 =	vld [tilespmem:s17+$0x0];
	_ =	sdelay $0x1  }
0x374: {  	s16 =	sand.u32 $0x3C00, s21;
	s15 =	sand.u32 $0x70, s21  }
0x375: {  	s1 =	sor.u32 s15, s16  }
0x376: {  	v22 =	vld [tilespmem:s1+$0x100]  }
0x377: {  	v23 =	vld [tilespmem:s1+$0x180];
	vm1 =	veq.s32 v19, $0x0  }
0x378: {  	v28 =	vld [tilespmem:s1+$0x300];
	v26 =	vsel vm1, $0x0, v5  }
0x379: {  	v27 =	vld [tilespmem:s1+$0x280];
	v20 =	vperm.xlane v26, v11  }
0x37a: {  	v24 =	vld [tilespmem:s1+$0x200];
	v21 =	vperm.xlane v26, v12  }
0x37b: {  	v30 =	vld [tilespmem:s1+$0x380];
	v25 =	vperm.xlane v26, v15;
	v29 =	vmul.f32 v22, v20  }
0x37c: {  	v32 =	vld [tilespmem:s1+$0x400];
	v22 =	vperm.xlane v26, v14;
	v31 =	vmul.f32 v23, v21  }
0x37d: {  	v19 =	vperm.xlane v26, v13;
	v28 =	vmul.f32 v28, v25;
	[tilespmem:s1+$0x10100] =	vst v29  }
0x37e: {  	v23 =	vperm.xlane v26, v16;
	[tilespmem:s1+$0x10180] =	vst v31;
	v27 =	vmul.f32 v27, v22  }
0x37f: {  	v29 =	vmul.f32 v24, v19;
	v24 =	vperm.xlane v26, v17;
	[tilespmem:s1+$0x10300] =	vst v28  }
0x380: {  	s17 =	sand.u32 $0x7, s21;
	[tilespmem:s1+$0x10280] =	vst v27;
	v27 =	vmul.f32 v30, v23  }
0x381: {  	s15 =	sshll.u32 s17, $0x4;
	[tilespmem:s1+$0x10200] =	vst v29;
	v28 =	vmul.f32 v32, v24  }
0x382: {  	s15 =	sadd.s32 $0x0, s15;
	[tilespmem:s1+$0x10380] =	vst v27  }
0x383: {  	s19 =	sor.u32 $0x380, s15;
	[tilespmem:s1+$0x10400] =	vst v28  }
0x384: {  	v27 =	vld [tilespmem:s19+$0x100];
	_ =	sdelay $0x2  }
0x385: {  	v26 =	vperm.xlane v26, v18;
	_ =	sdelay $0x1  }
0x386: {  	s23 =	simm.s32 $0x10;
	s16 =	simm.s32 $0x80;
	v27 =	vmul.f32 v27, v26  }
0x387: {  	s24 =	sand.u32 $0x3C00, s16;
	s15 =	sand.u32 $0x70, s23  }
0x388: {  	s15 =	sor.u32 s15, s24;
	[tilespmem:s19+$0x10100] =	vst v27  }
0x389: {  	v31 =	vld [tilespmem:s15+$0x100]  }
0x38a: {  	v30 =	vld [tilespmem:s15+$0x180]  }
0x38b: {  	v29 =	vld [tilespmem:s15+$0x200]  }
0x38c: {  	v28 =	vld [tilespmem:s15+$0x280]  }
0x38d: {  	s17 =	simm.s32 $0x20;
	v27 =	vld [tilespmem:s15+$0x300]  }
.LBB2_21:
0x38e: {  	p0 =	sne.s32 s17, $0x7F0;
	v31 =	vmul.f32 v31, v20;
	v32 =	vld [tilespmem:s15+$0x380]  }
0x38f: {  	v30 =	vmul.f32 v30, v21;
	v33 =	vld [tilespmem:s15+$0x400]  }
0x390: {  	[tilespmem:s15+$0x10100] =	vst v31;
	v29 =	vmul.f32 v29, v19  }
0x391: {  	[tilespmem:s15+$0x10180] =	vst v30;
	v28 =	vmul.f32 v28, v22  }
0x392: {  	s21 =	sadd.s32 $0x1, s21;
	[tilespmem:s15+$0x10200] =	vst v29;
	v27 =	vmul.f32 v27, v25  }
0x393: {  	s1 =	sand.u32 $0x7, s21;
	[tilespmem:s15+$0x10280] =	vst v28;
	v28 =	vmul.f32 v32, v23  }
0x394: {  	s1 =	sshll.u32 s1, $0x4;
	[tilespmem:s15+$0x10300] =	vst v27;
	v27 =	vmul.f32 v33, v24  }
0x395: {  	s1 =	sadd.s32 s1, s16;
	[tilespmem:s15+$0x10380] =	vst v28  }
0x396: {  	s1 =	sor.u32 $0x380, s1;
	[tilespmem:s15+$0x10400] =	vst v27  }
0x397: {  	v27 =	vld [tilespmem:s1+$0x100];
	_ =	sdelay $0x4  }
0x398: {  	s16 =	sadd.s32 $0x80, s16;
	v27 =	vmul.f32 v27, v26  }
0x399: {  	s19 =	sand.u32 $0x3C00, s16;
	s15 =	sand.u32 $0x70, s17  }
0x39a: {  	s15 =	sor.u32 s15, s19;
	[tilespmem:s1+$0x10100] =	vst v27  }
.Ltmp9:
0x39b: {  	v31 =	vld [tilespmem:s15+$0x100];
	(pc) =	sbr.rel @p0 .LBB2_21-.Ltmp9, $4  }
0x39c: {  	v30 =	vld [tilespmem:s15+$0x180]  }
0x39d: {  	v29 =	vld [tilespmem:s15+$0x200]  }
0x39e: {  	v28 =	vld [tilespmem:s15+$0x280]  }
0x39f: {  	s17 =	sadd.s32 $0x10, s17;
	v27 =	vld [tilespmem:s15+$0x300]  }
0x3a0: {  	v20 =	vmul.f32 v31, v20;
	v62 =	vld [tilespmem:s15+$0x380]  }
0x3a1: {  	v63 =	vld [tilespmem:s15+$0x400];
	v21 =	vmul.f32 v30, v21  }
0x3a2: {  	[tilespmem:s15+$0x10100] =	vst v20;
	v19 =	vmul.f32 v29, v19  }
0x3a3: {  	[tilespmem:s15+$0x10180] =	vst v21;
	v20 =	vmul.f32 v28, v22  }
0x3a4: {  	s1 =	sadd.s32 $0x1, s21;
	[tilespmem:s15+$0x10200] =	vst v19;
	v19 =	vmul.f32 v27, v25  }
0x3a5: {  	s1 =	sand.u32 $0x7, s1;
	[tilespmem:s15+$0x10280] =	vst v20;
	v20 =	vmul.f32 v62, v23  }
0x3a6: {  	s1 =	sshll.u32 s1, $0x4;
	[tilespmem:s15+$0x10300] =	vst v19;
	v19 =	vmul.f32 v63, v24  }
0x3a7: {  	s1 =	sadd.s32 s1, s16;
	[tilespmem:s15+$0x10380] =	vst v20  }
0x3a8: {  	s1 =	sor.u32 $0x380, s1;
	[tilespmem:s15+$0x10400] =	vst v19  }
0x3a9: {  	v19 =	vld [tilespmem:s1+$0x100];
	_ =	sdelay $0x4  }
0x3aa: {  	v19 =	vmul.f32 v19, v26;
	_ =	sdelay $0x1  }
0x3ab: {  	[tilespmem:s1+$0x10100] =	vst v19  }
0x3ac: {  	v19 =	vld.msk [tilespmem:s22+$0x60], $0xff;
	_ =	sdelay $0x4  }
0x3ad: {  	v20 =	vshll.u32 v19, $0x4  }
0x3ae: {  	v19 =	vand.u32 $0x7, v19;
	v20 =	vand.u32 $0xFFFFFF80, v20  }
0x3af: {  	v19 =	vor.u32 v19, v20  }
0x3b0: {  	v19 =	vperm.xlane v19, v1;
	_ =	sdelay $0x1  }
0x3b1: {  	v19 =	vadd.s32 v3, v19;
	_ =	sdelay $0x4  }
0x3b2: {  	[tilespmem:s0], [sflag:$0x1] =	stream.indirect_vreg.gather [hbm4b:s25+s4], $0x80, v19, vm0, $0xb8;
	[tilespmem:$0x14100] =	vst v63  }
0x3b3: {  	s2 =	simm.s32 $0x900  }
0x3b4: {  	[tilespmem:s2], [sflag:$0x1] =	stream.indirect_vreg.gather [hbm4b:s7+s4], $0x80, v19, vm0, $0xb8;
	[tilespmem:$0x14100] =	vst v63  }
0x3b5: {  	s15 =	simm.s32 $0x1100  }
0x3b6: {  	[tilespmem:s15], [sflag:$0x1] =	stream.indirect_vreg.gather [hbm4b:s9+s4], $0x80, v19, vm0, $0xb8;
	[tilespmem:$0x14100] =	vst v63  }
0x3b7: {  	s16 =	simm.s32 $0x1900  }
0x3b8: {  	[tilespmem:s16], [sflag:$0x1] =	stream.indirect_vreg.gather [hbm4b:s10+s4], $0x80, v19, vm0, $0xb8;
	[tilespmem:$0x14100] =	vst v63  }
0x3b9: {  	s17 =	simm.s32 $0x2100  }
0x3ba: {  	[tilespmem:s17], [sflag:$0x1] =	stream.indirect_vreg.gather [hbm4b:s11+s4], $0x80, v19, vm0, $0xb8;
	[tilespmem:$0x14100] =	vst v63  }
0x3bb: {  	s19 =	simm.s32 $0x2900;
	s23 =	sadd.s32 s3, s18;
	s6 =	sadd.s32 $0x1, s6  }
0x3bc: {  	[tilespmem:s19], [sflag:$0x1] =	stream.indirect_vreg.gather [hbm4b:s12+s4], $0x80, v19, vm0, $0xb8;
	[tilespmem:$0x14100] =	vst v63  }
0x3bd: {  	s21 =	simm.s32 $0x3100;
	p0 =	sne.s32 s6, $0x4;
	s1 =	sshll.u32 s23, $0xB  }
0x3be: {  	[tilespmem:s21], [sflag:$0x1] =	stream.indirect_vreg.gather [hbm4b:s13+s4], $0x80, v19, vm0, $0xb8;
	[tilespmem:$0x14100] =	vst v63  }
.Ltmp10:
0x3bf: {  	s1 =	sadd.s32 s8, s1;
	(pc) =	sbr.rel @p0 .LBB2_10-.Ltmp10, $4  }
0x3c0: {  	s22 =	simm.s32 $0x3900;
	s1 =	sshrl.u32 s1, $0x3  }
0x3c1: {  	[tilespmem:s22], [sflag:$0x1] =	stream.indirect_vreg.gather [hbm4b:s14+s4], $0x80, v19, vm0, $0xb8;
	[tilespmem:$0x14100] =	vst v63  }
0x3c2: {  	s24 =	simm.s32 $0x10100;
	s1 =	sadd.s32 s5, s1  }
0x3c3: {  	[hbm4b:s1+s4] =	stream.linear.scatter [tilespmem:s24], [sflag:$0x5], $0x4000, $0x38;
	[tilespmem:$0x14100] =	vst v63  }
0x3c4: {  	_ =	swait.ge [sflag:s31], $0x4000  }
0x3c5: {  	[sflag:s31] =	ssyncset.done $0x0  }
0x3c6: {  	[sflag:s31] =	ssyncadd.s32 $0xFFFFC000  }
0x3c7: {  	_ =	swait.ge [sflag:s20], $0x4000  }
0x3c8: {  	[sflag:s20] =	ssyncset.done $0x0  }
0x3c9: {  	[sflag:s20] =	ssyncadd.s32 $0xFFFFC000  }
0x3ca: {  	v19 =	vld [tilespmem:$0xE0]  }
0x3cb: {  	s6 =	simm.s32 $0x0  }
0x3cc: {  	s1 =	sand.u32 $0x70, s6;
	s15 =	sand.u32 $0x3C00, s6  }
0x3cd: {  	s1 =	sor.u32 s1, s15  }
0x3ce: {  	v22 =	vld [tilespmem:s1+$0x4100]  }
0x3cf: {  	v23 =	vld [tilespmem:s1+$0x4180];
	vm1 =	veq.s32 v19, $0x0  }
0x3d0: {  	v28 =	vld [tilespmem:s1+$0x4300];
	v26 =	vsel vm1, $0x0, v5  }
0x3d1: {  	v27 =	vld [tilespmem:s1+$0x4280];
	v20 =	vperm.xlane v26, v4  }
0x3d2: {  	v24 =	vld [tilespmem:s1+$0x4200];
	v21 =	vperm.xlane v26, v6  }
0x3d3: {  	v30 =	vld [tilespmem:s1+$0x4380];
	v25 =	vperm.xlane v26, v0;
	v29 =	vmul.f32 v22, v20  }
0x3d4: {  	v32 =	vld [tilespmem:s1+$0x4400];
	v22 =	vperm.xlane v26, v8;
	v31 =	vmul.f32 v23, v21  }
0x3d5: {  	v19 =	vperm.xlane v26, v7;
	v28 =	vmul.f32 v28, v25;
	[tilespmem:s1+$0xC100] =	vst v29  }
0x3d6: {  	v23 =	vperm.xlane v26, v9;
	[tilespmem:s1+$0xC180] =	vst v31;
	v27 =	vmul.f32 v27, v22  }
0x3d7: {  	v29 =	vmul.f32 v24, v19;
	v24 =	vperm.xlane v26, v10;
	[tilespmem:s1+$0xC300] =	vst v28  }
0x3d8: {  	s22 =	sand.u32 $0x7, s6;
	[tilespmem:s1+$0xC280] =	vst v27;
	v27 =	vmul.f32 v30, v23  }
0x3d9: {  	s15 =	sshll.u32 s22, $0x4;
	[tilespmem:s1+$0xC200] =	vst v29;
	v28 =	vmul.f32 v32, v24  }
0x3da: {  	s15 =	sadd.s32 $0x0, s15;
	[tilespmem:s1+$0xC380] =	vst v27  }
0x3db: {  	s23 =	sor.u32 $0x380, s15;
	[tilespmem:s1+$0xC400] =	vst v28  }
0x3dc: {  	v27 =	vld [tilespmem:s23+$0x4100];
	_ =	sdelay $0x2  }
0x3dd: {  	v26 =	vperm.xlane v26, v2;
	_ =	sdelay $0x1  }
0x3de: {  	s24 =	simm.s32 $0x10;
	s16 =	simm.s32 $0x80;
	v27 =	vmul.f32 v27, v26  }
0x3df: {  	s17 =	sand.u32 $0x3C00, s16;
	s15 =	sand.u32 $0x70, s24  }
0x3e0: {  	s15 =	sor.u32 s15, s17;
	[tilespmem:s23+$0xC100] =	vst v27  }
0x3e1: {  	v31 =	vld [tilespmem:s15+$0x4100]  }
0x3e2: {  	v30 =	vld [tilespmem:s15+$0x4180]  }
0x3e3: {  	v29 =	vld [tilespmem:s15+$0x4200]  }
0x3e4: {  	v28 =	vld [tilespmem:s15+$0x4280]  }
0x3e5: {  	s17 =	simm.s32 $0x20;
	v27 =	vld [tilespmem:s15+$0x4300]  }
.LBB2_24:
0x3e6: {  	p0 =	sne.s32 s17, $0x7F0;
	v31 =	vmul.f32 v31, v20;
	v32 =	vld [tilespmem:s15+$0x4380]  }
0x3e7: {  	v30 =	vmul.f32 v30, v21;
	v33 =	vld [tilespmem:s15+$0x4400]  }
0x3e8: {  	[tilespmem:s15+$0xC100] =	vst v31;
	v29 =	vmul.f32 v29, v19  }
0x3e9: {  	[tilespmem:s15+$0xC180] =	vst v30;
	v28 =	vmul.f32 v28, v22  }
0x3ea: {  	s6 =	sadd.s32 $0x1, s6;
	[tilespmem:s15+$0xC200] =	vst v29;
	v27 =	vmul.f32 v27, v25  }
0x3eb: {  	s1 =	sand.u32 $0x7, s6;
	[tilespmem:s15+$0xC280] =	vst v28;
	v28 =	vmul.f32 v32, v23  }
0x3ec: {  	s1 =	sshll.u32 s1, $0x4;
	[tilespmem:s15+$0xC300] =	vst v27;
	v27 =	vmul.f32 v33, v24  }
0x3ed: {  	s1 =	sadd.s32 s1, s16;
	[tilespmem:s15+$0xC380] =	vst v28  }
0x3ee: {  	s1 =	sor.u32 $0x380, s1;
	[tilespmem:s15+$0xC400] =	vst v27  }
0x3ef: {  	v27 =	vld [tilespmem:s1+$0x4100];
	_ =	sdelay $0x4  }
0x3f0: {  	s16 =	sadd.s32 $0x80, s16;
	v27 =	vmul.f32 v27, v26  }
0x3f1: {  	s18 =	sand.u32 $0x3C00, s16;
	s15 =	sand.u32 $0x70, s17  }
0x3f2: {  	s15 =	sor.u32 s15, s18;
	[tilespmem:s1+$0xC100] =	vst v27  }
.Ltmp11:
0x3f3: {  	v31 =	vld [tilespmem:s15+$0x4100];
	(pc) =	sbr.rel @p0 .LBB2_24-.Ltmp11, $4  }
0x3f4: {  	v30 =	vld [tilespmem:s15+$0x4180]  }
0x3f5: {  	v29 =	vld [tilespmem:s15+$0x4200]  }
0x3f6: {  	v28 =	vld [tilespmem:s15+$0x4280]  }
0x3f7: {  	s17 =	sadd.s32 $0x10, s17;
	v27 =	vld [tilespmem:s15+$0x4300]  }
0x3f8: {  	v20 =	vmul.f32 v31, v20;
	v31 =	vld [tilespmem:s15+$0x4380]  }
0x3f9: {  	v21 =	vmul.f32 v30, v21;
	v30 =	vld [tilespmem:s15+$0x4400]  }
0x3fa: {  	[tilespmem:s15+$0xC100] =	vst v20;
	v19 =	vmul.f32 v29, v19  }
0x3fb: {  	[tilespmem:s15+$0xC180] =	vst v21;
	v20 =	vmul.f32 v28, v22  }
0x3fc: {  	s1 =	sadd.s32 $0x1, s6;
	[tilespmem:s15+$0xC200] =	vst v19;
	v19 =	vmul.f32 v27, v25  }
0x3fd: {  	s1 =	sand.u32 $0x7, s1;
	[tilespmem:s15+$0xC280] =	vst v20;
	v20 =	vmul.f32 v31, v23  }
0x3fe: {  	s1 =	sshll.u32 s1, $0x4;
	[tilespmem:s15+$0xC300] =	vst v19;
	v19 =	vmul.f32 v30, v24  }
0x3ff: {  	s1 =	sadd.s32 s1, s16;
	[tilespmem:s15+$0xC380] =	vst v20  }
0x400: {  	s1 =	sor.u32 $0x380, s1;
	[tilespmem:s15+$0xC400] =	vst v19  }
0x401: {  	v19 =	vld [tilespmem:s1+$0x4100];
	_ =	sdelay $0x4  }
0x402: {  	v19 =	vmul.f32 v19, v26;
	_ =	sdelay $0x1  }
0x403: {  	[tilespmem:s1+$0xC100] =	vst v19  }
0x404: {  	v19 =	vld.msk [tilespmem:$0xF8], $0xff;
	_ =	sdelay $0x4  }
0x405: {  	v20 =	vshll.u32 v19, $0x4  }
0x406: {  	v19 =	vand.u32 $0x7, v19;
	v20 =	vand.u32 $0xFFFFFF80, v20  }
0x407: {  	v19 =	vor.u32 v19, v20  }
0x408: {  	v19 =	vperm.xlane v19, v1;
	_ =	sdelay $0x1  }
0x409: {  	v19 =	vadd.s32 v3, v19;
	_ =	sdelay $0x3  }
0x40a: {  	s6 =	simm.s32 $0x0;
	s0 =	simm.s32 $0x4100  }
0x40b: {  	[tilespmem:s0], [sflag:$0x2] =	stream.indirect_vreg.gather [hbm4b:s25+s6], $0x80, v19, vm0, $0xb8;
	[tilespmem:$0x14100] =	vst v63  }
0x40c: {  	s21 =	simm.s32 $0x4900  }
0x40d: {  	[tilespmem:s21], [sflag:$0x2] =	stream.indirect_vreg.gather [hbm4b:s7+s6], $0x80, v19, vm0, $0xb8;
	[tilespmem:$0x14100] =	vst v63  }
0x40e: {  	s22 =	simm.s32 $0x5100  }
0x40f: {  	[tilespmem:s22], [sflag:$0x2] =	stream.indirect_vreg.gather [hbm4b:s9+s6], $0x80, v19, vm0, $0xb8;
	[tilespmem:$0x14100] =	vst v63  }
0x410: {  	s23 =	simm.s32 $0x5900  }
0x411: {  	[tilespmem:s23], [sflag:$0x2] =	stream.indirect_vreg.gather [hbm4b:s10+s6], $0x80, v19, vm0, $0xb8;
	[tilespmem:$0x14100] =	vst v63  }
0x412: {  	s24 =	simm.s32 $0x6100  }
0x413: {  	[tilespmem:s24], [sflag:$0x2] =	stream.indirect_vreg.gather [hbm4b:s11+s6], $0x80, v19, vm0, $0xb8;
	[tilespmem:$0x14100] =	vst v63  }
0x414: {  	s1 =	simm.s32 $0x6900  }
0x415: {  	[tilespmem:s1], [sflag:$0x2] =	stream.indirect_vreg.gather [hbm4b:s12+s6], $0x80, v19, vm0, $0xb8;
	[tilespmem:$0x14100] =	vst v63  }
0x416: {  	s2 =	simm.s32 $0x7100  }
0x417: {  	[tilespmem:s2], [sflag:$0x2] =	stream.indirect_vreg.gather [hbm4b:s13+s6], $0x80, v19, vm0, $0xb8;
	[tilespmem:$0x14100] =	vst v63  }
0x418: {  	s15 =	simm.s32 $0x7900  }
0x419: {  	[tilespmem:s15], [sflag:$0x2] =	stream.indirect_vreg.gather [hbm4b:s14+s6], $0x80, v19, vm0, $0xb8;
	[tilespmem:$0x14100] =	vst v63  }
0x41a: {  	s17 =	simm.s32 $0xC100;
	s18 =	simm.s32 $0x3;
	s16 =	rddreg [dreg:$0xa]  }
0x41b: {  	[hbm4b:s16+s6] =	stream.linear.scatter [tilespmem:s17], [sflag:$0x4], $0x4000, $0x38;
	[tilespmem:$0x14100] =	vst v63  }
0x41c: {  	_ =	swait.ge [sflag:s18], $0x4000  }
0x41d: {  	[sflag:s18] =	ssyncset.done $0x0  }
0x41e: {  	[sflag:s18] =	ssyncadd.s32 $0xFFFFC000  }
0x41f: {  	_ =	swait.ge [sflag:s26], $0x4000  }
0x420: {  	[sflag:s26] =	ssyncset.done $0x0  }
0x421: {  	[sflag:s26] =	ssyncadd.s32 $0xFFFFC000  }
0x422: {  	v19 =	vld [tilespmem:$0xE0];
	_ =	sdelay $0x1  }
0x423: {  	s19 =	sand.u32 $0x70, s6;
	s21 =	sand.u32 $0x3C00, s6  }
0x424: {  	s1 =	sor.u32 s19, s21  }
0x425: {  	v22 =	vld [tilespmem:s1+$0x8100]  }
0x426: {  	v23 =	vld [tilespmem:s1+$0x8180];
	vm1 =	veq.s32 v19, $0x0  }
0x427: {  	v28 =	vld [tilespmem:s1+$0x8300];
	v26 =	vsel vm1, $0x0, v5  }
0x428: {  	v27 =	vld [tilespmem:s1+$0x8280];
	v20 =	vperm.xlane v26, v11  }
0x429: {  	v24 =	vld [tilespmem:s1+$0x8200];
	v21 =	vperm.xlane v26, v12  }
0x42a: {  	v30 =	vld [tilespmem:s1+$0x8380];
	v25 =	vperm.xlane v26, v15;
	v29 =	vmul.f32 v22, v20  }
0x42b: {  	v32 =	vld [tilespmem:s1+$0x8400];
	v22 =	vperm.xlane v26, v14;
	v31 =	vmul.f32 v23, v21  }
0x42c: {  	v19 =	vperm.xlane v26, v13;
	v28 =	vmul.f32 v28, v25;
	[tilespmem:s1+$0x10100] =	vst v29  }
0x42d: {  	v23 =	vperm.xlane v26, v16;
	[tilespmem:s1+$0x10180] =	vst v31;
	v27 =	vmul.f32 v27, v22  }
0x42e: {  	v29 =	vmul.f32 v24, v19;
	v24 =	vperm.xlane v26, v17;
	[tilespmem:s1+$0x10300] =	vst v28  }
0x42f: {  	s22 =	sand.u32 $0x7, s6;
	[tilespmem:s1+$0x10280] =	vst v27;
	v27 =	vmul.f32 v30, v23  }
0x430: {  	s15 =	sshll.u32 s22, $0x4;
	[tilespmem:s1+$0x10200] =	vst v29;
	v28 =	vmul.f32 v32, v24  }
0x431: {  	s15 =	sadd.s32 $0x0, s15;
	[tilespmem:s1+$0x10380] =	vst v27  }
0x432: {  	s23 =	sor.u32 $0x380, s15;
	[tilespmem:s1+$0x10400] =	vst v28  }
0x433: {  	v27 =	vld [tilespmem:s23+$0x8100];
	_ =	sdelay $0x2  }
0x434: {  	v26 =	vperm.xlane v26, v18;
	_ =	sdelay $0x1  }
0x435: {  	s24 =	simm.s32 $0x10;
	s16 =	simm.s32 $0x80;
	v27 =	vmul.f32 v27, v26  }
0x436: {  	s15 =	sand.u32 $0x70, s24;
	s17 =	sand.u32 $0x3C00, s16  }
0x437: {  	s15 =	sor.u32 s15, s17;
	[tilespmem:s23+$0x10100] =	vst v27  }
0x438: {  	v31 =	vld [tilespmem:s15+$0x8100]  }
0x439: {  	v30 =	vld [tilespmem:s15+$0x8180]  }
0x43a: {  	v29 =	vld [tilespmem:s15+$0x8200]  }
0x43b: {  	v28 =	vld [tilespmem:s15+$0x8280]  }
0x43c: {  	s17 =	simm.s32 $0x20;
	v27 =	vld [tilespmem:s15+$0x8300]  }
.LBB2_26:
0x43d: {  	p0 =	sne.s32 s17, $0x7F0;
	v31 =	vmul.f32 v31, v20;
	v32 =	vld [tilespmem:s15+$0x8380]  }
0x43e: {  	v30 =	vmul.f32 v30, v21;
	v33 =	vld [tilespmem:s15+$0x8400]  }
0x43f: {  	[tilespmem:s15+$0x10100] =	vst v31;
	v29 =	vmul.f32 v29, v19  }
0x440: {  	[tilespmem:s15+$0x10180] =	vst v30;
	v28 =	vmul.f32 v28, v22  }
0x441: {  	s6 =	sadd.s32 $0x1, s6;
	[tilespmem:s15+$0x10200] =	vst v29;
	v27 =	vmul.f32 v27, v25  }
0x442: {  	s1 =	sand.u32 $0x7, s6;
	[tilespmem:s15+$0x10280] =	vst v28;
	v28 =	vmul.f32 v32, v23  }
0x443: {  	s1 =	sshll.u32 s1, $0x4;
	[tilespmem:s15+$0x10300] =	vst v27;
	v27 =	vmul.f32 v33, v24  }
0x444: {  	s1 =	sadd.s32 s1, s16;
	[tilespmem:s15+$0x10380] =	vst v28  }
0x445: {  	s1 =	sor.u32 $0x380, s1;
	[tilespmem:s15+$0x10400] =	vst v27  }
0x446: {  	v27 =	vld [tilespmem:s1+$0x8100];
	_ =	sdelay $0x4  }
0x447: {  	s16 =	sadd.s32 $0x80, s16;
	v27 =	vmul.f32 v27, v26  }
0x448: {  	s18 =	sand.u32 $0x3C00, s16;
	s15 =	sand.u32 $0x70, s17  }
0x449: {  	s15 =	sor.u32 s15, s18;
	[tilespmem:s1+$0x10100] =	vst v27  }
.Ltmp12:
0x44a: {  	v31 =	vld [tilespmem:s15+$0x8100];
	(pc) =	sbr.rel @p0 .LBB2_26-.Ltmp12, $4  }
0x44b: {  	v30 =	vld [tilespmem:s15+$0x8180]  }
0x44c: {  	v29 =	vld [tilespmem:s15+$0x8200]  }
0x44d: {  	v28 =	vld [tilespmem:s15+$0x8280]  }
0x44e: {  	s17 =	sadd.s32 $0x10, s17;
	v27 =	vld [tilespmem:s15+$0x8300]  }
0x44f: {  	v20 =	vmul.f32 v31, v20;
	v31 =	vld [tilespmem:s15+$0x8380]  }
0x450: {  	v21 =	vmul.f32 v30, v21;
	v30 =	vld [tilespmem:s15+$0x8400]  }
0x451: {  	[tilespmem:s15+$0x10100] =	vst v20;
	v19 =	vmul.f32 v29, v19  }
0x452: {  	[tilespmem:s15+$0x10180] =	vst v21;
	v20 =	vmul.f32 v28, v22  }
0x453: {  	s1 =	sadd.s32 $0x1, s6;
	[tilespmem:s15+$0x10200] =	vst v19;
	v19 =	vmul.f32 v27, v25  }
0x454: {  	s1 =	sand.u32 $0x7, s1;
	[tilespmem:s15+$0x10280] =	vst v20;
	v20 =	vmul.f32 v31, v23  }
0x455: {  	s1 =	sshll.u32 s1, $0x4;
	[tilespmem:s15+$0x10300] =	vst v19;
	v19 =	vmul.f32 v30, v24  }
0x456: {  	s1 =	sadd.s32 s1, s16;
	[tilespmem:s15+$0x10380] =	vst v20  }
0x457: {  	s1 =	sor.u32 $0x380, s1;
	[tilespmem:s15+$0x10400] =	vst v19  }
0x458: {  	v19 =	vld [tilespmem:s1+$0x8100];
	_ =	sdelay $0x4  }
0x459: {  	v19 =	vmul.f32 v19, v26;
	_ =	sdelay $0x1  }
0x45a: {  	s6 =	simm.s32 $0x0;
	s0 =	rddreg [dreg:$0xb];
	s18 =	simm.s32 $0x10100;
	[tilespmem:s1+$0x10100] =	vst v19  }
0x45b: {  	[hbm4b:s0+s6] =	stream.linear.scatter [tilespmem:s18], [sflag:$0x5], $0x4000, $0x38;
	[tilespmem:$0x14100] =	vst v63  }
0x45c: {  	_ =	swait.ge [sflag:s29], $0x4000  }
0x45d: {  	[sflag:s29] =	ssyncset.done $0x0  }
0x45e: {  	[sflag:s29] =	ssyncadd.s32 $0xFFFFC000  }
0x45f: {  	_ =	swait.ge [sflag:s20], $0x4000  }
0x460: {  	[sflag:s20] =	ssyncset.done $0x0  }
0x461: {  	[sflag:s20] =	ssyncadd.s32 $0xFFFFC000  }
0x462: {  	v19 =	vld [tilespmem:$0xF0];
	_ =	sdelay $0x1  }
0x463: {  	s19 =	sand.u32 $0x70, s6;
	s21 =	sand.u32 $0x3C00, s6  }
0x464: {  	s1 =	sor.u32 s19, s21  }
0x465: {  	v22 =	vld [tilespmem:s1+$0x100]  }
0x466: {  	v23 =	vld [tilespmem:s1+$0x180];
	vm1 =	veq.s32 v19, $0x0  }
0x467: {  	v28 =	vld [tilespmem:s1+$0x300];
	v26 =	vsel vm1, $0x0, v5  }
0x468: {  	v27 =	vld [tilespmem:s1+$0x280];
	v20 =	vperm.xlane v26, v4  }
0x469: {  	v24 =	vld [tilespmem:s1+$0x200];
	v21 =	vperm.xlane v26, v6  }
0x46a: {  	v30 =	vld [tilespmem:s1+$0x380];
	v25 =	vperm.xlane v26, v0;
	v29 =	vmul.f32 v22, v20  }
0x46b: {  	v32 =	vld [tilespmem:s1+$0x400];
	v22 =	vperm.xlane v26, v8;
	v31 =	vmul.f32 v23, v21  }
0x46c: {  	v19 =	vperm.xlane v26, v7;
	v28 =	vmul.f32 v28, v25;
	[tilespmem:s1+$0xC100] =	vst v29  }
0x46d: {  	v23 =	vperm.xlane v26, v9;
	[tilespmem:s1+$0xC180] =	vst v31;
	v27 =	vmul.f32 v27, v22  }
0x46e: {  	v29 =	vmul.f32 v24, v19;
	v24 =	vperm.xlane v26, v10;
	[tilespmem:s1+$0xC300] =	vst v28  }
0x46f: {  	s22 =	sand.u32 $0x7, s6;
	[tilespmem:s1+$0xC280] =	vst v27;
	v27 =	vmul.f32 v30, v23  }
0x470: {  	s15 =	sshll.u32 s22, $0x4;
	[tilespmem:s1+$0xC200] =	vst v29;
	v28 =	vmul.f32 v32, v24  }
0x471: {  	s15 =	sadd.s32 $0x0, s15;
	[tilespmem:s1+$0xC380] =	vst v27  }
0x472: {  	s23 =	sor.u32 $0x380, s15;
	[tilespmem:s1+$0xC400] =	vst v28  }
0x473: {  	v27 =	vld [tilespmem:s23+$0x100];
	_ =	sdelay $0x2  }
0x474: {  	v26 =	vperm.xlane v26, v2;
	_ =	sdelay $0x1  }
0x475: {  	s24 =	simm.s32 $0x10;
	s16 =	simm.s32 $0x80;
	v27 =	vmul.f32 v27, v26  }
0x476: {  	s17 =	sand.u32 $0x3C00, s16;
	s15 =	sand.u32 $0x70, s24  }
0x477: {  	s15 =	sor.u32 s15, s17;
	[tilespmem:s23+$0xC100] =	vst v27  }
0x478: {  	v31 =	vld [tilespmem:s15+$0x100]  }
0x479: {  	v30 =	vld [tilespmem:s15+$0x180]  }
0x47a: {  	v29 =	vld [tilespmem:s15+$0x200]  }
0x47b: {  	v28 =	vld [tilespmem:s15+$0x280]  }
0x47c: {  	s17 =	simm.s32 $0x20;
	v27 =	vld [tilespmem:s15+$0x300]  }
.LBB2_28:
0x47d: {  	p0 =	sne.s32 s17, $0x7F0;
	v31 =	vmul.f32 v31, v20;
	v32 =	vld [tilespmem:s15+$0x380]  }
0x47e: {  	v30 =	vmul.f32 v30, v21;
	v33 =	vld [tilespmem:s15+$0x400]  }
0x47f: {  	[tilespmem:s15+$0xC100] =	vst v31;
	v29 =	vmul.f32 v29, v19  }
0x480: {  	[tilespmem:s15+$0xC180] =	vst v30;
	v28 =	vmul.f32 v28, v22  }
0x481: {  	s6 =	sadd.s32 $0x1, s6;
	[tilespmem:s15+$0xC200] =	vst v29;
	v27 =	vmul.f32 v27, v25  }
0x482: {  	s1 =	sand.u32 $0x7, s6;
	[tilespmem:s15+$0xC280] =	vst v28;
	v28 =	vmul.f32 v32, v23  }
0x483: {  	s1 =	sshll.u32 s1, $0x4;
	[tilespmem:s15+$0xC300] =	vst v27;
	v27 =	vmul.f32 v33, v24  }
0x484: {  	s1 =	sadd.s32 s1, s16;
	[tilespmem:s15+$0xC380] =	vst v28  }
0x485: {  	s1 =	sor.u32 $0x380, s1;
	[tilespmem:s15+$0xC400] =	vst v27  }
0x486: {  	v27 =	vld [tilespmem:s1+$0x100];
	_ =	sdelay $0x4  }
0x487: {  	s16 =	sadd.s32 $0x80, s16;
	v27 =	vmul.f32 v27, v26  }
0x488: {  	s18 =	sand.u32 $0x3C00, s16;
	s15 =	sand.u32 $0x70, s17  }
0x489: {  	s15 =	sor.u32 s15, s18;
	[tilespmem:s1+$0xC100] =	vst v27  }
.Ltmp13:
0x48a: {  	v31 =	vld [tilespmem:s15+$0x100];
	(pc) =	sbr.rel @p0 .LBB2_28-.Ltmp13, $4  }
0x48b: {  	v30 =	vld [tilespmem:s15+$0x180]  }
0x48c: {  	v29 =	vld [tilespmem:s15+$0x200]  }
0x48d: {  	v28 =	vld [tilespmem:s15+$0x280]  }
0x48e: {  	s17 =	sadd.s32 $0x10, s17;
	v27 =	vld [tilespmem:s15+$0x300]  }
0x48f: {  	v20 =	vmul.f32 v31, v20;
	v31 =	vld [tilespmem:s15+$0x380]  }
0x490: {  	v21 =	vmul.f32 v30, v21;
	v30 =	vld [tilespmem:s15+$0x400]  }
0x491: {  	[tilespmem:s15+$0xC100] =	vst v20;
	v19 =	vmul.f32 v29, v19  }
0x492: {  	[tilespmem:s15+$0xC180] =	vst v21;
	v20 =	vmul.f32 v28, v22  }
0x493: {  	s1 =	sadd.s32 $0x1, s6;
	[tilespmem:s15+$0xC200] =	vst v19;
	v19 =	vmul.f32 v27, v25  }
0x494: {  	s1 =	sand.u32 $0x7, s1;
	[tilespmem:s15+$0xC280] =	vst v20;
	v20 =	vmul.f32 v31, v23  }
0x495: {  	s1 =	sshll.u32 s1, $0x4;
	[tilespmem:s15+$0xC300] =	vst v19;
	v19 =	vmul.f32 v30, v24  }
0x496: {  	s1 =	sadd.s32 s1, s16;
	[tilespmem:s15+$0xC380] =	vst v20  }
0x497: {  	s1 =	sor.u32 $0x380, s1;
	[tilespmem:s15+$0xC400] =	vst v19  }
0x498: {  	v19 =	vld [tilespmem:s1+$0x100];
	_ =	sdelay $0x4  }
0x499: {  	v19 =	vmul.f32 v19, v26;
	_ =	sdelay $0x1  }
0x49a: {  	s6 =	simm.s32 $0x0;
	s0 =	rddreg [dreg:$0xc];
	s18 =	simm.s32 $0xC100;
	[tilespmem:s1+$0xC100] =	vst v19  }
0x49b: {  	[hbm4b:s0+s6] =	stream.linear.scatter [tilespmem:s18], [sflag:$0x4], $0x4000, $0x38;
	[tilespmem:$0x14100] =	vst v63  }
0x49c: {  	_ =	swait.ge [sflag:s31], $0x4000  }
0x49d: {  	[sflag:s31] =	ssyncset.done $0x0  }
0x49e: {  	[sflag:s31] =	ssyncadd.s32 $0xFFFFC000  }
0x49f: {  	_ =	swait.ge [sflag:s26], $0x4000  }
0x4a0: {  	[sflag:s26] =	ssyncset.done $0x0  }
0x4a1: {  	[sflag:s26] =	ssyncadd.s32 $0xFFFFC000  }
0x4a2: {  	v19 =	vld [tilespmem:$0xF0];
	_ =	sdelay $0x1  }
0x4a3: {  	s19 =	sand.u32 $0x70, s6;
	s21 =	sand.u32 $0x3C00, s6  }
0x4a4: {  	s1 =	sor.u32 s19, s21  }
0x4a5: {  	v22 =	vld [tilespmem:s1+$0x4100]  }
0x4a6: {  	v23 =	vld [tilespmem:s1+$0x4180];
	vm1 =	veq.s32 v19, $0x0  }
0x4a7: {  	v28 =	vld [tilespmem:s1+$0x4300];
	v26 =	vsel vm1, $0x0, v5  }
0x4a8: {  	v27 =	vld [tilespmem:s1+$0x4280];
	v20 =	vperm.xlane v26, v11  }
0x4a9: {  	v24 =	vld [tilespmem:s1+$0x4200];
	v21 =	vperm.xlane v26, v12  }
0x4aa: {  	v30 =	vld [tilespmem:s1+$0x4380];
	v25 =	vperm.xlane v26, v15;
	v29 =	vmul.f32 v22, v20  }
0x4ab: {  	v32 =	vld [tilespmem:s1+$0x4400];
	v22 =	vperm.xlane v26, v14;
	v31 =	vmul.f32 v23, v21  }
0x4ac: {  	v19 =	vperm.xlane v26, v13;
	v28 =	vmul.f32 v28, v25;
	[tilespmem:s1+$0x10100] =	vst v29  }
0x4ad: {  	v23 =	vperm.xlane v26, v16;
	[tilespmem:s1+$0x10180] =	vst v31;
	v27 =	vmul.f32 v27, v22  }
0x4ae: {  	v29 =	vmul.f32 v24, v19;
	v24 =	vperm.xlane v26, v17;
	[tilespmem:s1+$0x10300] =	vst v28  }
0x4af: {  	s22 =	sand.u32 $0x7, s6;
	[tilespmem:s1+$0x10280] =	vst v27;
	v27 =	vmul.f32 v30, v23  }
0x4b0: {  	s15 =	sshll.u32 s22, $0x4;
	[tilespmem:s1+$0x10200] =	vst v29;
	v28 =	vmul.f32 v32, v24  }
0x4b1: {  	s15 =	sadd.s32 $0x0, s15;
	[tilespmem:s1+$0x10380] =	vst v27  }
0x4b2: {  	s23 =	sor.u32 $0x380, s15;
	[tilespmem:s1+$0x10400] =	vst v28  }
0x4b3: {  	v27 =	vld [tilespmem:s23+$0x4100];
	_ =	sdelay $0x2  }
0x4b4: {  	v26 =	vperm.xlane v26, v18;
	_ =	sdelay $0x1  }
0x4b5: {  	s24 =	simm.s32 $0x10;
	s16 =	simm.s32 $0x80;
	v27 =	vmul.f32 v27, v26  }
0x4b6: {  	s17 =	sand.u32 $0x3C00, s16;
	s15 =	sand.u32 $0x70, s24  }
0x4b7: {  	s15 =	sor.u32 s15, s17;
	[tilespmem:s23+$0x10100] =	vst v27  }
0x4b8: {  	v31 =	vld [tilespmem:s15+$0x4100]  }
0x4b9: {  	v30 =	vld [tilespmem:s15+$0x4180]  }
0x4ba: {  	v29 =	vld [tilespmem:s15+$0x4200]  }
0x4bb: {  	v28 =	vld [tilespmem:s15+$0x4280]  }
0x4bc: {  	s17 =	simm.s32 $0x20;
	v27 =	vld [tilespmem:s15+$0x4300]  }
.LBB2_30:
0x4bd: {  	p0 =	sne.s32 s17, $0x7F0;
	v31 =	vmul.f32 v31, v20;
	v32 =	vld [tilespmem:s15+$0x4380]  }
0x4be: {  	v30 =	vmul.f32 v30, v21;
	v33 =	vld [tilespmem:s15+$0x4400]  }
0x4bf: {  	[tilespmem:s15+$0x10100] =	vst v31;
	v29 =	vmul.f32 v29, v19  }
0x4c0: {  	[tilespmem:s15+$0x10180] =	vst v30;
	v28 =	vmul.f32 v28, v22  }
0x4c1: {  	s6 =	sadd.s32 $0x1, s6;
	[tilespmem:s15+$0x10200] =	vst v29;
	v27 =	vmul.f32 v27, v25  }
0x4c2: {  	s1 =	sand.u32 $0x7, s6;
	[tilespmem:s15+$0x10280] =	vst v28;
	v28 =	vmul.f32 v32, v23  }
0x4c3: {  	s1 =	sshll.u32 s1, $0x4;
	[tilespmem:s15+$0x10300] =	vst v27;
	v27 =	vmul.f32 v33, v24  }
0x4c4: {  	s1 =	sadd.s32 s1, s16;
	[tilespmem:s15+$0x10380] =	vst v28  }
0x4c5: {  	s1 =	sor.u32 $0x380, s1;
	[tilespmem:s15+$0x10400] =	vst v27  }
0x4c6: {  	v27 =	vld [tilespmem:s1+$0x4100];
	_ =	sdelay $0x4  }
0x4c7: {  	s16 =	sadd.s32 $0x80, s16;
	v27 =	vmul.f32 v27, v26  }
0x4c8: {  	s18 =	sand.u32 $0x3C00, s16;
	s15 =	sand.u32 $0x70, s17  }
0x4c9: {  	s15 =	sor.u32 s15, s18;
	[tilespmem:s1+$0x10100] =	vst v27  }
.Ltmp14:
0x4ca: {  	v31 =	vld [tilespmem:s15+$0x4100];
	(pc) =	sbr.rel @p0 .LBB2_30-.Ltmp14, $4  }
0x4cb: {  	v30 =	vld [tilespmem:s15+$0x4180]  }
0x4cc: {  	v29 =	vld [tilespmem:s15+$0x4200]  }
0x4cd: {  	v28 =	vld [tilespmem:s15+$0x4280]  }
0x4ce: {  	s17 =	sadd.s32 $0x10, s17;
	v27 =	vld [tilespmem:s15+$0x4300]  }
0x4cf: {  	v20 =	vmul.f32 v31, v20;
	v62 =	vld [tilespmem:s15+$0x4380]  }
0x4d0: {  	v63 =	vld [tilespmem:s15+$0x4400];
	v21 =	vmul.f32 v30, v21  }
0x4d1: {  	[tilespmem:s15+$0x10100] =	vst v20;
	v19 =	vmul.f32 v29, v19  }
0x4d2: {  	[tilespmem:s15+$0x10180] =	vst v21;
	v20 =	vmul.f32 v28, v22  }
0x4d3: {  	s1 =	sadd.s32 $0x1, s6;
	[tilespmem:s15+$0x10200] =	vst v19;
	v19 =	vmul.f32 v27, v25  }
0x4d4: {  	s1 =	sand.u32 $0x7, s1;
	[tilespmem:s15+$0x10280] =	vst v20;
	v20 =	vmul.f32 v62, v23  }
0x4d5: {  	s1 =	sshll.u32 s1, $0x4;
	[tilespmem:s15+$0x10300] =	vst v19;
	v19 =	vmul.f32 v63, v24  }
0x4d6: {  	s1 =	sadd.s32 s1, s16;
	[tilespmem:s15+$0x10380] =	vst v20  }
0x4d7: {  	s1 =	sor.u32 $0x380, s1;
	[tilespmem:s15+$0x10400] =	vst v19  }
0x4d8: {  	v19 =	vld [tilespmem:s1+$0x4100];
	_ =	sdelay $0x4  }
0x4d9: {  	v19 =	vmul.f32 v19, v26;
	_ =	sdelay $0x1  }
0x4da: {  	s0 =	rddreg [dreg:$0xd];
	s22 =	simm.s32 $0x10100;
	[tilespmem:s1+$0x10100] =	vst v19  }
0x4db: {  	[hbm4b:s0+s4] =	stream.linear.scatter [tilespmem:s22], [sflag:$0x5], $0x4000, $0x38;
	[tilespmem:$0x14100] =	vst v63  }
0x4dc: {  	_ =	swait.ge [sflag:s20], $0x4000  }
0x4dd: {  	[sflag:s20] =	ssyncset.done $0x0  }
0x4de: {  	[sflag:s20] =	ssyncadd.s32 $0xFFFFC000  }
0x4df: {  	_ =	swait.ge [sflag:s26], $0x4000  }
0x4e0: {  	s23 =	rddreg [dreg:$0xf]  }
0x4e1: {  	s24 =	rddreg [dreg:$0xe];
	s1 =	sadd.s32 $0x1, s23  }
0x4e2: {  	p0 =	sne.s32 s1, s24  }
.Ltmp15:
0x4e3: {  	_ = 	snop;
	(pc) =	sbr.rel @p0 .LBB2_1-.Ltmp15, $3  }
0x4e4: {  	_ =	sdelay $0x1  }
0x4e5: {  	[sflag:s26] =	ssyncset.done $0x0  }
0x4e6: {  	[sflag:s26] =	ssyncadd.s32 $0xFFFFC000  }
0x4e7: {  	_ =	sfence.sel $0x180000  }
0x4e8: {  	[bflag:$0x0] =	sbarrier.arrive $0xFFFF  }
0x4e9: {  	_ =	strace $0x90000047  }
0x4ea: {  	s0 =	stileid.u32;
	[bflag:$0x2] =	sbarrier.arrive $0xFFFF  }
0x4eb: {  	p0 =	sne.s32 s0, $0x0;
	s0 =	rddreg [dreg:$0x3]  }
0x4ec: {  	s0 =	sadd.s32 @!p0 $0x100000, s0  }
0x4ed: {  	[sflag:s0] =	ssyncadd.tile.s32 @!p0 $0x1;
	_ =	shalt  }
.Lfunc_end2:
_tile_overlayer_lowered:
.L_overlay_start_2:
0x4ee: {  	(tag) =	ssettag $0x2  }
0x4ef: {  	s0 =	rddreg [dreg:$0x0];
	s2 =	stileid.u32  }
0x4f0: {  	s1 =	rddreg [dreg:$0x1];
	p0 =	sne.s32 s2, $0x0  }
0x4f1: {  	s3 =	rddreg [dreg:$0x2];
	[bflag:$0x3] =	sbarrier.arrive $0xFFFF;
	s2 =	simm.s32 @!p0 $0x1C06  }
0x4f2: {  	[timem:s3], [sflag:s2] =	dma.local @!p0 [hbm:s0], s1  }
0x4f3: {  	s0 =	simm.s32 @!p0 $0x6  }
0x4f4: {  	_ =	swait.ge @!p0 [sflag:s0], s1  }
0x4f5: {  	s1 =	ssub.s32 @!p0 $0x0, s1;
	[sflag:s0] =	ssyncset.done @!p0 $0x0  }
0x4f6: {  	[sflag:s0] =	ssyncadd.s32 @!p0 s1  }
0x4f7: {  	[bflag:$0x3] =	sbarrier.arrive $0xFFFF  }
0x4f8: {  	_ =	shalt  }

// kernel: sparse-core-data-format-call.cloned.1.call-start
scs
called_computation_lowered:
.L_overlay_start_0:
0x0: {  	s2 =	sld [smem:$0x3FD9]  }
0x1: {  	s3 =	sld [smem:$0x3FFE];
	_ =	sdelay $0x1  }
0x2: {  	s1 =	srdreg.scid  }
0x3: {  	s0 =	sand.u32 $0x1, s1  }
0x4: {  	s18 =	sshll.u32 s0, $0xA;
	s2 =	sadd.s32 s3, s2  }
0x5: {  	s2 =	sadd.s32 s2, s18  }
0x6: {  	[smem:$0x3FC6] =	sst s2  }
0x7: {  	_ = 	snop  }
0x8: {  	s2 =	sld [smem:$0x3FD0];
	(tm) =	ssettm $0x1  }
0x9: {  	s19 =	sld [smem:$0x3FFB];
	_ =	sdelay $0x3  }
0xa: {  	_ =	strace s19  }
0xb: {  	s3 =	sld [smem:$0x3FFC];
	_ =	sdelay $0x3  }
0xc: {  	_ =	strace s3  }
0xd: {  	s3 =	sld [smem:$0x3FFD];
	_ =	sdelay $0x3  }
0xe: {  	_ =	strace s3  }
0xf: {  	_ =	strace $0x8FFFFFFF  }
0x10: {  	s20 =	sld [smem:$0x3FDB];
	_ =	sdelay $0x1  }
0x11: {  	s4 =	simm.s32 $_scs_section_size  }
0x12: {  	s5 =	simm.s32 $_size__tile_overlayer_lowered;
	s6 =	simm.s32 $_tile_overlayer_lowered  }
0x13: {  	s23 =	simm.s32 $0x1BFF;
	s22 =	sshll.u32 s6, $0x1;
	s3 =	sadd.s32 s4, s20  }
0x14: {  	s7 =	simm.s32 $0x0;
	s21 =	sshll.u32 s5, $0x1;
	s5 =	sadd.s32 s22, s3  }
0x15: {  	[timem:s7], [sflag:s23] =	dma.local [hbm:s5], s21  }
0x16: {  	_ =	swait.ge [sflag:s23], s21  }
0x17: {  	s4 =	ssub.s32 $0x0, s21;
	[sflag:s23] =	ssyncset.done $0x0  }
0x18: {  	[sflag:s23] =	ssyncadd.s32 s4;
	_ =	sdelay $0x1  }
0x19: {  	s24 =	simm.s32 $0x1B8B  }
0x1a: {  	_ =	swait.ge [sflag:s24], $0x1  }
0x1b: {  	[sflag:s24] =	ssyncset.done $0x0  }
0x1c: {  	s26 =	simm.s32 $0x1B8E;
	s25 =	sld [smem:$0x3FFE];
	[sflag:s24] =	ssyncadd.s32 $0xFFFFFFFF  }
0x1d: {  	s27 =	simm.s32 $execute0_lowered;
	[smem:$0x3FD2] =	sst s26  }
0x1e: {  	s5 =	sshll.u32 s27, $0x1;
	_ =	strace $0x80000049;
	[dreg:$0x1] =	wrdreg $0xFFFFFFFF  }
0x1f: {  	s28 =	simm.s32 $_size_execute0_lowered;
	s3 =	sadd.s32 s3, s5;
	[dreg:$0x0] =	wrdreg $0x0  }
0x20: {  	s5 =	sshll.u32 s28, $0x1;
	[dreg:$0x2] =	wrdreg s3  }
0x21: {  	[dreg:$0x3] =	wrdreg s5  }
0x22: {  	[dreg:$0x4] =	wrdreg $0xC0  }
0x23: {  	_ =	task [dreg:s7], $0x5FFFF  }
0x24: {  	[dreg:$0x1] =	wrdreg $0xFFFFFFFF  }
0x25: {  	[dreg:$0x0] =	wrdreg $0x60  }
0x26: {  	[dreg:$0x2] =	wrdreg s25  }
0x27: {  	[dreg:$0x3] =	wrdreg s2  }
0x28: {  	[dreg:$0x4] =	wrdreg $0x9  }
0x29: {  	_ =	task.clear_ibuf [dreg:s7], $0x5FFFF;
	_ =	strace $0x90000049  }
0x2a: {  	s29 =	simm.s32 $0x9;
	_ =	strace $0x8000004B  }
0x2b: {  	_ =	swait.ge [sflag:s29], $0x1  }
0x2c: {  	[sflag:s29] =	ssyncadd.s32 $0xFFFFFFFF  }
0x2d: {  	_ =	strace $0x9000004B  }
0x2e: {  	_ =	sfence  }
0x2f: {  	s30 =	sld [smem:$0x0];
	_ =	sdelay $0x2  }
0x30: {  	s31 =	sshll.u32 s1, $0xD;
	s1 =	sshrl.u32 s1, $0x2  }
0x31: {  	s3 =	sand.u32 $0x4000, s31;
	s1 =	sadd.s32 s1, s30  }
0x32: {  	s0 =	sor.u32 s3, s0;
	s1 =	sshll.u32 s1, $0x11  }
0x33: {  	s0 =	sor.u32 s1, s0  }
0x34: {  	s0 =	sadd.s32 $0x8F2B, s0  }
0x35: {  	[sflag:s0] =	ssyncadd.remote.s32 $0x1  }
0x36: {  	_ =	sfence.sel $0xFFFF  }
0x37: {  	[dreg:$0x0] =	wrdreg $0xFFFFFFFF;
	(pc) =	sbr.abs _section_cstart, $3  }
0x38: {  	[dreg:$0x1] =	wrdreg $0xFFFFFFFF  }
0x39: {  	_ =	task.clear_ibuf [dreg:s7], $0x2FFFF;
	_ =	strace $0x9FFFFFFF  }
0x3a: {  	(tm) =	ssettm $0x7FFFFFFF  }
0x3b: {  	_ =	shalt  }
tec
execute0_lowered:
.L_overlay_start_1:
0x0: {  	(tag) =	ssettag $0x1  }
0x1: {  	s0 =	stileid.u32;
	s4 =	rddreg [dreg:$0x0]  }
0x2: {  	s1 =	srdreg.scid;
	s2 =	rddreg [dreg:$0x1];
	s5 =	simm.s32 $0x1  }
0x3: {  	s8 =	simm.s32 $0x2;
	s3 =	sshll.u32 s0, $0x1;
	s1 =	sshll.u32 s1, $0x5  }
0x4: {  	s10 =	simm.s32 $0x0;
	s14 =	simm.s32 $0x0;
	s3 =	sor.u32 s3, s1  }
0x5: {  	s15 =	simm.s32 $0x0;
	s13 =	simm.s32 $0x0;
	s3 =	sand.u32 $0x38, s3  }
0x6: {  	s4 =	sadd.s32 $0x800, s4;
	s1 =	rddreg [dreg:$0x2];
	s6 =	ssub.s32 $0x800, s3  }
.Ltmp0:
0x7: {  	_ =	strace $0x8000004A;
	s7 =	sand.u32 $0x38, s6;
	(pc) =	sbr.rel .LBB1_1-.Ltmp0, $4  }
0x8: {  	[sflag:s5] =	ssyncpa.u1 $0x0;
	p0 =	sne.s32 s7, $0x0;
	s7 =	simm.s32 $0x1  }
0x9: {  	[sflag:s8] =	ssyncpa.u1 $0x0;
	s9 =	sshrl.u32 s6, $0x6;
	s7 =	simm.s32 @!p0 $0x0  }
0xa: {  	s11 =	smov.u32 s3;
	s6 =	sand.u32 $0x3, s0;
	s7 =	sadd.s32 s7, s9  }
0xb: {  	s12 =	smov.u32 s6;
	s9 =	simm.s32 $0x0;
	s8 =	sadd.s32 $0x1, s7  }
.LBB1_7:
0xc: {  	s16 =	sadd.s32 $0x40, s11  }
0xd: {  	s14 =	sadd.s32 $0x4, s12;
	s18 =	smov.u32 s12;
	p1 =	sgt.s32 s16, $0x7FF  }
0xe: {  	s18 =	smov.u32 @p1 s14  }
0xf: {  	s16 =	smov.u32 @p1 s3;
	p1 =	sgt.s32 s18, $0x3  }
0x10: {  	s18 =	smov.u32 @p1 s6;
	p1 =	sne.s32 s13, s8  }
.Ltmp1:
0x11: {  	p0 =	slt.u32 s13, $0x2;
	(pc) =	sbr.rel @!p1 .LBB1_8-.Ltmp1, $4  }
0x12: {  	s17 =	simm.s32 @!p0 $0x2  }
0x13: {  	s15 =	smov.u32 s12;
	s10 =	sadd.s32 $0x4000, s10;
	_ =	swait.ge @!p0 [sflag:s17], $0x4000  }
0x14: {  	s14 =	smov.u32 s11;
	[sflag:s17] =	ssyncset.done @!p0 $0x0;
	s11 =	smov.u32 s16  }
0x15: {  	s13 =	sadd.s32 $0x1, s13;
	[sflag:s17] =	ssyncadd.s32 @!p0 $0xFFFFC000;
	s12 =	smov.u32 s18  }
.LBB1_1:
0x16: {  	p0 =	sge.u32 s13, s7;
	s31 =	sadd.s32 $0xFFFFFFFF, s13  }
0x17: {  	s16 =	sxor.u32 @!p0 $0xFFFFFFFF, s13;
	s17 =	sshll.u32 @!p0 s12, $0x13;
	s18 =	sshll.u32 @!p0 s11, $0x8  }
0x18: {  	s19 =	sshll.u32 @!p0 s11, $0x4;
	s18 =	sand.u32 @!p0 $0x7F800, s18;
	s17 =	sadd.s32 @!p0 s4, s17  }
0x19: {  	s16 =	sshll.u32 @!p0 s16, $0xE;
	s19 =	sand.u32 @!p0 $0x70, s19;
	s17 =	sadd.s32 @!p0 s18, s17  }
0x1a: {  	s16 =	sand.u32 @!p0 $0x4000, s16;
	s18 =	simm.s32 @!p0 $0x0;
	s17 =	sadd.s32 @!p0 s19, s17  }
0x1b: {  	[tilespmem:s16], [sflag:$0x1] =	stream.linear.gather @!p0 [hbm4b:s17+s18], $0x4000, $0x38;
	[tilespmem:$0x10000] =	vst v63  }
0x1c: {  	p0 =	sge.u32 s31, s7  }
.Ltmp2:
0x1d: {  	_ = 	snop;
	(pc) =	sbr.rel @p0 .LBB1_7-.Ltmp2, $1  }
0x1e: {  	_ =	sdelay $0x3  }
0x1f: {  	s17 =	sand.u32 $0x4000, s10  }
0x20: {  	_ =	swait.ge [sflag:s5], $0x4000;
	s19 =	sshll.u32 s13, $0xE;
	s16 =	sor.u32 $0x8100, s17  }
0x21: {  	s18 =	sor.u32 $0x800, s17;
	[sflag:s5] =	ssyncset.done $0x0;
	s31 =	sand.u32 $0x4000, s19  }
0x22: {  	s19 =	simm.s32 $0x0;
	[sflag:s5] =	ssyncadd.s32 $0xFFFFC000;
	s17 =	sor.u32 $0x8000, s31  }
.LBB1_3:
0x23: {  	v0 =	vld [tilespmem:s18+$0x470]  }
0x24: {  	v1 =	vld [tilespmem:s18+$0xFFFFF810]  }
0x25: {  	v2 =	vld [tilespmem:s18+$0xFFFFF820]  }
0x26: {  	v3 =	vld [tilespmem:s18+$0xFFFFF830]  }
0x27: {  	v4 =	vld [tilespmem:s18+$0xFFFFF840]  }
0x28: {  	v5 =	vld [tilespmem:s18+$0xFFFFF850];
	[tilespmem:s16+$0xF0] =	vst v0  }
0x29: {  	[tilespmem:s16+$0xFFFFFF10] =	vst v1;
	v0 =	vld [tilespmem:s18+$0xFFFFF860]  }
0x2a: {  	[tilespmem:s16+$0xFFFFFF20] =	vst v2;
	v1 =	vld [tilespmem:s18+$0xFFFFF870]  }
0x2b: {  	[tilespmem:s16+$0xFFFFFF30] =	vst v3;
	v2 =	vld [tilespmem:s18+$0xFFFFFC00]  }
0x2c: {  	[tilespmem:s16+$0xFFFFFF40] =	vst v4;
	v3 =	vld [tilespmem:s18+$0xFFFFFC10]  }
0x2d: {  	[tilespmem:s16+$0xFFFFFF50] =	vst v5;
	v4 =	vld [tilespmem:s18+$0xFFFFFC20]  }
0x2e: {  	v5 =	vld [tilespmem:s18+$0x420];
	[tilespmem:s16+$0xFFFFFF60] =	vst v0  }
0x2f: {  	v0 =	vld [tilespmem:s18+$0xFFFFFC30];
	[tilespmem:s16+$0xFFFFFF70] =	vst v1  }
0x30: {  	v1 =	vld [tilespmem:s18+$0xFFFFFC40];
	[tilespmem:s16+$0xFFFFFF80] =	vst v2  }
0x31: {  	[tilespmem:s16+$0xFFFFFF90] =	vst v3;
	v3 =	vld [tilespmem:s18+$0xFFFFFC60]  }
0x32: {  	[tilespmem:s16+$0xFFFFFFA0] =	vst v4;
	v4 =	vld [tilespmem:s18+$0xFFFFFC70]  }
0x33: {  	v2 =	vld [tilespmem:s18+$0xFFFFFC50];
	[tilespmem:s16+$0xA0] =	vst v5  }
0x34: {  	[tilespmem:s16+$0xFFFFFFB0] =	vst v0;
	v0 =	vld [tilespmem:s18+$0x0]  }
0x35: {  	[tilespmem:s16+$0xFFFFFFC0] =	vst v1;
	v1 =	vld [tilespmem:s18+$0x10]  }
0x36: {  	[tilespmem:s16+$0xFFFFFFE0] =	vst v3;
	v3 =	vld [tilespmem:s18+$0x30]  }
0x37: {  	[tilespmem:s16+$0xFFFFFFF0] =	vst v4;
	v4 =	vld [tilespmem:s18+$0x40]  }
0x38: {  	[tilespmem:s16+$0xFFFFFFD0] =	vst v2;
	v2 =	vld [tilespmem:s18+$0x20]  }
0x39: {  	[tilespmem:s16+$0x0] =	vst v0;
	v0 =	vld [tilespmem:s18+$0x50]  }
0x3a: {  	[tilespmem:s16+$0x10] =	vst v1;
	v1 =	vld [tilespmem:s18+$0x60]  }
0x3b: {  	[tilespmem:s16+$0x30] =	vst v3;
	v3 =	vld [tilespmem:s18+$0x400]  }
0x3c: {  	[tilespmem:s16+$0x40] =	vst v4;
	v4 =	vld [tilespmem:s18+$0x410]  }
0x3d: {  	[tilespmem:s16+$0x20] =	vst v2;
	v2 =	vld [tilespmem:s18+$0x70]  }
0x3e: {  	[tilespmem:s16+$0x50] =	vst v0;
	v0 =	vld [tilespmem:s18+$0x430]  }
0x3f: {  	[tilespmem:s16+$0x60] =	vst v1;
	v1 =	vld [tilespmem:s18+$0x440]  }
0x40: {  	[tilespmem:s16+$0x80] =	vst v3;
	v3 =	vld [tilespmem:s18+$0x450]  }
0x41: {  	[tilespmem:s16+$0x90] =	vst v4;
	v4 =	vld [tilespmem:s18+$0x460]  }
0x42: {  	s21 =	simm.s32 $0x0;
	s22 =	sadd.s32 $0x1000, s18;
	s20 =	smov.u32 s16;
	[tilespmem:s16+$0x70] =	vst v2;
	v2 =	vld [tilespmem:s18+$0xFFFFF800]  }
.LBB1_4:
0x43: {  	v5 =	vld [tilespmem:s22+$0x470];
	s21 =	sadd.s32 $0x200, s21;
	[tilespmem:s20+$0xB0] =	vst v0  }
0x44: {  	v0 =	vld [tilespmem:s22+$0xFFFFF810];
	p0 =	slt.u32 s21, $0x600;
	[tilespmem:s20+$0xC0] =	vst v1  }
0x45: {  	v1 =	vld [tilespmem:s22+$0xFFFFF820];
	[tilespmem:s20+$0xD0] =	vst v3  }
0x46: {  	v3 =	vld [tilespmem:s22+$0xFFFFF830];
	[tilespmem:s20+$0xE0] =	vst v4  }
0x47: {  	v4 =	vld [tilespmem:s22+$0xFFFFF840];
	[tilespmem:s20+$0xFFFFFF00] =	vst v2;
	s20 =	sadd.s32 $0x200, s20  }
0x48: {  	v2 =	vld [tilespmem:s22+$0xFFFFF850];
	[tilespmem:s20+$0xF0] =	vst v5  }
0x49: {  	[tilespmem:s20+$0xFFFFFF10] =	vst v0;
	v0 =	vld [tilespmem:s22+$0xFFFFF860]  }
0x4a: {  	[tilespmem:s20+$0xFFFFFF20] =	vst v1;
	v1 =	vld [tilespmem:s22+$0xFFFFF870]  }
0x4b: {  	[tilespmem:s20+$0xFFFFFF30] =	vst v3;
	v3 =	vld [tilespmem:s22+$0xFFFFFC00]  }
0x4c: {  	[tilespmem:s20+$0xFFFFFF40] =	vst v4;
	v4 =	vld [tilespmem:s22+$0xFFFFFC10]  }
0x4d: {  	[tilespmem:s20+$0xFFFFFF50] =	vst v2;
	v2 =	vld [tilespmem:s22+$0xFFFFFC20]  }
0x4e: {  	[tilespmem:s20+$0xFFFFFF60] =	vst v0;
	v0 =	vld [tilespmem:s22+$0xFFFFFC30]  }
0x4f: {  	[tilespmem:s20+$0xFFFFFF70] =	vst v1;
	v1 =	vld [tilespmem:s22+$0xFFFFFC40]  }
0x50: {  	[tilespmem:s20+$0xFFFFFF80] =	vst v3;
	v3 =	vld [tilespmem:s22+$0xFFFFFC50]  }
0x51: {  	[tilespmem:s20+$0xFFFFFF90] =	vst v4;
	v4 =	vld [tilespmem:s22+$0xFFFFFC60]  }
0x52: {  	[tilespmem:s20+$0xFFFFFFA0] =	vst v2;
	v2 =	vld [tilespmem:s22+$0xFFFFFC70]  }
0x53: {  	[tilespmem:s20+$0xFFFFFFB0] =	vst v0;
	v0 =	vld [tilespmem:s22+$0x0]  }
0x54: {  	[tilespmem:s20+$0xFFFFFFC0] =	vst v1;
	v1 =	vld [tilespmem:s22+$0x10]  }
0x55: {  	[tilespmem:s20+$0xFFFFFFD0] =	vst v3;
	v3 =	vld [tilespmem:s22+$0x20]  }
0x56: {  	[tilespmem:s20+$0xFFFFFFE0] =	vst v4;
	v4 =	vld [tilespmem:s22+$0x30]  }
0x57: {  	[tilespmem:s20+$0xFFFFFFF0] =	vst v2;
	v2 =	vld [tilespmem:s22+$0x40]  }
0x58: {  	[tilespmem:s20+$0x0] =	vst v0;
	v0 =	vld [tilespmem:s22+$0x50]  }
0x59: {  	[tilespmem:s20+$0x10] =	vst v1;
	v1 =	vld [tilespmem:s22+$0x60]  }
0x5a: {  	[tilespmem:s20+$0x20] =	vst v3;
	v3 =	vld [tilespmem:s22+$0x70]  }
0x5b: {  	[tilespmem:s20+$0x30] =	vst v4;
	v4 =	vld [tilespmem:s22+$0x400]  }
0x5c: {  	[tilespmem:s20+$0x40] =	vst v2;
	v2 =	vld [tilespmem:s22+$0x410]  }
0x5d: {  	[tilespmem:s20+$0x50] =	vst v0;
	v5 =	vld [tilespmem:s22+$0x420]  }
.Ltmp3:
0x5e: {  	[tilespmem:s20+$0x60] =	vst v1;
	v0 =	vld [tilespmem:s22+$0x430];
	(pc) =	sbr.rel @p0 .LBB1_4-.Ltmp3, $4  }
0x5f: {  	[tilespmem:s20+$0x70] =	vst v3;
	v1 =	vld [tilespmem:s22+$0x440]  }
0x60: {  	[tilespmem:s20+$0x80] =	vst v4;
	v3 =	vld [tilespmem:s22+$0x450]  }
0x61: {  	[tilespmem:s20+$0x90] =	vst v2;
	v4 =	vld [tilespmem:s22+$0x460]  }
0x62: {  	v2 =	vld [tilespmem:s22+$0xFFFFF800];
	[tilespmem:s20+$0xA0] =	vst v5;
	s22 =	sadd.s32 $0x1000, s22  }
0x63: {  	s19 =	sadd.s32 $0x1, s19  }
0x64: {  	p0 =	sne.s32 s19, $0x8  }
.Ltmp4:
0x65: {  	[tilespmem:s20+$0xB0] =	vst v0;
	(pc) =	sbr.rel @p0 .LBB1_3-.Ltmp4, $4  }
0x66: {  	[tilespmem:s20+$0xC0] =	vst v1  }
0x67: {  	[tilespmem:s20+$0xD0] =	vst v3  }
0x68: {  	[tilespmem:s20+$0xE0] =	vst v4  }
0x69: {  	s16 =	sadd.s32 $0x800, s16;
	s18 =	sadd.s32 $0x80, s18;
	[tilespmem:s20+$0xFFFFFF00] =	vst v2  }
.Ltmp5:
0x6a: {  	(pc) =	sbr.rel .LBB1_7-.Ltmp5, $4  }
0x6b: {  	s15 =	sshll.u32 s15, $0x13  }
0x6c: {  	s14 =	sshll.u32 s14, $0x8;
	s15 =	sadd.s32 s2, s15  }
0x6d: {  	s14 =	sadd.s32 s14, s15  }
0x6e: {  	[hbm4b:s14+s9] =	stream.linear.scatter [tilespmem:s17], [sflag:$0x2], $0x4000, $0x38;
	[tilespmem:$0x10000] =	vst v63  }
.LBB1_8:
0x6f: {  	_ =	sfence.sel $0x180000  }
0x70: {  	s2 =	simm.s32 $0x1;
	[bflag:$0x0] =	sbarrier.arrive $0xFFFF  }
0x71: {  	s31 =	simm.s32 $0x2;
	[sflag:s2] =	ssyncpa.u1 $0x1  }
0x72: {  	[sflag:s31] =	ssyncpa.u1 $0x1  }
0x73: {  	p0 =	sne.s32 s0, $0x0;
	_ =	strace $0x9000004A  }
0x74: {  	s0 =	sadd.s32 @!p0 $0x100000, s1;
	[bflag:$0x2] =	sbarrier.arrive $0xFFFF  }
0x75: {  	[sflag:s0] =	ssyncadd.tile.s32 @!p0 $0x1;
	_ =	shalt  }
.Lfunc_end1:
_tile_overlayer_lowered:
.L_overlay_start_2:
0x76: {  	(tag) =	ssettag $0x2  }
0x77: {  	s0 =	rddreg [dreg:$0x0];
	s2 =	stileid.u32  }
0x78: {  	s1 =	rddreg [dreg:$0x1];
	p0 =	sne.s32 s2, $0x0  }
0x79: {  	s3 =	rddreg [dreg:$0x2];
	[bflag:$0x3] =	sbarrier.arrive $0xFFFF;
	s2 =	simm.s32 @!p0 $0x1C01  }
0x7a: {  	[timem:s3], [sflag:s2] =	dma.local @!p0 [hbm:s0], s1  }
0x7b: {  	s0 =	simm.s32 @!p0 $0x1  }
0x7c: {  	_ =	swait.ge @!p0 [sflag:s0], s1  }
0x7d: {  	s1 =	ssub.s32 @!p0 $0x0, s1;
	[sflag:s0] =	ssyncset.done @!p0 $0x0  }
0x7e: {  	[sflag:s0] =	ssyncadd.s32 @!p0 s1  }
0x7f: {  	[bflag:$0x3] =	sbarrier.arrive $0xFFFF  }
0x80: {  	_ =	shalt  }

</sc_bundles>
